<compile_context>
chip_gen: v7x
topology: tpu7x:2x2x1
jax: 0.10.2.dev20260603
libtpu: 0.0.44.dev20260713+nightly
codegen_flags: <defaults>
</compile_context>

<pallas_src>
import functools

import jax
import jax.numpy as jnp
from jax import lax
from jax.experimental import pallas as pl
from jax.experimental.pallas import tpu as pltpu
from jax.experimental.pallas import tpu_sc as plsc

NUM_TYPES = 1000
NC = 2
NS = 16
L = 16
NW = NC * NS
WSZ = NUM_TYPES * NUM_TYPES
NBUF = 4


def _sc_gather_sum(seq, pad16, w_flat, per_tile, chunk):
    nchunk = per_tile // chunk
    groups = chunk // L
    mesh = plsc.VectorSubcoreMesh(core_axis_name="c", subcore_axis_name="s")

    @functools.partial(
        pl.kernel,
        out_type=jax.ShapeDtypeStruct((NW, L), jnp.float32),
        mesh=mesh,
        scratch_types=[
            pltpu.VMEM((chunk + L,), jnp.int32),
            pltpu.VMEM((chunk + L,), jnp.int32),
            pltpu.VMEM((L,), jnp.int32),
            pltpu.VMEM((L,), jnp.float32),
            pltpu.VMEM((chunk,), jnp.int32),
            pltpu.VMEM((chunk,), jnp.int32),
            pltpu.VMEM((chunk,), jnp.int32),
            pltpu.VMEM((chunk,), jnp.int32),
            pltpu.VMEM((chunk,), jnp.float32),
            pltpu.VMEM((chunk,), jnp.float32),
            pltpu.VMEM((chunk,), jnp.float32),
            pltpu.VMEM((chunk,), jnp.float32),
            pltpu.VMEM((L,), jnp.float32),
            pltpu.VMEM_SHARED((WSZ,), jnp.float32),
            pltpu.SemaphoreType.DMA,
            pltpu.SemaphoreType.DMA,
            pltpu.SemaphoreType.DMA,
            pltpu.SemaphoreType.DMA,
            pltpu.SemaphoreType.DMA,
        ],
    )
    def k(seq_hbm, pad_hbm, w_hbm, out_hbm,
          seqa, seqb, pad_v, w0_v, idx0, idx1, idx2, idx3,
          val0, val1, val2, val3, acc_v, w_sh,
          sem0, sem1, sem2, sseq, swst):
        sid = lax.axis_index("s")
        wid = sid * NC + lax.axis_index("c")
        base = wid * per_tile
        seq_bufs = (seqa, seqb)
        idx_bufs = (idx0, idx1, idx2, idx3)
        val_bufs = (val0, val1, val2, val3)
        sems = (sem0, sem1, sem2)

        @pl.when(sid == 0)
        def _():
            pltpu.async_copy(w_hbm, w_sh, swst)

        def start_seq(ci):
            buf = seq_bufs[ci % 2]
            off = base + ci * chunk
            if ci == nchunk - 1:
                @pl.when(wid == NW - 1)
                def _():
                    pltpu.async_copy(seq_hbm.at[pl.ds(off, chunk)],
                                     buf.at[pl.ds(0, chunk)], sseq)
                    pltpu.sync_copy(pad_hbm, buf.at[pl.ds(chunk, L)])

                @pl.when(wid != NW - 1)
                def _():
                    pltpu.async_copy(seq_hbm.at[pl.ds(off, chunk + L)],
                                     buf, sseq)
            else:
                pltpu.async_copy(seq_hbm.at[pl.ds(off, chunk + L)], buf, sseq)

        def wait_seq(ci):
            buf = seq_bufs[ci % 2]
            if ci == nchunk - 1:
                @pl.when(wid == NW - 1)
                def _():
                    pltpu.make_async_copy(seq_hbm.at[pl.ds(0, chunk)],
                                          buf.at[pl.ds(0, chunk)], sseq).wait()

                @pl.when(wid != NW - 1)
                def _():
                    pltpu.make_async_copy(seq_hbm.at[pl.ds(0, chunk + L)],
                                          buf, sseq).wait()
            else:
                pltpu.make_async_copy(seq_hbm.at[pl.ds(0, chunk + L)],
                                      buf, sseq).wait()

        def build(ci, cnt):
            seq_v = seq_bufs[ci % 2]
            idx_ref = idx_bufs[ci % NBUF]

            lanes = lax.iota(jnp.int32, L)

            def body(j, c):
                a = seq_v[pl.ds(j * L, L)]
                b = seq_v[pl.ds(j * L + 1, L)]
                m = (a == pad) | (b == pad)
                f = jnp.where(m, lanes, a * NUM_TYPES + b)
                idx_ref[pl.ds(j * L, L)] = f
                return c + jnp.where(m, 1, 0)

            return lax.fori_loop(0, groups, body, cnt, unroll=4)

        def accum(ci, acc):
            val_ref = val_bufs[ci % NBUF]

            def body(j, a):
                return a + val_ref[pl.ds(j * L, L)]

            return lax.fori_loop(0, groups, body, acc, unroll=8)

        def start_gather(ci):
            return pltpu.async_copy(
                w_sh.at[idx_bufs[ci % NBUF]], val_bufs[ci % NBUF],
                sems[ci % 3])

        cnt = jnp.zeros((L,), jnp.int32)
        acc = jnp.zeros((L,), jnp.float32)
        start_seq(0)
        pltpu.sync_copy(pad_hbm, pad_v)
        pltpu.sync_copy(w_hbm.at[pl.ds(0, L)], w0_v)
        pad = pad_v[...]
        pending = [None, None, None]
        for ci in range(nchunk):
            wait_seq(ci)
            if ci + 1 < nchunk:
                start_seq(ci + 1)
            cnt = build(ci, cnt)
            if ci == 0:
                continue
            if ci == 1:
                @pl.when(sid == 0)
                def _():
                    pltpu.make_async_copy(w_hbm, w_sh, swst).wait()

                plsc.subcore_barrier()
                pending[0] = start_gather(0)
                pending[1] = start_gather(1)
                continue
            if ci >= 3:
                pending[(ci - 3) % 3].wait()
            new = start_gather(ci)
            if ci >= 3:
                acc = accum(ci - 3, acc)
            pending[ci % 3] = new
        for ci in range(nchunk - 3, nchunk):
            pending[ci % 3].wait()
            acc = accum(ci, acc)
        acc_v[...] = acc - cnt.astype(jnp.float32) * w0_v[...]
        pltpu.sync_copy(acc_v, out_hbm.at[wid])

    return k(seq, pad16, w_flat)


def kernel(sequence, padding_idx, W):
    n = sequence.shape[0]
    per_tile = n // NW
    chunk = per_tile
    for c in (6400, 3200, 1600, 800, 400, 200, 100):
        if per_tile % c == 0 and 10 * c + 8 * L <= 64200:
            chunk = c
            break
    pad16 = jnp.full((L,), padding_idx, dtype=sequence.dtype)
    w_flat = W.reshape(-1)
    parts = _sc_gather_sum(sequence, pad16, w_flat, per_tile, chunk)
    return -jnp.sum(parts)

# --- scband reference (transcript-rebuilt; emitter-appended) ---
"""Pipeline reference for scband-transition-energy-model-30528627540175 (READ-ONLY COPY).

The authoritative reference and input builder live on the scoring server;
editing this copy changes nothing except your own understanding.
"""

import jax, jax.numpy as jnp
import numpy as np

NUM_TYPES = 1000
SEQ_LEN = 3276800

def setup_inputs(seed: int = 0) -> dict:
    key = jax.random.key(seed)
    k1, k2 = jax.random.split(key)
    sequence = jax.random.randint(k1, (SEQ_LEN,), 0, NUM_TYPES, dtype=jnp.int32)
    # xavier_uniform for W: bound = sqrt(6 / (fan_in + fan_out)) = sqrt(6 / (num_types + num_types))
    bound = float(np.sqrt(6.0 / (NUM_TYPES + NUM_TYPES)))
    W = jax.random.uniform(k2, (NUM_TYPES, NUM_TYPES), minval=-bound, maxval=bound, dtype=jnp.float32)
    return {"sequence": sequence, "padding_idx": 0, "W": W}

def reference(sequence, padding_idx, W):
    if sequence.shape[0] < 2:
        return jnp.asarray(0.0, dtype=jnp.float32)
    idx_current = sequence[:-1]
    idx_next = sequence[1:]
    mask = (idx_current != padding_idx) & (idx_next != padding_idx)
    # gather pairwise transition energies from W; masked entries contribute 0
    vals = W[idx_current, idx_next]
    score = jnp.sum(jnp.where(mask, vals, jnp.zeros_like(vals)))
    energy = -score
    return energy

if __name__ == "__main__":
    import jax
    _d = setup_inputs()
    print(jax.jit(kernel)(*tuple(_d.values())))

</pallas_src>

<mosaic_0001>
#map = affine_map<(d0, d1) -> (0)>
#map1 = affine_map<(d0, d1) -> (0, 0)>
module attributes {stable_mosaic.version = 14 : i64} {
  func.func @k(%arg0: i32, %arg1: i32, %arg2: memref<3276800xi32, #tpu.memory_space<hbm>>, %arg3: memref<16xi32, #tpu.memory_space<hbm>>, %arg4: memref<1000000xf32, #tpu.memory_space<hbm>>, %arg5: memref<32x16xf32, #tpu.memory_space<hbm>>, %arg6: memref<6416xi32, #tpu.memory_space<vmem>>, %arg7: memref<6416xi32, #tpu.memory_space<vmem>>, %arg8: memref<16xi32, #tpu.memory_space<vmem>>, %arg9: memref<16xf32, #tpu.memory_space<vmem>>, %arg10: memref<6400xi32, #tpu.memory_space<vmem>>, %arg11: memref<6400xi32, #tpu.memory_space<vmem>>, %arg12: memref<6400xi32, #tpu.memory_space<vmem>>, %arg13: memref<6400xi32, #tpu.memory_space<vmem>>, %arg14: memref<6400xf32, #tpu.memory_space<vmem>>, %arg15: memref<6400xf32, #tpu.memory_space<vmem>>, %arg16: memref<6400xf32, #tpu.memory_space<vmem>>, %arg17: memref<6400xf32, #tpu.memory_space<vmem>>, %arg18: memref<16xf32, #tpu.memory_space<vmem>>, %arg19: memref<1000000xf32, #tpu.memory_space<vmem_shared>>, %arg20: memref<!tpu.dma_semaphore, #tpu.memory_space<semaphore_mem>>, %arg21: memref<!tpu.dma_semaphore, #tpu.memory_space<semaphore_mem>>, %arg22: memref<!tpu.dma_semaphore, #tpu.memory_space<semaphore_mem>>, %arg23: memref<!tpu.dma_semaphore, #tpu.memory_space<semaphore_mem>>, %arg24: memref<!tpu.dma_semaphore, #tpu.memory_space<semaphore_mem>>) attributes {dimension_semantics = [#tpu.dimension_semantics<core_parallel>, #tpu.dimension_semantics<subcore_parallel>], iteration_bounds = array<i64: 2, 16>, scalar_prefetch = 0 : i64, scratch_operands = 19 : i64, tpu.core_type = #tpu.core_type<sc_vector_subcore>, window_params = [{transform_indices = #map}, {transform_indices = #map}, {transform_indices = #map}, {transform_indices = #map1}]} {
    %mul3A = arith.constant 2 : i32
    %mul3A_0 = arith.muli %arg1, %mul3A : i32
    %add3A = arith.addi %mul3A_0, %arg0 : i32
    %mul3A_1 = arith.constant 102400 : i32
    %mul3A_2 = arith.muli %add3A, %mul3A_1 : i32
    %eq3A = arith.constant 0 : i32
    %eq3A_3 = arith.cmpi eq, %arg1, %eq3A : i32
    %convert_element_type3A = arith.extui %eq3A_3 : i1 to i32
    %cond3A = arith.constant 0 : i32
    %cond3A_4 = arith.cmpi ne, %convert_element_type3A, %cond3A : i32
    scf.if %cond3A_4 {
      tpu.enqueue_dma source(%arg4 : memref<1000000xf32, #tpu.memory_space<hbm>>) target(%arg19 : memref<1000000xf32, #tpu.memory_space<vmem_shared>>) target_semaphore(%arg24 : memref<!tpu.dma_semaphore, #tpu.memory_space<semaphore_mem>>)
    } else {
    }
    %broadcast_in_dim3A = arith.constant 0 : i32
    %broadcast_in_dim3A_5 = vector.broadcast %broadcast_in_dim3A : i32 to vector<16xi32>
    %broadcast_in_dim3A_6 = arith.constant 0.000000e+00 : f32
    %broadcast_in_dim3A_7 = vector.broadcast %broadcast_in_dim3A_6 : f32 to vector<16xf32>
    %add3A_8 = arith.constant 0 : i32
    %add3A_9 = arith.addi %mul3A_2, %add3A_8 : i32
    %dma_start3A = tpu.memref_slice %arg2[%add3A_9] : memref<3276800xi32, #tpu.memory_space<hbm>> -> memref<6416xi32, #tpu.memory_space<hbm>>
    %dma_start3A_10 = tpu.memref_slice %arg2[%add3A_9] : memref<3276800xi32, #tpu.memory_space<hbm>> -> memref<6416xi32, #tpu.memory_space<hbm>>
    tpu.enqueue_dma source(%dma_start3A_10 : memref<6416xi32, #tpu.memory_space<hbm>>) target(%arg6 : memref<6416xi32, #tpu.memory_space<vmem>>) target_semaphore(%arg23 : memref<!tpu.dma_semaphore, #tpu.memory_space<semaphore_mem>>)
    "tpu.region"() ({
      %run_scoped3A = tpu.sem_alloc : memref<!tpu.dma_semaphore, #tpu.memory_space<semaphore_mem>>
      tpu.enqueue_dma source(%arg3 : memref<16xi32, #tpu.memory_space<hbm>>) target(%arg8 : memref<16xi32, #tpu.memory_space<vmem>>) target_semaphore(%run_scoped3A : memref<!tpu.dma_semaphore, #tpu.memory_space<semaphore_mem>>)
      tpu.wait_dma2 semaphore(%run_scoped3A : memref<!tpu.dma_semaphore, #tpu.memory_space<semaphore_mem>>) src(%arg3 : memref<16xi32, #tpu.memory_space<hbm>>) dst(%arg8 : memref<16xi32, #tpu.memory_space<vmem>>)
      tpu.yield
    }) : () -> ()
    "tpu.region"() ({
      %run_scoped3A = tpu.sem_alloc : memref<!tpu.dma_semaphore, #tpu.memory_space<semaphore_mem>>
      %dma_start3A_432 = arith.constant 0 : i32
      %dma_start3A_433 = tpu.memref_slice %arg4[%dma_start3A_432] : memref<1000000xf32, #tpu.memory_space<hbm>> -> memref<16xf32, #tpu.memory_space<hbm>>
      %dma_start3A_434 = arith.constant 0 : i32
      %dma_start3A_435 = tpu.memref_slice %arg4[%dma_start3A_434] : memref<1000000xf32, #tpu.memory_space<hbm>> -> memref<16xf32, #tpu.memory_space<hbm>>
      tpu.enqueue_dma source(%dma_start3A_435 : memref<16xf32, #tpu.memory_space<hbm>>) target(%arg9 : memref<16xf32, #tpu.memory_space<vmem>>) target_semaphore(%run_scoped3A : memref<!tpu.dma_semaphore, #tpu.memory_space<semaphore_mem>>)
      %dma_wait3A_436 = arith.constant 0 : i32
      %dma_wait3A_437 = tpu.memref_slice %arg4[%dma_wait3A_436] : memref<1000000xf32, #tpu.memory_space<hbm>> -> memref<16xf32, #tpu.memory_space<hbm>>
      %dma_wait3A_438 = arith.constant 0 : i32
      %dma_wait3A_439 = tpu.memref_slice %arg4[%dma_wait3A_438] : memref<1000000xf32, #tpu.memory_space<hbm>> -> memref<16xf32, #tpu.memory_space<hbm>>
      tpu.wait_dma2 semaphore(%run_scoped3A : memref<!tpu.dma_semaphore, #tpu.memory_space<semaphore_mem>>) src(%dma_wait3A_439 : memref<16xf32, #tpu.memory_space<hbm>>) dst(%arg9 : memref<16xf32, #tpu.memory_space<vmem>>)
      tpu.yield
    }) : () -> ()
    %get3A = arith.constant 0 : index
    %get3A_11 = tpu.vector_load %arg8[%get3A] {strides = array<i32>} : memref<16xi32, #tpu.memory_space<vmem>>, vector<16xi32>,
    %get3A_12 = vector.shape_cast %get3A_11 : vector<16xi32> to vector<16xi32>
    %dma_wait3A = arith.constant 0 : i32
    %dma_wait3A_13 = tpu.memref_slice %arg2[%dma_wait3A] : memref<3276800xi32, #tpu.memory_space<hbm>> -> memref<6416xi32, #tpu.memory_space<hbm>>
    %dma_wait3A_14 = arith.constant 0 : i32
    %dma_wait3A_15 = tpu.memref_slice %arg2[%dma_wait3A_14] : memref<3276800xi32, #tpu.memory_space<hbm>> -> memref<6416xi32, #tpu.memory_space<hbm>>
    tpu.wait_dma2 semaphore(%arg23 : memref<!tpu.dma_semaphore, #tpu.memory_space<semaphore_mem>>) src(%dma_wait3A_15 : memref<6416xi32, #tpu.memory_space<hbm>>) dst(%arg6 : memref<6416xi32, #tpu.memory_space<vmem>>)
    %add3A_16 = arith.constant 6400 : i32
    %add3A_17 = arith.addi %mul3A_2, %add3A_16 : i32
    %dma_start3A_18 = tpu.memref_slice %arg2[%add3A_17] : memref<3276800xi32, #tpu.memory_space<hbm>> -> memref<6416xi32, #tpu.memory_space<hbm>>
    %dma_start3A_19 = tpu.memref_slice %arg2[%add3A_17] : memref<3276800xi32, #tpu.memory_space<hbm>> -> memref<6416xi32, #tpu.memory_space<hbm>>
    tpu.enqueue_dma source(%dma_start3A_19 : memref<6416xi32, #tpu.memory_space<hbm>>) target(%arg7 : memref<6416xi32, #tpu.memory_space<vmem>>) target_semaphore(%arg23 : memref<!tpu.dma_semaphore, #tpu.memory_space<semaphore_mem>>)
    %iota3A = tpu.iota {dimensions = array<i32: 0>} : vector<16xi32>
    %scan3A = arith.constant 0 : i32
    %scan3A_20 = arith.constant 400 : i32
    %scan3A_21 = arith.addi %scan3A, %scan3A_20 : i32
    %scan3A_22 = arith.constant 4 : i32
    %scan3A_23 = scf.for %scan3A_432 = %scan3A to %scan3A_21 step %scan3A_22 iter_args(%scan3A_433 = %broadcast_in_dim3A_5) -> (vector<16xi32>)  : i32 {
      %mul3A_434 = arith.constant 16 : i32
      %mul3A_435 = arith.muli %scan3A_432, %mul3A_434 : i32
      %get3A_436 = arith.index_cast %mul3A_435 : i32 to index
      %get3A_437 = tpu.vector_load %arg6[%get3A_436] {strides = array<i32>} : memref<6416xi32, #tpu.memory_space<vmem>>, vector<16xi32>,
      %get3A_438 = vector.shape_cast %get3A_437 : vector<16xi32> to vector<16xi32>
      %mul3A_439 = arith.constant 16 : i32
      %mul3A_440 = arith.muli %scan3A_432, %mul3A_439 : i32
      %add3A_441 = arith.constant 1 : i32
      %add3A_442 = arith.addi %mul3A_440, %add3A_441 : i32
      %get3A_443 = arith.index_cast %add3A_442 : i32 to index
      %get3A_444 = tpu.vector_load %arg6[%get3A_443] {strides = array<i32>} : memref<6416xi32, #tpu.memory_space<vmem>>, vector<16xi32>,
      %get3A_445 = vector.shape_cast %get3A_444 : vector<16xi32> to vector<16xi32>
      %eq3A_446 = arith.cmpi eq, %get3A_438, %get3A_12 : vector<16xi32>
      %eq3A_447 = arith.cmpi eq, %get3A_445, %get3A_12 : vector<16xi32>
      %or3A = arith.ori %eq3A_446, %eq3A_447 : vector<16xi1>
      %mul3A_448 = arith.constant 1000 : i32
      %mul3A_449 = vector.broadcast %mul3A_448 : i32 to vector<16xi32>
      %mul3A_450 = arith.muli %get3A_438, %mul3A_449 : vector<16xi32>
      %add3A_451 = arith.addi %mul3A_450, %get3A_445 : vector<16xi32>
      %select_n3A = arith.select %or3A, %iota3A, %add3A_451 : vector<16xi1>, vector<16xi32>
      %mul3A_452 = arith.constant 16 : i32
      %mul3A_453 = arith.muli %scan3A_432, %mul3A_452 : i32
      %swap3A_454 = arith.index_cast %mul3A_453 : i32 to index
      %swap3A_455 = tpu.vector_load %arg10[%swap3A_454] {strides = array<i32>} : memref<6400xi32, #tpu.memory_space<vmem>>, vector<16xi32>,
      %swap3A_456 = vector.shape_cast %swap3A_455 : vector<16xi32> to vector<16xi32>
      %swap3A_457 = vector.shape_cast %select_n3A : vector<16xi32> to vector<16xi32>
      tpu.vector_store %arg10[%swap3A_454], %swap3A_457 {strides = array<i32>} : memref<6400xi32, #tpu.memory_space<vmem>>, vector<16xi32>,
      %jit3A = arith.constant 1 : i32
      %jit3A_458 = arith.constant 0 : i32
      %broadcast_in_dim3A_459 = vector.broadcast %jit3A : i32 to vector<16xi32>
      %broadcast_in_dim3A_460 = vector.broadcast %jit3A_458 : i32 to vector<16xi32>
      %select_n3A_461 = arith.select %or3A, %broadcast_in_dim3A_459, %broadcast_in_dim3A_460 : vector<16xi1>, vector<16xi32>
      %add3A_462 = arith.addi %scan3A_433, %select_n3A_461 : vector<16xi32>
      %scan3A_463 = arith.constant 1 : i32
      %scan3A_464 = arith.addi %scan3A_432, %scan3A_463 : i32
      %mul3A_465 = arith.constant 16 : i32
      %mul3A_466 = arith.muli %scan3A_464, %mul3A_465 : i32
      %get3A_467 = arith.index_cast %mul3A_466 : i32 to index
      %get3A_468 = tpu.vector_load %arg6[%get3A_467] {strides = array<i32>} : memref<6416xi32, #tpu.memory_space<vmem>>, vector<16xi32>,
      %get3A_469 = vector.shape_cast %get3A_468 : vector<16xi32> to vector<16xi32>
      %mul3A_470 = arith.constant 16 : i32
      %mul3A_471 = arith.muli %scan3A_464, %mul3A_470 : i32
      %add3A_472 = arith.constant 1 : i32
      %add3A_473 = arith.addi %mul3A_471, %add3A_472 : i32
      %get3A_474 = arith.index_cast %add3A_473 : i32 to index
      %get3A_475 = tpu.vector_load %arg6[%get3A_474] {strides = array<i32>} : memref<6416xi32, #tpu.memory_space<vmem>>, vector<16xi32>,
      %get3A_476 = vector.shape_cast %get3A_475 : vector<16xi32> to vector<16xi32>
      %eq3A_477 = arith.cmpi eq, %get3A_469, %get3A_12 : vector<16xi32>
      %eq3A_478 = arith.cmpi eq, %get3A_476, %get3A_12 : vector<16xi32>
      %or3A_479 = arith.ori %eq3A_477, %eq3A_478 : vector<16xi1>
      %mul3A_480 = arith.constant 1000 : i32
      %mul3A_481 = vector.broadcast %mul3A_480 : i32 to vector<16xi32>
      %mul3A_482 = arith.muli %get3A_469, %mul3A_481 : vector<16xi32>
      %add3A_483 = arith.addi %mul3A_482, %get3A_476 : vector<16xi32>
      %select_n3A_484 = arith.select %or3A_479, %iota3A, %add3A_483 : vector<16xi1>, vector<16xi32>
      %mul3A_485 = arith.constant 16 : i32
      %mul3A_486 = arith.muli %scan3A_464, %mul3A_485 : i32
      %swap3A_487 = arith.index_cast %mul3A_486 : i32 to index
      %swap3A_488 = tpu.vector_load %arg10[%swap3A_487] {strides = array<i32>} : memref<6400xi32, #tpu.memory_space<vmem>>, vector<16xi32>,
      %swap3A_489 = vector.shape_cast %swap3A_488 : vector<16xi32> to vector<16xi32>
      %swap3A_490 = vector.shape_cast %select_n3A_484 : vector<16xi32> to vector<16xi32>
      tpu.vector_store %arg10[%swap3A_487], %swap3A_490 {strides = array<i32>} : memref<6400xi32, #tpu.memory_space<vmem>>, vector<16xi32>,
      %jit3A_491 = arith.constant 1 : i32
      %jit3A_492 = arith.constant 0 : i32
      %broadcast_in_dim3A_493 = vector.broadcast %jit3A_491 : i32 to vector<16xi32>
      %broadcast_in_dim3A_494 = vector.broadcast %jit3A_492 : i32 to vector<16xi32>
      %select_n3A_495 = arith.select %or3A_479, %broadcast_in_dim3A_493, %broadcast_in_dim3A_494 : vector<16xi1>, vector<16xi32>
      %add3A_496 = arith.addi %add3A_462, %select_n3A_495 : vector<16xi32>
      %scan3A_497 = arith.constant 2 : i32
      %scan3A_498 = arith.addi %scan3A_432, %scan3A_497 : i32
      %mul3A_499 = arith.constant 16 : i32
      %mul3A_500 = arith.muli %scan3A_498, %mul3A_499 : i32
      %get3A_501 = arith.index_cast %mul3A_500 : i32 to index
      %get3A_502 = tpu.vector_load %arg6[%get3A_501] {strides = array<i32>} : memref<6416xi32, #tpu.memory_space<vmem>>, vector<16xi32>,
      %get3A_503 = vector.shape_cast %get3A_502 : vector<16xi32> to vector<16xi32>
      %mul3A_504 = arith.constant 16 : i32
      %mul3A_505 = arith.muli %scan3A_498, %mul3A_504 : i32
      %add3A_506 = arith.constant 1 : i32
      %add3A_507 = arith.addi %mul3A_505, %add3A_506 : i32
      %get3A_508 = arith.index_cast %add3A_507 : i32 to index
      %get3A_509 = tpu.vector_load %arg6[%get3A_508] {strides = array<i32>} : memref<6416xi32, #tpu.memory_space<vmem>>, vector<16xi32>,
      %get3A_510 = vector.shape_cast %get3A_509 : vector<16xi32> to vector<16xi32>
      %eq3A_511 = arith.cmpi eq, %get3A_503, %get3A_12 : vector<16xi32>
      %eq3A_512 = arith.cmpi eq, %get3A_510, %get3A_12 : vector<16xi32>
      %or3A_513 = arith.ori %eq3A_511, %eq3A_512 : vector<16xi1>
      %mul3A_514 = arith.constant 1000 : i32
      %mul3A_515 = vector.broadcast %mul3A_514 : i32 to vector<16xi32>
      %mul3A_516 = arith.muli %get3A_503, %mul3A_515 : vector<16xi32>
      %add3A_517 = arith.addi %mul3A_516, %get3A_510 : vector<16xi32>
      %select_n3A_518 = arith.select %or3A_513, %iota3A, %add3A_517 : vector<16xi1>, vector<16xi32>
      %mul3A_519 = arith.constant 16 : i32
      %mul3A_520 = arith.muli %scan3A_498, %mul3A_519 : i32
      %swap3A_521 = arith.index_cast %mul3A_520 : i32 to index
      %swap3A_522 = tpu.vector_load %arg10[%swap3A_521] {strides = array<i32>} : memref<6400xi32, #tpu.memory_space<vmem>>, vector<16xi32>,
      %swap3A_523 = vector.shape_cast %swap3A_522 : vector<16xi32> to vector<16xi32>
      %swap3A_524 = vector.shape_cast %select_n3A_518 : vector<16xi32> to vector<16xi32>
      tpu.vector_store %arg10[%swap3A_521], %swap3A_524 {strides = array<i32>} : memref<6400xi32, #tpu.memory_space<vmem>>, vector<16xi32>,
      %jit3A_525 = arith.constant 1 : i32
      %jit3A_526 = arith.constant 0 : i32
      %broadcast_in_dim3A_527 = vector.broadcast %jit3A_525 : i32 to vector<16xi32>
      %broadcast_in_dim3A_528 = vector.broadcast %jit3A_526 : i32 to vector<16xi32>
      %select_n3A_529 = arith.select %or3A_513, %broadcast_in_dim3A_527, %broadcast_in_dim3A_528 : vector<16xi1>, vector<16xi32>
      %add3A_530 = arith.addi %add3A_496, %select_n3A_529 : vector<16xi32>
      %scan3A_531 = arith.constant 3 : i32
      %scan3A_532 = arith.addi %scan3A_432, %scan3A_531 : i32
      %mul3A_533 = arith.constant 16 : i32
      %mul3A_534 = arith.muli %scan3A_532, %mul3A_533 : i32
      %get3A_535 = arith.index_cast %mul3A_534 : i32 to index
      %get3A_536 = tpu.vector_load %arg6[%get3A_535] {strides = array<i32>} : memref<6416xi32, #tpu.memory_space<vmem>>, vector<16xi32>,
      %get3A_537 = vector.shape_cast %get3A_536 : vector<16xi32> to vector<16xi32>
      %mul3A_538 = arith.constant 16 : i32
      %mul3A_539 = arith.muli %scan3A_532, %mul3A_538 : i32
      %add3A_540 = arith.constant 1 : i32
      %add3A_541 = arith.addi %mul3A_539, %add3A_540 : i32
      %get3A_542 = arith.index_cast %add3A_541 : i32 to index
      %get3A_543 = tpu.vector_load %arg6[%get3A_542] {strides = array<i32>} : memref<6416xi32, #tpu.memory_space<vmem>>, vector<16xi32>,
      %get3A_544 = vector.shape_cast %get3A_543 : vector<16xi32> to vector<16xi32>
      %eq3A_545 = arith.cmpi eq, %get3A_537, %get3A_12 : vector<16xi32>
      %eq3A_546 = arith.cmpi eq, %get3A_544, %get3A_12 : vector<16xi32>
      %or3A_547 = arith.ori %eq3A_545, %eq3A_546 : vector<16xi1>
      %mul3A_548 = arith.constant 1000 : i32
      %mul3A_549 = vector.broadcast %mul3A_548 : i32 to vector<16xi32>
      %mul3A_550 = arith.muli %get3A_537, %mul3A_549 : vector<16xi32>
      %add3A_551 = arith.addi %mul3A_550, %get3A_544 : vector<16xi32>
      %select_n3A_552 = arith.select %or3A_547, %iota3A, %add3A_551 : vector<16xi1>, vector<16xi32>
      %mul3A_553 = arith.constant 16 : i32
      %mul3A_554 = arith.muli %scan3A_532, %mul3A_553 : i32
      %swap3A_555 = arith.index_cast %mul3A_554 : i32 to index
      %swap3A_556 = tpu.vector_load %arg10[%swap3A_555] {strides = array<i32>} : memref<6400xi32, #tpu.memory_space<vmem>>, vector<16xi32>,
      %swap3A_557 = vector.shape_cast %swap3A_556 : vector<16xi32> to vector<16xi32>
      %swap3A_558 = vector.shape_cast %select_n3A_552 : vector<16xi32> to vector<16xi32>
      tpu.vector_store %arg10[%swap3A_555], %swap3A_558 {strides = array<i32>} : memref<6400xi32, #tpu.memory_space<vmem>>, vector<16xi32>,
      %jit3A_559 = arith.constant 1 : i32
      %jit3A_560 = arith.constant 0 : i32
      %broadcast_in_dim3A_561 = vector.broadcast %jit3A_559 : i32 to vector<16xi32>
      %broadcast_in_dim3A_562 = vector.broadcast %jit3A_560 : i32 to vector<16xi32>
      %select_n3A_563 = arith.select %or3A_547, %broadcast_in_dim3A_561, %broadcast_in_dim3A_562 : vector<16xi1>, vector<16xi32>
      %add3A_564 = arith.addi %add3A_530, %select_n3A_563 : vector<16xi32>
      scf.yield %add3A_564 : vector<16xi32>
    }
    %scan3A_24 = arith.constant 400 : i32
    %dma_wait3A_25 = arith.constant 0 : i32
    %dma_wait3A_26 = tpu.memref_slice %arg2[%dma_wait3A_25] : memref<3276800xi32, #tpu.memory_space<hbm>> -> memref<6416xi32, #tpu.memory_space<hbm>>
    %dma_wait3A_27 = arith.constant 0 : i32
    %dma_wait3A_28 = tpu.memref_slice %arg2[%dma_wait3A_27] : memref<3276800xi32, #tpu.memory_space<hbm>> -> memref<6416xi32, #tpu.memory_space<hbm>>
    tpu.wait_dma2 semaphore(%arg23 : memref<!tpu.dma_semaphore, #tpu.memory_space<semaphore_mem>>) src(%dma_wait3A_28 : memref<6416xi32, #tpu.memory_space<hbm>>) dst(%arg7 : memref<6416xi32, #tpu.memory_space<vmem>>)
    %add3A_29 = arith.constant 12800 : i32
    %add3A_30 = arith.addi %mul3A_2, %add3A_29 : i32
    %dma_start3A_31 = tpu.memref_slice %arg2[%add3A_30] : memref<3276800xi32, #tpu.memory_space<hbm>> -> memref<6416xi32, #tpu.memory_space<hbm>>
    %dma_start3A_32 = tpu.memref_slice %arg2[%add3A_30] : memref<3276800xi32, #tpu.memory_space<hbm>> -> memref<6416xi32, #tpu.memory_space<hbm>>
    tpu.enqueue_dma source(%dma_start3A_32 : memref<6416xi32, #tpu.memory_space<hbm>>) target(%arg6 : memref<6416xi32, #tpu.memory_space<vmem>>) target_semaphore(%arg23 : memref<!tpu.dma_semaphore, #tpu.memory_space<semaphore_mem>>)
    %iota3A_33 = tpu.iota {dimensions = array<i32: 0>} : vector<16xi32>
    %scan3A_34 = arith.constant 0 : i32
    %scan3A_35 = arith.constant 400 : i32
    %scan3A_36 = arith.addi %scan3A_34, %scan3A_35 : i32
    %scan3A_37 = arith.constant 4 : i32
    %scan3A_38 = scf.for %scan3A_432 = %scan3A_34 to %scan3A_36 step %scan3A_37 iter_args(%scan3A_433 = %scan3A_23) -> (vector<16xi32>)  : i32 {
      %mul3A_434 = arith.constant 16 : i32
      %mul3A_435 = arith.muli %scan3A_432, %mul3A_434 : i32
      %get3A_436 = arith.index_cast %mul3A_435 : i32 to index
      %get3A_437 = tpu.vector_load %arg7[%get3A_436] {strides = array<i32>} : memref<6416xi32, #tpu.memory_space<vmem>>, vector<16xi32>,
      %get3A_438 = vector.shape_cast %get3A_437 : vector<16xi32> to vector<16xi32>
      %mul3A_439 = arith.constant 16 : i32
      %mul3A_440 = arith.muli %scan3A_432, %mul3A_439 : i32
      %add3A_441 = arith.constant 1 : i32
      %add3A_442 = arith.addi %mul3A_440, %add3A_441 : i32
      %get3A_443 = arith.index_cast %add3A_442 : i32 to index
      %get3A_444 = tpu.vector_load %arg7[%get3A_443] {strides = array<i32>} : memref<6416xi32, #tpu.memory_space<vmem>>, vector<16xi32>,
      %get3A_445 = vector.shape_cast %get3A_444 : vector<16xi32> to vector<16xi32>
      %eq3A_446 = arith.cmpi eq, %get3A_438, %get3A_12 : vector<16xi32>
      %eq3A_447 = arith.cmpi eq, %get3A_445, %get3A_12 : vector<16xi32>
      %or3A = arith.ori %eq3A_446, %eq3A_447 : vector<16xi1>
      %mul3A_448 = arith.constant 1000 : i32
      %mul3A_449 = vector.broadcast %mul3A_448 : i32 to vector<16xi32>
      %mul3A_450 = arith.muli %get3A_438, %mul3A_449 : vector<16xi32>
      %add3A_451 = arith.addi %mul3A_450, %get3A_445 : vector<16xi32>
      %select_n3A = arith.select %or3A, %iota3A_33, %add3A_451 : vector<16xi1>, vector<16xi32>
      %mul3A_452 = arith.constant 16 : i32
      %mul3A_453 = arith.muli %scan3A_432, %mul3A_452 : i32
      %swap3A_454 = arith.index_cast %mul3A_453 : i32 to index
      %swap3A_455 = tpu.vector_load %arg11[%swap3A_454] {strides = array<i32>} : memref<6400xi32, #tpu.memory_space<vmem>>, vector<16xi32>,
      %swap3A_456 = vector.shape_cast %swap3A_455 : vector<16xi32> to vector<16xi32>
      %swap3A_457 = vector.shape_cast %select_n3A : vector<16xi32> to vector<16xi32>
      tpu.vector_store %arg11[%swap3A_454], %swap3A_457 {strides = array<i32>} : memref<6400xi32, #tpu.memory_space<vmem>>, vector<16xi32>,
      %jit3A = arith.constant 1 : i32
      %jit3A_458 = arith.constant 0 : i32
      %broadcast_in_dim3A_459 = vector.broadcast %jit3A : i32 to vector<16xi32>
      %broadcast_in_dim3A_460 = vector.broadcast %jit3A_458 : i32 to vector<16xi32>
      %select_n3A_461 = arith.select %or3A, %broadcast_in_dim3A_459, %broadcast_in_dim3A_460 : vector<16xi1>, vector<16xi32>
      %add3A_462 = arith.addi %scan3A_433, %select_n3A_461 : vector<16xi32>
      %scan3A_463 = arith.constant 1 : i32
      %scan3A_464 = arith.addi %scan3A_432, %scan3A_463 : i32
      %mul3A_465 = arith.constant 16 : i32
      %mul3A_466 = arith.muli %scan3A_464, %mul3A_465 : i32
      %get3A_467 = arith.index_cast %mul3A_466 : i32 to index
      %get3A_468 = tpu.vector_load %arg7[%get3A_467] {strides = array<i32>} : memref<6416xi32, #tpu.memory_space<vmem>>, vector<16xi32>,
      %get3A_469 = vector.shape_cast %get3A_468 : vector<16xi32> to vector<16xi32>
      %mul3A_470 = arith.constant 16 : i32
      %mul3A_471 = arith.muli %scan3A_464, %mul3A_470 : i32
      %add3A_472 = arith.constant 1 : i32
      %add3A_473 = arith.addi %mul3A_471, %add3A_472 : i32
      %get3A_474 = arith.index_cast %add3A_473 : i32 to index
      %get3A_475 = tpu.vector_load %arg7[%get3A_474] {strides = array<i32>} : memref<6416xi32, #tpu.memory_space<vmem>>, vector<16xi32>,
      %get3A_476 = vector.shape_cast %get3A_475 : vector<16xi32> to vector<16xi32>
      %eq3A_477 = arith.cmpi eq, %get3A_469, %get3A_12 : vector<16xi32>
      %eq3A_478 = arith.cmpi eq, %get3A_476, %get3A_12 : vector<16xi32>
      %or3A_479 = arith.ori %eq3A_477, %eq3A_478 : vector<16xi1>
      %mul3A_480 = arith.constant 1000 : i32
      %mul3A_481 = vector.broadcast %mul3A_480 : i32 to vector<16xi32>
      %mul3A_482 = arith.muli %get3A_469, %mul3A_481 : vector<16xi32>
      %add3A_483 = arith.addi %mul3A_482, %get3A_476 : vector<16xi32>
      %select_n3A_484 = arith.select %or3A_479, %iota3A_33, %add3A_483 : vector<16xi1>, vector<16xi32>
      %mul3A_485 = arith.constant 16 : i32
      %mul3A_486 = arith.muli %scan3A_464, %mul3A_485 : i32
      %swap3A_487 = arith.index_cast %mul3A_486 : i32 to index
      %swap3A_488 = tpu.vector_load %arg11[%swap3A_487] {strides = array<i32>} : memref<6400xi32, #tpu.memory_space<vmem>>, vector<16xi32>,
      %swap3A_489 = vector.shape_cast %swap3A_488 : vector<16xi32> to vector<16xi32>
      %swap3A_490 = vector.shape_cast %select_n3A_484 : vector<16xi32> to vector<16xi32>
      tpu.vector_store %arg11[%swap3A_487], %swap3A_490 {strides = array<i32>} : memref<6400xi32, #tpu.memory_space<vmem>>, vector<16xi32>,
      %jit3A_491 = arith.constant 1 : i32
      %jit3A_492 = arith.constant 0 : i32
      %broadcast_in_dim3A_493 = vector.broadcast %jit3A_491 : i32 to vector<16xi32>
      %broadcast_in_dim3A_494 = vector.broadcast %jit3A_492 : i32 to vector<16xi32>
      %select_n3A_495 = arith.select %or3A_479, %broadcast_in_dim3A_493, %broadcast_in_dim3A_494 : vector<16xi1>, vector<16xi32>
      %add3A_496 = arith.addi %add3A_462, %select_n3A_495 : vector<16xi32>
      %scan3A_497 = arith.constant 2 : i32
      %scan3A_498 = arith.addi %scan3A_432, %scan3A_497 : i32
      %mul3A_499 = arith.constant 16 : i32
      %mul3A_500 = arith.muli %scan3A_498, %mul3A_499 : i32
      %get3A_501 = arith.index_cast %mul3A_500 : i32 to index
      %get3A_502 = tpu.vector_load %arg7[%get3A_501] {strides = array<i32>} : memref<6416xi32, #tpu.memory_space<vmem>>, vector<16xi32>,
      %get3A_503 = vector.shape_cast %get3A_502 : vector<16xi32> to vector<16xi32>
      %mul3A_504 = arith.constant 16 : i32
      %mul3A_505 = arith.muli %scan3A_498, %mul3A_504 : i32
      %add3A_506 = arith.constant 1 : i32
      %add3A_507 = arith.addi %mul3A_505, %add3A_506 : i32
      %get3A_508 = arith.index_cast %add3A_507 : i32 to index
      %get3A_509 = tpu.vector_load %arg7[%get3A_508] {strides = array<i32>} : memref<6416xi32, #tpu.memory_space<vmem>>, vector<16xi32>,
      %get3A_510 = vector.shape_cast %get3A_509 : vector<16xi32> to vector<16xi32>
      %eq3A_511 = arith.cmpi eq, %get3A_503, %get3A_12 : vector<16xi32>
      %eq3A_512 = arith.cmpi eq, %get3A_510, %get3A_12 : vector<16xi32>
      %or3A_513 = arith.ori %eq3A_511, %eq3A_512 : vector<16xi1>
      %mul3A_514 = arith.constant 1000 : i32
      %mul3A_515 = vector.broadcast %mul3A_514 : i32 to vector<16xi32>
      %mul3A_516 = arith.muli %get3A_503, %mul3A_515 : vector<16xi32>
      %add3A_517 = arith.addi %mul3A_516, %get3A_510 : vector<16xi32>
      %select_n3A_518 = arith.select %or3A_513, %iota3A_33, %add3A_517 : vector<16xi1>, vector<16xi32>
      %mul3A_519 = arith.constant 16 : i32
      %mul3A_520 = arith.muli %scan3A_498, %mul3A_519 : i32
      %swap3A_521 = arith.index_cast %mul3A_520 : i32 to index
      %swap3A_522 = tpu.vector_load %arg11[%swap3A_521] {strides = array<i32>} : memref<6400xi32, #tpu.memory_space<vmem>>, vector<16xi32>,
      %swap3A_523 = vector.shape_cast %swap3A_522 : vector<16xi32> to vector<16xi32>
      %swap3A_524 = vector.shape_cast %select_n3A_518 : vector<16xi32> to vector<16xi32>
      tpu.vector_store %arg11[%swap3A_521], %swap3A_524 {strides = array<i32>} : memref<6400xi32, #tpu.memory_space<vmem>>, vector<16xi32>,
      %jit3A_525 = arith.constant 1 : i32
      %jit3A_526 = arith.constant 0 : i32
      %broadcast_in_dim3A_527 = vector.broadcast %jit3A_525 : i32 to vector<16xi32>
      %broadcast_in_dim3A_528 = vector.broadcast %jit3A_526 : i32 to vector<16xi32>
      %select_n3A_529 = arith.select %or3A_513, %broadcast_in_dim3A_527, %broadcast_in_dim3A_528 : vector<16xi1>, vector<16xi32>
      %add3A_530 = arith.addi %add3A_496, %select_n3A_529 : vector<16xi32>
      %scan3A_531 = arith.constant 3 : i32
      %scan3A_532 = arith.addi %scan3A_432, %scan3A_531 : i32
      %mul3A_533 = arith.constant 16 : i32
      %mul3A_534 = arith.muli %scan3A_532, %mul3A_533 : i32
      %get3A_535 = arith.index_cast %mul3A_534 : i32 to index
      %get3A_536 = tpu.vector_load %arg7[%get3A_535] {strides = array<i32>} : memref<6416xi32, #tpu.memory_space<vmem>>, vector<16xi32>,
      %get3A_537 = vector.shape_cast %get3A_536 : vector<16xi32> to vector<16xi32>
      %mul3A_538 = arith.constant 16 : i32
      %mul3A_539 = arith.muli %scan3A_532, %mul3A_538 : i32
      %add3A_540 = arith.constant 1 : i32
      %add3A_541 = arith.addi %mul3A_539, %add3A_540 : i32
      %get3A_542 = arith.index_cast %add3A_541 : i32 to index
      %get3A_543 = tpu.vector_load %arg7[%get3A_542] {strides = array<i32>} : memref<6416xi32, #tpu.memory_space<vmem>>, vector<16xi32>,
      %get3A_544 = vector.shape_cast %get3A_543 : vector<16xi32> to vector<16xi32>
      %eq3A_545 = arith.cmpi eq, %get3A_537, %get3A_12 : vector<16xi32>
      %eq3A_546 = arith.cmpi eq, %get3A_544, %get3A_12 : vector<16xi32>
      %or3A_547 = arith.ori %eq3A_545, %eq3A_546 : vector<16xi1>
      %mul3A_548 = arith.constant 1000 : i32
      %mul3A_549 = vector.broadcast %mul3A_548 : i32 to vector<16xi32>
      %mul3A_550 = arith.muli %get3A_537, %mul3A_549 : vector<16xi32>
      %add3A_551 = arith.addi %mul3A_550, %get3A_544 : vector<16xi32>
      %select_n3A_552 = arith.select %or3A_547, %iota3A_33, %add3A_551 : vector<16xi1>, vector<16xi32>
      %mul3A_553 = arith.constant 16 : i32
      %mul3A_554 = arith.muli %scan3A_532, %mul3A_553 : i32
      %swap3A_555 = arith.index_cast %mul3A_554 : i32 to index
      %swap3A_556 = tpu.vector_load %arg11[%swap3A_555] {strides = array<i32>} : memref<6400xi32, #tpu.memory_space<vmem>>, vector<16xi32>,
      %swap3A_557 = vector.shape_cast %swap3A_556 : vector<16xi32> to vector<16xi32>
      %swap3A_558 = vector.shape_cast %select_n3A_552 : vector<16xi32> to vector<16xi32>
      tpu.vector_store %arg11[%swap3A_555], %swap3A_558 {strides = array<i32>} : memref<6400xi32, #tpu.memory_space<vmem>>, vector<16xi32>,
      %jit3A_559 = arith.constant 1 : i32
      %jit3A_560 = arith.constant 0 : i32
      %broadcast_in_dim3A_561 = vector.broadcast %jit3A_559 : i32 to vector<16xi32>
      %broadcast_in_dim3A_562 = vector.broadcast %jit3A_560 : i32 to vector<16xi32>
      %select_n3A_563 = arith.select %or3A_547, %broadcast_in_dim3A_561, %broadcast_in_dim3A_562 : vector<16xi1>, vector<16xi32>
      %add3A_564 = arith.addi %add3A_530, %select_n3A_563 : vector<16xi32>
      scf.yield %add3A_564 : vector<16xi32>
    }
    %scan3A_39 = arith.constant 400 : i32
    %eq3A_40 = arith.constant 0 : i32
    %eq3A_41 = arith.cmpi eq, %arg1, %eq3A_40 : i32
    %convert_element_type3A_42 = arith.extui %eq3A_41 : i1 to i32
    %cond3A_43 = arith.constant 0 : i32
    %cond3A_44 = arith.cmpi ne, %convert_element_type3A_42, %cond3A_43 : i32
    scf.if %cond3A_44 {
      tpu.wait_dma2 semaphore(%arg24 : memref<!tpu.dma_semaphore, #tpu.memory_space<semaphore_mem>>) src(%arg4 : memref<1000000xf32, #tpu.memory_space<hbm>>) dst(%arg19 : memref<1000000xf32, #tpu.memory_space<vmem_shared>>)
    } else {
    }
    %barrier3A = arith.constant 0 : index
    tpu.barrier barrier_id(%barrier3A)
    %dma_start3A_45 = arith.constant 0 : i32
    %dma_start3A_46 = tpu.memref_slice %arg19[%dma_start3A_45] : memref<1000000xf32, #tpu.memory_space<vmem_shared>> -> memref<1000000xf32, #tpu.memory_space<vmem_shared>>
    tpu.enqueue_indirect_dma source(%dma_start3A_46 : memref<1000000xf32, #tpu.memory_space<vmem_shared>>) target(%arg14 : memref<6400xf32, #tpu.memory_space<vmem>>) offsets(%arg10 : memref<6400xi32, #tpu.memory_space<vmem>>) semaphore(%arg20 : memref<!tpu.dma_semaphore, #tpu.memory_space<semaphore_mem>>)
    %dma_start3A_47 = arith.constant 0 : i32
    %dma_start3A_48 = tpu.memref_slice %arg19[%dma_start3A_47] : memref<1000000xf32, #tpu.memory_space<vmem_shared>> -> memref<1000000xf32, #tpu.memory_space<vmem_shared>>
    tpu.enqueue_indirect_dma source(%dma_start3A_48 : memref<1000000xf32, #tpu.memory_space<vmem_shared>>) target(%arg15 : memref<6400xf32, #tpu.memory_space<vmem>>) offsets(%arg11 : memref<6400xi32, #tpu.memory_space<vmem>>) semaphore(%arg21 : memref<!tpu.dma_semaphore, #tpu.memory_space<semaphore_mem>>)
    %dma_wait3A_49 = arith.constant 0 : i32
    %dma_wait3A_50 = tpu.memref_slice %arg2[%dma_wait3A_49] : memref<3276800xi32, #tpu.memory_space<hbm>> -> memref<6416xi32, #tpu.memory_space<hbm>>
    %dma_wait3A_51 = arith.constant 0 : i32
    %dma_wait3A_52 = tpu.memref_slice %arg2[%dma_wait3A_51] : memref<3276800xi32, #tpu.memory_space<hbm>> -> memref<6416xi32, #tpu.memory_space<hbm>>
    tpu.wait_dma2 semaphore(%arg23 : memref<!tpu.dma_semaphore, #tpu.memory_space<semaphore_mem>>) src(%dma_wait3A_52 : memref<6416xi32, #tpu.memory_space<hbm>>) dst(%arg6 : memref<6416xi32, #tpu.memory_space<vmem>>)
    %add3A_53 = arith.constant 19200 : i32
    %add3A_54 = arith.addi %mul3A_2, %add3A_53 : i32
    %dma_start3A_55 = tpu.memref_slice %arg2[%add3A_54] : memref<3276800xi32, #tpu.memory_space<hbm>> -> memref<6416xi32, #tpu.memory_space<hbm>>
    %dma_start3A_56 = tpu.memref_slice %arg2[%add3A_54] : memref<3276800xi32, #tpu.memory_space<hbm>> -> memref<6416xi32, #tpu.memory_space<hbm>>
    tpu.enqueue_dma source(%dma_start3A_56 : memref<6416xi32, #tpu.memory_space<hbm>>) target(%arg7 : memref<6416xi32, #tpu.memory_space<vmem>>) target_semaphore(%arg23 : memref<!tpu.dma_semaphore, #tpu.memory_space<semaphore_mem>>)
    %iota3A_57 = tpu.iota {dimensions = array<i32: 0>} : vector<16xi32>
    %scan3A_58 = arith.constant 0 : i32
    %scan3A_59 = arith.constant 400 : i32
    %scan3A_60 = arith.addi %scan3A_58, %scan3A_59 : i32
    %scan3A_61 = arith.constant 4 : i32
    %scan3A_62 = scf.for %scan3A_432 = %scan3A_58 to %scan3A_60 step %scan3A_61 iter_args(%scan3A_433 = %scan3A_38) -> (vector<16xi32>)  : i32 {
      %mul3A_434 = arith.constant 16 : i32
      %mul3A_435 = arith.muli %scan3A_432, %mul3A_434 : i32
      %get3A_436 = arith.index_cast %mul3A_435 : i32 to index
      %get3A_437 = tpu.vector_load %arg6[%get3A_436] {strides = array<i32>} : memref<6416xi32, #tpu.memory_space<vmem>>, vector<16xi32>,
      %get3A_438 = vector.shape_cast %get3A_437 : vector<16xi32> to vector<16xi32>
      %mul3A_439 = arith.constant 16 : i32
      %mul3A_440 = arith.muli %scan3A_432, %mul3A_439 : i32
      %add3A_441 = arith.constant 1 : i32
      %add3A_442 = arith.addi %mul3A_440, %add3A_441 : i32
      %get3A_443 = arith.index_cast %add3A_442 : i32 to index
      %get3A_444 = tpu.vector_load %arg6[%get3A_443] {strides = array<i32>} : memref<6416xi32, #tpu.memory_space<vmem>>, vector<16xi32>,
      %get3A_445 = vector.shape_cast %get3A_444 : vector<16xi32> to vector<16xi32>
      %eq3A_446 = arith.cmpi eq, %get3A_438, %get3A_12 : vector<16xi32>
      %eq3A_447 = arith.cmpi eq, %get3A_445, %get3A_12 : vector<16xi32>
      %or3A = arith.ori %eq3A_446, %eq3A_447 : vector<16xi1>
      %mul3A_448 = arith.constant 1000 : i32
      %mul3A_449 = vector.broadcast %mul3A_448 : i32 to vector<16xi32>
      %mul3A_450 = arith.muli %get3A_438, %mul3A_449 : vector<16xi32>
      %add3A_451 = arith.addi %mul3A_450, %get3A_445 : vector<16xi32>
      %select_n3A = arith.select %or3A, %iota3A_57, %add3A_451 : vector<16xi1>, vector<16xi32>
      %mul3A_452 = arith.constant 16 : i32
      %mul3A_453 = arith.muli %scan3A_432, %mul3A_452 : i32
      %swap3A_454 = arith.index_cast %mul3A_453 : i32 to index
      %swap3A_455 = tpu.vector_load %arg12[%swap3A_454] {strides = array<i32>} : memref<6400xi32, #tpu.memory_space<vmem>>, vector<16xi32>,
      %swap3A_456 = vector.shape_cast %swap3A_455 : vector<16xi32> to vector<16xi32>
      %swap3A_457 = vector.shape_cast %select_n3A : vector<16xi32> to vector<16xi32>
      tpu.vector_store %arg12[%swap3A_454], %swap3A_457 {strides = array<i32>} : memref<6400xi32, #tpu.memory_space<vmem>>, vector<16xi32>,
      %jit3A = arith.constant 1 : i32
      %jit3A_458 = arith.constant 0 : i32
      %broadcast_in_dim3A_459 = vector.broadcast %jit3A : i32 to vector<16xi32>
      %broadcast_in_dim3A_460 = vector.broadcast %jit3A_458 : i32 to vector<16xi32>
      %select_n3A_461 = arith.select %or3A, %broadcast_in_dim3A_459, %broadcast_in_dim3A_460 : vector<16xi1>, vector<16xi32>
      %add3A_462 = arith.addi %scan3A_433, %select_n3A_461 : vector<16xi32>
      %scan3A_463 = arith.constant 1 : i32
      %scan3A_464 = arith.addi %scan3A_432, %scan3A_463 : i32
      %mul3A_465 = arith.constant 16 : i32
      %mul3A_466 = arith.muli %scan3A_464, %mul3A_465 : i32
      %get3A_467 = arith.index_cast %mul3A_466 : i32 to index
      %get3A_468 = tpu.vector_load %arg6[%get3A_467] {strides = array<i32>} : memref<6416xi32, #tpu.memory_space<vmem>>, vector<16xi32>,
      %get3A_469 = vector.shape_cast %get3A_468 : vector<16xi32> to vector<16xi32>
      %mul3A_470 = arith.constant 16 : i32
      %mul3A_471 = arith.muli %scan3A_464, %mul3A_470 : i32
      %add3A_472 = arith.constant 1 : i32
      %add3A_473 = arith.addi %mul3A_471, %add3A_472 : i32
      %get3A_474 = arith.index_cast %add3A_473 : i32 to index
      %get3A_475 = tpu.vector_load %arg6[%get3A_474] {strides = array<i32>} : memref<6416xi32, #tpu.memory_space<vmem>>, vector<16xi32>,
      %get3A_476 = vector.shape_cast %get3A_475 : vector<16xi32> to vector<16xi32>
      %eq3A_477 = arith.cmpi eq, %get3A_469, %get3A_12 : vector<16xi32>
      %eq3A_478 = arith.cmpi eq, %get3A_476, %get3A_12 : vector<16xi32>
      %or3A_479 = arith.ori %eq3A_477, %eq3A_478 : vector<16xi1>
      %mul3A_480 = arith.constant 1000 : i32
      %mul3A_481 = vector.broadcast %mul3A_480 : i32 to vector<16xi32>
      %mul3A_482 = arith.muli %get3A_469, %mul3A_481 : vector<16xi32>
      %add3A_483 = arith.addi %mul3A_482, %get3A_476 : vector<16xi32>
      %select_n3A_484 = arith.select %or3A_479, %iota3A_57, %add3A_483 : vector<16xi1>, vector<16xi32>
      %mul3A_485 = arith.constant 16 : i32
      %mul3A_486 = arith.muli %scan3A_464, %mul3A_485 : i32
      %swap3A_487 = arith.index_cast %mul3A_486 : i32 to index
      %swap3A_488 = tpu.vector_load %arg12[%swap3A_487] {strides = array<i32>} : memref<6400xi32, #tpu.memory_space<vmem>>, vector<16xi32>,
      %swap3A_489 = vector.shape_cast %swap3A_488 : vector<16xi32> to vector<16xi32>
      %swap3A_490 = vector.shape_cast %select_n3A_484 : vector<16xi32> to vector<16xi32>
      tpu.vector_store %arg12[%swap3A_487], %swap3A_490 {strides = array<i32>} : memref<6400xi32, #tpu.memory_space<vmem>>, vector<16xi32>,
      %jit3A_491 = arith.constant 1 : i32
      %jit3A_492 = arith.constant 0 : i32
      %broadcast_in_dim3A_493 = vector.broadcast %jit3A_491 : i32 to vector<16xi32>
      %broadcast_in_dim3A_494 = vector.broadcast %jit3A_492 : i32 to vector<16xi32>
      %select_n3A_495 = arith.select %or3A_479, %broadcast_in_dim3A_493, %broadcast_in_dim3A_494 : vector<16xi1>, vector<16xi32>
      %add3A_496 = arith.addi %add3A_462, %select_n3A_495 : vector<16xi32>
      %scan3A_497 = arith.constant 2 : i32
      %scan3A_498 = arith.addi %scan3A_432, %scan3A_497 : i32
      %mul3A_499 = arith.constant 16 : i32
      %mul3A_500 = arith.muli %scan3A_498, %mul3A_499 : i32
      %get3A_501 = arith.index_cast %mul3A_500 : i32 to index
      %get3A_502 = tpu.vector_load %arg6[%get3A_501] {strides = array<i32>} : memref<6416xi32, #tpu.memory_space<vmem>>, vector<16xi32>,
      %get3A_503 = vector.shape_cast %get3A_502 : vector<16xi32> to vector<16xi32>
      %mul3A_504 = arith.constant 16 : i32
      %mul3A_505 = arith.muli %scan3A_498, %mul3A_504 : i32
      %add3A_506 = arith.constant 1 : i32
      %add3A_507 = arith.addi %mul3A_505, %add3A_506 : i32
      %get3A_508 = arith.index_cast %add3A_507 : i32 to index
      %get3A_509 = tpu.vector_load %arg6[%get3A_508] {strides = array<i32>} : memref<6416xi32, #tpu.memory_space<vmem>>, vector<16xi32>,
      %get3A_510 = vector.shape_cast %get3A_509 : vector<16xi32> to vector<16xi32>
      %eq3A_511 = arith.cmpi eq, %get3A_503, %get3A_12 : vector<16xi32>
      %eq3A_512 = arith.cmpi eq, %get3A_510, %get3A_12 : vector<16xi32>
      %or3A_513 = arith.ori %eq3A_511, %eq3A_512 : vector<16xi1>
      %mul3A_514 = arith.constant 1000 : i32
      %mul3A_515 = vector.broadcast %mul3A_514 : i32 to vector<16xi32>
      %mul3A_516 = arith.muli %get3A_503, %mul3A_515 : vector<16xi32>
      %add3A_517 = arith.addi %mul3A_516, %get3A_510 : vector<16xi32>
      %select_n3A_518 = arith.select %or3A_513, %iota3A_57, %add3A_517 : vector<16xi1>, vector<16xi32>
      %mul3A_519 = arith.constant 16 : i32
      %mul3A_520 = arith.muli %scan3A_498, %mul3A_519 : i32
      %swap3A_521 = arith.index_cast %mul3A_520 : i32 to index
      %swap3A_522 = tpu.vector_load %arg12[%swap3A_521] {strides = array<i32>} : memref<6400xi32, #tpu.memory_space<vmem>>, vector<16xi32>,
      %swap3A_523 = vector.shape_cast %swap3A_522 : vector<16xi32> to vector<16xi32>
      %swap3A_524 = vector.shape_cast %select_n3A_518 : vector<16xi32> to vector<16xi32>
      tpu.vector_store %arg12[%swap3A_521], %swap3A_524 {strides = array<i32>} : memref<6400xi32, #tpu.memory_space<vmem>>, vector<16xi32>,
      %jit3A_525 = arith.constant 1 : i32
      %jit3A_526 = arith.constant 0 : i32
      %broadcast_in_dim3A_527 = vector.broadcast %jit3A_525 : i32 to vector<16xi32>
      %broadcast_in_dim3A_528 = vector.broadcast %jit3A_526 : i32 to vector<16xi32>
      %select_n3A_529 = arith.select %or3A_513, %broadcast_in_dim3A_527, %broadcast_in_dim3A_528 : vector<16xi1>, vector<16xi32>
      %add3A_530 = arith.addi %add3A_496, %select_n3A_529 : vector<16xi32>
      %scan3A_531 = arith.constant 3 : i32
      %scan3A_532 = arith.addi %scan3A_432, %scan3A_531 : i32
      %mul3A_533 = arith.constant 16 : i32
      %mul3A_534 = arith.muli %scan3A_532, %mul3A_533 : i32
      %get3A_535 = arith.index_cast %mul3A_534 : i32 to index
      %get3A_536 = tpu.vector_load %arg6[%get3A_535] {strides = array<i32>} : memref<6416xi32, #tpu.memory_space<vmem>>, vector<16xi32>,
      %get3A_537 = vector.shape_cast %get3A_536 : vector<16xi32> to vector<16xi32>
      %mul3A_538 = arith.constant 16 : i32
      %mul3A_539 = arith.muli %scan3A_532, %mul3A_538 : i32
      %add3A_540 = arith.constant 1 : i32
      %add3A_541 = arith.addi %mul3A_539, %add3A_540 : i32
      %get3A_542 = arith.index_cast %add3A_541 : i32 to index
      %get3A_543 = tpu.vector_load %arg6[%get3A_542] {strides = array<i32>} : memref<6416xi32, #tpu.memory_space<vmem>>, vector<16xi32>,
      %get3A_544 = vector.shape_cast %get3A_543 : vector<16xi32> to vector<16xi32>
      %eq3A_545 = arith.cmpi eq, %get3A_537, %get3A_12 : vector<16xi32>
      %eq3A_546 = arith.cmpi eq, %get3A_544, %get3A_12 : vector<16xi32>
      %or3A_547 = arith.ori %eq3A_545, %eq3A_546 : vector<16xi1>
      %mul3A_548 = arith.constant 1000 : i32
      %mul3A_549 = vector.broadcast %mul3A_548 : i32 to vector<16xi32>
      %mul3A_550 = arith.muli %get3A_537, %mul3A_549 : vector<16xi32>
      %add3A_551 = arith.addi %mul3A_550, %get3A_544 : vector<16xi32>
      %select_n3A_552 = arith.select %or3A_547, %iota3A_57, %add3A_551 : vector<16xi1>, vector<16xi32>
      %mul3A_553 = arith.constant 16 : i32
      %mul3A_554 = arith.muli %scan3A_532, %mul3A_553 : i32
      %swap3A_555 = arith.index_cast %mul3A_554 : i32 to index
      %swap3A_556 = tpu.vector_load %arg12[%swap3A_555] {strides = array<i32>} : memref<6400xi32, #tpu.memory_space<vmem>>, vector<16xi32>,
      %swap3A_557 = vector.shape_cast %swap3A_556 : vector<16xi32> to vector<16xi32>
      %swap3A_558 = vector.shape_cast %select_n3A_552 : vector<16xi32> to vector<16xi32>
      tpu.vector_store %arg12[%swap3A_555], %swap3A_558 {strides = array<i32>} : memref<6400xi32, #tpu.memory_space<vmem>>, vector<16xi32>,
      %jit3A_559 = arith.constant 1 : i32
      %jit3A_560 = arith.constant 0 : i32
      %broadcast_in_dim3A_561 = vector.broadcast %jit3A_559 : i32 to vector<16xi32>
      %broadcast_in_dim3A_562 = vector.broadcast %jit3A_560 : i32 to vector<16xi32>
      %select_n3A_563 = arith.select %or3A_547, %broadcast_in_dim3A_561, %broadcast_in_dim3A_562 : vector<16xi1>, vector<16xi32>
      %add3A_564 = arith.addi %add3A_530, %select_n3A_563 : vector<16xi32>
      scf.yield %add3A_564 : vector<16xi32>
    }
    %scan3A_63 = arith.constant 400 : i32
    %dma_start3A_64 = arith.constant 0 : i32
    %dma_start3A_65 = tpu.memref_slice %arg19[%dma_start3A_64] : memref<1000000xf32, #tpu.memory_space<vmem_shared>> -> memref<1000000xf32, #tpu.memory_space<vmem_shared>>
    tpu.enqueue_indirect_dma source(%dma_start3A_65 : memref<1000000xf32, #tpu.memory_space<vmem_shared>>) target(%arg16 : memref<6400xf32, #tpu.memory_space<vmem>>) offsets(%arg12 : memref<6400xi32, #tpu.memory_space<vmem>>) semaphore(%arg22 : memref<!tpu.dma_semaphore, #tpu.memory_space<semaphore_mem>>)
    %dma_wait3A_66 = arith.constant 0 : i32
    %dma_wait3A_67 = tpu.memref_slice %arg2[%dma_wait3A_66] : memref<3276800xi32, #tpu.memory_space<hbm>> -> memref<6416xi32, #tpu.memory_space<hbm>>
    %dma_wait3A_68 = arith.constant 0 : i32
    %dma_wait3A_69 = tpu.memref_slice %arg2[%dma_wait3A_68] : memref<3276800xi32, #tpu.memory_space<hbm>> -> memref<6416xi32, #tpu.memory_space<hbm>>
    tpu.wait_dma2 semaphore(%arg23 : memref<!tpu.dma_semaphore, #tpu.memory_space<semaphore_mem>>) src(%dma_wait3A_69 : memref<6416xi32, #tpu.memory_space<hbm>>) dst(%arg7 : memref<6416xi32, #tpu.memory_space<vmem>>)
    %add3A_70 = arith.constant 25600 : i32
    %add3A_71 = arith.addi %mul3A_2, %add3A_70 : i32
    %dma_start3A_72 = tpu.memref_slice %arg2[%add3A_71] : memref<3276800xi32, #tpu.memory_space<hbm>> -> memref<6416xi32, #tpu.memory_space<hbm>>
    %dma_start3A_73 = tpu.memref_slice %arg2[%add3A_71] : memref<3276800xi32, #tpu.memory_space<hbm>> -> memref<6416xi32, #tpu.memory_space<hbm>>
    tpu.enqueue_dma source(%dma_start3A_73 : memref<6416xi32, #tpu.memory_space<hbm>>) target(%arg6 : memref<6416xi32, #tpu.memory_space<vmem>>) target_semaphore(%arg23 : memref<!tpu.dma_semaphore, #tpu.memory_space<semaphore_mem>>)
    %iota3A_74 = tpu.iota {dimensions = array<i32: 0>} : vector<16xi32>
    %scan3A_75 = arith.constant 0 : i32
    %scan3A_76 = arith.constant 400 : i32
    %scan3A_77 = arith.addi %scan3A_75, %scan3A_76 : i32
    %scan3A_78 = arith.constant 4 : i32
    %scan3A_79 = scf.for %scan3A_432 = %scan3A_75 to %scan3A_77 step %scan3A_78 iter_args(%scan3A_433 = %scan3A_62) -> (vector<16xi32>)  : i32 {
      %mul3A_434 = arith.constant 16 : i32
      %mul3A_435 = arith.muli %scan3A_432, %mul3A_434 : i32
      %get3A_436 = arith.index_cast %mul3A_435 : i32 to index
      %get3A_437 = tpu.vector_load %arg7[%get3A_436] {strides = array<i32>} : memref<6416xi32, #tpu.memory_space<vmem>>, vector<16xi32>,
      %get3A_438 = vector.shape_cast %get3A_437 : vector<16xi32> to vector<16xi32>
      %mul3A_439 = arith.constant 16 : i32
      %mul3A_440 = arith.muli %scan3A_432, %mul3A_439 : i32
      %add3A_441 = arith.constant 1 : i32
      %add3A_442 = arith.addi %mul3A_440, %add3A_441 : i32
      %get3A_443 = arith.index_cast %add3A_442 : i32 to index
      %get3A_444 = tpu.vector_load %arg7[%get3A_443] {strides = array<i32>} : memref<6416xi32, #tpu.memory_space<vmem>>, vector<16xi32>,
      %get3A_445 = vector.shape_cast %get3A_444 : vector<16xi32> to vector<16xi32>
      %eq3A_446 = arith.cmpi eq, %get3A_438, %get3A_12 : vector<16xi32>
      %eq3A_447 = arith.cmpi eq, %get3A_445, %get3A_12 : vector<16xi32>
      %or3A = arith.ori %eq3A_446, %eq3A_447 : vector<16xi1>
      %mul3A_448 = arith.constant 1000 : i32
      %mul3A_449 = vector.broadcast %mul3A_448 : i32 to vector<16xi32>
      %mul3A_450 = arith.muli %get3A_438, %mul3A_449 : vector<16xi32>
      %add3A_451 = arith.addi %mul3A_450, %get3A_445 : vector<16xi32>
      %select_n3A = arith.select %or3A, %iota3A_74, %add3A_451 : vector<16xi1>, vector<16xi32>
      %mul3A_452 = arith.constant 16 : i32
      %mul3A_453 = arith.muli %scan3A_432, %mul3A_452 : i32
      %swap3A_454 = arith.index_cast %mul3A_453 : i32 to index
      %swap3A_455 = tpu.vector_load %arg13[%swap3A_454] {strides = array<i32>} : memref<6400xi32, #tpu.memory_space<vmem>>, vector<16xi32>,
      %swap3A_456 = vector.shape_cast %swap3A_455 : vector<16xi32> to vector<16xi32>
      %swap3A_457 = vector.shape_cast %select_n3A : vector<16xi32> to vector<16xi32>
      tpu.vector_store %arg13[%swap3A_454], %swap3A_457 {strides = array<i32>} : memref<6400xi32, #tpu.memory_space<vmem>>, vector<16xi32>,
      %jit3A = arith.constant 1 : i32
      %jit3A_458 = arith.constant 0 : i32
      %broadcast_in_dim3A_459 = vector.broadcast %jit3A : i32 to vector<16xi32>
      %broadcast_in_dim3A_460 = vector.broadcast %jit3A_458 : i32 to vector<16xi32>
      %select_n3A_461 = arith.select %or3A, %broadcast_in_dim3A_459, %broadcast_in_dim3A_460 : vector<16xi1>, vector<16xi32>
      %add3A_462 = arith.addi %scan3A_433, %select_n3A_461 : vector<16xi32>
      %scan3A_463 = arith.constant 1 : i32
      %scan3A_464 = arith.addi %scan3A_432, %scan3A_463 : i32
      %mul3A_465 = arith.constant 16 : i32
      %mul3A_466 = arith.muli %scan3A_464, %mul3A_465 : i32
      %get3A_467 = arith.index_cast %mul3A_466 : i32 to index
      %get3A_468 = tpu.vector_load %arg7[%get3A_467] {strides = array<i32>} : memref<6416xi32, #tpu.memory_space<vmem>>, vector<16xi32>,
      %get3A_469 = vector.shape_cast %get3A_468 : vector<16xi32> to vector<16xi32>
      %mul3A_470 = arith.constant 16 : i32
      %mul3A_471 = arith.muli %scan3A_464, %mul3A_470 : i32
      %add3A_472 = arith.constant 1 : i32
      %add3A_473 = arith.addi %mul3A_471, %add3A_472 : i32
      %get3A_474 = arith.index_cast %add3A_473 : i32 to index
      %get3A_475 = tpu.vector_load %arg7[%get3A_474] {strides = array<i32>} : memref<6416xi32, #tpu.memory_space<vmem>>, vector<16xi32>,
      %get3A_476 = vector.shape_cast %get3A_475 : vector<16xi32> to vector<16xi32>
      %eq3A_477 = arith.cmpi eq, %get3A_469, %get3A_12 : vector<16xi32>
      %eq3A_478 = arith.cmpi eq, %get3A_476, %get3A_12 : vector<16xi32>
      %or3A_479 = arith.ori %eq3A_477, %eq3A_478 : vector<16xi1>
      %mul3A_480 = arith.constant 1000 : i32
      %mul3A_481 = vector.broadcast %mul3A_480 : i32 to vector<16xi32>
      %mul3A_482 = arith.muli %get3A_469, %mul3A_481 : vector<16xi32>
      %add3A_483 = arith.addi %mul3A_482, %get3A_476 : vector<16xi32>
      %select_n3A_484 = arith.select %or3A_479, %iota3A_74, %add3A_483 : vector<16xi1>, vector<16xi32>
      %mul3A_485 = arith.constant 16 : i32
      %mul3A_486 = arith.muli %scan3A_464, %mul3A_485 : i32
      %swap3A_487 = arith.index_cast %mul3A_486 : i32 to index
      %swap3A_488 = tpu.vector_load %arg13[%swap3A_487] {strides = array<i32>} : memref<6400xi32, #tpu.memory_space<vmem>>, vector<16xi32>,
      %swap3A_489 = vector.shape_cast %swap3A_488 : vector<16xi32> to vector<16xi32>
      %swap3A_490 = vector.shape_cast %select_n3A_484 : vector<16xi32> to vector<16xi32>
      tpu.vector_store %arg13[%swap3A_487], %swap3A_490 {strides = array<i32>} : memref<6400xi32, #tpu.memory_space<vmem>>, vector<16xi32>,
      %jit3A_491 = arith.constant 1 : i32
      %jit3A_492 = arith.constant 0 : i32
      %broadcast_in_dim3A_493 = vector.broadcast %jit3A_491 : i32 to vector<16xi32>
      %broadcast_in_dim3A_494 = vector.broadcast %jit3A_492 : i32 to vector<16xi32>
      %select_n3A_495 = arith.select %or3A_479, %broadcast_in_dim3A_493, %broadcast_in_dim3A_494 : vector<16xi1>, vector<16xi32>
      %add3A_496 = arith.addi %add3A_462, %select_n3A_495 : vector<16xi32>
      %scan3A_497 = arith.constant 2 : i32
      %scan3A_498 = arith.addi %scan3A_432, %scan3A_497 : i32
      %mul3A_499 = arith.constant 16 : i32
      %mul3A_500 = arith.muli %scan3A_498, %mul3A_499 : i32
      %get3A_501 = arith.index_cast %mul3A_500 : i32 to index
      %get3A_502 = tpu.vector_load %arg7[%get3A_501] {strides = array<i32>} : memref<6416xi32, #tpu.memory_space<vmem>>, vector<16xi32>,
      %get3A_503 = vector.shape_cast %get3A_502 : vector<16xi32> to vector<16xi32>
      %mul3A_504 = arith.constant 16 : i32
      %mul3A_505 = arith.muli %scan3A_498, %mul3A_504 : i32
      %add3A_506 = arith.constant 1 : i32
      %add3A_507 = arith.addi %mul3A_505, %add3A_506 : i32
      %get3A_508 = arith.index_cast %add3A_507 : i32 to index
      %get3A_509 = tpu.vector_load %arg7[%get3A_508] {strides = array<i32>} : memref<6416xi32, #tpu.memory_space<vmem>>, vector<16xi32>,
      %get3A_510 = vector.shape_cast %get3A_509 : vector<16xi32> to vector<16xi32>
      %eq3A_511 = arith.cmpi eq, %get3A_503, %get3A_12 : vector<16xi32>
      %eq3A_512 = arith.cmpi eq, %get3A_510, %get3A_12 : vector<16xi32>
      %or3A_513 = arith.ori %eq3A_511, %eq3A_512 : vector<16xi1>
      %mul3A_514 = arith.constant 1000 : i32
      %mul3A_515 = vector.broadcast %mul3A_514 : i32 to vector<16xi32>
      %mul3A_516 = arith.muli %get3A_503, %mul3A_515 : vector<16xi32>
      %add3A_517 = arith.addi %mul3A_516, %get3A_510 : vector<16xi32>
      %select_n3A_518 = arith.select %or3A_513, %iota3A_74, %add3A_517 : vector<16xi1>, vector<16xi32>
      %mul3A_519 = arith.constant 16 : i32
      %mul3A_520 = arith.muli %scan3A_498, %mul3A_519 : i32
      %swap3A_521 = arith.index_cast %mul3A_520 : i32 to index
      %swap3A_522 = tpu.vector_load %arg13[%swap3A_521] {strides = array<i32>} : memref<6400xi32, #tpu.memory_space<vmem>>, vector<16xi32>,
      %swap3A_523 = vector.shape_cast %swap3A_522 : vector<16xi32> to vector<16xi32>
      %swap3A_524 = vector.shape_cast %select_n3A_518 : vector<16xi32> to vector<16xi32>
      tpu.vector_store %arg13[%swap3A_521], %swap3A_524 {strides = array<i32>} : memref<6400xi32, #tpu.memory_space<vmem>>, vector<16xi32>,
      %jit3A_525 = arith.constant 1 : i32
      %jit3A_526 = arith.constant 0 : i32
      %broadcast_in_dim3A_527 = vector.broadcast %jit3A_525 : i32 to vector<16xi32>
      %broadcast_in_dim3A_528 = vector.broadcast %jit3A_526 : i32 to vector<16xi32>
      %select_n3A_529 = arith.select %or3A_513, %broadcast_in_dim3A_527, %broadcast_in_dim3A_528 : vector<16xi1>, vector<16xi32>
      %add3A_530 = arith.addi %add3A_496, %select_n3A_529 : vector<16xi32>
      %scan3A_531 = arith.constant 3 : i32
      %scan3A_532 = arith.addi %scan3A_432, %scan3A_531 : i32
      %mul3A_533 = arith.constant 16 : i32
      %mul3A_534 = arith.muli %scan3A_532, %mul3A_533 : i32
      %get3A_535 = arith.index_cast %mul3A_534 : i32 to index
      %get3A_536 = tpu.vector_load %arg7[%get3A_535] {strides = array<i32>} : memref<6416xi32, #tpu.memory_space<vmem>>, vector<16xi32>,
      %get3A_537 = vector.shape_cast %get3A_536 : vector<16xi32> to vector<16xi32>
      %mul3A_538 = arith.constant 16 : i32
      %mul3A_539 = arith.muli %scan3A_532, %mul3A_538 : i32
      %add3A_540 = arith.constant 1 : i32
      %add3A_541 = arith.addi %mul3A_539, %add3A_540 : i32
      %get3A_542 = arith.index_cast %add3A_541 : i32 to index
      %get3A_543 = tpu.vector_load %arg7[%get3A_542] {strides = array<i32>} : memref<6416xi32, #tpu.memory_space<vmem>>, vector<16xi32>,
      %get3A_544 = vector.shape_cast %get3A_543 : vector<16xi32> to vector<16xi32>
      %eq3A_545 = arith.cmpi eq, %get3A_537, %get3A_12 : vector<16xi32>
      %eq3A_546 = arith.cmpi eq, %get3A_544, %get3A_12 : vector<16xi32>
      %or3A_547 = arith.ori %eq3A_545, %eq3A_546 : vector<16xi1>
      %mul3A_548 = arith.constant 1000 : i32
      %mul3A_549 = vector.broadcast %mul3A_548 : i32 to vector<16xi32>
      %mul3A_550 = arith.muli %get3A_537, %mul3A_549 : vector<16xi32>
      %add3A_551 = arith.addi %mul3A_550, %get3A_544 : vector<16xi32>
      %select_n3A_552 = arith.select %or3A_547, %iota3A_74, %add3A_551 : vector<16xi1>, vector<16xi32>
      %mul3A_553 = arith.constant 16 : i32
      %mul3A_554 = arith.muli %scan3A_532, %mul3A_553 : i32
      %swap3A_555 = arith.index_cast %mul3A_554 : i32 to index
      %swap3A_556 = tpu.vector_load %arg13[%swap3A_555] {strides = array<i32>} : memref<6400xi32, #tpu.memory_space<vmem>>, vector<16xi32>,
      %swap3A_557 = vector.shape_cast %swap3A_556 : vector<16xi32> to vector<16xi32>
      %swap3A_558 = vector.shape_cast %select_n3A_552 : vector<16xi32> to vector<16xi32>
      tpu.vector_store %arg13[%swap3A_555], %swap3A_558 {strides = array<i32>} : memref<6400xi32, #tpu.memory_space<vmem>>, vector<16xi32>,
      %jit3A_559 = arith.constant 1 : i32
      %jit3A_560 = arith.constant 0 : i32
      %broadcast_in_dim3A_561 = vector.broadcast %jit3A_559 : i32 to vector<16xi32>
      %broadcast_in_dim3A_562 = vector.broadcast %jit3A_560 : i32 to vector<16xi32>
      %select_n3A_563 = arith.select %or3A_547, %broadcast_in_dim3A_561, %broadcast_in_dim3A_562 : vector<16xi1>, vector<16xi32>
      %add3A_564 = arith.addi %add3A_530, %select_n3A_563 : vector<16xi32>
      scf.yield %add3A_564 : vector<16xi32>
    }
    %scan3A_80 = arith.constant 400 : i32
    %dma_wait3A_81 = arith.constant 0 : i32
    %dma_wait3A_82 = tpu.memref_slice %arg19[%dma_wait3A_81] : memref<1000000xf32, #tpu.memory_space<vmem_shared>> -> memref<1000000xf32, #tpu.memory_space<vmem_shared>>
    tpu.wait_indirect_dma semaphore(%arg20 : memref<!tpu.dma_semaphore, #tpu.memory_space<semaphore_mem>>) src(%dma_wait3A_82 : memref<1000000xf32, #tpu.memory_space<vmem_shared>>) dst(%arg14 : memref<6400xf32, #tpu.memory_space<vmem>>)
    %dma_start3A_83 = arith.constant 0 : i32
    %dma_start3A_84 = tpu.memref_slice %arg19[%dma_start3A_83] : memref<1000000xf32, #tpu.memory_space<vmem_shared>> -> memref<1000000xf32, #tpu.memory_space<vmem_shared>>
    tpu.enqueue_indirect_dma source(%dma_start3A_84 : memref<1000000xf32, #tpu.memory_space<vmem_shared>>) target(%arg17 : memref<6400xf32, #tpu.memory_space<vmem>>) offsets(%arg13 : memref<6400xi32, #tpu.memory_space<vmem>>) semaphore(%arg20 : memref<!tpu.dma_semaphore, #tpu.memory_space<semaphore_mem>>)
    %scan3A_85 = arith.constant 0 : i32
    %scan3A_86 = arith.constant 400 : i32
    %scan3A_87 = arith.addi %scan3A_85, %scan3A_86 : i32
    %scan3A_88 = arith.constant 8 : i32
    %scan3A_89 = scf.for %scan3A_432 = %scan3A_85 to %scan3A_87 step %scan3A_88 iter_args(%scan3A_433 = %broadcast_in_dim3A_7) -> (vector<16xf32>)  : i32 {
      %mul3A_434 = arith.constant 16 : i32
      %mul3A_435 = arith.muli %scan3A_432, %mul3A_434 : i32
      %get3A_436 = arith.index_cast %mul3A_435 : i32 to index
      %get3A_437 = tpu.vector_load %arg14[%get3A_436] {strides = array<i32>} : memref<6400xf32, #tpu.memory_space<vmem>>, vector<16xf32>,
      %get3A_438 = vector.shape_cast %get3A_437 : vector<16xf32> to vector<16xf32>
      %add3A_439 = arith.addf %scan3A_433, %get3A_438 : vector<16xf32>
      %scan3A_440 = arith.constant 1 : i32
      %scan3A_441 = arith.addi %scan3A_432, %scan3A_440 : i32
      %mul3A_442 = arith.constant 16 : i32
      %mul3A_443 = arith.muli %scan3A_441, %mul3A_442 : i32
      %get3A_444 = arith.index_cast %mul3A_443 : i32 to index
      %get3A_445 = tpu.vector_load %arg14[%get3A_444] {strides = array<i32>} : memref<6400xf32, #tpu.memory_space<vmem>>, vector<16xf32>,
      %get3A_446 = vector.shape_cast %get3A_445 : vector<16xf32> to vector<16xf32>
      %add3A_447 = arith.addf %add3A_439, %get3A_446 : vector<16xf32>
      %scan3A_448 = arith.constant 2 : i32
      %scan3A_449 = arith.addi %scan3A_432, %scan3A_448 : i32
      %mul3A_450 = arith.constant 16 : i32
      %mul3A_451 = arith.muli %scan3A_449, %mul3A_450 : i32
      %get3A_452 = arith.index_cast %mul3A_451 : i32 to index
      %get3A_453 = tpu.vector_load %arg14[%get3A_452] {strides = array<i32>} : memref<6400xf32, #tpu.memory_space<vmem>>, vector<16xf32>,
      %get3A_454 = vector.shape_cast %get3A_453 : vector<16xf32> to vector<16xf32>
      %add3A_455 = arith.addf %add3A_447, %get3A_454 : vector<16xf32>
      %scan3A_456 = arith.constant 3 : i32
      %scan3A_457 = arith.addi %scan3A_432, %scan3A_456 : i32
      %mul3A_458 = arith.constant 16 : i32
      %mul3A_459 = arith.muli %scan3A_457, %mul3A_458 : i32
      %get3A_460 = arith.index_cast %mul3A_459 : i32 to index
      %get3A_461 = tpu.vector_load %arg14[%get3A_460] {strides = array<i32>} : memref<6400xf32, #tpu.memory_space<vmem>>, vector<16xf32>,
      %get3A_462 = vector.shape_cast %get3A_461 : vector<16xf32> to vector<16xf32>
      %add3A_463 = arith.addf %add3A_455, %get3A_462 : vector<16xf32>
      %scan3A_464 = arith.constant 4 : i32
      %scan3A_465 = arith.addi %scan3A_432, %scan3A_464 : i32
      %mul3A_466 = arith.constant 16 : i32
      %mul3A_467 = arith.muli %scan3A_465, %mul3A_466 : i32
      %get3A_468 = arith.index_cast %mul3A_467 : i32 to index
      %get3A_469 = tpu.vector_load %arg14[%get3A_468] {strides = array<i32>} : memref<6400xf32, #tpu.memory_space<vmem>>, vector<16xf32>,
      %get3A_470 = vector.shape_cast %get3A_469 : vector<16xf32> to vector<16xf32>
      %add3A_471 = arith.addf %add3A_463, %get3A_470 : vector<16xf32>
      %scan3A_472 = arith.constant 5 : i32
      %scan3A_473 = arith.addi %scan3A_432, %scan3A_472 : i32
      %mul3A_474 = arith.constant 16 : i32
      %mul3A_475 = arith.muli %scan3A_473, %mul3A_474 : i32
      %get3A_476 = arith.index_cast %mul3A_475 : i32 to index
      %get3A_477 = tpu.vector_load %arg14[%get3A_476] {strides = array<i32>} : memref<6400xf32, #tpu.memory_space<vmem>>, vector<16xf32>,
      %get3A_478 = vector.shape_cast %get3A_477 : vector<16xf32> to vector<16xf32>
      %add3A_479 = arith.addf %add3A_471, %get3A_478 : vector<16xf32>
      %scan3A_480 = arith.constant 6 : i32
      %scan3A_481 = arith.addi %scan3A_432, %scan3A_480 : i32
      %mul3A_482 = arith.constant 16 : i32
      %mul3A_483 = arith.muli %scan3A_481, %mul3A_482 : i32
      %get3A_484 = arith.index_cast %mul3A_483 : i32 to index
      %get3A_485 = tpu.vector_load %arg14[%get3A_484] {strides = array<i32>} : memref<6400xf32, #tpu.memory_space<vmem>>, vector<16xf32>,
      %get3A_486 = vector.shape_cast %get3A_485 : vector<16xf32> to vector<16xf32>
      %add3A_487 = arith.addf %add3A_479, %get3A_486 : vector<16xf32>
      %scan3A_488 = arith.constant 7 : i32
      %scan3A_489 = arith.addi %scan3A_432, %scan3A_488 : i32
      %mul3A_490 = arith.constant 16 : i32
      %mul3A_491 = arith.muli %scan3A_489, %mul3A_490 : i32
      %get3A_492 = arith.index_cast %mul3A_491 : i32 to index
      %get3A_493 = tpu.vector_load %arg14[%get3A_492] {strides = array<i32>} : memref<6400xf32, #tpu.memory_space<vmem>>, vector<16xf32>,
      %get3A_494 = vector.shape_cast %get3A_493 : vector<16xf32> to vector<16xf32>
      %add3A_495 = arith.addf %add3A_487, %get3A_494 : vector<16xf32>
      scf.yield %add3A_495 : vector<16xf32>
    }
    %scan3A_90 = arith.constant 400 : i32
    %dma_wait3A_91 = arith.constant 0 : i32
    %dma_wait3A_92 = tpu.memref_slice %arg2[%dma_wait3A_91] : memref<3276800xi32, #tpu.memory_space<hbm>> -> memref<6416xi32, #tpu.memory_space<hbm>>
    %dma_wait3A_93 = arith.constant 0 : i32
    %dma_wait3A_94 = tpu.memref_slice %arg2[%dma_wait3A_93] : memref<3276800xi32, #tpu.memory_space<hbm>> -> memref<6416xi32, #tpu.memory_space<hbm>>
    tpu.wait_dma2 semaphore(%arg23 : memref<!tpu.dma_semaphore, #tpu.memory_space<semaphore_mem>>) src(%dma_wait3A_94 : memref<6416xi32, #tpu.memory_space<hbm>>) dst(%arg6 : memref<6416xi32, #tpu.memory_space<vmem>>)
    %add3A_95 = arith.constant 32000 : i32
    %add3A_96 = arith.addi %mul3A_2, %add3A_95 : i32
    %dma_start3A_97 = tpu.memref_slice %arg2[%add3A_96] : memref<3276800xi32, #tpu.memory_space<hbm>> -> memref<6416xi32, #tpu.memory_space<hbm>>
    %dma_start3A_98 = tpu.memref_slice %arg2[%add3A_96] : memref<3276800xi32, #tpu.memory_space<hbm>> -> memref<6416xi32, #tpu.memory_space<hbm>>
    tpu.enqueue_dma source(%dma_start3A_98 : memref<6416xi32, #tpu.memory_space<hbm>>) target(%arg7 : memref<6416xi32, #tpu.memory_space<vmem>>) target_semaphore(%arg23 : memref<!tpu.dma_semaphore, #tpu.memory_space<semaphore_mem>>)
    %iota3A_99 = tpu.iota {dimensions = array<i32: 0>} : vector<16xi32>
    %scan3A_100 = arith.constant 0 : i32
    %scan3A_101 = arith.constant 400 : i32
    %scan3A_102 = arith.addi %scan3A_100, %scan3A_101 : i32
    %scan3A_103 = arith.constant 4 : i32
    %scan3A_104 = scf.for %scan3A_432 = %scan3A_100 to %scan3A_102 step %scan3A_103 iter_args(%scan3A_433 = %scan3A_79) -> (vector<16xi32>)  : i32 {
      %mul3A_434 = arith.constant 16 : i32
      %mul3A_435 = arith.muli %scan3A_432, %mul3A_434 : i32
      %get3A_436 = arith.index_cast %mul3A_435 : i32 to index
      %get3A_437 = tpu.vector_load %arg6[%get3A_436] {strides = array<i32>} : memref<6416xi32, #tpu.memory_space<vmem>>, vector<16xi32>,
      %get3A_438 = vector.shape_cast %get3A_437 : vector<16xi32> to vector<16xi32>
      %mul3A_439 = arith.constant 16 : i32
      %mul3A_440 = arith.muli %scan3A_432, %mul3A_439 : i32
      %add3A_441 = arith.constant 1 : i32
      %add3A_442 = arith.addi %mul3A_440, %add3A_441 : i32
      %get3A_443 = arith.index_cast %add3A_442 : i32 to index
      %get3A_444 = tpu.vector_load %arg6[%get3A_443] {strides = array<i32>} : memref<6416xi32, #tpu.memory_space<vmem>>, vector<16xi32>,
      %get3A_445 = vector.shape_cast %get3A_444 : vector<16xi32> to vector<16xi32>
      %eq3A_446 = arith.cmpi eq, %get3A_438, %get3A_12 : vector<16xi32>
      %eq3A_447 = arith.cmpi eq, %get3A_445, %get3A_12 : vector<16xi32>
      %or3A = arith.ori %eq3A_446, %eq3A_447 : vector<16xi1>
      %mul3A_448 = arith.constant 1000 : i32
      %mul3A_449 = vector.broadcast %mul3A_448 : i32 to vector<16xi32>
      %mul3A_450 = arith.muli %get3A_438, %mul3A_449 : vector<16xi32>
      %add3A_451 = arith.addi %mul3A_450, %get3A_445 : vector<16xi32>
      %select_n3A = arith.select %or3A, %iota3A_99, %add3A_451 : vector<16xi1>, vector<16xi32>
      %mul3A_452 = arith.constant 16 : i32
      %mul3A_453 = arith.muli %scan3A_432, %mul3A_452 : i32
      %swap3A_454 = arith.index_cast %mul3A_453 : i32 to index
      %swap3A_455 = tpu.vector_load %arg10[%swap3A_454] {strides = array<i32>} : memref<6400xi32, #tpu.memory_space<vmem>>, vector<16xi32>,
      %swap3A_456 = vector.shape_cast %swap3A_455 : vector<16xi32> to vector<16xi32>
      %swap3A_457 = vector.shape_cast %select_n3A : vector<16xi32> to vector<16xi32>
      tpu.vector_store %arg10[%swap3A_454], %swap3A_457 {strides = array<i32>} : memref<6400xi32, #tpu.memory_space<vmem>>, vector<16xi32>,
      %jit3A = arith.constant 1 : i32
      %jit3A_458 = arith.constant 0 : i32
      %broadcast_in_dim3A_459 = vector.broadcast %jit3A : i32 to vector<16xi32>
      %broadcast_in_dim3A_460 = vector.broadcast %jit3A_458 : i32 to vector<16xi32>
      %select_n3A_461 = arith.select %or3A, %broadcast_in_dim3A_459, %broadcast_in_dim3A_460 : vector<16xi1>, vector<16xi32>
      %add3A_462 = arith.addi %scan3A_433, %select_n3A_461 : vector<16xi32>
      %scan3A_463 = arith.constant 1 : i32
      %scan3A_464 = arith.addi %scan3A_432, %scan3A_463 : i32
      %mul3A_465 = arith.constant 16 : i32
      %mul3A_466 = arith.muli %scan3A_464, %mul3A_465 : i32
      %get3A_467 = arith.index_cast %mul3A_466 : i32 to index
      %get3A_468 = tpu.vector_load %arg6[%get3A_467] {strides = array<i32>} : memref<6416xi32, #tpu.memory_space<vmem>>, vector<16xi32>,
      %get3A_469 = vector.shape_cast %get3A_468 : vector<16xi32> to vector<16xi32>
      %mul3A_470 = arith.constant 16 : i32
      %mul3A_471 = arith.muli %scan3A_464, %mul3A_470 : i32
      %add3A_472 = arith.constant 1 : i32
      %add3A_473 = arith.addi %mul3A_471, %add3A_472 : i32
      %get3A_474 = arith.index_cast %add3A_473 : i32 to index
      %get3A_475 = tpu.vector_load %arg6[%get3A_474] {strides = array<i32>} : memref<6416xi32, #tpu.memory_space<vmem>>, vector<16xi32>,
      %get3A_476 = vector.shape_cast %get3A_475 : vector<16xi32> to vector<16xi32>
      %eq3A_477 = arith.cmpi eq, %get3A_469, %get3A_12 : vector<16xi32>
      %eq3A_478 = arith.cmpi eq, %get3A_476, %get3A_12 : vector<16xi32>
      %or3A_479 = arith.ori %eq3A_477, %eq3A_478 : vector<16xi1>
      %mul3A_480 = arith.constant 1000 : i32
      %mul3A_481 = vector.broadcast %mul3A_480 : i32 to vector<16xi32>
      %mul3A_482 = arith.muli %get3A_469, %mul3A_481 : vector<16xi32>
      %add3A_483 = arith.addi %mul3A_482, %get3A_476 : vector<16xi32>
      %select_n3A_484 = arith.select %or3A_479, %iota3A_99, %add3A_483 : vector<16xi1>, vector<16xi32>
      %mul3A_485 = arith.constant 16 : i32
      %mul3A_486 = arith.muli %scan3A_464, %mul3A_485 : i32
      %swap3A_487 = arith.index_cast %mul3A_486 : i32 to index
      %swap3A_488 = tpu.vector_load %arg10[%swap3A_487] {strides = array<i32>} : memref<6400xi32, #tpu.memory_space<vmem>>, vector<16xi32>,
      %swap3A_489 = vector.shape_cast %swap3A_488 : vector<16xi32> to vector<16xi32>
      %swap3A_490 = vector.shape_cast %select_n3A_484 : vector<16xi32> to vector<16xi32>
      tpu.vector_store %arg10[%swap3A_487], %swap3A_490 {strides = array<i32>} : memref<6400xi32, #tpu.memory_space<vmem>>, vector<16xi32>,
      %jit3A_491 = arith.constant 1 : i32
      %jit3A_492 = arith.constant 0 : i32
      %broadcast_in_dim3A_493 = vector.broadcast %jit3A_491 : i32 to vector<16xi32>
      %broadcast_in_dim3A_494 = vector.broadcast %jit3A_492 : i32 to vector<16xi32>
      %select_n3A_495 = arith.select %or3A_479, %broadcast_in_dim3A_493, %broadcast_in_dim3A_494 : vector<16xi1>, vector<16xi32>
      %add3A_496 = arith.addi %add3A_462, %select_n3A_495 : vector<16xi32>
      %scan3A_497 = arith.constant 2 : i32
      %scan3A_498 = arith.addi %scan3A_432, %scan3A_497 : i32
      %mul3A_499 = arith.constant 16 : i32
      %mul3A_500 = arith.muli %scan3A_498, %mul3A_499 : i32
      %get3A_501 = arith.index_cast %mul3A_500 : i32 to index
      %get3A_502 = tpu.vector_load %arg6[%get3A_501] {strides = array<i32>} : memref<6416xi32, #tpu.memory_space<vmem>>, vector<16xi32>,
      %get3A_503 = vector.shape_cast %get3A_502 : vector<16xi32> to vector<16xi32>
      %mul3A_504 = arith.constant 16 : i32
      %mul3A_505 = arith.muli %scan3A_498, %mul3A_504 : i32
      %add3A_506 = arith.constant 1 : i32
      %add3A_507 = arith.addi %mul3A_505, %add3A_506 : i32
      %get3A_508 = arith.index_cast %add3A_507 : i32 to index
      %get3A_509 = tpu.vector_load %arg6[%get3A_508] {strides = array<i32>} : memref<6416xi32, #tpu.memory_space<vmem>>, vector<16xi32>,
      %get3A_510 = vector.shape_cast %get3A_509 : vector<16xi32> to vector<16xi32>
      %eq3A_511 = arith.cmpi eq, %get3A_503, %get3A_12 : vector<16xi32>
      %eq3A_512 = arith.cmpi eq, %get3A_510, %get3A_12 : vector<16xi32>
      %or3A_513 = arith.ori %eq3A_511, %eq3A_512 : vector<16xi1>
      %mul3A_514 = arith.constant 1000 : i32
      %mul3A_515 = vector.broadcast %mul3A_514 : i32 to vector<16xi32>
      %mul3A_516 = arith.muli %get3A_503, %mul3A_515 : vector<16xi32>
      %add3A_517 = arith.addi %mul3A_516, %get3A_510 : vector<16xi32>
      %select_n3A_518 = arith.select %or3A_513, %iota3A_99, %add3A_517 : vector<16xi1>, vector<16xi32>
      %mul3A_519 = arith.constant 16 : i32
      %mul3A_520 = arith.muli %scan3A_498, %mul3A_519 : i32
      %swap3A_521 = arith.index_cast %mul3A_520 : i32 to index
      %swap3A_522 = tpu.vector_load %arg10[%swap3A_521] {strides = array<i32>} : memref<6400xi32, #tpu.memory_space<vmem>>, vector<16xi32>,
      %swap3A_523 = vector.shape_cast %swap3A_522 : vector<16xi32> to vector<16xi32>
      %swap3A_524 = vector.shape_cast %select_n3A_518 : vector<16xi32> to vector<16xi32>
      tpu.vector_store %arg10[%swap3A_521], %swap3A_524 {strides = array<i32>} : memref<6400xi32, #tpu.memory_space<vmem>>, vector<16xi32>,
      %jit3A_525 = arith.constant 1 : i32
      %jit3A_526 = arith.constant 0 : i32
      %broadcast_in_dim3A_527 = vector.broadcast %jit3A_525 : i32 to vector<16xi32>
      %broadcast_in_dim3A_528 = vector.broadcast %jit3A_526 : i32 to vector<16xi32>
      %select_n3A_529 = arith.select %or3A_513, %broadcast_in_dim3A_527, %broadcast_in_dim3A_528 : vector<16xi1>, vector<16xi32>
      %add3A_530 = arith.addi %add3A_496, %select_n3A_529 : vector<16xi32>
      %scan3A_531 = arith.constant 3 : i32
      %scan3A_532 = arith.addi %scan3A_432, %scan3A_531 : i32
      %mul3A_533 = arith.constant 16 : i32
      %mul3A_534 = arith.muli %scan3A_532, %mul3A_533 : i32
      %get3A_535 = arith.index_cast %mul3A_534 : i32 to index
      %get3A_536 = tpu.vector_load %arg6[%get3A_535] {strides = array<i32>} : memref<6416xi32, #tpu.memory_space<vmem>>, vector<16xi32>,
      %get3A_537 = vector.shape_cast %get3A_536 : vector<16xi32> to vector<16xi32>
      %mul3A_538 = arith.constant 16 : i32
      %mul3A_539 = arith.muli %scan3A_532, %mul3A_538 : i32
      %add3A_540 = arith.constant 1 : i32
      %add3A_541 = arith.addi %mul3A_539, %add3A_540 : i32
      %get3A_542 = arith.index_cast %add3A_541 : i32 to index
      %get3A_543 = tpu.vector_load %arg6[%get3A_542] {strides = array<i32>} : memref<6416xi32, #tpu.memory_space<vmem>>, vector<16xi32>,
      %get3A_544 = vector.shape_cast %get3A_543 : vector<16xi32> to vector<16xi32>
      %eq3A_545 = arith.cmpi eq, %get3A_537, %get3A_12 : vector<16xi32>
      %eq3A_546 = arith.cmpi eq, %get3A_544, %get3A_12 : vector<16xi32>
      %or3A_547 = arith.ori %eq3A_545, %eq3A_546 : vector<16xi1>
      %mul3A_548 = arith.constant 1000 : i32
      %mul3A_549 = vector.broadcast %mul3A_548 : i32 to vector<16xi32>
      %mul3A_550 = arith.muli %get3A_537, %mul3A_549 : vector<16xi32>
      %add3A_551 = arith.addi %mul3A_550, %get3A_544 : vector<16xi32>
      %select_n3A_552 = arith.select %or3A_547, %iota3A_99, %add3A_551 : vector<16xi1>, vector<16xi32>
      %mul3A_553 = arith.constant 16 : i32
      %mul3A_554 = arith.muli %scan3A_532, %mul3A_553 : i32
      %swap3A_555 = arith.index_cast %mul3A_554 : i32 to index
      %swap3A_556 = tpu.vector_load %arg10[%swap3A_555] {strides = array<i32>} : memref<6400xi32, #tpu.memory_space<vmem>>, vector<16xi32>,
      %swap3A_557 = vector.shape_cast %swap3A_556 : vector<16xi32> to vector<16xi32>
      %swap3A_558 = vector.shape_cast %select_n3A_552 : vector<16xi32> to vector<16xi32>
      tpu.vector_store %arg10[%swap3A_555], %swap3A_558 {strides = array<i32>} : memref<6400xi32, #tpu.memory_space<vmem>>, vector<16xi32>,
      %jit3A_559 = arith.constant 1 : i32
      %jit3A_560 = arith.constant 0 : i32
      %broadcast_in_dim3A_561 = vector.broadcast %jit3A_559 : i32 to vector<16xi32>
      %broadcast_in_dim3A_562 = vector.broadcast %jit3A_560 : i32 to vector<16xi32>
      %select_n3A_563 = arith.select %or3A_547, %broadcast_in_dim3A_561, %broadcast_in_dim3A_562 : vector<16xi1>, vector<16xi32>
      %add3A_564 = arith.addi %add3A_530, %select_n3A_563 : vector<16xi32>
      scf.yield %add3A_564 : vector<16xi32>
    }
    %scan3A_105 = arith.constant 400 : i32
    %dma_wait3A_106 = arith.constant 0 : i32
    %dma_wait3A_107 = tpu.memref_slice %arg19[%dma_wait3A_106] : memref<1000000xf32, #tpu.memory_space<vmem_shared>> -> memref<1000000xf32, #tpu.memory_space<vmem_shared>>
    tpu.wait_indirect_dma semaphore(%arg21 : memref<!tpu.dma_semaphore, #tpu.memory_space<semaphore_mem>>) src(%dma_wait3A_107 : memref<1000000xf32, #tpu.memory_space<vmem_shared>>) dst(%arg15 : memref<6400xf32, #tpu.memory_space<vmem>>)
    %dma_start3A_108 = arith.constant 0 : i32
    %dma_start3A_109 = tpu.memref_slice %arg19[%dma_start3A_108] : memref<1000000xf32, #tpu.memory_space<vmem_shared>> -> memref<1000000xf32, #tpu.memory_space<vmem_shared>>
    tpu.enqueue_indirect_dma source(%dma_start3A_109 : memref<1000000xf32, #tpu.memory_space<vmem_shared>>) target(%arg14 : memref<6400xf32, #tpu.memory_space<vmem>>) offsets(%arg10 : memref<6400xi32, #tpu.memory_space<vmem>>) semaphore(%arg21 : memref<!tpu.dma_semaphore, #tpu.memory_space<semaphore_mem>>)
    %scan3A_110 = arith.constant 0 : i32
    %scan3A_111 = arith.constant 400 : i32
    %scan3A_112 = arith.addi %scan3A_110, %scan3A_111 : i32
    %scan3A_113 = arith.constant 8 : i32
    %scan3A_114 = scf.for %scan3A_432 = %scan3A_110 to %scan3A_112 step %scan3A_113 iter_args(%scan3A_433 = %scan3A_89) -> (vector<16xf32>)  : i32 {
      %mul3A_434 = arith.constant 16 : i32
      %mul3A_435 = arith.muli %scan3A_432, %mul3A_434 : i32
      %get3A_436 = arith.index_cast %mul3A_435 : i32 to index
      %get3A_437 = tpu.vector_load %arg15[%get3A_436] {strides = array<i32>} : memref<6400xf32, #tpu.memory_space<vmem>>, vector<16xf32>,
      %get3A_438 = vector.shape_cast %get3A_437 : vector<16xf32> to vector<16xf32>
      %add3A_439 = arith.addf %scan3A_433, %get3A_438 : vector<16xf32>
      %scan3A_440 = arith.constant 1 : i32
      %scan3A_441 = arith.addi %scan3A_432, %scan3A_440 : i32
      %mul3A_442 = arith.constant 16 : i32
      %mul3A_443 = arith.muli %scan3A_441, %mul3A_442 : i32
      %get3A_444 = arith.index_cast %mul3A_443 : i32 to index
      %get3A_445 = tpu.vector_load %arg15[%get3A_444] {strides = array<i32>} : memref<6400xf32, #tpu.memory_space<vmem>>, vector<16xf32>,
      %get3A_446 = vector.shape_cast %get3A_445 : vector<16xf32> to vector<16xf32>
      %add3A_447 = arith.addf %add3A_439, %get3A_446 : vector<16xf32>
      %scan3A_448 = arith.constant 2 : i32
      %scan3A_449 = arith.addi %scan3A_432, %scan3A_448 : i32
      %mul3A_450 = arith.constant 16 : i32
      %mul3A_451 = arith.muli %scan3A_449, %mul3A_450 : i32
      %get3A_452 = arith.index_cast %mul3A_451 : i32 to index
      %get3A_453 = tpu.vector_load %arg15[%get3A_452] {strides = array<i32>} : memref<6400xf32, #tpu.memory_space<vmem>>, vector<16xf32>,
      %get3A_454 = vector.shape_cast %get3A_453 : vector<16xf32> to vector<16xf32>
      %add3A_455 = arith.addf %add3A_447, %get3A_454 : vector<16xf32>
      %scan3A_456 = arith.constant 3 : i32
      %scan3A_457 = arith.addi %scan3A_432, %scan3A_456 : i32
      %mul3A_458 = arith.constant 16 : i32
      %mul3A_459 = arith.muli %scan3A_457, %mul3A_458 : i32
      %get3A_460 = arith.index_cast %mul3A_459 : i32 to index
      %get3A_461 = tpu.vector_load %arg15[%get3A_460] {strides = array<i32>} : memref<6400xf32, #tpu.memory_space<vmem>>, vector<16xf32>,
      %get3A_462 = vector.shape_cast %get3A_461 : vector<16xf32> to vector<16xf32>
      %add3A_463 = arith.addf %add3A_455, %get3A_462 : vector<16xf32>
      %scan3A_464 = arith.constant 4 : i32
      %scan3A_465 = arith.addi %scan3A_432, %scan3A_464 : i32
      %mul3A_466 = arith.constant 16 : i32
      %mul3A_467 = arith.muli %scan3A_465, %mul3A_466 : i32
      %get3A_468 = arith.index_cast %mul3A_467 : i32 to index
      %get3A_469 = tpu.vector_load %arg15[%get3A_468] {strides = array<i32>} : memref<6400xf32, #tpu.memory_space<vmem>>, vector<16xf32>,
      %get3A_470 = vector.shape_cast %get3A_469 : vector<16xf32> to vector<16xf32>
      %add3A_471 = arith.addf %add3A_463, %get3A_470 : vector<16xf32>
      %scan3A_472 = arith.constant 5 : i32
      %scan3A_473 = arith.addi %scan3A_432, %scan3A_472 : i32
      %mul3A_474 = arith.constant 16 : i32
      %mul3A_475 = arith.muli %scan3A_473, %mul3A_474 : i32
      %get3A_476 = arith.index_cast %mul3A_475 : i32 to index
      %get3A_477 = tpu.vector_load %arg15[%get3A_476] {strides = array<i32>} : memref<6400xf32, #tpu.memory_space<vmem>>, vector<16xf32>,
      %get3A_478 = vector.shape_cast %get3A_477 : vector<16xf32> to vector<16xf32>
      %add3A_479 = arith.addf %add3A_471, %get3A_478 : vector<16xf32>
      %scan3A_480 = arith.constant 6 : i32
      %scan3A_481 = arith.addi %scan3A_432, %scan3A_480 : i32
      %mul3A_482 = arith.constant 16 : i32
      %mul3A_483 = arith.muli %scan3A_481, %mul3A_482 : i32
      %get3A_484 = arith.index_cast %mul3A_483 : i32 to index
      %get3A_485 = tpu.vector_load %arg15[%get3A_484] {strides = array<i32>} : memref<6400xf32, #tpu.memory_space<vmem>>, vector<16xf32>,
      %get3A_486 = vector.shape_cast %get3A_485 : vector<16xf32> to vector<16xf32>
      %add3A_487 = arith.addf %add3A_479, %get3A_486 : vector<16xf32>
      %scan3A_488 = arith.constant 7 : i32
      %scan3A_489 = arith.addi %scan3A_432, %scan3A_488 : i32
      %mul3A_490 = arith.constant 16 : i32
      %mul3A_491 = arith.muli %scan3A_489, %mul3A_490 : i32
      %get3A_492 = arith.index_cast %mul3A_491 : i32 to index
      %get3A_493 = tpu.vector_load %arg15[%get3A_492] {strides = array<i32>} : memref<6400xf32, #tpu.memory_space<vmem>>, vector<16xf32>,
      %get3A_494 = vector.shape_cast %get3A_493 : vector<16xf32> to vector<16xf32>
      %add3A_495 = arith.addf %add3A_487, %get3A_494 : vector<16xf32>
      scf.yield %add3A_495 : vector<16xf32>
    }
    %scan3A_115 = arith.constant 400 : i32
    %dma_wait3A_116 = arith.constant 0 : i32
    %dma_wait3A_117 = tpu.memref_slice %arg2[%dma_wait3A_116] : memref<3276800xi32, #tpu.memory_space<hbm>> -> memref<6416xi32, #tpu.memory_space<hbm>>
    %dma_wait3A_118 = arith.constant 0 : i32
    %dma_wait3A_119 = tpu.memref_slice %arg2[%dma_wait3A_118] : memref<3276800xi32, #tpu.memory_space<hbm>> -> memref<6416xi32, #tpu.memory_space<hbm>>
    tpu.wait_dma2 semaphore(%arg23 : memref<!tpu.dma_semaphore, #tpu.memory_space<semaphore_mem>>) src(%dma_wait3A_119 : memref<6416xi32, #tpu.memory_space<hbm>>) dst(%arg7 : memref<6416xi32, #tpu.memory_space<vmem>>)
    %add3A_120 = arith.constant 38400 : i32
    %add3A_121 = arith.addi %mul3A_2, %add3A_120 : i32
    %dma_start3A_122 = tpu.memref_slice %arg2[%add3A_121] : memref<3276800xi32, #tpu.memory_space<hbm>> -> memref<6416xi32, #tpu.memory_space<hbm>>
    %dma_start3A_123 = tpu.memref_slice %arg2[%add3A_121] : memref<3276800xi32, #tpu.memory_space<hbm>> -> memref<6416xi32, #tpu.memory_space<hbm>>
    tpu.enqueue_dma source(%dma_start3A_123 : memref<6416xi32, #tpu.memory_space<hbm>>) target(%arg6 : memref<6416xi32, #tpu.memory_space<vmem>>) target_semaphore(%arg23 : memref<!tpu.dma_semaphore, #tpu.memory_space<semaphore_mem>>)
    %iota3A_124 = tpu.iota {dimensions = array<i32: 0>} : vector<16xi32>
    %scan3A_125 = arith.constant 0 : i32
    %scan3A_126 = arith.constant 400 : i32
    %scan3A_127 = arith.addi %scan3A_125, %scan3A_126 : i32
    %scan3A_128 = arith.constant 4 : i32
    %scan3A_129 = scf.for %scan3A_432 = %scan3A_125 to %scan3A_127 step %scan3A_128 iter_args(%scan3A_433 = %scan3A_104) -> (vector<16xi32>)  : i32 {
      %mul3A_434 = arith.constant 16 : i32
      %mul3A_435 = arith.muli %scan3A_432, %mul3A_434 : i32
      %get3A_436 = arith.index_cast %mul3A_435 : i32 to index
      %get3A_437 = tpu.vector_load %arg7[%get3A_436] {strides = array<i32>} : memref<6416xi32, #tpu.memory_space<vmem>>, vector<16xi32>,
      %get3A_438 = vector.shape_cast %get3A_437 : vector<16xi32> to vector<16xi32>
      %mul3A_439 = arith.constant 16 : i32
      %mul3A_440 = arith.muli %scan3A_432, %mul3A_439 : i32
      %add3A_441 = arith.constant 1 : i32
      %add3A_442 = arith.addi %mul3A_440, %add3A_441 : i32
      %get3A_443 = arith.index_cast %add3A_442 : i32 to index
      %get3A_444 = tpu.vector_load %arg7[%get3A_443] {strides = array<i32>} : memref<6416xi32, #tpu.memory_space<vmem>>, vector<16xi32>,
      %get3A_445 = vector.shape_cast %get3A_444 : vector<16xi32> to vector<16xi32>
      %eq3A_446 = arith.cmpi eq, %get3A_438, %get3A_12 : vector<16xi32>
      %eq3A_447 = arith.cmpi eq, %get3A_445, %get3A_12 : vector<16xi32>
      %or3A = arith.ori %eq3A_446, %eq3A_447 : vector<16xi1>
      %mul3A_448 = arith.constant 1000 : i32
      %mul3A_449 = vector.broadcast %mul3A_448 : i32 to vector<16xi32>
      %mul3A_450 = arith.muli %get3A_438, %mul3A_449 : vector<16xi32>
      %add3A_451 = arith.addi %mul3A_450, %get3A_445 : vector<16xi32>
      %select_n3A = arith.select %or3A, %iota3A_124, %add3A_451 : vector<16xi1>, vector<16xi32>
      %mul3A_452 = arith.constant 16 : i32
      %mul3A_453 = arith.muli %scan3A_432, %mul3A_452 : i32
      %swap3A_454 = arith.index_cast %mul3A_453 : i32 to index
      %swap3A_455 = tpu.vector_load %arg11[%swap3A_454] {strides = array<i32>} : memref<6400xi32, #tpu.memory_space<vmem>>, vector<16xi32>,
      %swap3A_456 = vector.shape_cast %swap3A_455 : vector<16xi32> to vector<16xi32>
      %swap3A_457 = vector.shape_cast %select_n3A : vector<16xi32> to vector<16xi32>
      tpu.vector_store %arg11[%swap3A_454], %swap3A_457 {strides = array<i32>} : memref<6400xi32, #tpu.memory_space<vmem>>, vector<16xi32>,
      %jit3A = arith.constant 1 : i32
      %jit3A_458 = arith.constant 0 : i32
      %broadcast_in_dim3A_459 = vector.broadcast %jit3A : i32 to vector<16xi32>
      %broadcast_in_dim3A_460 = vector.broadcast %jit3A_458 : i32 to vector<16xi32>
      %select_n3A_461 = arith.select %or3A, %broadcast_in_dim3A_459, %broadcast_in_dim3A_460 : vector<16xi1>, vector<16xi32>
      %add3A_462 = arith.addi %scan3A_433, %select_n3A_461 : vector<16xi32>
      %scan3A_463 = arith.constant 1 : i32
      %scan3A_464 = arith.addi %scan3A_432, %scan3A_463 : i32
      %mul3A_465 = arith.constant 16 : i32
      %mul3A_466 = arith.muli %scan3A_464, %mul3A_465 : i32
      %get3A_467 = arith.index_cast %mul3A_466 : i32 to index
      %get3A_468 = tpu.vector_load %arg7[%get3A_467] {strides = array<i32>} : memref<6416xi32, #tpu.memory_space<vmem>>, vector<16xi32>,
      %get3A_469 = vector.shape_cast %get3A_468 : vector<16xi32> to vector<16xi32>
      %mul3A_470 = arith.constant 16 : i32
      %mul3A_471 = arith.muli %scan3A_464, %mul3A_470 : i32
      %add3A_472 = arith.constant 1 : i32
      %add3A_473 = arith.addi %mul3A_471, %add3A_472 : i32
      %get3A_474 = arith.index_cast %add3A_473 : i32 to index
      %get3A_475 = tpu.vector_load %arg7[%get3A_474] {strides = array<i32>} : memref<6416xi32, #tpu.memory_space<vmem>>, vector<16xi32>,
      %get3A_476 = vector.shape_cast %get3A_475 : vector<16xi32> to vector<16xi32>
      %eq3A_477 = arith.cmpi eq, %get3A_469, %get3A_12 : vector<16xi32>
      %eq3A_478 = arith.cmpi eq, %get3A_476, %get3A_12 : vector<16xi32>
      %or3A_479 = arith.ori %eq3A_477, %eq3A_478 : vector<16xi1>
      %mul3A_480 = arith.constant 1000 : i32
      %mul3A_481 = vector.broadcast %mul3A_480 : i32 to vector<16xi32>
      %mul3A_482 = arith.muli %get3A_469, %mul3A_481 : vector<16xi32>
      %add3A_483 = arith.addi %mul3A_482, %get3A_476 : vector<16xi32>
      %select_n3A_484 = arith.select %or3A_479, %iota3A_124, %add3A_483 : vector<16xi1>, vector<16xi32>
      %mul3A_485 = arith.constant 16 : i32
      %mul3A_486 = arith.muli %scan3A_464, %mul3A_485 : i32
      %swap3A_487 = arith.index_cast %mul3A_486 : i32 to index
      %swap3A_488 = tpu.vector_load %arg11[%swap3A_487] {strides = array<i32>} : memref<6400xi32, #tpu.memory_space<vmem>>, vector<16xi32>,
      %swap3A_489 = vector.shape_cast %swap3A_488 : vector<16xi32> to vector<16xi32>
      %swap3A_490 = vector.shape_cast %select_n3A_484 : vector<16xi32> to vector<16xi32>
      tpu.vector_store %arg11[%swap3A_487], %swap3A_490 {strides = array<i32>} : memref<6400xi32, #tpu.memory_space<vmem>>, vector<16xi32>,
      %jit3A_491 = arith.constant 1 : i32
      %jit3A_492 = arith.constant 0 : i32
      %broadcast_in_dim3A_493 = vector.broadcast %jit3A_491 : i32 to vector<16xi32>
      %broadcast_in_dim3A_494 = vector.broadcast %jit3A_492 : i32 to vector<16xi32>
      %select_n3A_495 = arith.select %or3A_479, %broadcast_in_dim3A_493, %broadcast_in_dim3A_494 : vector<16xi1>, vector<16xi32>
      %add3A_496 = arith.addi %add3A_462, %select_n3A_495 : vector<16xi32>
      %scan3A_497 = arith.constant 2 : i32
      %scan3A_498 = arith.addi %scan3A_432, %scan3A_497 : i32
      %mul3A_499 = arith.constant 16 : i32
      %mul3A_500 = arith.muli %scan3A_498, %mul3A_499 : i32
      %get3A_501 = arith.index_cast %mul3A_500 : i32 to index
      %get3A_502 = tpu.vector_load %arg7[%get3A_501] {strides = array<i32>} : memref<6416xi32, #tpu.memory_space<vmem>>, vector<16xi32>,
      %get3A_503 = vector.shape_cast %get3A_502 : vector<16xi32> to vector<16xi32>
      %mul3A_504 = arith.constant 16 : i32
      %mul3A_505 = arith.muli %scan3A_498, %mul3A_504 : i32
      %add3A_506 = arith.constant 1 : i32
      %add3A_507 = arith.addi %mul3A_505, %add3A_506 : i32
      %get3A_508 = arith.index_cast %add3A_507 : i32 to index
      %get3A_509 = tpu.vector_load %arg7[%get3A_508] {strides = array<i32>} : memref<6416xi32, #tpu.memory_space<vmem>>, vector<16xi32>,
      %get3A_510 = vector.shape_cast %get3A_509 : vector<16xi32> to vector<16xi32>
      %eq3A_511 = arith.cmpi eq, %get3A_503, %get3A_12 : vector<16xi32>
      %eq3A_512 = arith.cmpi eq, %get3A_510, %get3A_12 : vector<16xi32>
      %or3A_513 = arith.ori %eq3A_511, %eq3A_512 : vector<16xi1>
      %mul3A_514 = arith.constant 1000 : i32
      %mul3A_515 = vector.broadcast %mul3A_514 : i32 to vector<16xi32>
      %mul3A_516 = arith.muli %get3A_503, %mul3A_515 : vector<16xi32>
      %add3A_517 = arith.addi %mul3A_516, %get3A_510 : vector<16xi32>
      %select_n3A_518 = arith.select %or3A_513, %iota3A_124, %add3A_517 : vector<16xi1>, vector<16xi32>
      %mul3A_519 = arith.constant 16 : i32
      %mul3A_520 = arith.muli %scan3A_498, %mul3A_519 : i32
      %swap3A_521 = arith.index_cast %mul3A_520 : i32 to index
      %swap3A_522 = tpu.vector_load %arg11[%swap3A_521] {strides = array<i32>} : memref<6400xi32, #tpu.memory_space<vmem>>, vector<16xi32>,
      %swap3A_523 = vector.shape_cast %swap3A_522 : vector<16xi32> to vector<16xi32>
      %swap3A_524 = vector.shape_cast %select_n3A_518 : vector<16xi32> to vector<16xi32>
      tpu.vector_store %arg11[%swap3A_521], %swap3A_524 {strides = array<i32>} : memref<6400xi32, #tpu.memory_space<vmem>>, vector<16xi32>,
      %jit3A_525 = arith.constant 1 : i32
      %jit3A_526 = arith.constant 0 : i32
      %broadcast_in_dim3A_527 = vector.broadcast %jit3A_525 : i32 to vector<16xi32>
      %broadcast_in_dim3A_528 = vector.broadcast %jit3A_526 : i32 to vector<16xi32>
      %select_n3A_529 = arith.select %or3A_513, %broadcast_in_dim3A_527, %broadcast_in_dim3A_528 : vector<16xi1>, vector<16xi32>
      %add3A_530 = arith.addi %add3A_496, %select_n3A_529 : vector<16xi32>
      %scan3A_531 = arith.constant 3 : i32
      %scan3A_532 = arith.addi %scan3A_432, %scan3A_531 : i32
      %mul3A_533 = arith.constant 16 : i32
      %mul3A_534 = arith.muli %scan3A_532, %mul3A_533 : i32
      %get3A_535 = arith.index_cast %mul3A_534 : i32 to index
      %get3A_536 = tpu.vector_load %arg7[%get3A_535] {strides = array<i32>} : memref<6416xi32, #tpu.memory_space<vmem>>, vector<16xi32>,
      %get3A_537 = vector.shape_cast %get3A_536 : vector<16xi32> to vector<16xi32>
      %mul3A_538 = arith.constant 16 : i32
      %mul3A_539 = arith.muli %scan3A_532, %mul3A_538 : i32
      %add3A_540 = arith.constant 1 : i32
      %add3A_541 = arith.addi %mul3A_539, %add3A_540 : i32
      %get3A_542 = arith.index_cast %add3A_541 : i32 to index
      %get3A_543 = tpu.vector_load %arg7[%get3A_542] {strides = array<i32>} : memref<6416xi32, #tpu.memory_space<vmem>>, vector<16xi32>,
      %get3A_544 = vector.shape_cast %get3A_543 : vector<16xi32> to vector<16xi32>
      %eq3A_545 = arith.cmpi eq, %get3A_537, %get3A_12 : vector<16xi32>
      %eq3A_546 = arith.cmpi eq, %get3A_544, %get3A_12 : vector<16xi32>
      %or3A_547 = arith.ori %eq3A_545, %eq3A_546 : vector<16xi1>
      %mul3A_548 = arith.constant 1000 : i32
      %mul3A_549 = vector.broadcast %mul3A_548 : i32 to vector<16xi32>
      %mul3A_550 = arith.muli %get3A_537, %mul3A_549 : vector<16xi32>
      %add3A_551 = arith.addi %mul3A_550, %get3A_544 : vector<16xi32>
      %select_n3A_552 = arith.select %or3A_547, %iota3A_124, %add3A_551 : vector<16xi1>, vector<16xi32>
      %mul3A_553 = arith.constant 16 : i32
      %mul3A_554 = arith.muli %scan3A_532, %mul3A_553 : i32
      %swap3A_555 = arith.index_cast %mul3A_554 : i32 to index
      %swap3A_556 = tpu.vector_load %arg11[%swap3A_555] {strides = array<i32>} : memref<6400xi32, #tpu.memory_space<vmem>>, vector<16xi32>,
      %swap3A_557 = vector.shape_cast %swap3A_556 : vector<16xi32> to vector<16xi32>
      %swap3A_558 = vector.shape_cast %select_n3A_552 : vector<16xi32> to vector<16xi32>
      tpu.vector_store %arg11[%swap3A_555], %swap3A_558 {strides = array<i32>} : memref<6400xi32, #tpu.memory_space<vmem>>, vector<16xi32>,
      %jit3A_559 = arith.constant 1 : i32
      %jit3A_560 = arith.constant 0 : i32
      %broadcast_in_dim3A_561 = vector.broadcast %jit3A_559 : i32 to vector<16xi32>
      %broadcast_in_dim3A_562 = vector.broadcast %jit3A_560 : i32 to vector<16xi32>
      %select_n3A_563 = arith.select %or3A_547, %broadcast_in_dim3A_561, %broadcast_in_dim3A_562 : vector<16xi1>, vector<16xi32>
      %add3A_564 = arith.addi %add3A_530, %select_n3A_563 : vector<16xi32>
      scf.yield %add3A_564 : vector<16xi32>
    }
    %scan3A_130 = arith.constant 400 : i32
    %dma_wait3A_131 = arith.constant 0 : i32
    %dma_wait3A_132 = tpu.memref_slice %arg19[%dma_wait3A_131] : memref<1000000xf32, #tpu.memory_space<vmem_shared>> -> memref<1000000xf32, #tpu.memory_space<vmem_shared>>
    tpu.wait_indirect_dma semaphore(%arg22 : memref<!tpu.dma_semaphore, #tpu.memory_space<semaphore_mem>>) src(%dma_wait3A_132 : memref<1000000xf32, #tpu.memory_space<vmem_shared>>) dst(%arg16 : memref<6400xf32, #tpu.memory_space<vmem>>)
    %dma_start3A_133 = arith.constant 0 : i32
    %dma_start3A_134 = tpu.memref_slice %arg19[%dma_start3A_133] : memref<1000000xf32, #tpu.memory_space<vmem_shared>> -> memref<1000000xf32, #tpu.memory_space<vmem_shared>>
    tpu.enqueue_indirect_dma source(%dma_start3A_134 : memref<1000000xf32, #tpu.memory_space<vmem_shared>>) target(%arg15 : memref<6400xf32, #tpu.memory_space<vmem>>) offsets(%arg11 : memref<6400xi32, #tpu.memory_space<vmem>>) semaphore(%arg22 : memref<!tpu.dma_semaphore, #tpu.memory_space<semaphore_mem>>)
    %scan3A_135 = arith.constant 0 : i32
    %scan3A_136 = arith.constant 400 : i32
    %scan3A_137 = arith.addi %scan3A_135, %scan3A_136 : i32
    %scan3A_138 = arith.constant 8 : i32
    %scan3A_139 = scf.for %scan3A_432 = %scan3A_135 to %scan3A_137 step %scan3A_138 iter_args(%scan3A_433 = %scan3A_114) -> (vector<16xf32>)  : i32 {
      %mul3A_434 = arith.constant 16 : i32
      %mul3A_435 = arith.muli %scan3A_432, %mul3A_434 : i32
      %get3A_436 = arith.index_cast %mul3A_435 : i32 to index
      %get3A_437 = tpu.vector_load %arg16[%get3A_436] {strides = array<i32>} : memref<6400xf32, #tpu.memory_space<vmem>>, vector<16xf32>,
      %get3A_438 = vector.shape_cast %get3A_437 : vector<16xf32> to vector<16xf32>
      %add3A_439 = arith.addf %scan3A_433, %get3A_438 : vector<16xf32>
      %scan3A_440 = arith.constant 1 : i32
      %scan3A_441 = arith.addi %scan3A_432, %scan3A_440 : i32
      %mul3A_442 = arith.constant 16 : i32
      %mul3A_443 = arith.muli %scan3A_441, %mul3A_442 : i32
      %get3A_444 = arith.index_cast %mul3A_443 : i32 to index
      %get3A_445 = tpu.vector_load %arg16[%get3A_444] {strides = array<i32>} : memref<6400xf32, #tpu.memory_space<vmem>>, vector<16xf32>,
      %get3A_446 = vector.shape_cast %get3A_445 : vector<16xf32> to vector<16xf32>
      %add3A_447 = arith.addf %add3A_439, %get3A_446 : vector<16xf32>
      %scan3A_448 = arith.constant 2 : i32
      %scan3A_449 = arith.addi %scan3A_432, %scan3A_448 : i32
      %mul3A_450 = arith.constant 16 : i32
      %mul3A_451 = arith.muli %scan3A_449, %mul3A_450 : i32
      %get3A_452 = arith.index_cast %mul3A_451 : i32 to index
      %get3A_453 = tpu.vector_load %arg16[%get3A_452] {strides = array<i32>} : memref<6400xf32, #tpu.memory_space<vmem>>, vector<16xf32>,
      %get3A_454 = vector.shape_cast %get3A_453 : vector<16xf32> to vector<16xf32>
      %add3A_455 = arith.addf %add3A_447, %get3A_454 : vector<16xf32>
      %scan3A_456 = arith.constant 3 : i32
      %scan3A_457 = arith.addi %scan3A_432, %scan3A_456 : i32
      %mul3A_458 = arith.constant 16 : i32
      %mul3A_459 = arith.muli %scan3A_457, %mul3A_458 : i32
      %get3A_460 = arith.index_cast %mul3A_459 : i32 to index
      %get3A_461 = tpu.vector_load %arg16[%get3A_460] {strides = array<i32>} : memref<6400xf32, #tpu.memory_space<vmem>>, vector<16xf32>,
      %get3A_462 = vector.shape_cast %get3A_461 : vector<16xf32> to vector<16xf32>
      %add3A_463 = arith.addf %add3A_455, %get3A_462 : vector<16xf32>
      %scan3A_464 = arith.constant 4 : i32
      %scan3A_465 = arith.addi %scan3A_432, %scan3A_464 : i32
      %mul3A_466 = arith.constant 16 : i32
      %mul3A_467 = arith.muli %scan3A_465, %mul3A_466 : i32
      %get3A_468 = arith.index_cast %mul3A_467 : i32 to index
      %get3A_469 = tpu.vector_load %arg16[%get3A_468] {strides = array<i32>} : memref<6400xf32, #tpu.memory_space<vmem>>, vector<16xf32>,
      %get3A_470 = vector.shape_cast %get3A_469 : vector<16xf32> to vector<16xf32>
      %add3A_471 = arith.addf %add3A_463, %get3A_470 : vector<16xf32>
      %scan3A_472 = arith.constant 5 : i32
      %scan3A_473 = arith.addi %scan3A_432, %scan3A_472 : i32
      %mul3A_474 = arith.constant 16 : i32
      %mul3A_475 = arith.muli %scan3A_473, %mul3A_474 : i32
      %get3A_476 = arith.index_cast %mul3A_475 : i32 to index
      %get3A_477 = tpu.vector_load %arg16[%get3A_476] {strides = array<i32>} : memref<6400xf32, #tpu.memory_space<vmem>>, vector<16xf32>,
      %get3A_478 = vector.shape_cast %get3A_477 : vector<16xf32> to vector<16xf32>
      %add3A_479 = arith.addf %add3A_471, %get3A_478 : vector<16xf32>
      %scan3A_480 = arith.constant 6 : i32
      %scan3A_481 = arith.addi %scan3A_432, %scan3A_480 : i32
      %mul3A_482 = arith.constant 16 : i32
      %mul3A_483 = arith.muli %scan3A_481, %mul3A_482 : i32
      %get3A_484 = arith.index_cast %mul3A_483 : i32 to index
      %get3A_485 = tpu.vector_load %arg16[%get3A_484] {strides = array<i32>} : memref<6400xf32, #tpu.memory_space<vmem>>, vector<16xf32>,
      %get3A_486 = vector.shape_cast %get3A_485 : vector<16xf32> to vector<16xf32>
      %add3A_487 = arith.addf %add3A_479, %get3A_486 : vector<16xf32>
      %scan3A_488 = arith.constant 7 : i32
      %scan3A_489 = arith.addi %scan3A_432, %scan3A_488 : i32
      %mul3A_490 = arith.constant 16 : i32
      %mul3A_491 = arith.muli %scan3A_489, %mul3A_490 : i32
      %get3A_492 = arith.index_cast %mul3A_491 : i32 to index
      %get3A_493 = tpu.vector_load %arg16[%get3A_492] {strides = array<i32>} : memref<6400xf32, #tpu.memory_space<vmem>>, vector<16xf32>,
      %get3A_494 = vector.shape_cast %get3A_493 : vector<16xf32> to vector<16xf32>
      %add3A_495 = arith.addf %add3A_487, %get3A_494 : vector<16xf32>
      scf.yield %add3A_495 : vector<16xf32>
    }
    %scan3A_140 = arith.constant 400 : i32
    %dma_wait3A_141 = arith.constant 0 : i32
    %dma_wait3A_142 = tpu.memref_slice %arg2[%dma_wait3A_141] : memref<3276800xi32, #tpu.memory_space<hbm>> -> memref<6416xi32, #tpu.memory_space<hbm>>
    %dma_wait3A_143 = arith.constant 0 : i32
    %dma_wait3A_144 = tpu.memref_slice %arg2[%dma_wait3A_143] : memref<3276800xi32, #tpu.memory_space<hbm>> -> memref<6416xi32, #tpu.memory_space<hbm>>
    tpu.wait_dma2 semaphore(%arg23 : memref<!tpu.dma_semaphore, #tpu.memory_space<semaphore_mem>>) src(%dma_wait3A_144 : memref<6416xi32, #tpu.memory_space<hbm>>) dst(%arg6 : memref<6416xi32, #tpu.memory_space<vmem>>)
    %add3A_145 = arith.constant 44800 : i32
    %add3A_146 = arith.addi %mul3A_2, %add3A_145 : i32
    %dma_start3A_147 = tpu.memref_slice %arg2[%add3A_146] : memref<3276800xi32, #tpu.memory_space<hbm>> -> memref<6416xi32, #tpu.memory_space<hbm>>
    %dma_start3A_148 = tpu.memref_slice %arg2[%add3A_146] : memref<3276800xi32, #tpu.memory_space<hbm>> -> memref<6416xi32, #tpu.memory_space<hbm>>
    tpu.enqueue_dma source(%dma_start3A_148 : memref<6416xi32, #tpu.memory_space<hbm>>) target(%arg7 : memref<6416xi32, #tpu.memory_space<vmem>>) target_semaphore(%arg23 : memref<!tpu.dma_semaphore, #tpu.memory_space<semaphore_mem>>)
    %iota3A_149 = tpu.iota {dimensions = array<i32: 0>} : vector<16xi32>
    %scan3A_150 = arith.constant 0 : i32
    %scan3A_151 = arith.constant 400 : i32
    %scan3A_152 = arith.addi %scan3A_150, %scan3A_151 : i32
    %scan3A_153 = arith.constant 4 : i32
    %scan3A_154 = scf.for %scan3A_432 = %scan3A_150 to %scan3A_152 step %scan3A_153 iter_args(%scan3A_433 = %scan3A_129) -> (vector<16xi32>)  : i32 {
      %mul3A_434 = arith.constant 16 : i32
      %mul3A_435 = arith.muli %scan3A_432, %mul3A_434 : i32
      %get3A_436 = arith.index_cast %mul3A_435 : i32 to index
      %get3A_437 = tpu.vector_load %arg6[%get3A_436] {strides = array<i32>} : memref<6416xi32, #tpu.memory_space<vmem>>, vector<16xi32>,
      %get3A_438 = vector.shape_cast %get3A_437 : vector<16xi32> to vector<16xi32>
      %mul3A_439 = arith.constant 16 : i32
      %mul3A_440 = arith.muli %scan3A_432, %mul3A_439 : i32
      %add3A_441 = arith.constant 1 : i32
      %add3A_442 = arith.addi %mul3A_440, %add3A_441 : i32
      %get3A_443 = arith.index_cast %add3A_442 : i32 to index
      %get3A_444 = tpu.vector_load %arg6[%get3A_443] {strides = array<i32>} : memref<6416xi32, #tpu.memory_space<vmem>>, vector<16xi32>,
      %get3A_445 = vector.shape_cast %get3A_444 : vector<16xi32> to vector<16xi32>
      %eq3A_446 = arith.cmpi eq, %get3A_438, %get3A_12 : vector<16xi32>
      %eq3A_447 = arith.cmpi eq, %get3A_445, %get3A_12 : vector<16xi32>
      %or3A = arith.ori %eq3A_446, %eq3A_447 : vector<16xi1>
      %mul3A_448 = arith.constant 1000 : i32
      %mul3A_449 = vector.broadcast %mul3A_448 : i32 to vector<16xi32>
      %mul3A_450 = arith.muli %get3A_438, %mul3A_449 : vector<16xi32>
      %add3A_451 = arith.addi %mul3A_450, %get3A_445 : vector<16xi32>
      %select_n3A = arith.select %or3A, %iota3A_149, %add3A_451 : vector<16xi1>, vector<16xi32>
      %mul3A_452 = arith.constant 16 : i32
      %mul3A_453 = arith.muli %scan3A_432, %mul3A_452 : i32
      %swap3A_454 = arith.index_cast %mul3A_453 : i32 to index
      %swap3A_455 = tpu.vector_load %arg12[%swap3A_454] {strides = array<i32>} : memref<6400xi32, #tpu.memory_space<vmem>>, vector<16xi32>,
      %swap3A_456 = vector.shape_cast %swap3A_455 : vector<16xi32> to vector<16xi32>
      %swap3A_457 = vector.shape_cast %select_n3A : vector<16xi32> to vector<16xi32>
      tpu.vector_store %arg12[%swap3A_454], %swap3A_457 {strides = array<i32>} : memref<6400xi32, #tpu.memory_space<vmem>>, vector<16xi32>,
      %jit3A = arith.constant 1 : i32
      %jit3A_458 = arith.constant 0 : i32
      %broadcast_in_dim3A_459 = vector.broadcast %jit3A : i32 to vector<16xi32>
      %broadcast_in_dim3A_460 = vector.broadcast %jit3A_458 : i32 to vector<16xi32>
      %select_n3A_461 = arith.select %or3A, %broadcast_in_dim3A_459, %broadcast_in_dim3A_460 : vector<16xi1>, vector<16xi32>
      %add3A_462 = arith.addi %scan3A_433, %select_n3A_461 : vector<16xi32>
      %scan3A_463 = arith.constant 1 : i32
      %scan3A_464 = arith.addi %scan3A_432, %scan3A_463 : i32
      %mul3A_465 = arith.constant 16 : i32
      %mul3A_466 = arith.muli %scan3A_464, %mul3A_465 : i32
      %get3A_467 = arith.index_cast %mul3A_466 : i32 to index
      %get3A_468 = tpu.vector_load %arg6[%get3A_467] {strides = array<i32>} : memref<6416xi32, #tpu.memory_space<vmem>>, vector<16xi32>,
      %get3A_469 = vector.shape_cast %get3A_468 : vector<16xi32> to vector<16xi32>
      %mul3A_470 = arith.constant 16 : i32
      %mul3A_471 = arith.muli %scan3A_464, %mul3A_470 : i32
      %add3A_472 = arith.constant 1 : i32
      %add3A_473 = arith.addi %mul3A_471, %add3A_472 : i32
      %get3A_474 = arith.index_cast %add3A_473 : i32 to index
      %get3A_475 = tpu.vector_load %arg6[%get3A_474] {strides = array<i32>} : memref<6416xi32, #tpu.memory_space<vmem>>, vector<16xi32>,
      %get3A_476 = vector.shape_cast %get3A_475 : vector<16xi32> to vector<16xi32>
      %eq3A_477 = arith.cmpi eq, %get3A_469, %get3A_12 : vector<16xi32>
      %eq3A_478 = arith.cmpi eq, %get3A_476, %get3A_12 : vector<16xi32>
      %or3A_479 = arith.ori %eq3A_477, %eq3A_478 : vector<16xi1>
      %mul3A_480 = arith.constant 1000 : i32
      %mul3A_481 = vector.broadcast %mul3A_480 : i32 to vector<16xi32>
      %mul3A_482 = arith.muli %get3A_469, %mul3A_481 : vector<16xi32>
      %add3A_483 = arith.addi %mul3A_482, %get3A_476 : vector<16xi32>
      %select_n3A_484 = arith.select %or3A_479, %iota3A_149, %add3A_483 : vector<16xi1>, vector<16xi32>
      %mul3A_485 = arith.constant 16 : i32
      %mul3A_486 = arith.muli %scan3A_464, %mul3A_485 : i32
      %swap3A_487 = arith.index_cast %mul3A_486 : i32 to index
      %swap3A_488 = tpu.vector_load %arg12[%swap3A_487] {strides = array<i32>} : memref<6400xi32, #tpu.memory_space<vmem>>, vector<16xi32>,
      %swap3A_489 = vector.shape_cast %swap3A_488 : vector<16xi32> to vector<16xi32>
      %swap3A_490 = vector.shape_cast %select_n3A_484 : vector<16xi32> to vector<16xi32>
      tpu.vector_store %arg12[%swap3A_487], %swap3A_490 {strides = array<i32>} : memref<6400xi32, #tpu.memory_space<vmem>>, vector<16xi32>,
      %jit3A_491 = arith.constant 1 : i32
      %jit3A_492 = arith.constant 0 : i32
      %broadcast_in_dim3A_493 = vector.broadcast %jit3A_491 : i32 to vector<16xi32>
      %broadcast_in_dim3A_494 = vector.broadcast %jit3A_492 : i32 to vector<16xi32>
      %select_n3A_495 = arith.select %or3A_479, %broadcast_in_dim3A_493, %broadcast_in_dim3A_494 : vector<16xi1>, vector<16xi32>
      %add3A_496 = arith.addi %add3A_462, %select_n3A_495 : vector<16xi32>
      %scan3A_497 = arith.constant 2 : i32
      %scan3A_498 = arith.addi %scan3A_432, %scan3A_497 : i32
      %mul3A_499 = arith.constant 16 : i32
      %mul3A_500 = arith.muli %scan3A_498, %mul3A_499 : i32
      %get3A_501 = arith.index_cast %mul3A_500 : i32 to index
      %get3A_502 = tpu.vector_load %arg6[%get3A_501] {strides = array<i32>} : memref<6416xi32, #tpu.memory_space<vmem>>, vector<16xi32>,
      %get3A_503 = vector.shape_cast %get3A_502 : vector<16xi32> to vector<16xi32>
      %mul3A_504 = arith.constant 16 : i32
      %mul3A_505 = arith.muli %scan3A_498, %mul3A_504 : i32
      %add3A_506 = arith.constant 1 : i32
      %add3A_507 = arith.addi %mul3A_505, %add3A_506 : i32
      %get3A_508 = arith.index_cast %add3A_507 : i32 to index
      %get3A_509 = tpu.vector_load %arg6[%get3A_508] {strides = array<i32>} : memref<6416xi32, #tpu.memory_space<vmem>>, vector<16xi32>,
      %get3A_510 = vector.shape_cast %get3A_509 : vector<16xi32> to vector<16xi32>
      %eq3A_511 = arith.cmpi eq, %get3A_503, %get3A_12 : vector<16xi32>
      %eq3A_512 = arith.cmpi eq, %get3A_510, %get3A_12 : vector<16xi32>
      %or3A_513 = arith.ori %eq3A_511, %eq3A_512 : vector<16xi1>
      %mul3A_514 = arith.constant 1000 : i32
      %mul3A_515 = vector.broadcast %mul3A_514 : i32 to vector<16xi32>
      %mul3A_516 = arith.muli %get3A_503, %mul3A_515 : vector<16xi32>
      %add3A_517 = arith.addi %mul3A_516, %get3A_510 : vector<16xi32>
      %select_n3A_518 = arith.select %or3A_513, %iota3A_149, %add3A_517 : vector<16xi1>, vector<16xi32>
      %mul3A_519 = arith.constant 16 : i32
      %mul3A_520 = arith.muli %scan3A_498, %mul3A_519 : i32
      %swap3A_521 = arith.index_cast %mul3A_520 : i32 to index
      %swap3A_522 = tpu.vector_load %arg12[%swap3A_521] {strides = array<i32>} : memref<6400xi32, #tpu.memory_space<vmem>>, vector<16xi32>,
      %swap3A_523 = vector.shape_cast %swap3A_522 : vector<16xi32> to vector<16xi32>
      %swap3A_524 = vector.shape_cast %select_n3A_518 : vector<16xi32> to vector<16xi32>
      tpu.vector_store %arg12[%swap3A_521], %swap3A_524 {strides = array<i32>} : memref<6400xi32, #tpu.memory_space<vmem>>, vector<16xi32>,
      %jit3A_525 = arith.constant 1 : i32
      %jit3A_526 = arith.constant 0 : i32
      %broadcast_in_dim3A_527 = vector.broadcast %jit3A_525 : i32 to vector<16xi32>
      %broadcast_in_dim3A_528 = vector.broadcast %jit3A_526 : i32 to vector<16xi32>
      %select_n3A_529 = arith.select %or3A_513, %broadcast_in_dim3A_527, %broadcast_in_dim3A_528 : vector<16xi1>, vector<16xi32>
      %add3A_530 = arith.addi %add3A_496, %select_n3A_529 : vector<16xi32>
      %scan3A_531 = arith.constant 3 : i32
      %scan3A_532 = arith.addi %scan3A_432, %scan3A_531 : i32
      %mul3A_533 = arith.constant 16 : i32
      %mul3A_534 = arith.muli %scan3A_532, %mul3A_533 : i32
      %get3A_535 = arith.index_cast %mul3A_534 : i32 to index
      %get3A_536 = tpu.vector_load %arg6[%get3A_535] {strides = array<i32>} : memref<6416xi32, #tpu.memory_space<vmem>>, vector<16xi32>,
      %get3A_537 = vector.shape_cast %get3A_536 : vector<16xi32> to vector<16xi32>
      %mul3A_538 = arith.constant 16 : i32
      %mul3A_539 = arith.muli %scan3A_532, %mul3A_538 : i32
      %add3A_540 = arith.constant 1 : i32
      %add3A_541 = arith.addi %mul3A_539, %add3A_540 : i32
      %get3A_542 = arith.index_cast %add3A_541 : i32 to index
      %get3A_543 = tpu.vector_load %arg6[%get3A_542] {strides = array<i32>} : memref<6416xi32, #tpu.memory_space<vmem>>, vector<16xi32>,
      %get3A_544 = vector.shape_cast %get3A_543 : vector<16xi32> to vector<16xi32>
      %eq3A_545 = arith.cmpi eq, %get3A_537, %get3A_12 : vector<16xi32>
      %eq3A_546 = arith.cmpi eq, %get3A_544, %get3A_12 : vector<16xi32>
      %or3A_547 = arith.ori %eq3A_545, %eq3A_546 : vector<16xi1>
      %mul3A_548 = arith.constant 1000 : i32
      %mul3A_549 = vector.broadcast %mul3A_548 : i32 to vector<16xi32>
      %mul3A_550 = arith.muli %get3A_537, %mul3A_549 : vector<16xi32>
      %add3A_551 = arith.addi %mul3A_550, %get3A_544 : vector<16xi32>
      %select_n3A_552 = arith.select %or3A_547, %iota3A_149, %add3A_551 : vector<16xi1>, vector<16xi32>
      %mul3A_553 = arith.constant 16 : i32
      %mul3A_554 = arith.muli %scan3A_532, %mul3A_553 : i32
      %swap3A_555 = arith.index_cast %mul3A_554 : i32 to index
      %swap3A_556 = tpu.vector_load %arg12[%swap3A_555] {strides = array<i32>} : memref<6400xi32, #tpu.memory_space<vmem>>, vector<16xi32>,
      %swap3A_557 = vector.shape_cast %swap3A_556 : vector<16xi32> to vector<16xi32>
      %swap3A_558 = vector.shape_cast %select_n3A_552 : vector<16xi32> to vector<16xi32>
      tpu.vector_store %arg12[%swap3A_555], %swap3A_558 {strides = array<i32>} : memref<6400xi32, #tpu.memory_space<vmem>>, vector<16xi32>,
      %jit3A_559 = arith.constant 1 : i32
      %jit3A_560 = arith.constant 0 : i32
      %broadcast_in_dim3A_561 = vector.broadcast %jit3A_559 : i32 to vector<16xi32>
      %broadcast_in_dim3A_562 = vector.broadcast %jit3A_560 : i32 to vector<16xi32>
      %select_n3A_563 = arith.select %or3A_547, %broadcast_in_dim3A_561, %broadcast_in_dim3A_562 : vector<16xi1>, vector<16xi32>
      %add3A_564 = arith.addi %add3A_530, %select_n3A_563 : vector<16xi32>
      scf.yield %add3A_564 : vector<16xi32>
    }
    %scan3A_155 = arith.constant 400 : i32
    %dma_wait3A_156 = arith.constant 0 : i32
    %dma_wait3A_157 = tpu.memref_slice %arg19[%dma_wait3A_156] : memref<1000000xf32, #tpu.memory_space<vmem_shared>> -> memref<1000000xf32, #tpu.memory_space<vmem_shared>>
    tpu.wait_indirect_dma semaphore(%arg20 : memref<!tpu.dma_semaphore, #tpu.memory_space<semaphore_mem>>) src(%dma_wait3A_157 : memref<1000000xf32, #tpu.memory_space<vmem_shared>>) dst(%arg17 : memref<6400xf32, #tpu.memory_space<vmem>>)
    %dma_start3A_158 = arith.constant 0 : i32
    %dma_start3A_159 = tpu.memref_slice %arg19[%dma_start3A_158] : memref<1000000xf32, #tpu.memory_space<vmem_shared>> -> memref<1000000xf32, #tpu.memory_space<vmem_shared>>
    tpu.enqueue_indirect_dma source(%dma_start3A_159 : memref<1000000xf32, #tpu.memory_space<vmem_shared>>) target(%arg16 : memref<6400xf32, #tpu.memory_space<vmem>>) offsets(%arg12 : memref<6400xi32, #tpu.memory_space<vmem>>) semaphore(%arg20 : memref<!tpu.dma_semaphore, #tpu.memory_space<semaphore_mem>>)
    %scan3A_160 = arith.constant 0 : i32
    %scan3A_161 = arith.constant 400 : i32
    %scan3A_162 = arith.addi %scan3A_160, %scan3A_161 : i32
    %scan3A_163 = arith.constant 8 : i32
    %scan3A_164 = scf.for %scan3A_432 = %scan3A_160 to %scan3A_162 step %scan3A_163 iter_args(%scan3A_433 = %scan3A_139) -> (vector<16xf32>)  : i32 {
      %mul3A_434 = arith.constant 16 : i32
      %mul3A_435 = arith.muli %scan3A_432, %mul3A_434 : i32
      %get3A_436 = arith.index_cast %mul3A_435 : i32 to index
      %get3A_437 = tpu.vector_load %arg17[%get3A_436] {strides = array<i32>} : memref<6400xf32, #tpu.memory_space<vmem>>, vector<16xf32>,
      %get3A_438 = vector.shape_cast %get3A_437 : vector<16xf32> to vector<16xf32>
      %add3A_439 = arith.addf %scan3A_433, %get3A_438 : vector<16xf32>
      %scan3A_440 = arith.constant 1 : i32
      %scan3A_441 = arith.addi %scan3A_432, %scan3A_440 : i32
      %mul3A_442 = arith.constant 16 : i32
      %mul3A_443 = arith.muli %scan3A_441, %mul3A_442 : i32
      %get3A_444 = arith.index_cast %mul3A_443 : i32 to index
      %get3A_445 = tpu.vector_load %arg17[%get3A_444] {strides = array<i32>} : memref<6400xf32, #tpu.memory_space<vmem>>, vector<16xf32>,
      %get3A_446 = vector.shape_cast %get3A_445 : vector<16xf32> to vector<16xf32>
      %add3A_447 = arith.addf %add3A_439, %get3A_446 : vector<16xf32>
      %scan3A_448 = arith.constant 2 : i32
      %scan3A_449 = arith.addi %scan3A_432, %scan3A_448 : i32
      %mul3A_450 = arith.constant 16 : i32
      %mul3A_451 = arith.muli %scan3A_449, %mul3A_450 : i32
      %get3A_452 = arith.index_cast %mul3A_451 : i32 to index
      %get3A_453 = tpu.vector_load %arg17[%get3A_452] {strides = array<i32>} : memref<6400xf32, #tpu.memory_space<vmem>>, vector<16xf32>,
      %get3A_454 = vector.shape_cast %get3A_453 : vector<16xf32> to vector<16xf32>
      %add3A_455 = arith.addf %add3A_447, %get3A_454 : vector<16xf32>
      %scan3A_456 = arith.constant 3 : i32
      %scan3A_457 = arith.addi %scan3A_432, %scan3A_456 : i32
      %mul3A_458 = arith.constant 16 : i32
      %mul3A_459 = arith.muli %scan3A_457, %mul3A_458 : i32
      %get3A_460 = arith.index_cast %mul3A_459 : i32 to index
      %get3A_461 = tpu.vector_load %arg17[%get3A_460] {strides = array<i32>} : memref<6400xf32, #tpu.memory_space<vmem>>, vector<16xf32>,
      %get3A_462 = vector.shape_cast %get3A_461 : vector<16xf32> to vector<16xf32>
      %add3A_463 = arith.addf %add3A_455, %get3A_462 : vector<16xf32>
      %scan3A_464 = arith.constant 4 : i32
      %scan3A_465 = arith.addi %scan3A_432, %scan3A_464 : i32
      %mul3A_466 = arith.constant 16 : i32
      %mul3A_467 = arith.muli %scan3A_465, %mul3A_466 : i32
      %get3A_468 = arith.index_cast %mul3A_467 : i32 to index
      %get3A_469 = tpu.vector_load %arg17[%get3A_468] {strides = array<i32>} : memref<6400xf32, #tpu.memory_space<vmem>>, vector<16xf32>,
      %get3A_470 = vector.shape_cast %get3A_469 : vector<16xf32> to vector<16xf32>
      %add3A_471 = arith.addf %add3A_463, %get3A_470 : vector<16xf32>
      %scan3A_472 = arith.constant 5 : i32
      %scan3A_473 = arith.addi %scan3A_432, %scan3A_472 : i32
      %mul3A_474 = arith.constant 16 : i32
      %mul3A_475 = arith.muli %scan3A_473, %mul3A_474 : i32
      %get3A_476 = arith.index_cast %mul3A_475 : i32 to index
      %get3A_477 = tpu.vector_load %arg17[%get3A_476] {strides = array<i32>} : memref<6400xf32, #tpu.memory_space<vmem>>, vector<16xf32>,
      %get3A_478 = vector.shape_cast %get3A_477 : vector<16xf32> to vector<16xf32>
      %add3A_479 = arith.addf %add3A_471, %get3A_478 : vector<16xf32>
      %scan3A_480 = arith.constant 6 : i32
      %scan3A_481 = arith.addi %scan3A_432, %scan3A_480 : i32
      %mul3A_482 = arith.constant 16 : i32
      %mul3A_483 = arith.muli %scan3A_481, %mul3A_482 : i32
      %get3A_484 = arith.index_cast %mul3A_483 : i32 to index
      %get3A_485 = tpu.vector_load %arg17[%get3A_484] {strides = array<i32>} : memref<6400xf32, #tpu.memory_space<vmem>>, vector<16xf32>,
      %get3A_486 = vector.shape_cast %get3A_485 : vector<16xf32> to vector<16xf32>
      %add3A_487 = arith.addf %add3A_479, %get3A_486 : vector<16xf32>
      %scan3A_488 = arith.constant 7 : i32
      %scan3A_489 = arith.addi %scan3A_432, %scan3A_488 : i32
      %mul3A_490 = arith.constant 16 : i32
      %mul3A_491 = arith.muli %scan3A_489, %mul3A_490 : i32
      %get3A_492 = arith.index_cast %mul3A_491 : i32 to index
      %get3A_493 = tpu.vector_load %arg17[%get3A_492] {strides = array<i32>} : memref<6400xf32, #tpu.memory_space<vmem>>, vector<16xf32>,
      %get3A_494 = vector.shape_cast %get3A_493 : vector<16xf32> to vector<16xf32>
      %add3A_495 = arith.addf %add3A_487, %get3A_494 : vector<16xf32>
      scf.yield %add3A_495 : vector<16xf32>
    }
    %scan3A_165 = arith.constant 400 : i32
    %dma_wait3A_166 = arith.constant 0 : i32
    %dma_wait3A_167 = tpu.memref_slice %arg2[%dma_wait3A_166] : memref<3276800xi32, #tpu.memory_space<hbm>> -> memref<6416xi32, #tpu.memory_space<hbm>>
    %dma_wait3A_168 = arith.constant 0 : i32
    %dma_wait3A_169 = tpu.memref_slice %arg2[%dma_wait3A_168] : memref<3276800xi32, #tpu.memory_space<hbm>> -> memref<6416xi32, #tpu.memory_space<hbm>>
    tpu.wait_dma2 semaphore(%arg23 : memref<!tpu.dma_semaphore, #tpu.memory_space<semaphore_mem>>) src(%dma_wait3A_169 : memref<6416xi32, #tpu.memory_space<hbm>>) dst(%arg7 : memref<6416xi32, #tpu.memory_space<vmem>>)
    %add3A_170 = arith.constant 51200 : i32
    %add3A_171 = arith.addi %mul3A_2, %add3A_170 : i32
    %dma_start3A_172 = tpu.memref_slice %arg2[%add3A_171] : memref<3276800xi32, #tpu.memory_space<hbm>> -> memref<6416xi32, #tpu.memory_space<hbm>>
    %dma_start3A_173 = tpu.memref_slice %arg2[%add3A_171] : memref<3276800xi32, #tpu.memory_space<hbm>> -> memref<6416xi32, #tpu.memory_space<hbm>>
    tpu.enqueue_dma source(%dma_start3A_173 : memref<6416xi32, #tpu.memory_space<hbm>>) target(%arg6 : memref<6416xi32, #tpu.memory_space<vmem>>) target_semaphore(%arg23 : memref<!tpu.dma_semaphore, #tpu.memory_space<semaphore_mem>>)
    %iota3A_174 = tpu.iota {dimensions = array<i32: 0>} : vector<16xi32>
    %scan3A_175 = arith.constant 0 : i32
    %scan3A_176 = arith.constant 400 : i32
    %scan3A_177 = arith.addi %scan3A_175, %scan3A_176 : i32
    %scan3A_178 = arith.constant 4 : i32
    %scan3A_179 = scf.for %scan3A_432 = %scan3A_175 to %scan3A_177 step %scan3A_178 iter_args(%scan3A_433 = %scan3A_154) -> (vector<16xi32>)  : i32 {
      %mul3A_434 = arith.constant 16 : i32
      %mul3A_435 = arith.muli %scan3A_432, %mul3A_434 : i32
      %get3A_436 = arith.index_cast %mul3A_435 : i32 to index
      %get3A_437 = tpu.vector_load %arg7[%get3A_436] {strides = array<i32>} : memref<6416xi32, #tpu.memory_space<vmem>>, vector<16xi32>,
      %get3A_438 = vector.shape_cast %get3A_437 : vector<16xi32> to vector<16xi32>
      %mul3A_439 = arith.constant 16 : i32
      %mul3A_440 = arith.muli %scan3A_432, %mul3A_439 : i32
      %add3A_441 = arith.constant 1 : i32
      %add3A_442 = arith.addi %mul3A_440, %add3A_441 : i32
      %get3A_443 = arith.index_cast %add3A_442 : i32 to index
      %get3A_444 = tpu.vector_load %arg7[%get3A_443] {strides = array<i32>} : memref<6416xi32, #tpu.memory_space<vmem>>, vector<16xi32>,
      %get3A_445 = vector.shape_cast %get3A_444 : vector<16xi32> to vector<16xi32>
      %eq3A_446 = arith.cmpi eq, %get3A_438, %get3A_12 : vector<16xi32>
      %eq3A_447 = arith.cmpi eq, %get3A_445, %get3A_12 : vector<16xi32>
      %or3A = arith.ori %eq3A_446, %eq3A_447 : vector<16xi1>
      %mul3A_448 = arith.constant 1000 : i32
      %mul3A_449 = vector.broadcast %mul3A_448 : i32 to vector<16xi32>
      %mul3A_450 = arith.muli %get3A_438, %mul3A_449 : vector<16xi32>
      %add3A_451 = arith.addi %mul3A_450, %get3A_445 : vector<16xi32>
      %select_n3A = arith.select %or3A, %iota3A_174, %add3A_451 : vector<16xi1>, vector<16xi32>
      %mul3A_452 = arith.constant 16 : i32
      %mul3A_453 = arith.muli %scan3A_432, %mul3A_452 : i32
      %swap3A_454 = arith.index_cast %mul3A_453 : i32 to index
      %swap3A_455 = tpu.vector_load %arg13[%swap3A_454] {strides = array<i32>} : memref<6400xi32, #tpu.memory_space<vmem>>, vector<16xi32>,
      %swap3A_456 = vector.shape_cast %swap3A_455 : vector<16xi32> to vector<16xi32>
      %swap3A_457 = vector.shape_cast %select_n3A : vector<16xi32> to vector<16xi32>
      tpu.vector_store %arg13[%swap3A_454], %swap3A_457 {strides = array<i32>} : memref<6400xi32, #tpu.memory_space<vmem>>, vector<16xi32>,
      %jit3A = arith.constant 1 : i32
      %jit3A_458 = arith.constant 0 : i32
      %broadcast_in_dim3A_459 = vector.broadcast %jit3A : i32 to vector<16xi32>
      %broadcast_in_dim3A_460 = vector.broadcast %jit3A_458 : i32 to vector<16xi32>
      %select_n3A_461 = arith.select %or3A, %broadcast_in_dim3A_459, %broadcast_in_dim3A_460 : vector<16xi1>, vector<16xi32>
      %add3A_462 = arith.addi %scan3A_433, %select_n3A_461 : vector<16xi32>
      %scan3A_463 = arith.constant 1 : i32
      %scan3A_464 = arith.addi %scan3A_432, %scan3A_463 : i32
      %mul3A_465 = arith.constant 16 : i32
      %mul3A_466 = arith.muli %scan3A_464, %mul3A_465 : i32
      %get3A_467 = arith.index_cast %mul3A_466 : i32 to index
      %get3A_468 = tpu.vector_load %arg7[%get3A_467] {strides = array<i32>} : memref<6416xi32, #tpu.memory_space<vmem>>, vector<16xi32>,
      %get3A_469 = vector.shape_cast %get3A_468 : vector<16xi32> to vector<16xi32>
      %mul3A_470 = arith.constant 16 : i32
      %mul3A_471 = arith.muli %scan3A_464, %mul3A_470 : i32
      %add3A_472 = arith.constant 1 : i32
      %add3A_473 = arith.addi %mul3A_471, %add3A_472 : i32
      %get3A_474 = arith.index_cast %add3A_473 : i32 to index
      %get3A_475 = tpu.vector_load %arg7[%get3A_474] {strides = array<i32>} : memref<6416xi32, #tpu.memory_space<vmem>>, vector<16xi32>,
      %get3A_476 = vector.shape_cast %get3A_475 : vector<16xi32> to vector<16xi32>
      %eq3A_477 = arith.cmpi eq, %get3A_469, %get3A_12 : vector<16xi32>
      %eq3A_478 = arith.cmpi eq, %get3A_476, %get3A_12 : vector<16xi32>
      %or3A_479 = arith.ori %eq3A_477, %eq3A_478 : vector<16xi1>
      %mul3A_480 = arith.constant 1000 : i32
      %mul3A_481 = vector.broadcast %mul3A_480 : i32 to vector<16xi32>
      %mul3A_482 = arith.muli %get3A_469, %mul3A_481 : vector<16xi32>
      %add3A_483 = arith.addi %mul3A_482, %get3A_476 : vector<16xi32>
      %select_n3A_484 = arith.select %or3A_479, %iota3A_174, %add3A_483 : vector<16xi1>, vector<16xi32>
      %mul3A_485 = arith.constant 16 : i32
      %mul3A_486 = arith.muli %scan3A_464, %mul3A_485 : i32
      %swap3A_487 = arith.index_cast %mul3A_486 : i32 to index
      %swap3A_488 = tpu.vector_load %arg13[%swap3A_487] {strides = array<i32>} : memref<6400xi32, #tpu.memory_space<vmem>>, vector<16xi32>,
      %swap3A_489 = vector.shape_cast %swap3A_488 : vector<16xi32> to vector<16xi32>
      %swap3A_490 = vector.shape_cast %select_n3A_484 : vector<16xi32> to vector<16xi32>
      tpu.vector_store %arg13[%swap3A_487], %swap3A_490 {strides = array<i32>} : memref<6400xi32, #tpu.memory_space<vmem>>, vector<16xi32>,
      %jit3A_491 = arith.constant 1 : i32
      %jit3A_492 = arith.constant 0 : i32
      %broadcast_in_dim3A_493 = vector.broadcast %jit3A_491 : i32 to vector<16xi32>
      %broadcast_in_dim3A_494 = vector.broadcast %jit3A_492 : i32 to vector<16xi32>
      %select_n3A_495 = arith.select %or3A_479, %broadcast_in_dim3A_493, %broadcast_in_dim3A_494 : vector<16xi1>, vector<16xi32>
      %add3A_496 = arith.addi %add3A_462, %select_n3A_495 : vector<16xi32>
      %scan3A_497 = arith.constant 2 : i32
      %scan3A_498 = arith.addi %scan3A_432, %scan3A_497 : i32
      %mul3A_499 = arith.constant 16 : i32
      %mul3A_500 = arith.muli %scan3A_498, %mul3A_499 : i32
      %get3A_501 = arith.index_cast %mul3A_500 : i32 to index
      %get3A_502 = tpu.vector_load %arg7[%get3A_501] {strides = array<i32>} : memref<6416xi32, #tpu.memory_space<vmem>>, vector<16xi32>,
      %get3A_503 = vector.shape_cast %get3A_502 : vector<16xi32> to vector<16xi32>
      %mul3A_504 = arith.constant 16 : i32
      %mul3A_505 = arith.muli %scan3A_498, %mul3A_504 : i32
      %add3A_506 = arith.constant 1 : i32
      %add3A_507 = arith.addi %mul3A_505, %add3A_506 : i32
      %get3A_508 = arith.index_cast %add3A_507 : i32 to index
      %get3A_509 = tpu.vector_load %arg7[%get3A_508] {strides = array<i32>} : memref<6416xi32, #tpu.memory_space<vmem>>, vector<16xi32>,
      %get3A_510 = vector.shape_cast %get3A_509 : vector<16xi32> to vector<16xi32>
      %eq3A_511 = arith.cmpi eq, %get3A_503, %get3A_12 : vector<16xi32>
      %eq3A_512 = arith.cmpi eq, %get3A_510, %get3A_12 : vector<16xi32>
      %or3A_513 = arith.ori %eq3A_511, %eq3A_512 : vector<16xi1>
      %mul3A_514 = arith.constant 1000 : i32
      %mul3A_515 = vector.broadcast %mul3A_514 : i32 to vector<16xi32>
      %mul3A_516 = arith.muli %get3A_503, %mul3A_515 : vector<16xi32>
      %add3A_517 = arith.addi %mul3A_516, %get3A_510 : vector<16xi32>
      %select_n3A_518 = arith.select %or3A_513, %iota3A_174, %add3A_517 : vector<16xi1>, vector<16xi32>
      %mul3A_519 = arith.constant 16 : i32
      %mul3A_520 = arith.muli %scan3A_498, %mul3A_519 : i32
      %swap3A_521 = arith.index_cast %mul3A_520 : i32 to index
      %swap3A_522 = tpu.vector_load %arg13[%swap3A_521] {strides = array<i32>} : memref<6400xi32, #tpu.memory_space<vmem>>, vector<16xi32>,
      %swap3A_523 = vector.shape_cast %swap3A_522 : vector<16xi32> to vector<16xi32>
      %swap3A_524 = vector.shape_cast %select_n3A_518 : vector<16xi32> to vector<16xi32>
      tpu.vector_store %arg13[%swap3A_521], %swap3A_524 {strides = array<i32>} : memref<6400xi32, #tpu.memory_space<vmem>>, vector<16xi32>,
      %jit3A_525 = arith.constant 1 : i32
      %jit3A_526 = arith.constant 0 : i32
      %broadcast_in_dim3A_527 = vector.broadcast %jit3A_525 : i32 to vector<16xi32>
      %broadcast_in_dim3A_528 = vector.broadcast %jit3A_526 : i32 to vector<16xi32>
      %select_n3A_529 = arith.select %or3A_513, %broadcast_in_dim3A_527, %broadcast_in_dim3A_528 : vector<16xi1>, vector<16xi32>
      %add3A_530 = arith.addi %add3A_496, %select_n3A_529 : vector<16xi32>
      %scan3A_531 = arith.constant 3 : i32
      %scan3A_532 = arith.addi %scan3A_432, %scan3A_531 : i32
      %mul3A_533 = arith.constant 16 : i32
      %mul3A_534 = arith.muli %scan3A_532, %mul3A_533 : i32
      %get3A_535 = arith.index_cast %mul3A_534 : i32 to index
      %get3A_536 = tpu.vector_load %arg7[%get3A_535] {strides = array<i32>} : memref<6416xi32, #tpu.memory_space<vmem>>, vector<16xi32>,
      %get3A_537 = vector.shape_cast %get3A_536 : vector<16xi32> to vector<16xi32>
      %mul3A_538 = arith.constant 16 : i32
      %mul3A_539 = arith.muli %scan3A_532, %mul3A_538 : i32
      %add3A_540 = arith.constant 1 : i32
      %add3A_541 = arith.addi %mul3A_539, %add3A_540 : i32
      %get3A_542 = arith.index_cast %add3A_541 : i32 to index
      %get3A_543 = tpu.vector_load %arg7[%get3A_542] {strides = array<i32>} : memref<6416xi32, #tpu.memory_space<vmem>>, vector<16xi32>,
      %get3A_544 = vector.shape_cast %get3A_543 : vector<16xi32> to vector<16xi32>
      %eq3A_545 = arith.cmpi eq, %get3A_537, %get3A_12 : vector<16xi32>
      %eq3A_546 = arith.cmpi eq, %get3A_544, %get3A_12 : vector<16xi32>
      %or3A_547 = arith.ori %eq3A_545, %eq3A_546 : vector<16xi1>
      %mul3A_548 = arith.constant 1000 : i32
      %mul3A_549 = vector.broadcast %mul3A_548 : i32 to vector<16xi32>
      %mul3A_550 = arith.muli %get3A_537, %mul3A_549 : vector<16xi32>
      %add3A_551 = arith.addi %mul3A_550, %get3A_544 : vector<16xi32>
      %select_n3A_552 = arith.select %or3A_547, %iota3A_174, %add3A_551 : vector<16xi1>, vector<16xi32>
      %mul3A_553 = arith.constant 16 : i32
      %mul3A_554 = arith.muli %scan3A_532, %mul3A_553 : i32
      %swap3A_555 = arith.index_cast %mul3A_554 : i32 to index
      %swap3A_556 = tpu.vector_load %arg13[%swap3A_555] {strides = array<i32>} : memref<6400xi32, #tpu.memory_space<vmem>>, vector<16xi32>,
      %swap3A_557 = vector.shape_cast %swap3A_556 : vector<16xi32> to vector<16xi32>
      %swap3A_558 = vector.shape_cast %select_n3A_552 : vector<16xi32> to vector<16xi32>
      tpu.vector_store %arg13[%swap3A_555], %swap3A_558 {strides = array<i32>} : memref<6400xi32, #tpu.memory_space<vmem>>, vector<16xi32>,
      %jit3A_559 = arith.constant 1 : i32
      %jit3A_560 = arith.constant 0 : i32
      %broadcast_in_dim3A_561 = vector.broadcast %jit3A_559 : i32 to vector<16xi32>
      %broadcast_in_dim3A_562 = vector.broadcast %jit3A_560 : i32 to vector<16xi32>
      %select_n3A_563 = arith.select %or3A_547, %broadcast_in_dim3A_561, %broadcast_in_dim3A_562 : vector<16xi1>, vector<16xi32>
      %add3A_564 = arith.addi %add3A_530, %select_n3A_563 : vector<16xi32>
      scf.yield %add3A_564 : vector<16xi32>
    }
    %scan3A_180 = arith.constant 400 : i32
    %dma_wait3A_181 = arith.constant 0 : i32
    %dma_wait3A_182 = tpu.memref_slice %arg19[%dma_wait3A_181] : memref<1000000xf32, #tpu.memory_space<vmem_shared>> -> memref<1000000xf32, #tpu.memory_space<vmem_shared>>
    tpu.wait_indirect_dma semaphore(%arg21 : memref<!tpu.dma_semaphore, #tpu.memory_space<semaphore_mem>>) src(%dma_wait3A_182 : memref<1000000xf32, #tpu.memory_space<vmem_shared>>) dst(%arg14 : memref<6400xf32, #tpu.memory_space<vmem>>)
    %dma_start3A_183 = arith.constant 0 : i32
    %dma_start3A_184 = tpu.memref_slice %arg19[%dma_start3A_183] : memref<1000000xf32, #tpu.memory_space<vmem_shared>> -> memref<1000000xf32, #tpu.memory_space<vmem_shared>>
    tpu.enqueue_indirect_dma source(%dma_start3A_184 : memref<1000000xf32, #tpu.memory_space<vmem_shared>>) target(%arg17 : memref<6400xf32, #tpu.memory_space<vmem>>) offsets(%arg13 : memref<6400xi32, #tpu.memory_space<vmem>>) semaphore(%arg21 : memref<!tpu.dma_semaphore, #tpu.memory_space<semaphore_mem>>)
    %scan3A_185 = arith.constant 0 : i32
    %scan3A_186 = arith.constant 400 : i32
    %scan3A_187 = arith.addi %scan3A_185, %scan3A_186 : i32
    %scan3A_188 = arith.constant 8 : i32
    %scan3A_189 = scf.for %scan3A_432 = %scan3A_185 to %scan3A_187 step %scan3A_188 iter_args(%scan3A_433 = %scan3A_164) -> (vector<16xf32>)  : i32 {
      %mul3A_434 = arith.constant 16 : i32
      %mul3A_435 = arith.muli %scan3A_432, %mul3A_434 : i32
      %get3A_436 = arith.index_cast %mul3A_435 : i32 to index
      %get3A_437 = tpu.vector_load %arg14[%get3A_436] {strides = array<i32>} : memref<6400xf32, #tpu.memory_space<vmem>>, vector<16xf32>,
      %get3A_438 = vector.shape_cast %get3A_437 : vector<16xf32> to vector<16xf32>
      %add3A_439 = arith.addf %scan3A_433, %get3A_438 : vector<16xf32>
      %scan3A_440 = arith.constant 1 : i32
      %scan3A_441 = arith.addi %scan3A_432, %scan3A_440 : i32
      %mul3A_442 = arith.constant 16 : i32
      %mul3A_443 = arith.muli %scan3A_441, %mul3A_442 : i32
      %get3A_444 = arith.index_cast %mul3A_443 : i32 to index
      %get3A_445 = tpu.vector_load %arg14[%get3A_444] {strides = array<i32>} : memref<6400xf32, #tpu.memory_space<vmem>>, vector<16xf32>,
      %get3A_446 = vector.shape_cast %get3A_445 : vector<16xf32> to vector<16xf32>
      %add3A_447 = arith.addf %add3A_439, %get3A_446 : vector<16xf32>
      %scan3A_448 = arith.constant 2 : i32
      %scan3A_449 = arith.addi %scan3A_432, %scan3A_448 : i32
      %mul3A_450 = arith.constant 16 : i32
      %mul3A_451 = arith.muli %scan3A_449, %mul3A_450 : i32
      %get3A_452 = arith.index_cast %mul3A_451 : i32 to index
      %get3A_453 = tpu.vector_load %arg14[%get3A_452] {strides = array<i32>} : memref<6400xf32, #tpu.memory_space<vmem>>, vector<16xf32>,
      %get3A_454 = vector.shape_cast %get3A_453 : vector<16xf32> to vector<16xf32>
      %add3A_455 = arith.addf %add3A_447, %get3A_454 : vector<16xf32>
      %scan3A_456 = arith.constant 3 : i32
      %scan3A_457 = arith.addi %scan3A_432, %scan3A_456 : i32
      %mul3A_458 = arith.constant 16 : i32
      %mul3A_459 = arith.muli %scan3A_457, %mul3A_458 : i32
      %get3A_460 = arith.index_cast %mul3A_459 : i32 to index
      %get3A_461 = tpu.vector_load %arg14[%get3A_460] {strides = array<i32>} : memref<6400xf32, #tpu.memory_space<vmem>>, vector<16xf32>,
      %get3A_462 = vector.shape_cast %get3A_461 : vector<16xf32> to vector<16xf32>
      %add3A_463 = arith.addf %add3A_455, %get3A_462 : vector<16xf32>
      %scan3A_464 = arith.constant 4 : i32
      %scan3A_465 = arith.addi %scan3A_432, %scan3A_464 : i32
      %mul3A_466 = arith.constant 16 : i32
      %mul3A_467 = arith.muli %scan3A_465, %mul3A_466 : i32
      %get3A_468 = arith.index_cast %mul3A_467 : i32 to index
      %get3A_469 = tpu.vector_load %arg14[%get3A_468] {strides = array<i32>} : memref<6400xf32, #tpu.memory_space<vmem>>, vector<16xf32>,
      %get3A_470 = vector.shape_cast %get3A_469 : vector<16xf32> to vector<16xf32>
      %add3A_471 = arith.addf %add3A_463, %get3A_470 : vector<16xf32>
      %scan3A_472 = arith.constant 5 : i32
      %scan3A_473 = arith.addi %scan3A_432, %scan3A_472 : i32
      %mul3A_474 = arith.constant 16 : i32
      %mul3A_475 = arith.muli %scan3A_473, %mul3A_474 : i32
      %get3A_476 = arith.index_cast %mul3A_475 : i32 to index
      %get3A_477 = tpu.vector_load %arg14[%get3A_476] {strides = array<i32>} : memref<6400xf32, #tpu.memory_space<vmem>>, vector<16xf32>,
      %get3A_478 = vector.shape_cast %get3A_477 : vector<16xf32> to vector<16xf32>
      %add3A_479 = arith.addf %add3A_471, %get3A_478 : vector<16xf32>
      %scan3A_480 = arith.constant 6 : i32
      %scan3A_481 = arith.addi %scan3A_432, %scan3A_480 : i32
      %mul3A_482 = arith.constant 16 : i32
      %mul3A_483 = arith.muli %scan3A_481, %mul3A_482 : i32
      %get3A_484 = arith.index_cast %mul3A_483 : i32 to index
      %get3A_485 = tpu.vector_load %arg14[%get3A_484] {strides = array<i32>} : memref<6400xf32, #tpu.memory_space<vmem>>, vector<16xf32>,
      %get3A_486 = vector.shape_cast %get3A_485 : vector<16xf32> to vector<16xf32>
      %add3A_487 = arith.addf %add3A_479, %get3A_486 : vector<16xf32>
      %scan3A_488 = arith.constant 7 : i32
      %scan3A_489 = arith.addi %scan3A_432, %scan3A_488 : i32
      %mul3A_490 = arith.constant 16 : i32
      %mul3A_491 = arith.muli %scan3A_489, %mul3A_490 : i32
      %get3A_492 = arith.index_cast %mul3A_491 : i32 to index
      %get3A_493 = tpu.vector_load %arg14[%get3A_492] {strides = array<i32>} : memref<6400xf32, #tpu.memory_space<vmem>>, vector<16xf32>,
      %get3A_494 = vector.shape_cast %get3A_493 : vector<16xf32> to vector<16xf32>
      %add3A_495 = arith.addf %add3A_487, %get3A_494 : vector<16xf32>
      scf.yield %add3A_495 : vector<16xf32>
    }
    %scan3A_190 = arith.constant 400 : i32
    %dma_wait3A_191 = arith.constant 0 : i32
    %dma_wait3A_192 = tpu.memref_slice %arg2[%dma_wait3A_191] : memref<3276800xi32, #tpu.memory_space<hbm>> -> memref<6416xi32, #tpu.memory_space<hbm>>
    %dma_wait3A_193 = arith.constant 0 : i32
    %dma_wait3A_194 = tpu.memref_slice %arg2[%dma_wait3A_193] : memref<3276800xi32, #tpu.memory_space<hbm>> -> memref<6416xi32, #tpu.memory_space<hbm>>
    tpu.wait_dma2 semaphore(%arg23 : memref<!tpu.dma_semaphore, #tpu.memory_space<semaphore_mem>>) src(%dma_wait3A_194 : memref<6416xi32, #tpu.memory_space<hbm>>) dst(%arg6 : memref<6416xi32, #tpu.memory_space<vmem>>)
    %add3A_195 = arith.constant 57600 : i32
    %add3A_196 = arith.addi %mul3A_2, %add3A_195 : i32
    %dma_start3A_197 = tpu.memref_slice %arg2[%add3A_196] : memref<3276800xi32, #tpu.memory_space<hbm>> -> memref<6416xi32, #tpu.memory_space<hbm>>
    %dma_start3A_198 = tpu.memref_slice %arg2[%add3A_196] : memref<3276800xi32, #tpu.memory_space<hbm>> -> memref<6416xi32, #tpu.memory_space<hbm>>
    tpu.enqueue_dma source(%dma_start3A_198 : memref<6416xi32, #tpu.memory_space<hbm>>) target(%arg7 : memref<6416xi32, #tpu.memory_space<vmem>>) target_semaphore(%arg23 : memref<!tpu.dma_semaphore, #tpu.memory_space<semaphore_mem>>)
    %iota3A_199 = tpu.iota {dimensions = array<i32: 0>} : vector<16xi32>
    %scan3A_200 = arith.constant 0 : i32
    %scan3A_201 = arith.constant 400 : i32
    %scan3A_202 = arith.addi %scan3A_200, %scan3A_201 : i32
    %scan3A_203 = arith.constant 4 : i32
    %scan3A_204 = scf.for %scan3A_432 = %scan3A_200 to %scan3A_202 step %scan3A_203 iter_args(%scan3A_433 = %scan3A_179) -> (vector<16xi32>)  : i32 {
      %mul3A_434 = arith.constant 16 : i32
      %mul3A_435 = arith.muli %scan3A_432, %mul3A_434 : i32
      %get3A_436 = arith.index_cast %mul3A_435 : i32 to index
      %get3A_437 = tpu.vector_load %arg6[%get3A_436] {strides = array<i32>} : memref<6416xi32, #tpu.memory_space<vmem>>, vector<16xi32>,
      %get3A_438 = vector.shape_cast %get3A_437 : vector<16xi32> to vector<16xi32>
      %mul3A_439 = arith.constant 16 : i32
      %mul3A_440 = arith.muli %scan3A_432, %mul3A_439 : i32
      %add3A_441 = arith.constant 1 : i32
      %add3A_442 = arith.addi %mul3A_440, %add3A_441 : i32
      %get3A_443 = arith.index_cast %add3A_442 : i32 to index
      %get3A_444 = tpu.vector_load %arg6[%get3A_443] {strides = array<i32>} : memref<6416xi32, #tpu.memory_space<vmem>>, vector<16xi32>,
      %get3A_445 = vector.shape_cast %get3A_444 : vector<16xi32> to vector<16xi32>
      %eq3A_446 = arith.cmpi eq, %get3A_438, %get3A_12 : vector<16xi32>
      %eq3A_447 = arith.cmpi eq, %get3A_445, %get3A_12 : vector<16xi32>
      %or3A = arith.ori %eq3A_446, %eq3A_447 : vector<16xi1>
      %mul3A_448 = arith.constant 1000 : i32
      %mul3A_449 = vector.broadcast %mul3A_448 : i32 to vector<16xi32>
      %mul3A_450 = arith.muli %get3A_438, %mul3A_449 : vector<16xi32>
      %add3A_451 = arith.addi %mul3A_450, %get3A_445 : vector<16xi32>
      %select_n3A = arith.select %or3A, %iota3A_199, %add3A_451 : vector<16xi1>, vector<16xi32>
      %mul3A_452 = arith.constant 16 : i32
      %mul3A_453 = arith.muli %scan3A_432, %mul3A_452 : i32
      %swap3A_454 = arith.index_cast %mul3A_453 : i32 to index
      %swap3A_455 = tpu.vector_load %arg10[%swap3A_454] {strides = array<i32>} : memref<6400xi32, #tpu.memory_space<vmem>>, vector<16xi32>,
      %swap3A_456 = vector.shape_cast %swap3A_455 : vector<16xi32> to vector<16xi32>
      %swap3A_457 = vector.shape_cast %select_n3A : vector<16xi32> to vector<16xi32>
      tpu.vector_store %arg10[%swap3A_454], %swap3A_457 {strides = array<i32>} : memref<6400xi32, #tpu.memory_space<vmem>>, vector<16xi32>,
      %jit3A = arith.constant 1 : i32
      %jit3A_458 = arith.constant 0 : i32
      %broadcast_in_dim3A_459 = vector.broadcast %jit3A : i32 to vector<16xi32>
      %broadcast_in_dim3A_460 = vector.broadcast %jit3A_458 : i32 to vector<16xi32>
      %select_n3A_461 = arith.select %or3A, %broadcast_in_dim3A_459, %broadcast_in_dim3A_460 : vector<16xi1>, vector<16xi32>
      %add3A_462 = arith.addi %scan3A_433, %select_n3A_461 : vector<16xi32>
      %scan3A_463 = arith.constant 1 : i32
      %scan3A_464 = arith.addi %scan3A_432, %scan3A_463 : i32
      %mul3A_465 = arith.constant 16 : i32
      %mul3A_466 = arith.muli %scan3A_464, %mul3A_465 : i32
      %get3A_467 = arith.index_cast %mul3A_466 : i32 to index
      %get3A_468 = tpu.vector_load %arg6[%get3A_467] {strides = array<i32>} : memref<6416xi32, #tpu.memory_space<vmem>>, vector<16xi32>,
      %get3A_469 = vector.shape_cast %get3A_468 : vector<16xi32> to vector<16xi32>
      %mul3A_470 = arith.constant 16 : i32
      %mul3A_471 = arith.muli %scan3A_464, %mul3A_470 : i32
      %add3A_472 = arith.constant 1 : i32
      %add3A_473 = arith.addi %mul3A_471, %add3A_472 : i32
      %get3A_474 = arith.index_cast %add3A_473 : i32 to index
      %get3A_475 = tpu.vector_load %arg6[%get3A_474] {strides = array<i32>} : memref<6416xi32, #tpu.memory_space<vmem>>, vector<16xi32>,
      %get3A_476 = vector.shape_cast %get3A_475 : vector<16xi32> to vector<16xi32>
      %eq3A_477 = arith.cmpi eq, %get3A_469, %get3A_12 : vector<16xi32>
      %eq3A_478 = arith.cmpi eq, %get3A_476, %get3A_12 : vector<16xi32>
      %or3A_479 = arith.ori %eq3A_477, %eq3A_478 : vector<16xi1>
      %mul3A_480 = arith.constant 1000 : i32
      %mul3A_481 = vector.broadcast %mul3A_480 : i32 to vector<16xi32>
      %mul3A_482 = arith.muli %get3A_469, %mul3A_481 : vector<16xi32>
      %add3A_483 = arith.addi %mul3A_482, %get3A_476 : vector<16xi32>
      %select_n3A_484 = arith.select %or3A_479, %iota3A_199, %add3A_483 : vector<16xi1>, vector<16xi32>
      %mul3A_485 = arith.constant 16 : i32
      %mul3A_486 = arith.muli %scan3A_464, %mul3A_485 : i32
      %swap3A_487 = arith.index_cast %mul3A_486 : i32 to index
      %swap3A_488 = tpu.vector_load %arg10[%swap3A_487] {strides = array<i32>} : memref<6400xi32, #tpu.memory_space<vmem>>, vector<16xi32>,
      %swap3A_489 = vector.shape_cast %swap3A_488 : vector<16xi32> to vector<16xi32>
      %swap3A_490 = vector.shape_cast %select_n3A_484 : vector<16xi32> to vector<16xi32>
      tpu.vector_store %arg10[%swap3A_487], %swap3A_490 {strides = array<i32>} : memref<6400xi32, #tpu.memory_space<vmem>>, vector<16xi32>,
      %jit3A_491 = arith.constant 1 : i32
      %jit3A_492 = arith.constant 0 : i32
      %broadcast_in_dim3A_493 = vector.broadcast %jit3A_491 : i32 to vector<16xi32>
      %broadcast_in_dim3A_494 = vector.broadcast %jit3A_492 : i32 to vector<16xi32>
      %select_n3A_495 = arith.select %or3A_479, %broadcast_in_dim3A_493, %broadcast_in_dim3A_494 : vector<16xi1>, vector<16xi32>
      %add3A_496 = arith.addi %add3A_462, %select_n3A_495 : vector<16xi32>
      %scan3A_497 = arith.constant 2 : i32
      %scan3A_498 = arith.addi %scan3A_432, %scan3A_497 : i32
      %mul3A_499 = arith.constant 16 : i32
      %mul3A_500 = arith.muli %scan3A_498, %mul3A_499 : i32
      %get3A_501 = arith.index_cast %mul3A_500 : i32 to index
      %get3A_502 = tpu.vector_load %arg6[%get3A_501] {strides = array<i32>} : memref<6416xi32, #tpu.memory_space<vmem>>, vector<16xi32>,
      %get3A_503 = vector.shape_cast %get3A_502 : vector<16xi32> to vector<16xi32>
      %mul3A_504 = arith.constant 16 : i32
      %mul3A_505 = arith.muli %scan3A_498, %mul3A_504 : i32
      %add3A_506 = arith.constant 1 : i32
      %add3A_507 = arith.addi %mul3A_505, %add3A_506 : i32
      %get3A_508 = arith.index_cast %add3A_507 : i32 to index
      %get3A_509 = tpu.vector_load %arg6[%get3A_508] {strides = array<i32>} : memref<6416xi32, #tpu.memory_space<vmem>>, vector<16xi32>,
      %get3A_510 = vector.shape_cast %get3A_509 : vector<16xi32> to vector<16xi32>
      %eq3A_511 = arith.cmpi eq, %get3A_503, %get3A_12 : vector<16xi32>
      %eq3A_512 = arith.cmpi eq, %get3A_510, %get3A_12 : vector<16xi32>
      %or3A_513 = arith.ori %eq3A_511, %eq3A_512 : vector<16xi1>
      %mul3A_514 = arith.constant 1000 : i32
      %mul3A_515 = vector.broadcast %mul3A_514 : i32 to vector<16xi32>
      %mul3A_516 = arith.muli %get3A_503, %mul3A_515 : vector<16xi32>
      %add3A_517 = arith.addi %mul3A_516, %get3A_510 : vector<16xi32>
      %select_n3A_518 = arith.select %or3A_513, %iota3A_199, %add3A_517 : vector<16xi1>, vector<16xi32>
      %mul3A_519 = arith.constant 16 : i32
      %mul3A_520 = arith.muli %scan3A_498, %mul3A_519 : i32
      %swap3A_521 = arith.index_cast %mul3A_520 : i32 to index
      %swap3A_522 = tpu.vector_load %arg10[%swap3A_521] {strides = array<i32>} : memref<6400xi32, #tpu.memory_space<vmem>>, vector<16xi32>,
      %swap3A_523 = vector.shape_cast %swap3A_522 : vector<16xi32> to vector<16xi32>
      %swap3A_524 = vector.shape_cast %select_n3A_518 : vector<16xi32> to vector<16xi32>
      tpu.vector_store %arg10[%swap3A_521], %swap3A_524 {strides = array<i32>} : memref<6400xi32, #tpu.memory_space<vmem>>, vector<16xi32>,
      %jit3A_525 = arith.constant 1 : i32
      %jit3A_526 = arith.constant 0 : i32
      %broadcast_in_dim3A_527 = vector.broadcast %jit3A_525 : i32 to vector<16xi32>
      %broadcast_in_dim3A_528 = vector.broadcast %jit3A_526 : i32 to vector<16xi32>
      %select_n3A_529 = arith.select %or3A_513, %broadcast_in_dim3A_527, %broadcast_in_dim3A_528 : vector<16xi1>, vector<16xi32>
      %add3A_530 = arith.addi %add3A_496, %select_n3A_529 : vector<16xi32>
      %scan3A_531 = arith.constant 3 : i32
      %scan3A_532 = arith.addi %scan3A_432, %scan3A_531 : i32
      %mul3A_533 = arith.constant 16 : i32
      %mul3A_534 = arith.muli %scan3A_532, %mul3A_533 : i32
      %get3A_535 = arith.index_cast %mul3A_534 : i32 to index
      %get3A_536 = tpu.vector_load %arg6[%get3A_535] {strides = array<i32>} : memref<6416xi32, #tpu.memory_space<vmem>>, vector<16xi32>,
      %get3A_537 = vector.shape_cast %get3A_536 : vector<16xi32> to vector<16xi32>
      %mul3A_538 = arith.constant 16 : i32
      %mul3A_539 = arith.muli %scan3A_532, %mul3A_538 : i32
      %add3A_540 = arith.constant 1 : i32
      %add3A_541 = arith.addi %mul3A_539, %add3A_540 : i32
      %get3A_542 = arith.index_cast %add3A_541 : i32 to index
      %get3A_543 = tpu.vector_load %arg6[%get3A_542] {strides = array<i32>} : memref<6416xi32, #tpu.memory_space<vmem>>, vector<16xi32>,
      %get3A_544 = vector.shape_cast %get3A_543 : vector<16xi32> to vector<16xi32>
      %eq3A_545 = arith.cmpi eq, %get3A_537, %get3A_12 : vector<16xi32>
      %eq3A_546 = arith.cmpi eq, %get3A_544, %get3A_12 : vector<16xi32>
      %or3A_547 = arith.ori %eq3A_545, %eq3A_546 : vector<16xi1>
      %mul3A_548 = arith.constant 1000 : i32
      %mul3A_549 = vector.broadcast %mul3A_548 : i32 to vector<16xi32>
      %mul3A_550 = arith.muli %get3A_537, %mul3A_549 : vector<16xi32>
      %add3A_551 = arith.addi %mul3A_550, %get3A_544 : vector<16xi32>
      %select_n3A_552 = arith.select %or3A_547, %iota3A_199, %add3A_551 : vector<16xi1>, vector<16xi32>
      %mul3A_553 = arith.constant 16 : i32
      %mul3A_554 = arith.muli %scan3A_532, %mul3A_553 : i32
      %swap3A_555 = arith.index_cast %mul3A_554 : i32 to index
      %swap3A_556 = tpu.vector_load %arg10[%swap3A_555] {strides = array<i32>} : memref<6400xi32, #tpu.memory_space<vmem>>, vector<16xi32>,
      %swap3A_557 = vector.shape_cast %swap3A_556 : vector<16xi32> to vector<16xi32>
      %swap3A_558 = vector.shape_cast %select_n3A_552 : vector<16xi32> to vector<16xi32>
      tpu.vector_store %arg10[%swap3A_555], %swap3A_558 {strides = array<i32>} : memref<6400xi32, #tpu.memory_space<vmem>>, vector<16xi32>,
      %jit3A_559 = arith.constant 1 : i32
      %jit3A_560 = arith.constant 0 : i32
      %broadcast_in_dim3A_561 = vector.broadcast %jit3A_559 : i32 to vector<16xi32>
      %broadcast_in_dim3A_562 = vector.broadcast %jit3A_560 : i32 to vector<16xi32>
      %select_n3A_563 = arith.select %or3A_547, %broadcast_in_dim3A_561, %broadcast_in_dim3A_562 : vector<16xi1>, vector<16xi32>
      %add3A_564 = arith.addi %add3A_530, %select_n3A_563 : vector<16xi32>
      scf.yield %add3A_564 : vector<16xi32>
    }
    %scan3A_205 = arith.constant 400 : i32
    %dma_wait3A_206 = arith.constant 0 : i32
    %dma_wait3A_207 = tpu.memref_slice %arg19[%dma_wait3A_206] : memref<1000000xf32, #tpu.memory_space<vmem_shared>> -> memref<1000000xf32, #tpu.memory_space<vmem_shared>>
    tpu.wait_indirect_dma semaphore(%arg22 : memref<!tpu.dma_semaphore, #tpu.memory_space<semaphore_mem>>) src(%dma_wait3A_207 : memref<1000000xf32, #tpu.memory_space<vmem_shared>>) dst(%arg15 : memref<6400xf32, #tpu.memory_space<vmem>>)
    %dma_start3A_208 = arith.constant 0 : i32
    %dma_start3A_209 = tpu.memref_slice %arg19[%dma_start3A_208] : memref<1000000xf32, #tpu.memory_space<vmem_shared>> -> memref<1000000xf32, #tpu.memory_space<vmem_shared>>
    tpu.enqueue_indirect_dma source(%dma_start3A_209 : memref<1000000xf32, #tpu.memory_space<vmem_shared>>) target(%arg14 : memref<6400xf32, #tpu.memory_space<vmem>>) offsets(%arg10 : memref<6400xi32, #tpu.memory_space<vmem>>) semaphore(%arg22 : memref<!tpu.dma_semaphore, #tpu.memory_space<semaphore_mem>>)
    %scan3A_210 = arith.constant 0 : i32
    %scan3A_211 = arith.constant 400 : i32
    %scan3A_212 = arith.addi %scan3A_210, %scan3A_211 : i32
    %scan3A_213 = arith.constant 8 : i32
    %scan3A_214 = scf.for %scan3A_432 = %scan3A_210 to %scan3A_212 step %scan3A_213 iter_args(%scan3A_433 = %scan3A_189) -> (vector<16xf32>)  : i32 {
      %mul3A_434 = arith.constant 16 : i32
      %mul3A_435 = arith.muli %scan3A_432, %mul3A_434 : i32
      %get3A_436 = arith.index_cast %mul3A_435 : i32 to index
      %get3A_437 = tpu.vector_load %arg15[%get3A_436] {strides = array<i32>} : memref<6400xf32, #tpu.memory_space<vmem>>, vector<16xf32>,
      %get3A_438 = vector.shape_cast %get3A_437 : vector<16xf32> to vector<16xf32>
      %add3A_439 = arith.addf %scan3A_433, %get3A_438 : vector<16xf32>
      %scan3A_440 = arith.constant 1 : i32
      %scan3A_441 = arith.addi %scan3A_432, %scan3A_440 : i32
      %mul3A_442 = arith.constant 16 : i32
      %mul3A_443 = arith.muli %scan3A_441, %mul3A_442 : i32
      %get3A_444 = arith.index_cast %mul3A_443 : i32 to index
      %get3A_445 = tpu.vector_load %arg15[%get3A_444] {strides = array<i32>} : memref<6400xf32, #tpu.memory_space<vmem>>, vector<16xf32>,
      %get3A_446 = vector.shape_cast %get3A_445 : vector<16xf32> to vector<16xf32>
      %add3A_447 = arith.addf %add3A_439, %get3A_446 : vector<16xf32>
      %scan3A_448 = arith.constant 2 : i32
      %scan3A_449 = arith.addi %scan3A_432, %scan3A_448 : i32
      %mul3A_450 = arith.constant 16 : i32
      %mul3A_451 = arith.muli %scan3A_449, %mul3A_450 : i32
      %get3A_452 = arith.index_cast %mul3A_451 : i32 to index
      %get3A_453 = tpu.vector_load %arg15[%get3A_452] {strides = array<i32>} : memref<6400xf32, #tpu.memory_space<vmem>>, vector<16xf32>,
      %get3A_454 = vector.shape_cast %get3A_453 : vector<16xf32> to vector<16xf32>
      %add3A_455 = arith.addf %add3A_447, %get3A_454 : vector<16xf32>
      %scan3A_456 = arith.constant 3 : i32
      %scan3A_457 = arith.addi %scan3A_432, %scan3A_456 : i32
      %mul3A_458 = arith.constant 16 : i32
      %mul3A_459 = arith.muli %scan3A_457, %mul3A_458 : i32
      %get3A_460 = arith.index_cast %mul3A_459 : i32 to index
      %get3A_461 = tpu.vector_load %arg15[%get3A_460] {strides = array<i32>} : memref<6400xf32, #tpu.memory_space<vmem>>, vector<16xf32>,
      %get3A_462 = vector.shape_cast %get3A_461 : vector<16xf32> to vector<16xf32>
      %add3A_463 = arith.addf %add3A_455, %get3A_462 : vector<16xf32>
      %scan3A_464 = arith.constant 4 : i32
      %scan3A_465 = arith.addi %scan3A_432, %scan3A_464 : i32
      %mul3A_466 = arith.constant 16 : i32
      %mul3A_467 = arith.muli %scan3A_465, %mul3A_466 : i32
      %get3A_468 = arith.index_cast %mul3A_467 : i32 to index
      %get3A_469 = tpu.vector_load %arg15[%get3A_468] {strides = array<i32>} : memref<6400xf32, #tpu.memory_space<vmem>>, vector<16xf32>,
      %get3A_470 = vector.shape_cast %get3A_469 : vector<16xf32> to vector<16xf32>
      %add3A_471 = arith.addf %add3A_463, %get3A_470 : vector<16xf32>
      %scan3A_472 = arith.constant 5 : i32
      %scan3A_473 = arith.addi %scan3A_432, %scan3A_472 : i32
      %mul3A_474 = arith.constant 16 : i32
      %mul3A_475 = arith.muli %scan3A_473, %mul3A_474 : i32
      %get3A_476 = arith.index_cast %mul3A_475 : i32 to index
      %get3A_477 = tpu.vector_load %arg15[%get3A_476] {strides = array<i32>} : memref<6400xf32, #tpu.memory_space<vmem>>, vector<16xf32>,
      %get3A_478 = vector.shape_cast %get3A_477 : vector<16xf32> to vector<16xf32>
      %add3A_479 = arith.addf %add3A_471, %get3A_478 : vector<16xf32>
      %scan3A_480 = arith.constant 6 : i32
      %scan3A_481 = arith.addi %scan3A_432, %scan3A_480 : i32
      %mul3A_482 = arith.constant 16 : i32
      %mul3A_483 = arith.muli %scan3A_481, %mul3A_482 : i32
      %get3A_484 = arith.index_cast %mul3A_483 : i32 to index
      %get3A_485 = tpu.vector_load %arg15[%get3A_484] {strides = array<i32>} : memref<6400xf32, #tpu.memory_space<vmem>>, vector<16xf32>,
      %get3A_486 = vector.shape_cast %get3A_485 : vector<16xf32> to vector<16xf32>
      %add3A_487 = arith.addf %add3A_479, %get3A_486 : vector<16xf32>
      %scan3A_488 = arith.constant 7 : i32
      %scan3A_489 = arith.addi %scan3A_432, %scan3A_488 : i32
      %mul3A_490 = arith.constant 16 : i32
      %mul3A_491 = arith.muli %scan3A_489, %mul3A_490 : i32
      %get3A_492 = arith.index_cast %mul3A_491 : i32 to index
      %get3A_493 = tpu.vector_load %arg15[%get3A_492] {strides = array<i32>} : memref<6400xf32, #tpu.memory_space<vmem>>, vector<16xf32>,
      %get3A_494 = vector.shape_cast %get3A_493 : vector<16xf32> to vector<16xf32>
      %add3A_495 = arith.addf %add3A_487, %get3A_494 : vector<16xf32>
      scf.yield %add3A_495 : vector<16xf32>
    }
    %scan3A_215 = arith.constant 400 : i32
    %dma_wait3A_216 = arith.constant 0 : i32
    %dma_wait3A_217 = tpu.memref_slice %arg2[%dma_wait3A_216] : memref<3276800xi32, #tpu.memory_space<hbm>> -> memref<6416xi32, #tpu.memory_space<hbm>>
    %dma_wait3A_218 = arith.constant 0 : i32
    %dma_wait3A_219 = tpu.memref_slice %arg2[%dma_wait3A_218] : memref<3276800xi32, #tpu.memory_space<hbm>> -> memref<6416xi32, #tpu.memory_space<hbm>>
    tpu.wait_dma2 semaphore(%arg23 : memref<!tpu.dma_semaphore, #tpu.memory_space<semaphore_mem>>) src(%dma_wait3A_219 : memref<6416xi32, #tpu.memory_space<hbm>>) dst(%arg7 : memref<6416xi32, #tpu.memory_space<vmem>>)
    %add3A_220 = arith.constant 64000 : i32
    %add3A_221 = arith.addi %mul3A_2, %add3A_220 : i32
    %dma_start3A_222 = tpu.memref_slice %arg2[%add3A_221] : memref<3276800xi32, #tpu.memory_space<hbm>> -> memref<6416xi32, #tpu.memory_space<hbm>>
    %dma_start3A_223 = tpu.memref_slice %arg2[%add3A_221] : memref<3276800xi32, #tpu.memory_space<hbm>> -> memref<6416xi32, #tpu.memory_space<hbm>>
    tpu.enqueue_dma source(%dma_start3A_223 : memref<6416xi32, #tpu.memory_space<hbm>>) target(%arg6 : memref<6416xi32, #tpu.memory_space<vmem>>) target_semaphore(%arg23 : memref<!tpu.dma_semaphore, #tpu.memory_space<semaphore_mem>>)
    %iota3A_224 = tpu.iota {dimensions = array<i32: 0>} : vector<16xi32>
    %scan3A_225 = arith.constant 0 : i32
    %scan3A_226 = arith.constant 400 : i32
    %scan3A_227 = arith.addi %scan3A_225, %scan3A_226 : i32
    %scan3A_228 = arith.constant 4 : i32
    %scan3A_229 = scf.for %scan3A_432 = %scan3A_225 to %scan3A_227 step %scan3A_228 iter_args(%scan3A_433 = %scan3A_204) -> (vector<16xi32>)  : i32 {
      %mul3A_434 = arith.constant 16 : i32
      %mul3A_435 = arith.muli %scan3A_432, %mul3A_434 : i32
      %get3A_436 = arith.index_cast %mul3A_435 : i32 to index
      %get3A_437 = tpu.vector_load %arg7[%get3A_436] {strides = array<i32>} : memref<6416xi32, #tpu.memory_space<vmem>>, vector<16xi32>,
      %get3A_438 = vector.shape_cast %get3A_437 : vector<16xi32> to vector<16xi32>
      %mul3A_439 = arith.constant 16 : i32
      %mul3A_440 = arith.muli %scan3A_432, %mul3A_439 : i32
      %add3A_441 = arith.constant 1 : i32
      %add3A_442 = arith.addi %mul3A_440, %add3A_441 : i32
      %get3A_443 = arith.index_cast %add3A_442 : i32 to index
      %get3A_444 = tpu.vector_load %arg7[%get3A_443] {strides = array<i32>} : memref<6416xi32, #tpu.memory_space<vmem>>, vector<16xi32>,
      %get3A_445 = vector.shape_cast %get3A_444 : vector<16xi32> to vector<16xi32>
      %eq3A_446 = arith.cmpi eq, %get3A_438, %get3A_12 : vector<16xi32>
      %eq3A_447 = arith.cmpi eq, %get3A_445, %get3A_12 : vector<16xi32>
      %or3A = arith.ori %eq3A_446, %eq3A_447 : vector<16xi1>
      %mul3A_448 = arith.constant 1000 : i32
      %mul3A_449 = vector.broadcast %mul3A_448 : i32 to vector<16xi32>
      %mul3A_450 = arith.muli %get3A_438, %mul3A_449 : vector<16xi32>
      %add3A_451 = arith.addi %mul3A_450, %get3A_445 : vector<16xi32>
      %select_n3A = arith.select %or3A, %iota3A_224, %add3A_451 : vector<16xi1>, vector<16xi32>
      %mul3A_452 = arith.constant 16 : i32
      %mul3A_453 = arith.muli %scan3A_432, %mul3A_452 : i32
      %swap3A_454 = arith.index_cast %mul3A_453 : i32 to index
      %swap3A_455 = tpu.vector_load %arg11[%swap3A_454] {strides = array<i32>} : memref<6400xi32, #tpu.memory_space<vmem>>, vector<16xi32>,
      %swap3A_456 = vector.shape_cast %swap3A_455 : vector<16xi32> to vector<16xi32>
      %swap3A_457 = vector.shape_cast %select_n3A : vector<16xi32> to vector<16xi32>
      tpu.vector_store %arg11[%swap3A_454], %swap3A_457 {strides = array<i32>} : memref<6400xi32, #tpu.memory_space<vmem>>, vector<16xi32>,
      %jit3A = arith.constant 1 : i32
      %jit3A_458 = arith.constant 0 : i32
      %broadcast_in_dim3A_459 = vector.broadcast %jit3A : i32 to vector<16xi32>
      %broadcast_in_dim3A_460 = vector.broadcast %jit3A_458 : i32 to vector<16xi32>
      %select_n3A_461 = arith.select %or3A, %broadcast_in_dim3A_459, %broadcast_in_dim3A_460 : vector<16xi1>, vector<16xi32>
      %add3A_462 = arith.addi %scan3A_433, %select_n3A_461 : vector<16xi32>
      %scan3A_463 = arith.constant 1 : i32
      %scan3A_464 = arith.addi %scan3A_432, %scan3A_463 : i32
      %mul3A_465 = arith.constant 16 : i32
      %mul3A_466 = arith.muli %scan3A_464, %mul3A_465 : i32
      %get3A_467 = arith.index_cast %mul3A_466 : i32 to index
      %get3A_468 = tpu.vector_load %arg7[%get3A_467] {strides = array<i32>} : memref<6416xi32, #tpu.memory_space<vmem>>, vector<16xi32>,
      %get3A_469 = vector.shape_cast %get3A_468 : vector<16xi32> to vector<16xi32>
      %mul3A_470 = arith.constant 16 : i32
      %mul3A_471 = arith.muli %scan3A_464, %mul3A_470 : i32
      %add3A_472 = arith.constant 1 : i32
      %add3A_473 = arith.addi %mul3A_471, %add3A_472 : i32
      %get3A_474 = arith.index_cast %add3A_473 : i32 to index
      %get3A_475 = tpu.vector_load %arg7[%get3A_474] {strides = array<i32>} : memref<6416xi32, #tpu.memory_space<vmem>>, vector<16xi32>,
      %get3A_476 = vector.shape_cast %get3A_475 : vector<16xi32> to vector<16xi32>
      %eq3A_477 = arith.cmpi eq, %get3A_469, %get3A_12 : vector<16xi32>
      %eq3A_478 = arith.cmpi eq, %get3A_476, %get3A_12 : vector<16xi32>
      %or3A_479 = arith.ori %eq3A_477, %eq3A_478 : vector<16xi1>
      %mul3A_480 = arith.constant 1000 : i32
      %mul3A_481 = vector.broadcast %mul3A_480 : i32 to vector<16xi32>
      %mul3A_482 = arith.muli %get3A_469, %mul3A_481 : vector<16xi32>
      %add3A_483 = arith.addi %mul3A_482, %get3A_476 : vector<16xi32>
      %select_n3A_484 = arith.select %or3A_479, %iota3A_224, %add3A_483 : vector<16xi1>, vector<16xi32>
      %mul3A_485 = arith.constant 16 : i32
      %mul3A_486 = arith.muli %scan3A_464, %mul3A_485 : i32
      %swap3A_487 = arith.index_cast %mul3A_486 : i32 to index
      %swap3A_488 = tpu.vector_load %arg11[%swap3A_487] {strides = array<i32>} : memref<6400xi32, #tpu.memory_space<vmem>>, vector<16xi32>,
      %swap3A_489 = vector.shape_cast %swap3A_488 : vector<16xi32> to vector<16xi32>
      %swap3A_490 = vector.shape_cast %select_n3A_484 : vector<16xi32> to vector<16xi32>
      tpu.vector_store %arg11[%swap3A_487], %swap3A_490 {strides = array<i32>} : memref<6400xi32, #tpu.memory_space<vmem>>, vector<16xi32>,
      %jit3A_491 = arith.constant 1 : i32
      %jit3A_492 = arith.constant 0 : i32
      %broadcast_in_dim3A_493 = vector.broadcast %jit3A_491 : i32 to vector<16xi32>
      %broadcast_in_dim3A_494 = vector.broadcast %jit3A_492 : i32 to vector<16xi32>
      %select_n3A_495 = arith.select %or3A_479, %broadcast_in_dim3A_493, %broadcast_in_dim3A_494 : vector<16xi1>, vector<16xi32>
      %add3A_496 = arith.addi %add3A_462, %select_n3A_495 : vector<16xi32>
      %scan3A_497 = arith.constant 2 : i32
      %scan3A_498 = arith.addi %scan3A_432, %scan3A_497 : i32
      %mul3A_499 = arith.constant 16 : i32
      %mul3A_500 = arith.muli %scan3A_498, %mul3A_499 : i32
      %get3A_501 = arith.index_cast %mul3A_500 : i32 to index
      %get3A_502 = tpu.vector_load %arg7[%get3A_501] {strides = array<i32>} : memref<6416xi32, #tpu.memory_space<vmem>>, vector<16xi32>,
      %get3A_503 = vector.shape_cast %get3A_502 : vector<16xi32> to vector<16xi32>
      %mul3A_504 = arith.constant 16 : i32
      %mul3A_505 = arith.muli %scan3A_498, %mul3A_504 : i32
      %add3A_506 = arith.constant 1 : i32
      %add3A_507 = arith.addi %mul3A_505, %add3A_506 : i32
      %get3A_508 = arith.index_cast %add3A_507 : i32 to index
      %get3A_509 = tpu.vector_load %arg7[%get3A_508] {strides = array<i32>} : memref<6416xi32, #tpu.memory_space<vmem>>, vector<16xi32>,
      %get3A_510 = vector.shape_cast %get3A_509 : vector<16xi32> to vector<16xi32>
      %eq3A_511 = arith.cmpi eq, %get3A_503, %get3A_12 : vector<16xi32>
      %eq3A_512 = arith.cmpi eq, %get3A_510, %get3A_12 : vector<16xi32>
      %or3A_513 = arith.ori %eq3A_511, %eq3A_512 : vector<16xi1>
      %mul3A_514 = arith.constant 1000 : i32
      %mul3A_515 = vector.broadcast %mul3A_514 : i32 to vector<16xi32>
      %mul3A_516 = arith.muli %get3A_503, %mul3A_515 : vector<16xi32>
      %add3A_517 = arith.addi %mul3A_516, %get3A_510 : vector<16xi32>
      %select_n3A_518 = arith.select %or3A_513, %iota3A_224, %add3A_517 : vector<16xi1>, vector<16xi32>
      %mul3A_519 = arith.constant 16 : i32
      %mul3A_520 = arith.muli %scan3A_498, %mul3A_519 : i32
      %swap3A_521 = arith.index_cast %mul3A_520 : i32 to index
      %swap3A_522 = tpu.vector_load %arg11[%swap3A_521] {strides = array<i32>} : memref<6400xi32, #tpu.memory_space<vmem>>, vector<16xi32>,
      %swap3A_523 = vector.shape_cast %swap3A_522 : vector<16xi32> to vector<16xi32>
      %swap3A_524 = vector.shape_cast %select_n3A_518 : vector<16xi32> to vector<16xi32>
      tpu.vector_store %arg11[%swap3A_521], %swap3A_524 {strides = array<i32>} : memref<6400xi32, #tpu.memory_space<vmem>>, vector<16xi32>,
      %jit3A_525 = arith.constant 1 : i32
      %jit3A_526 = arith.constant 0 : i32
      %broadcast_in_dim3A_527 = vector.broadcast %jit3A_525 : i32 to vector<16xi32>
      %broadcast_in_dim3A_528 = vector.broadcast %jit3A_526 : i32 to vector<16xi32>
      %select_n3A_529 = arith.select %or3A_513, %broadcast_in_dim3A_527, %broadcast_in_dim3A_528 : vector<16xi1>, vector<16xi32>
      %add3A_530 = arith.addi %add3A_496, %select_n3A_529 : vector<16xi32>
      %scan3A_531 = arith.constant 3 : i32
      %scan3A_532 = arith.addi %scan3A_432, %scan3A_531 : i32
      %mul3A_533 = arith.constant 16 : i32
      %mul3A_534 = arith.muli %scan3A_532, %mul3A_533 : i32
      %get3A_535 = arith.index_cast %mul3A_534 : i32 to index
      %get3A_536 = tpu.vector_load %arg7[%get3A_535] {strides = array<i32>} : memref<6416xi32, #tpu.memory_space<vmem>>, vector<16xi32>,
      %get3A_537 = vector.shape_cast %get3A_536 : vector<16xi32> to vector<16xi32>
      %mul3A_538 = arith.constant 16 : i32
      %mul3A_539 = arith.muli %scan3A_532, %mul3A_538 : i32
      %add3A_540 = arith.constant 1 : i32
      %add3A_541 = arith.addi %mul3A_539, %add3A_540 : i32
      %get3A_542 = arith.index_cast %add3A_541 : i32 to index
      %get3A_543 = tpu.vector_load %arg7[%get3A_542] {strides = array<i32>} : memref<6416xi32, #tpu.memory_space<vmem>>, vector<16xi32>,
      %get3A_544 = vector.shape_cast %get3A_543 : vector<16xi32> to vector<16xi32>
      %eq3A_545 = arith.cmpi eq, %get3A_537, %get3A_12 : vector<16xi32>
      %eq3A_546 = arith.cmpi eq, %get3A_544, %get3A_12 : vector<16xi32>
      %or3A_547 = arith.ori %eq3A_545, %eq3A_546 : vector<16xi1>
      %mul3A_548 = arith.constant 1000 : i32
      %mul3A_549 = vector.broadcast %mul3A_548 : i32 to vector<16xi32>
      %mul3A_550 = arith.muli %get3A_537, %mul3A_549 : vector<16xi32>
      %add3A_551 = arith.addi %mul3A_550, %get3A_544 : vector<16xi32>
      %select_n3A_552 = arith.select %or3A_547, %iota3A_224, %add3A_551 : vector<16xi1>, vector<16xi32>
      %mul3A_553 = arith.constant 16 : i32
      %mul3A_554 = arith.muli %scan3A_532, %mul3A_553 : i32
      %swap3A_555 = arith.index_cast %mul3A_554 : i32 to index
      %swap3A_556 = tpu.vector_load %arg11[%swap3A_555] {strides = array<i32>} : memref<6400xi32, #tpu.memory_space<vmem>>, vector<16xi32>,
      %swap3A_557 = vector.shape_cast %swap3A_556 : vector<16xi32> to vector<16xi32>
      %swap3A_558 = vector.shape_cast %select_n3A_552 : vector<16xi32> to vector<16xi32>
      tpu.vector_store %arg11[%swap3A_555], %swap3A_558 {strides = array<i32>} : memref<6400xi32, #tpu.memory_space<vmem>>, vector<16xi32>,
      %jit3A_559 = arith.constant 1 : i32
      %jit3A_560 = arith.constant 0 : i32
      %broadcast_in_dim3A_561 = vector.broadcast %jit3A_559 : i32 to vector<16xi32>
      %broadcast_in_dim3A_562 = vector.broadcast %jit3A_560 : i32 to vector<16xi32>
      %select_n3A_563 = arith.select %or3A_547, %broadcast_in_dim3A_561, %broadcast_in_dim3A_562 : vector<16xi1>, vector<16xi32>
      %add3A_564 = arith.addi %add3A_530, %select_n3A_563 : vector<16xi32>
      scf.yield %add3A_564 : vector<16xi32>
    }
    %scan3A_230 = arith.constant 400 : i32
    %dma_wait3A_231 = arith.constant 0 : i32
    %dma_wait3A_232 = tpu.memref_slice %arg19[%dma_wait3A_231] : memref<1000000xf32, #tpu.memory_space<vmem_shared>> -> memref<1000000xf32, #tpu.memory_space<vmem_shared>>
    tpu.wait_indirect_dma semaphore(%arg20 : memref<!tpu.dma_semaphore, #tpu.memory_space<semaphore_mem>>) src(%dma_wait3A_232 : memref<1000000xf32, #tpu.memory_space<vmem_shared>>) dst(%arg16 : memref<6400xf32, #tpu.memory_space<vmem>>)
    %dma_start3A_233 = arith.constant 0 : i32
    %dma_start3A_234 = tpu.memref_slice %arg19[%dma_start3A_233] : memref<1000000xf32, #tpu.memory_space<vmem_shared>> -> memref<1000000xf32, #tpu.memory_space<vmem_shared>>
    tpu.enqueue_indirect_dma source(%dma_start3A_234 : memref<1000000xf32, #tpu.memory_space<vmem_shared>>) target(%arg15 : memref<6400xf32, #tpu.memory_space<vmem>>) offsets(%arg11 : memref<6400xi32, #tpu.memory_space<vmem>>) semaphore(%arg20 : memref<!tpu.dma_semaphore, #tpu.memory_space<semaphore_mem>>)
    %scan3A_235 = arith.constant 0 : i32
    %scan3A_236 = arith.constant 400 : i32
    %scan3A_237 = arith.addi %scan3A_235, %scan3A_236 : i32
    %scan3A_238 = arith.constant 8 : i32
    %scan3A_239 = scf.for %scan3A_432 = %scan3A_235 to %scan3A_237 step %scan3A_238 iter_args(%scan3A_433 = %scan3A_214) -> (vector<16xf32>)  : i32 {
      %mul3A_434 = arith.constant 16 : i32
      %mul3A_435 = arith.muli %scan3A_432, %mul3A_434 : i32
      %get3A_436 = arith.index_cast %mul3A_435 : i32 to index
      %get3A_437 = tpu.vector_load %arg16[%get3A_436] {strides = array<i32>} : memref<6400xf32, #tpu.memory_space<vmem>>, vector<16xf32>,
      %get3A_438 = vector.shape_cast %get3A_437 : vector<16xf32> to vector<16xf32>
      %add3A_439 = arith.addf %scan3A_433, %get3A_438 : vector<16xf32>
      %scan3A_440 = arith.constant 1 : i32
      %scan3A_441 = arith.addi %scan3A_432, %scan3A_440 : i32
      %mul3A_442 = arith.constant 16 : i32
      %mul3A_443 = arith.muli %scan3A_441, %mul3A_442 : i32
      %get3A_444 = arith.index_cast %mul3A_443 : i32 to index
      %get3A_445 = tpu.vector_load %arg16[%get3A_444] {strides = array<i32>} : memref<6400xf32, #tpu.memory_space<vmem>>, vector<16xf32>,
      %get3A_446 = vector.shape_cast %get3A_445 : vector<16xf32> to vector<16xf32>
      %add3A_447 = arith.addf %add3A_439, %get3A_446 : vector<16xf32>
      %scan3A_448 = arith.constant 2 : i32
      %scan3A_449 = arith.addi %scan3A_432, %scan3A_448 : i32
      %mul3A_450 = arith.constant 16 : i32
      %mul3A_451 = arith.muli %scan3A_449, %mul3A_450 : i32
      %get3A_452 = arith.index_cast %mul3A_451 : i32 to index
      %get3A_453 = tpu.vector_load %arg16[%get3A_452] {strides = array<i32>} : memref<6400xf32, #tpu.memory_space<vmem>>, vector<16xf32>,
      %get3A_454 = vector.shape_cast %get3A_453 : vector<16xf32> to vector<16xf32>
      %add3A_455 = arith.addf %add3A_447, %get3A_454 : vector<16xf32>
      %scan3A_456 = arith.constant 3 : i32
      %scan3A_457 = arith.addi %scan3A_432, %scan3A_456 : i32
      %mul3A_458 = arith.constant 16 : i32
      %mul3A_459 = arith.muli %scan3A_457, %mul3A_458 : i32
      %get3A_460 = arith.index_cast %mul3A_459 : i32 to index
      %get3A_461 = tpu.vector_load %arg16[%get3A_460] {strides = array<i32>} : memref<6400xf32, #tpu.memory_space<vmem>>, vector<16xf32>,
      %get3A_462 = vector.shape_cast %get3A_461 : vector<16xf32> to vector<16xf32>
      %add3A_463 = arith.addf %add3A_455, %get3A_462 : vector<16xf32>
      %scan3A_464 = arith.constant 4 : i32
      %scan3A_465 = arith.addi %scan3A_432, %scan3A_464 : i32
      %mul3A_466 = arith.constant 16 : i32
      %mul3A_467 = arith.muli %scan3A_465, %mul3A_466 : i32
      %get3A_468 = arith.index_cast %mul3A_467 : i32 to index
      %get3A_469 = tpu.vector_load %arg16[%get3A_468] {strides = array<i32>} : memref<6400xf32, #tpu.memory_space<vmem>>, vector<16xf32>,
      %get3A_470 = vector.shape_cast %get3A_469 : vector<16xf32> to vector<16xf32>
      %add3A_471 = arith.addf %add3A_463, %get3A_470 : vector<16xf32>
      %scan3A_472 = arith.constant 5 : i32
      %scan3A_473 = arith.addi %scan3A_432, %scan3A_472 : i32
      %mul3A_474 = arith.constant 16 : i32
      %mul3A_475 = arith.muli %scan3A_473, %mul3A_474 : i32
      %get3A_476 = arith.index_cast %mul3A_475 : i32 to index
      %get3A_477 = tpu.vector_load %arg16[%get3A_476] {strides = array<i32>} : memref<6400xf32, #tpu.memory_space<vmem>>, vector<16xf32>,
      %get3A_478 = vector.shape_cast %get3A_477 : vector<16xf32> to vector<16xf32>
      %add3A_479 = arith.addf %add3A_471, %get3A_478 : vector<16xf32>
      %scan3A_480 = arith.constant 6 : i32
      %scan3A_481 = arith.addi %scan3A_432, %scan3A_480 : i32
      %mul3A_482 = arith.constant 16 : i32
      %mul3A_483 = arith.muli %scan3A_481, %mul3A_482 : i32
      %get3A_484 = arith.index_cast %mul3A_483 : i32 to index
      %get3A_485 = tpu.vector_load %arg16[%get3A_484] {strides = array<i32>} : memref<6400xf32, #tpu.memory_space<vmem>>, vector<16xf32>,
      %get3A_486 = vector.shape_cast %get3A_485 : vector<16xf32> to vector<16xf32>
      %add3A_487 = arith.addf %add3A_479, %get3A_486 : vector<16xf32>
      %scan3A_488 = arith.constant 7 : i32
      %scan3A_489 = arith.addi %scan3A_432, %scan3A_488 : i32
      %mul3A_490 = arith.constant 16 : i32
      %mul3A_491 = arith.muli %scan3A_489, %mul3A_490 : i32
      %get3A_492 = arith.index_cast %mul3A_491 : i32 to index
      %get3A_493 = tpu.vector_load %arg16[%get3A_492] {strides = array<i32>} : memref<6400xf32, #tpu.memory_space<vmem>>, vector<16xf32>,
      %get3A_494 = vector.shape_cast %get3A_493 : vector<16xf32> to vector<16xf32>
      %add3A_495 = arith.addf %add3A_487, %get3A_494 : vector<16xf32>
      scf.yield %add3A_495 : vector<16xf32>
    }
    %scan3A_240 = arith.constant 400 : i32
    %dma_wait3A_241 = arith.constant 0 : i32
    %dma_wait3A_242 = tpu.memref_slice %arg2[%dma_wait3A_241] : memref<3276800xi32, #tpu.memory_space<hbm>> -> memref<6416xi32, #tpu.memory_space<hbm>>
    %dma_wait3A_243 = arith.constant 0 : i32
    %dma_wait3A_244 = tpu.memref_slice %arg2[%dma_wait3A_243] : memref<3276800xi32, #tpu.memory_space<hbm>> -> memref<6416xi32, #tpu.memory_space<hbm>>
    tpu.wait_dma2 semaphore(%arg23 : memref<!tpu.dma_semaphore, #tpu.memory_space<semaphore_mem>>) src(%dma_wait3A_244 : memref<6416xi32, #tpu.memory_space<hbm>>) dst(%arg6 : memref<6416xi32, #tpu.memory_space<vmem>>)
    %add3A_245 = arith.constant 70400 : i32
    %add3A_246 = arith.addi %mul3A_2, %add3A_245 : i32
    %dma_start3A_247 = tpu.memref_slice %arg2[%add3A_246] : memref<3276800xi32, #tpu.memory_space<hbm>> -> memref<6416xi32, #tpu.memory_space<hbm>>
    %dma_start3A_248 = tpu.memref_slice %arg2[%add3A_246] : memref<3276800xi32, #tpu.memory_space<hbm>> -> memref<6416xi32, #tpu.memory_space<hbm>>
    tpu.enqueue_dma source(%dma_start3A_248 : memref<6416xi32, #tpu.memory_space<hbm>>) target(%arg7 : memref<6416xi32, #tpu.memory_space<vmem>>) target_semaphore(%arg23 : memref<!tpu.dma_semaphore, #tpu.memory_space<semaphore_mem>>)
    %iota3A_249 = tpu.iota {dimensions = array<i32: 0>} : vector<16xi32>
    %scan3A_250 = arith.constant 0 : i32
    %scan3A_251 = arith.constant 400 : i32
    %scan3A_252 = arith.addi %scan3A_250, %scan3A_251 : i32
    %scan3A_253 = arith.constant 4 : i32
    %scan3A_254 = scf.for %scan3A_432 = %scan3A_250 to %scan3A_252 step %scan3A_253 iter_args(%scan3A_433 = %scan3A_229) -> (vector<16xi32>)  : i32 {
      %mul3A_434 = arith.constant 16 : i32
      %mul3A_435 = arith.muli %scan3A_432, %mul3A_434 : i32
      %get3A_436 = arith.index_cast %mul3A_435 : i32 to index
      %get3A_437 = tpu.vector_load %arg6[%get3A_436] {strides = array<i32>} : memref<6416xi32, #tpu.memory_space<vmem>>, vector<16xi32>,
      %get3A_438 = vector.shape_cast %get3A_437 : vector<16xi32> to vector<16xi32>
      %mul3A_439 = arith.constant 16 : i32
      %mul3A_440 = arith.muli %scan3A_432, %mul3A_439 : i32
      %add3A_441 = arith.constant 1 : i32
      %add3A_442 = arith.addi %mul3A_440, %add3A_441 : i32
      %get3A_443 = arith.index_cast %add3A_442 : i32 to index
      %get3A_444 = tpu.vector_load %arg6[%get3A_443] {strides = array<i32>} : memref<6416xi32, #tpu.memory_space<vmem>>, vector<16xi32>,
      %get3A_445 = vector.shape_cast %get3A_444 : vector<16xi32> to vector<16xi32>
      %eq3A_446 = arith.cmpi eq, %get3A_438, %get3A_12 : vector<16xi32>
      %eq3A_447 = arith.cmpi eq, %get3A_445, %get3A_12 : vector<16xi32>
      %or3A = arith.ori %eq3A_446, %eq3A_447 : vector<16xi1>
      %mul3A_448 = arith.constant 1000 : i32
      %mul3A_449 = vector.broadcast %mul3A_448 : i32 to vector<16xi32>
      %mul3A_450 = arith.muli %get3A_438, %mul3A_449 : vector<16xi32>
      %add3A_451 = arith.addi %mul3A_450, %get3A_445 : vector<16xi32>
      %select_n3A = arith.select %or3A, %iota3A_249, %add3A_451 : vector<16xi1>, vector<16xi32>
      %mul3A_452 = arith.constant 16 : i32
      %mul3A_453 = arith.muli %scan3A_432, %mul3A_452 : i32
      %swap3A_454 = arith.index_cast %mul3A_453 : i32 to index
      %swap3A_455 = tpu.vector_load %arg12[%swap3A_454] {strides = array<i32>} : memref<6400xi32, #tpu.memory_space<vmem>>, vector<16xi32>,
      %swap3A_456 = vector.shape_cast %swap3A_455 : vector<16xi32> to vector<16xi32>
      %swap3A_457 = vector.shape_cast %select_n3A : vector<16xi32> to vector<16xi32>
      tpu.vector_store %arg12[%swap3A_454], %swap3A_457 {strides = array<i32>} : memref<6400xi32, #tpu.memory_space<vmem>>, vector<16xi32>,
      %jit3A = arith.constant 1 : i32
      %jit3A_458 = arith.constant 0 : i32
      %broadcast_in_dim3A_459 = vector.broadcast %jit3A : i32 to vector<16xi32>
      %broadcast_in_dim3A_460 = vector.broadcast %jit3A_458 : i32 to vector<16xi32>
      %select_n3A_461 = arith.select %or3A, %broadcast_in_dim3A_459, %broadcast_in_dim3A_460 : vector<16xi1>, vector<16xi32>
      %add3A_462 = arith.addi %scan3A_433, %select_n3A_461 : vector<16xi32>
      %scan3A_463 = arith.constant 1 : i32
      %scan3A_464 = arith.addi %scan3A_432, %scan3A_463 : i32
      %mul3A_465 = arith.constant 16 : i32
      %mul3A_466 = arith.muli %scan3A_464, %mul3A_465 : i32
      %get3A_467 = arith.index_cast %mul3A_466 : i32 to index
      %get3A_468 = tpu.vector_load %arg6[%get3A_467] {strides = array<i32>} : memref<6416xi32, #tpu.memory_space<vmem>>, vector<16xi32>,
      %get3A_469 = vector.shape_cast %get3A_468 : vector<16xi32> to vector<16xi32>
      %mul3A_470 = arith.constant 16 : i32
      %mul3A_471 = arith.muli %scan3A_464, %mul3A_470 : i32
      %add3A_472 = arith.constant 1 : i32
      %add3A_473 = arith.addi %mul3A_471, %add3A_472 : i32
      %get3A_474 = arith.index_cast %add3A_473 : i32 to index
      %get3A_475 = tpu.vector_load %arg6[%get3A_474] {strides = array<i32>} : memref<6416xi32, #tpu.memory_space<vmem>>, vector<16xi32>,
      %get3A_476 = vector.shape_cast %get3A_475 : vector<16xi32> to vector<16xi32>
      %eq3A_477 = arith.cmpi eq, %get3A_469, %get3A_12 : vector<16xi32>
      %eq3A_478 = arith.cmpi eq, %get3A_476, %get3A_12 : vector<16xi32>
      %or3A_479 = arith.ori %eq3A_477, %eq3A_478 : vector<16xi1>
      %mul3A_480 = arith.constant 1000 : i32
      %mul3A_481 = vector.broadcast %mul3A_480 : i32 to vector<16xi32>
      %mul3A_482 = arith.muli %get3A_469, %mul3A_481 : vector<16xi32>
      %add3A_483 = arith.addi %mul3A_482, %get3A_476 : vector<16xi32>
      %select_n3A_484 = arith.select %or3A_479, %iota3A_249, %add3A_483 : vector<16xi1>, vector<16xi32>
      %mul3A_485 = arith.constant 16 : i32
      %mul3A_486 = arith.muli %scan3A_464, %mul3A_485 : i32
      %swap3A_487 = arith.index_cast %mul3A_486 : i32 to index
      %swap3A_488 = tpu.vector_load %arg12[%swap3A_487] {strides = array<i32>} : memref<6400xi32, #tpu.memory_space<vmem>>, vector<16xi32>,
      %swap3A_489 = vector.shape_cast %swap3A_488 : vector<16xi32> to vector<16xi32>
      %swap3A_490 = vector.shape_cast %select_n3A_484 : vector<16xi32> to vector<16xi32>
      tpu.vector_store %arg12[%swap3A_487], %swap3A_490 {strides = array<i32>} : memref<6400xi32, #tpu.memory_space<vmem>>, vector<16xi32>,
      %jit3A_491 = arith.constant 1 : i32
      %jit3A_492 = arith.constant 0 : i32
      %broadcast_in_dim3A_493 = vector.broadcast %jit3A_491 : i32 to vector<16xi32>
      %broadcast_in_dim3A_494 = vector.broadcast %jit3A_492 : i32 to vector<16xi32>
      %select_n3A_495 = arith.select %or3A_479, %broadcast_in_dim3A_493, %broadcast_in_dim3A_494 : vector<16xi1>, vector<16xi32>
      %add3A_496 = arith.addi %add3A_462, %select_n3A_495 : vector<16xi32>
      %scan3A_497 = arith.constant 2 : i32
      %scan3A_498 = arith.addi %scan3A_432, %scan3A_497 : i32
      %mul3A_499 = arith.constant 16 : i32
      %mul3A_500 = arith.muli %scan3A_498, %mul3A_499 : i32
      %get3A_501 = arith.index_cast %mul3A_500 : i32 to index
      %get3A_502 = tpu.vector_load %arg6[%get3A_501] {strides = array<i32>} : memref<6416xi32, #tpu.memory_space<vmem>>, vector<16xi32>,
      %get3A_503 = vector.shape_cast %get3A_502 : vector<16xi32> to vector<16xi32>
      %mul3A_504 = arith.constant 16 : i32
      %mul3A_505 = arith.muli %scan3A_498, %mul3A_504 : i32
      %add3A_506 = arith.constant 1 : i32
      %add3A_507 = arith.addi %mul3A_505, %add3A_506 : i32
      %get3A_508 = arith.index_cast %add3A_507 : i32 to index
      %get3A_509 = tpu.vector_load %arg6[%get3A_508] {strides = array<i32>} : memref<6416xi32, #tpu.memory_space<vmem>>, vector<16xi32>,
      %get3A_510 = vector.shape_cast %get3A_509 : vector<16xi32> to vector<16xi32>
      %eq3A_511 = arith.cmpi eq, %get3A_503, %get3A_12 : vector<16xi32>
      %eq3A_512 = arith.cmpi eq, %get3A_510, %get3A_12 : vector<16xi32>
      %or3A_513 = arith.ori %eq3A_511, %eq3A_512 : vector<16xi1>
      %mul3A_514 = arith.constant 1000 : i32
      %mul3A_515 = vector.broadcast %mul3A_514 : i32 to vector<16xi32>
      %mul3A_516 = arith.muli %get3A_503, %mul3A_515 : vector<16xi32>
      %add3A_517 = arith.addi %mul3A_516, %get3A_510 : vector<16xi32>
      %select_n3A_518 = arith.select %or3A_513, %iota3A_249, %add3A_517 : vector<16xi1>, vector<16xi32>
      %mul3A_519 = arith.constant 16 : i32
      %mul3A_520 = arith.muli %scan3A_498, %mul3A_519 : i32
      %swap3A_521 = arith.index_cast %mul3A_520 : i32 to index
      %swap3A_522 = tpu.vector_load %arg12[%swap3A_521] {strides = array<i32>} : memref<6400xi32, #tpu.memory_space<vmem>>, vector<16xi32>,
      %swap3A_523 = vector.shape_cast %swap3A_522 : vector<16xi32> to vector<16xi32>
      %swap3A_524 = vector.shape_cast %select_n3A_518 : vector<16xi32> to vector<16xi32>
      tpu.vector_store %arg12[%swap3A_521], %swap3A_524 {strides = array<i32>} : memref<6400xi32, #tpu.memory_space<vmem>>, vector<16xi32>,
      %jit3A_525 = arith.constant 1 : i32
      %jit3A_526 = arith.constant 0 : i32
      %broadcast_in_dim3A_527 = vector.broadcast %jit3A_525 : i32 to vector<16xi32>
      %broadcast_in_dim3A_528 = vector.broadcast %jit3A_526 : i32 to vector<16xi32>
      %select_n3A_529 = arith.select %or3A_513, %broadcast_in_dim3A_527, %broadcast_in_dim3A_528 : vector<16xi1>, vector<16xi32>
      %add3A_530 = arith.addi %add3A_496, %select_n3A_529 : vector<16xi32>
      %scan3A_531 = arith.constant 3 : i32
      %scan3A_532 = arith.addi %scan3A_432, %scan3A_531 : i32
      %mul3A_533 = arith.constant 16 : i32
      %mul3A_534 = arith.muli %scan3A_532, %mul3A_533 : i32
      %get3A_535 = arith.index_cast %mul3A_534 : i32 to index
      %get3A_536 = tpu.vector_load %arg6[%get3A_535] {strides = array<i32>} : memref<6416xi32, #tpu.memory_space<vmem>>, vector<16xi32>,
      %get3A_537 = vector.shape_cast %get3A_536 : vector<16xi32> to vector<16xi32>
      %mul3A_538 = arith.constant 16 : i32
      %mul3A_539 = arith.muli %scan3A_532, %mul3A_538 : i32
      %add3A_540 = arith.constant 1 : i32
      %add3A_541 = arith.addi %mul3A_539, %add3A_540 : i32
      %get3A_542 = arith.index_cast %add3A_541 : i32 to index
      %get3A_543 = tpu.vector_load %arg6[%get3A_542] {strides = array<i32>} : memref<6416xi32, #tpu.memory_space<vmem>>, vector<16xi32>,
      %get3A_544 = vector.shape_cast %get3A_543 : vector<16xi32> to vector<16xi32>
      %eq3A_545 = arith.cmpi eq, %get3A_537, %get3A_12 : vector<16xi32>
      %eq3A_546 = arith.cmpi eq, %get3A_544, %get3A_12 : vector<16xi32>
      %or3A_547 = arith.ori %eq3A_545, %eq3A_546 : vector<16xi1>
      %mul3A_548 = arith.constant 1000 : i32
      %mul3A_549 = vector.broadcast %mul3A_548 : i32 to vector<16xi32>
      %mul3A_550 = arith.muli %get3A_537, %mul3A_549 : vector<16xi32>
      %add3A_551 = arith.addi %mul3A_550, %get3A_544 : vector<16xi32>
      %select_n3A_552 = arith.select %or3A_547, %iota3A_249, %add3A_551 : vector<16xi1>, vector<16xi32>
      %mul3A_553 = arith.constant 16 : i32
      %mul3A_554 = arith.muli %scan3A_532, %mul3A_553 : i32
      %swap3A_555 = arith.index_cast %mul3A_554 : i32 to index
      %swap3A_556 = tpu.vector_load %arg12[%swap3A_555] {strides = array<i32>} : memref<6400xi32, #tpu.memory_space<vmem>>, vector<16xi32>,
      %swap3A_557 = vector.shape_cast %swap3A_556 : vector<16xi32> to vector<16xi32>
      %swap3A_558 = vector.shape_cast %select_n3A_552 : vector<16xi32> to vector<16xi32>
      tpu.vector_store %arg12[%swap3A_555], %swap3A_558 {strides = array<i32>} : memref<6400xi32, #tpu.memory_space<vmem>>, vector<16xi32>,
      %jit3A_559 = arith.constant 1 : i32
      %jit3A_560 = arith.constant 0 : i32
      %broadcast_in_dim3A_561 = vector.broadcast %jit3A_559 : i32 to vector<16xi32>
      %broadcast_in_dim3A_562 = vector.broadcast %jit3A_560 : i32 to vector<16xi32>
      %select_n3A_563 = arith.select %or3A_547, %broadcast_in_dim3A_561, %broadcast_in_dim3A_562 : vector<16xi1>, vector<16xi32>
      %add3A_564 = arith.addi %add3A_530, %select_n3A_563 : vector<16xi32>
      scf.yield %add3A_564 : vector<16xi32>
    }
    %scan3A_255 = arith.constant 400 : i32
    %dma_wait3A_256 = arith.constant 0 : i32
    %dma_wait3A_257 = tpu.memref_slice %arg19[%dma_wait3A_256] : memref<1000000xf32, #tpu.memory_space<vmem_shared>> -> memref<1000000xf32, #tpu.memory_space<vmem_shared>>
    tpu.wait_indirect_dma semaphore(%arg21 : memref<!tpu.dma_semaphore, #tpu.memory_space<semaphore_mem>>) src(%dma_wait3A_257 : memref<1000000xf32, #tpu.memory_space<vmem_shared>>) dst(%arg17 : memref<6400xf32, #tpu.memory_space<vmem>>)
    %dma_start3A_258 = arith.constant 0 : i32
    %dma_start3A_259 = tpu.memref_slice %arg19[%dma_start3A_258] : memref<1000000xf32, #tpu.memory_space<vmem_shared>> -> memref<1000000xf32, #tpu.memory_space<vmem_shared>>
    tpu.enqueue_indirect_dma source(%dma_start3A_259 : memref<1000000xf32, #tpu.memory_space<vmem_shared>>) target(%arg16 : memref<6400xf32, #tpu.memory_space<vmem>>) offsets(%arg12 : memref<6400xi32, #tpu.memory_space<vmem>>) semaphore(%arg21 : memref<!tpu.dma_semaphore, #tpu.memory_space<semaphore_mem>>)
    %scan3A_260 = arith.constant 0 : i32
    %scan3A_261 = arith.constant 400 : i32
    %scan3A_262 = arith.addi %scan3A_260, %scan3A_261 : i32
    %scan3A_263 = arith.constant 8 : i32
    %scan3A_264 = scf.for %scan3A_432 = %scan3A_260 to %scan3A_262 step %scan3A_263 iter_args(%scan3A_433 = %scan3A_239) -> (vector<16xf32>)  : i32 {
      %mul3A_434 = arith.constant 16 : i32
      %mul3A_435 = arith.muli %scan3A_432, %mul3A_434 : i32
      %get3A_436 = arith.index_cast %mul3A_435 : i32 to index
      %get3A_437 = tpu.vector_load %arg17[%get3A_436] {strides = array<i32>} : memref<6400xf32, #tpu.memory_space<vmem>>, vector<16xf32>,
      %get3A_438 = vector.shape_cast %get3A_437 : vector<16xf32> to vector<16xf32>
      %add3A_439 = arith.addf %scan3A_433, %get3A_438 : vector<16xf32>
      %scan3A_440 = arith.constant 1 : i32
      %scan3A_441 = arith.addi %scan3A_432, %scan3A_440 : i32
      %mul3A_442 = arith.constant 16 : i32
      %mul3A_443 = arith.muli %scan3A_441, %mul3A_442 : i32
      %get3A_444 = arith.index_cast %mul3A_443 : i32 to index
      %get3A_445 = tpu.vector_load %arg17[%get3A_444] {strides = array<i32>} : memref<6400xf32, #tpu.memory_space<vmem>>, vector<16xf32>,
      %get3A_446 = vector.shape_cast %get3A_445 : vector<16xf32> to vector<16xf32>
      %add3A_447 = arith.addf %add3A_439, %get3A_446 : vector<16xf32>
      %scan3A_448 = arith.constant 2 : i32
      %scan3A_449 = arith.addi %scan3A_432, %scan3A_448 : i32
      %mul3A_450 = arith.constant 16 : i32
      %mul3A_451 = arith.muli %scan3A_449, %mul3A_450 : i32
      %get3A_452 = arith.index_cast %mul3A_451 : i32 to index
      %get3A_453 = tpu.vector_load %arg17[%get3A_452] {strides = array<i32>} : memref<6400xf32, #tpu.memory_space<vmem>>, vector<16xf32>,
      %get3A_454 = vector.shape_cast %get3A_453 : vector<16xf32> to vector<16xf32>
      %add3A_455 = arith.addf %add3A_447, %get3A_454 : vector<16xf32>
      %scan3A_456 = arith.constant 3 : i32
      %scan3A_457 = arith.addi %scan3A_432, %scan3A_456 : i32
      %mul3A_458 = arith.constant 16 : i32
      %mul3A_459 = arith.muli %scan3A_457, %mul3A_458 : i32
      %get3A_460 = arith.index_cast %mul3A_459 : i32 to index
      %get3A_461 = tpu.vector_load %arg17[%get3A_460] {strides = array<i32>} : memref<6400xf32, #tpu.memory_space<vmem>>, vector<16xf32>,
      %get3A_462 = vector.shape_cast %get3A_461 : vector<16xf32> to vector<16xf32>
      %add3A_463 = arith.addf %add3A_455, %get3A_462 : vector<16xf32>
      %scan3A_464 = arith.constant 4 : i32
      %scan3A_465 = arith.addi %scan3A_432, %scan3A_464 : i32
      %mul3A_466 = arith.constant 16 : i32
      %mul3A_467 = arith.muli %scan3A_465, %mul3A_466 : i32
      %get3A_468 = arith.index_cast %mul3A_467 : i32 to index
      %get3A_469 = tpu.vector_load %arg17[%get3A_468] {strides = array<i32>} : memref<6400xf32, #tpu.memory_space<vmem>>, vector<16xf32>,
      %get3A_470 = vector.shape_cast %get3A_469 : vector<16xf32> to vector<16xf32>
      %add3A_471 = arith.addf %add3A_463, %get3A_470 : vector<16xf32>
      %scan3A_472 = arith.constant 5 : i32
      %scan3A_473 = arith.addi %scan3A_432, %scan3A_472 : i32
      %mul3A_474 = arith.constant 16 : i32
      %mul3A_475 = arith.muli %scan3A_473, %mul3A_474 : i32
      %get3A_476 = arith.index_cast %mul3A_475 : i32 to index
      %get3A_477 = tpu.vector_load %arg17[%get3A_476] {strides = array<i32>} : memref<6400xf32, #tpu.memory_space<vmem>>, vector<16xf32>,
      %get3A_478 = vector.shape_cast %get3A_477 : vector<16xf32> to vector<16xf32>
      %add3A_479 = arith.addf %add3A_471, %get3A_478 : vector<16xf32>
      %scan3A_480 = arith.constant 6 : i32
      %scan3A_481 = arith.addi %scan3A_432, %scan3A_480 : i32
      %mul3A_482 = arith.constant 16 : i32
      %mul3A_483 = arith.muli %scan3A_481, %mul3A_482 : i32
      %get3A_484 = arith.index_cast %mul3A_483 : i32 to index
      %get3A_485 = tpu.vector_load %arg17[%get3A_484] {strides = array<i32>} : memref<6400xf32, #tpu.memory_space<vmem>>, vector<16xf32>,
      %get3A_486 = vector.shape_cast %get3A_485 : vector<16xf32> to vector<16xf32>
      %add3A_487 = arith.addf %add3A_479, %get3A_486 : vector<16xf32>
      %scan3A_488 = arith.constant 7 : i32
      %scan3A_489 = arith.addi %scan3A_432, %scan3A_488 : i32
      %mul3A_490 = arith.constant 16 : i32
      %mul3A_491 = arith.muli %scan3A_489, %mul3A_490 : i32
      %get3A_492 = arith.index_cast %mul3A_491 : i32 to index
      %get3A_493 = tpu.vector_load %arg17[%get3A_492] {strides = array<i32>} : memref<6400xf32, #tpu.memory_space<vmem>>, vector<16xf32>,
      %get3A_494 = vector.shape_cast %get3A_493 : vector<16xf32> to vector<16xf32>
      %add3A_495 = arith.addf %add3A_487, %get3A_494 : vector<16xf32>
      scf.yield %add3A_495 : vector<16xf32>
    }
    %scan3A_265 = arith.constant 400 : i32
    %dma_wait3A_266 = arith.constant 0 : i32
    %dma_wait3A_267 = tpu.memref_slice %arg2[%dma_wait3A_266] : memref<3276800xi32, #tpu.memory_space<hbm>> -> memref<6416xi32, #tpu.memory_space<hbm>>
    %dma_wait3A_268 = arith.constant 0 : i32
    %dma_wait3A_269 = tpu.memref_slice %arg2[%dma_wait3A_268] : memref<3276800xi32, #tpu.memory_space<hbm>> -> memref<6416xi32, #tpu.memory_space<hbm>>
    tpu.wait_dma2 semaphore(%arg23 : memref<!tpu.dma_semaphore, #tpu.memory_space<semaphore_mem>>) src(%dma_wait3A_269 : memref<6416xi32, #tpu.memory_space<hbm>>) dst(%arg7 : memref<6416xi32, #tpu.memory_space<vmem>>)
    %add3A_270 = arith.constant 76800 : i32
    %add3A_271 = arith.addi %mul3A_2, %add3A_270 : i32
    %dma_start3A_272 = tpu.memref_slice %arg2[%add3A_271] : memref<3276800xi32, #tpu.memory_space<hbm>> -> memref<6416xi32, #tpu.memory_space<hbm>>
    %dma_start3A_273 = tpu.memref_slice %arg2[%add3A_271] : memref<3276800xi32, #tpu.memory_space<hbm>> -> memref<6416xi32, #tpu.memory_space<hbm>>
    tpu.enqueue_dma source(%dma_start3A_273 : memref<6416xi32, #tpu.memory_space<hbm>>) target(%arg6 : memref<6416xi32, #tpu.memory_space<vmem>>) target_semaphore(%arg23 : memref<!tpu.dma_semaphore, #tpu.memory_space<semaphore_mem>>)
    %iota3A_274 = tpu.iota {dimensions = array<i32: 0>} : vector<16xi32>
    %scan3A_275 = arith.constant 0 : i32
    %scan3A_276 = arith.constant 400 : i32
    %scan3A_277 = arith.addi %scan3A_275, %scan3A_276 : i32
    %scan3A_278 = arith.constant 4 : i32
    %scan3A_279 = scf.for %scan3A_432 = %scan3A_275 to %scan3A_277 step %scan3A_278 iter_args(%scan3A_433 = %scan3A_254) -> (vector<16xi32>)  : i32 {
      %mul3A_434 = arith.constant 16 : i32
      %mul3A_435 = arith.muli %scan3A_432, %mul3A_434 : i32
      %get3A_436 = arith.index_cast %mul3A_435 : i32 to index
      %get3A_437 = tpu.vector_load %arg7[%get3A_436] {strides = array<i32>} : memref<6416xi32, #tpu.memory_space<vmem>>, vector<16xi32>,
      %get3A_438 = vector.shape_cast %get3A_437 : vector<16xi32> to vector<16xi32>
      %mul3A_439 = arith.constant 16 : i32
      %mul3A_440 = arith.muli %scan3A_432, %mul3A_439 : i32
      %add3A_441 = arith.constant 1 : i32
      %add3A_442 = arith.addi %mul3A_440, %add3A_441 : i32
      %get3A_443 = arith.index_cast %add3A_442 : i32 to index
      %get3A_444 = tpu.vector_load %arg7[%get3A_443] {strides = array<i32>} : memref<6416xi32, #tpu.memory_space<vmem>>, vector<16xi32>,
      %get3A_445 = vector.shape_cast %get3A_444 : vector<16xi32> to vector<16xi32>
      %eq3A_446 = arith.cmpi eq, %get3A_438, %get3A_12 : vector<16xi32>
      %eq3A_447 = arith.cmpi eq, %get3A_445, %get3A_12 : vector<16xi32>
      %or3A = arith.ori %eq3A_446, %eq3A_447 : vector<16xi1>
      %mul3A_448 = arith.constant 1000 : i32
      %mul3A_449 = vector.broadcast %mul3A_448 : i32 to vector<16xi32>
      %mul3A_450 = arith.muli %get3A_438, %mul3A_449 : vector<16xi32>
      %add3A_451 = arith.addi %mul3A_450, %get3A_445 : vector<16xi32>
      %select_n3A = arith.select %or3A, %iota3A_274, %add3A_451 : vector<16xi1>, vector<16xi32>
      %mul3A_452 = arith.constant 16 : i32
      %mul3A_453 = arith.muli %scan3A_432, %mul3A_452 : i32
      %swap3A_454 = arith.index_cast %mul3A_453 : i32 to index
      %swap3A_455 = tpu.vector_load %arg13[%swap3A_454] {strides = array<i32>} : memref<6400xi32, #tpu.memory_space<vmem>>, vector<16xi32>,
      %swap3A_456 = vector.shape_cast %swap3A_455 : vector<16xi32> to vector<16xi32>
      %swap3A_457 = vector.shape_cast %select_n3A : vector<16xi32> to vector<16xi32>
      tpu.vector_store %arg13[%swap3A_454], %swap3A_457 {strides = array<i32>} : memref<6400xi32, #tpu.memory_space<vmem>>, vector<16xi32>,
      %jit3A = arith.constant 1 : i32
      %jit3A_458 = arith.constant 0 : i32
      %broadcast_in_dim3A_459 = vector.broadcast %jit3A : i32 to vector<16xi32>
      %broadcast_in_dim3A_460 = vector.broadcast %jit3A_458 : i32 to vector<16xi32>
      %select_n3A_461 = arith.select %or3A, %broadcast_in_dim3A_459, %broadcast_in_dim3A_460 : vector<16xi1>, vector<16xi32>
      %add3A_462 = arith.addi %scan3A_433, %select_n3A_461 : vector<16xi32>
      %scan3A_463 = arith.constant 1 : i32
      %scan3A_464 = arith.addi %scan3A_432, %scan3A_463 : i32
      %mul3A_465 = arith.constant 16 : i32
      %mul3A_466 = arith.muli %scan3A_464, %mul3A_465 : i32
      %get3A_467 = arith.index_cast %mul3A_466 : i32 to index
      %get3A_468 = tpu.vector_load %arg7[%get3A_467] {strides = array<i32>} : memref<6416xi32, #tpu.memory_space<vmem>>, vector<16xi32>,
      %get3A_469 = vector.shape_cast %get3A_468 : vector<16xi32> to vector<16xi32>
      %mul3A_470 = arith.constant 16 : i32
      %mul3A_471 = arith.muli %scan3A_464, %mul3A_470 : i32
      %add3A_472 = arith.constant 1 : i32
      %add3A_473 = arith.addi %mul3A_471, %add3A_472 : i32
      %get3A_474 = arith.index_cast %add3A_473 : i32 to index
      %get3A_475 = tpu.vector_load %arg7[%get3A_474] {strides = array<i32>} : memref<6416xi32, #tpu.memory_space<vmem>>, vector<16xi32>,
      %get3A_476 = vector.shape_cast %get3A_475 : vector<16xi32> to vector<16xi32>
      %eq3A_477 = arith.cmpi eq, %get3A_469, %get3A_12 : vector<16xi32>
      %eq3A_478 = arith.cmpi eq, %get3A_476, %get3A_12 : vector<16xi32>
      %or3A_479 = arith.ori %eq3A_477, %eq3A_478 : vector<16xi1>
      %mul3A_480 = arith.constant 1000 : i32
      %mul3A_481 = vector.broadcast %mul3A_480 : i32 to vector<16xi32>
      %mul3A_482 = arith.muli %get3A_469, %mul3A_481 : vector<16xi32>
      %add3A_483 = arith.addi %mul3A_482, %get3A_476 : vector<16xi32>
      %select_n3A_484 = arith.select %or3A_479, %iota3A_274, %add3A_483 : vector<16xi1>, vector<16xi32>
      %mul3A_485 = arith.constant 16 : i32
      %mul3A_486 = arith.muli %scan3A_464, %mul3A_485 : i32
      %swap3A_487 = arith.index_cast %mul3A_486 : i32 to index
      %swap3A_488 = tpu.vector_load %arg13[%swap3A_487] {strides = array<i32>} : memref<6400xi32, #tpu.memory_space<vmem>>, vector<16xi32>,
      %swap3A_489 = vector.shape_cast %swap3A_488 : vector<16xi32> to vector<16xi32>
      %swap3A_490 = vector.shape_cast %select_n3A_484 : vector<16xi32> to vector<16xi32>
      tpu.vector_store %arg13[%swap3A_487], %swap3A_490 {strides = array<i32>} : memref<6400xi32, #tpu.memory_space<vmem>>, vector<16xi32>,
      %jit3A_491 = arith.constant 1 : i32
      %jit3A_492 = arith.constant 0 : i32
      %broadcast_in_dim3A_493 = vector.broadcast %jit3A_491 : i32 to vector<16xi32>
      %broadcast_in_dim3A_494 = vector.broadcast %jit3A_492 : i32 to vector<16xi32>
      %select_n3A_495 = arith.select %or3A_479, %broadcast_in_dim3A_493, %broadcast_in_dim3A_494 : vector<16xi1>, vector<16xi32>
      %add3A_496 = arith.addi %add3A_462, %select_n3A_495 : vector<16xi32>
      %scan3A_497 = arith.constant 2 : i32
      %scan3A_498 = arith.addi %scan3A_432, %scan3A_497 : i32
      %mul3A_499 = arith.constant 16 : i32
      %mul3A_500 = arith.muli %scan3A_498, %mul3A_499 : i32
      %get3A_501 = arith.index_cast %mul3A_500 : i32 to index
      %get3A_502 = tpu.vector_load %arg7[%get3A_501] {strides = array<i32>} : memref<6416xi32, #tpu.memory_space<vmem>>, vector<16xi32>,
      %get3A_503 = vector.shape_cast %get3A_502 : vector<16xi32> to vector<16xi32>
      %mul3A_504 = arith.constant 16 : i32
      %mul3A_505 = arith.muli %scan3A_498, %mul3A_504 : i32
      %add3A_506 = arith.constant 1 : i32
      %add3A_507 = arith.addi %mul3A_505, %add3A_506 : i32
      %get3A_508 = arith.index_cast %add3A_507 : i32 to index
      %get3A_509 = tpu.vector_load %arg7[%get3A_508] {strides = array<i32>} : memref<6416xi32, #tpu.memory_space<vmem>>, vector<16xi32>,
      %get3A_510 = vector.shape_cast %get3A_509 : vector<16xi32> to vector<16xi32>
      %eq3A_511 = arith.cmpi eq, %get3A_503, %get3A_12 : vector<16xi32>
      %eq3A_512 = arith.cmpi eq, %get3A_510, %get3A_12 : vector<16xi32>
      %or3A_513 = arith.ori %eq3A_511, %eq3A_512 : vector<16xi1>
      %mul3A_514 = arith.constant 1000 : i32
      %mul3A_515 = vector.broadcast %mul3A_514 : i32 to vector<16xi32>
      %mul3A_516 = arith.muli %get3A_503, %mul3A_515 : vector<16xi32>
      %add3A_517 = arith.addi %mul3A_516, %get3A_510 : vector<16xi32>
      %select_n3A_518 = arith.select %or3A_513, %iota3A_274, %add3A_517 : vector<16xi1>, vector<16xi32>
      %mul3A_519 = arith.constant 16 : i32
      %mul3A_520 = arith.muli %scan3A_498, %mul3A_519 : i32
      %swap3A_521 = arith.index_cast %mul3A_520 : i32 to index
      %swap3A_522 = tpu.vector_load %arg13[%swap3A_521] {strides = array<i32>} : memref<6400xi32, #tpu.memory_space<vmem>>, vector<16xi32>,
      %swap3A_523 = vector.shape_cast %swap3A_522 : vector<16xi32> to vector<16xi32>
      %swap3A_524 = vector.shape_cast %select_n3A_518 : vector<16xi32> to vector<16xi32>
      tpu.vector_store %arg13[%swap3A_521], %swap3A_524 {strides = array<i32>} : memref<6400xi32, #tpu.memory_space<vmem>>, vector<16xi32>,
      %jit3A_525 = arith.constant 1 : i32
      %jit3A_526 = arith.constant 0 : i32
      %broadcast_in_dim3A_527 = vector.broadcast %jit3A_525 : i32 to vector<16xi32>
      %broadcast_in_dim3A_528 = vector.broadcast %jit3A_526 : i32 to vector<16xi32>
      %select_n3A_529 = arith.select %or3A_513, %broadcast_in_dim3A_527, %broadcast_in_dim3A_528 : vector<16xi1>, vector<16xi32>
      %add3A_530 = arith.addi %add3A_496, %select_n3A_529 : vector<16xi32>
      %scan3A_531 = arith.constant 3 : i32
      %scan3A_532 = arith.addi %scan3A_432, %scan3A_531 : i32
      %mul3A_533 = arith.constant 16 : i32
      %mul3A_534 = arith.muli %scan3A_532, %mul3A_533 : i32
      %get3A_535 = arith.index_cast %mul3A_534 : i32 to index
      %get3A_536 = tpu.vector_load %arg7[%get3A_535] {strides = array<i32>} : memref<6416xi32, #tpu.memory_space<vmem>>, vector<16xi32>,
      %get3A_537 = vector.shape_cast %get3A_536 : vector<16xi32> to vector<16xi32>
      %mul3A_538 = arith.constant 16 : i32
      %mul3A_539 = arith.muli %scan3A_532, %mul3A_538 : i32
      %add3A_540 = arith.constant 1 : i32
      %add3A_541 = arith.addi %mul3A_539, %add3A_540 : i32
      %get3A_542 = arith.index_cast %add3A_541 : i32 to index
      %get3A_543 = tpu.vector_load %arg7[%get3A_542] {strides = array<i32>} : memref<6416xi32, #tpu.memory_space<vmem>>, vector<16xi32>,
      %get3A_544 = vector.shape_cast %get3A_543 : vector<16xi32> to vector<16xi32>
      %eq3A_545 = arith.cmpi eq, %get3A_537, %get3A_12 : vector<16xi32>
      %eq3A_546 = arith.cmpi eq, %get3A_544, %get3A_12 : vector<16xi32>
      %or3A_547 = arith.ori %eq3A_545, %eq3A_546 : vector<16xi1>
      %mul3A_548 = arith.constant 1000 : i32
      %mul3A_549 = vector.broadcast %mul3A_548 : i32 to vector<16xi32>
      %mul3A_550 = arith.muli %get3A_537, %mul3A_549 : vector<16xi32>
      %add3A_551 = arith.addi %mul3A_550, %get3A_544 : vector<16xi32>
      %select_n3A_552 = arith.select %or3A_547, %iota3A_274, %add3A_551 : vector<16xi1>, vector<16xi32>
      %mul3A_553 = arith.constant 16 : i32
      %mul3A_554 = arith.muli %scan3A_532, %mul3A_553 : i32
      %swap3A_555 = arith.index_cast %mul3A_554 : i32 to index
      %swap3A_556 = tpu.vector_load %arg13[%swap3A_555] {strides = array<i32>} : memref<6400xi32, #tpu.memory_space<vmem>>, vector<16xi32>,
      %swap3A_557 = vector.shape_cast %swap3A_556 : vector<16xi32> to vector<16xi32>
      %swap3A_558 = vector.shape_cast %select_n3A_552 : vector<16xi32> to vector<16xi32>
      tpu.vector_store %arg13[%swap3A_555], %swap3A_558 {strides = array<i32>} : memref<6400xi32, #tpu.memory_space<vmem>>, vector<16xi32>,
      %jit3A_559 = arith.constant 1 : i32
      %jit3A_560 = arith.constant 0 : i32
      %broadcast_in_dim3A_561 = vector.broadcast %jit3A_559 : i32 to vector<16xi32>
      %broadcast_in_dim3A_562 = vector.broadcast %jit3A_560 : i32 to vector<16xi32>
      %select_n3A_563 = arith.select %or3A_547, %broadcast_in_dim3A_561, %broadcast_in_dim3A_562 : vector<16xi1>, vector<16xi32>
      %add3A_564 = arith.addi %add3A_530, %select_n3A_563 : vector<16xi32>
      scf.yield %add3A_564 : vector<16xi32>
    }
    %scan3A_280 = arith.constant 400 : i32
    %dma_wait3A_281 = arith.constant 0 : i32
    %dma_wait3A_282 = tpu.memref_slice %arg19[%dma_wait3A_281] : memref<1000000xf32, #tpu.memory_space<vmem_shared>> -> memref<1000000xf32, #tpu.memory_space<vmem_shared>>
    tpu.wait_indirect_dma semaphore(%arg22 : memref<!tpu.dma_semaphore, #tpu.memory_space<semaphore_mem>>) src(%dma_wait3A_282 : memref<1000000xf32, #tpu.memory_space<vmem_shared>>) dst(%arg14 : memref<6400xf32, #tpu.memory_space<vmem>>)
    %dma_start3A_283 = arith.constant 0 : i32
    %dma_start3A_284 = tpu.memref_slice %arg19[%dma_start3A_283] : memref<1000000xf32, #tpu.memory_space<vmem_shared>> -> memref<1000000xf32, #tpu.memory_space<vmem_shared>>
    tpu.enqueue_indirect_dma source(%dma_start3A_284 : memref<1000000xf32, #tpu.memory_space<vmem_shared>>) target(%arg17 : memref<6400xf32, #tpu.memory_space<vmem>>) offsets(%arg13 : memref<6400xi32, #tpu.memory_space<vmem>>) semaphore(%arg22 : memref<!tpu.dma_semaphore, #tpu.memory_space<semaphore_mem>>)
    %scan3A_285 = arith.constant 0 : i32
    %scan3A_286 = arith.constant 400 : i32
    %scan3A_287 = arith.addi %scan3A_285, %scan3A_286 : i32
    %scan3A_288 = arith.constant 8 : i32
    %scan3A_289 = scf.for %scan3A_432 = %scan3A_285 to %scan3A_287 step %scan3A_288 iter_args(%scan3A_433 = %scan3A_264) -> (vector<16xf32>)  : i32 {
      %mul3A_434 = arith.constant 16 : i32
      %mul3A_435 = arith.muli %scan3A_432, %mul3A_434 : i32
      %get3A_436 = arith.index_cast %mul3A_435 : i32 to index
      %get3A_437 = tpu.vector_load %arg14[%get3A_436] {strides = array<i32>} : memref<6400xf32, #tpu.memory_space<vmem>>, vector<16xf32>,
      %get3A_438 = vector.shape_cast %get3A_437 : vector<16xf32> to vector<16xf32>
      %add3A_439 = arith.addf %scan3A_433, %get3A_438 : vector<16xf32>
      %scan3A_440 = arith.constant 1 : i32
      %scan3A_441 = arith.addi %scan3A_432, %scan3A_440 : i32
      %mul3A_442 = arith.constant 16 : i32
      %mul3A_443 = arith.muli %scan3A_441, %mul3A_442 : i32
      %get3A_444 = arith.index_cast %mul3A_443 : i32 to index
      %get3A_445 = tpu.vector_load %arg14[%get3A_444] {strides = array<i32>} : memref<6400xf32, #tpu.memory_space<vmem>>, vector<16xf32>,
      %get3A_446 = vector.shape_cast %get3A_445 : vector<16xf32> to vector<16xf32>
      %add3A_447 = arith.addf %add3A_439, %get3A_446 : vector<16xf32>
      %scan3A_448 = arith.constant 2 : i32
      %scan3A_449 = arith.addi %scan3A_432, %scan3A_448 : i32
      %mul3A_450 = arith.constant 16 : i32
      %mul3A_451 = arith.muli %scan3A_449, %mul3A_450 : i32
      %get3A_452 = arith.index_cast %mul3A_451 : i32 to index
      %get3A_453 = tpu.vector_load %arg14[%get3A_452] {strides = array<i32>} : memref<6400xf32, #tpu.memory_space<vmem>>, vector<16xf32>,
      %get3A_454 = vector.shape_cast %get3A_453 : vector<16xf32> to vector<16xf32>
      %add3A_455 = arith.addf %add3A_447, %get3A_454 : vector<16xf32>
      %scan3A_456 = arith.constant 3 : i32
      %scan3A_457 = arith.addi %scan3A_432, %scan3A_456 : i32
      %mul3A_458 = arith.constant 16 : i32
      %mul3A_459 = arith.muli %scan3A_457, %mul3A_458 : i32
      %get3A_460 = arith.index_cast %mul3A_459 : i32 to index
      %get3A_461 = tpu.vector_load %arg14[%get3A_460] {strides = array<i32>} : memref<6400xf32, #tpu.memory_space<vmem>>, vector<16xf32>,
      %get3A_462 = vector.shape_cast %get3A_461 : vector<16xf32> to vector<16xf32>
      %add3A_463 = arith.addf %add3A_455, %get3A_462 : vector<16xf32>
      %scan3A_464 = arith.constant 4 : i32
      %scan3A_465 = arith.addi %scan3A_432, %scan3A_464 : i32
      %mul3A_466 = arith.constant 16 : i32
      %mul3A_467 = arith.muli %scan3A_465, %mul3A_466 : i32
      %get3A_468 = arith.index_cast %mul3A_467 : i32 to index
      %get3A_469 = tpu.vector_load %arg14[%get3A_468] {strides = array<i32>} : memref<6400xf32, #tpu.memory_space<vmem>>, vector<16xf32>,
      %get3A_470 = vector.shape_cast %get3A_469 : vector<16xf32> to vector<16xf32>
      %add3A_471 = arith.addf %add3A_463, %get3A_470 : vector<16xf32>
      %scan3A_472 = arith.constant 5 : i32
      %scan3A_473 = arith.addi %scan3A_432, %scan3A_472 : i32
      %mul3A_474 = arith.constant 16 : i32
      %mul3A_475 = arith.muli %scan3A_473, %mul3A_474 : i32
      %get3A_476 = arith.index_cast %mul3A_475 : i32 to index
      %get3A_477 = tpu.vector_load %arg14[%get3A_476] {strides = array<i32>} : memref<6400xf32, #tpu.memory_space<vmem>>, vector<16xf32>,
      %get3A_478 = vector.shape_cast %get3A_477 : vector<16xf32> to vector<16xf32>
      %add3A_479 = arith.addf %add3A_471, %get3A_478 : vector<16xf32>
      %scan3A_480 = arith.constant 6 : i32
      %scan3A_481 = arith.addi %scan3A_432, %scan3A_480 : i32
      %mul3A_482 = arith.constant 16 : i32
      %mul3A_483 = arith.muli %scan3A_481, %mul3A_482 : i32
      %get3A_484 = arith.index_cast %mul3A_483 : i32 to index
      %get3A_485 = tpu.vector_load %arg14[%get3A_484] {strides = array<i32>} : memref<6400xf32, #tpu.memory_space<vmem>>, vector<16xf32>,
      %get3A_486 = vector.shape_cast %get3A_485 : vector<16xf32> to vector<16xf32>
      %add3A_487 = arith.addf %add3A_479, %get3A_486 : vector<16xf32>
      %scan3A_488 = arith.constant 7 : i32
      %scan3A_489 = arith.addi %scan3A_432, %scan3A_488 : i32
      %mul3A_490 = arith.constant 16 : i32
      %mul3A_491 = arith.muli %scan3A_489, %mul3A_490 : i32
      %get3A_492 = arith.index_cast %mul3A_491 : i32 to index
      %get3A_493 = tpu.vector_load %arg14[%get3A_492] {strides = array<i32>} : memref<6400xf32, #tpu.memory_space<vmem>>, vector<16xf32>,
      %get3A_494 = vector.shape_cast %get3A_493 : vector<16xf32> to vector<16xf32>
      %add3A_495 = arith.addf %add3A_487, %get3A_494 : vector<16xf32>
      scf.yield %add3A_495 : vector<16xf32>
    }
    %scan3A_290 = arith.constant 400 : i32
    %dma_wait3A_291 = arith.constant 0 : i32
    %dma_wait3A_292 = tpu.memref_slice %arg2[%dma_wait3A_291] : memref<3276800xi32, #tpu.memory_space<hbm>> -> memref<6416xi32, #tpu.memory_space<hbm>>
    %dma_wait3A_293 = arith.constant 0 : i32
    %dma_wait3A_294 = tpu.memref_slice %arg2[%dma_wait3A_293] : memref<3276800xi32, #tpu.memory_space<hbm>> -> memref<6416xi32, #tpu.memory_space<hbm>>
    tpu.wait_dma2 semaphore(%arg23 : memref<!tpu.dma_semaphore, #tpu.memory_space<semaphore_mem>>) src(%dma_wait3A_294 : memref<6416xi32, #tpu.memory_space<hbm>>) dst(%arg6 : memref<6416xi32, #tpu.memory_space<vmem>>)
    %add3A_295 = arith.constant 83200 : i32
    %add3A_296 = arith.addi %mul3A_2, %add3A_295 : i32
    %dma_start3A_297 = tpu.memref_slice %arg2[%add3A_296] : memref<3276800xi32, #tpu.memory_space<hbm>> -> memref<6416xi32, #tpu.memory_space<hbm>>
    %dma_start3A_298 = tpu.memref_slice %arg2[%add3A_296] : memref<3276800xi32, #tpu.memory_space<hbm>> -> memref<6416xi32, #tpu.memory_space<hbm>>
    tpu.enqueue_dma source(%dma_start3A_298 : memref<6416xi32, #tpu.memory_space<hbm>>) target(%arg7 : memref<6416xi32, #tpu.memory_space<vmem>>) target_semaphore(%arg23 : memref<!tpu.dma_semaphore, #tpu.memory_space<semaphore_mem>>)
    %iota3A_299 = tpu.iota {dimensions = array<i32: 0>} : vector<16xi32>
    %scan3A_300 = arith.constant 0 : i32
    %scan3A_301 = arith.constant 400 : i32
    %scan3A_302 = arith.addi %scan3A_300, %scan3A_301 : i32
    %scan3A_303 = arith.constant 4 : i32
    %scan3A_304 = scf.for %scan3A_432 = %scan3A_300 to %scan3A_302 step %scan3A_303 iter_args(%scan3A_433 = %scan3A_279) -> (vector<16xi32>)  : i32 {
      %mul3A_434 = arith.constant 16 : i32
      %mul3A_435 = arith.muli %scan3A_432, %mul3A_434 : i32
      %get3A_436 = arith.index_cast %mul3A_435 : i32 to index
      %get3A_437 = tpu.vector_load %arg6[%get3A_436] {strides = array<i32>} : memref<6416xi32, #tpu.memory_space<vmem>>, vector<16xi32>,
      %get3A_438 = vector.shape_cast %get3A_437 : vector<16xi32> to vector<16xi32>
      %mul3A_439 = arith.constant 16 : i32
      %mul3A_440 = arith.muli %scan3A_432, %mul3A_439 : i32
      %add3A_441 = arith.constant 1 : i32
      %add3A_442 = arith.addi %mul3A_440, %add3A_441 : i32
      %get3A_443 = arith.index_cast %add3A_442 : i32 to index
      %get3A_444 = tpu.vector_load %arg6[%get3A_443] {strides = array<i32>} : memref<6416xi32, #tpu.memory_space<vmem>>, vector<16xi32>,
      %get3A_445 = vector.shape_cast %get3A_444 : vector<16xi32> to vector<16xi32>
      %eq3A_446 = arith.cmpi eq, %get3A_438, %get3A_12 : vector<16xi32>
      %eq3A_447 = arith.cmpi eq, %get3A_445, %get3A_12 : vector<16xi32>
      %or3A = arith.ori %eq3A_446, %eq3A_447 : vector<16xi1>
      %mul3A_448 = arith.constant 1000 : i32
      %mul3A_449 = vector.broadcast %mul3A_448 : i32 to vector<16xi32>
      %mul3A_450 = arith.muli %get3A_438, %mul3A_449 : vector<16xi32>
      %add3A_451 = arith.addi %mul3A_450, %get3A_445 : vector<16xi32>
      %select_n3A = arith.select %or3A, %iota3A_299, %add3A_451 : vector<16xi1>, vector<16xi32>
      %mul3A_452 = arith.constant 16 : i32
      %mul3A_453 = arith.muli %scan3A_432, %mul3A_452 : i32
      %swap3A_454 = arith.index_cast %mul3A_453 : i32 to index
      %swap3A_455 = tpu.vector_load %arg10[%swap3A_454] {strides = array<i32>} : memref<6400xi32, #tpu.memory_space<vmem>>, vector<16xi32>,
      %swap3A_456 = vector.shape_cast %swap3A_455 : vector<16xi32> to vector<16xi32>
      %swap3A_457 = vector.shape_cast %select_n3A : vector<16xi32> to vector<16xi32>
      tpu.vector_store %arg10[%swap3A_454], %swap3A_457 {strides = array<i32>} : memref<6400xi32, #tpu.memory_space<vmem>>, vector<16xi32>,
      %jit3A = arith.constant 1 : i32
      %jit3A_458 = arith.constant 0 : i32
      %broadcast_in_dim3A_459 = vector.broadcast %jit3A : i32 to vector<16xi32>
      %broadcast_in_dim3A_460 = vector.broadcast %jit3A_458 : i32 to vector<16xi32>
      %select_n3A_461 = arith.select %or3A, %broadcast_in_dim3A_459, %broadcast_in_dim3A_460 : vector<16xi1>, vector<16xi32>
      %add3A_462 = arith.addi %scan3A_433, %select_n3A_461 : vector<16xi32>
      %scan3A_463 = arith.constant 1 : i32
      %scan3A_464 = arith.addi %scan3A_432, %scan3A_463 : i32
      %mul3A_465 = arith.constant 16 : i32
      %mul3A_466 = arith.muli %scan3A_464, %mul3A_465 : i32
      %get3A_467 = arith.index_cast %mul3A_466 : i32 to index
      %get3A_468 = tpu.vector_load %arg6[%get3A_467] {strides = array<i32>} : memref<6416xi32, #tpu.memory_space<vmem>>, vector<16xi32>,
      %get3A_469 = vector.shape_cast %get3A_468 : vector<16xi32> to vector<16xi32>
      %mul3A_470 = arith.constant 16 : i32
      %mul3A_471 = arith.muli %scan3A_464, %mul3A_470 : i32
      %add3A_472 = arith.constant 1 : i32
      %add3A_473 = arith.addi %mul3A_471, %add3A_472 : i32
      %get3A_474 = arith.index_cast %add3A_473 : i32 to index
      %get3A_475 = tpu.vector_load %arg6[%get3A_474] {strides = array<i32>} : memref<6416xi32, #tpu.memory_space<vmem>>, vector<16xi32>,
      %get3A_476 = vector.shape_cast %get3A_475 : vector<16xi32> to vector<16xi32>
      %eq3A_477 = arith.cmpi eq, %get3A_469, %get3A_12 : vector<16xi32>
      %eq3A_478 = arith.cmpi eq, %get3A_476, %get3A_12 : vector<16xi32>
      %or3A_479 = arith.ori %eq3A_477, %eq3A_478 : vector<16xi1>
      %mul3A_480 = arith.constant 1000 : i32
      %mul3A_481 = vector.broadcast %mul3A_480 : i32 to vector<16xi32>
      %mul3A_482 = arith.muli %get3A_469, %mul3A_481 : vector<16xi32>
      %add3A_483 = arith.addi %mul3A_482, %get3A_476 : vector<16xi32>
      %select_n3A_484 = arith.select %or3A_479, %iota3A_299, %add3A_483 : vector<16xi1>, vector<16xi32>
      %mul3A_485 = arith.constant 16 : i32
      %mul3A_486 = arith.muli %scan3A_464, %mul3A_485 : i32
      %swap3A_487 = arith.index_cast %mul3A_486 : i32 to index
      %swap3A_488 = tpu.vector_load %arg10[%swap3A_487] {strides = array<i32>} : memref<6400xi32, #tpu.memory_space<vmem>>, vector<16xi32>,
      %swap3A_489 = vector.shape_cast %swap3A_488 : vector<16xi32> to vector<16xi32>
      %swap3A_490 = vector.shape_cast %select_n3A_484 : vector<16xi32> to vector<16xi32>
      tpu.vector_store %arg10[%swap3A_487], %swap3A_490 {strides = array<i32>} : memref<6400xi32, #tpu.memory_space<vmem>>, vector<16xi32>,
      %jit3A_491 = arith.constant 1 : i32
      %jit3A_492 = arith.constant 0 : i32
      %broadcast_in_dim3A_493 = vector.broadcast %jit3A_491 : i32 to vector<16xi32>
      %broadcast_in_dim3A_494 = vector.broadcast %jit3A_492 : i32 to vector<16xi32>
      %select_n3A_495 = arith.select %or3A_479, %broadcast_in_dim3A_493, %broadcast_in_dim3A_494 : vector<16xi1>, vector<16xi32>
      %add3A_496 = arith.addi %add3A_462, %select_n3A_495 : vector<16xi32>
      %scan3A_497 = arith.constant 2 : i32
      %scan3A_498 = arith.addi %scan3A_432, %scan3A_497 : i32
      %mul3A_499 = arith.constant 16 : i32
      %mul3A_500 = arith.muli %scan3A_498, %mul3A_499 : i32
      %get3A_501 = arith.index_cast %mul3A_500 : i32 to index
      %get3A_502 = tpu.vector_load %arg6[%get3A_501] {strides = array<i32>} : memref<6416xi32, #tpu.memory_space<vmem>>, vector<16xi32>,
      %get3A_503 = vector.shape_cast %get3A_502 : vector<16xi32> to vector<16xi32>
      %mul3A_504 = arith.constant 16 : i32
      %mul3A_505 = arith.muli %scan3A_498, %mul3A_504 : i32
      %add3A_506 = arith.constant 1 : i32
      %add3A_507 = arith.addi %mul3A_505, %add3A_506 : i32
      %get3A_508 = arith.index_cast %add3A_507 : i32 to index
      %get3A_509 = tpu.vector_load %arg6[%get3A_508] {strides = array<i32>} : memref<6416xi32, #tpu.memory_space<vmem>>, vector<16xi32>,
      %get3A_510 = vector.shape_cast %get3A_509 : vector<16xi32> to vector<16xi32>
      %eq3A_511 = arith.cmpi eq, %get3A_503, %get3A_12 : vector<16xi32>
      %eq3A_512 = arith.cmpi eq, %get3A_510, %get3A_12 : vector<16xi32>
      %or3A_513 = arith.ori %eq3A_511, %eq3A_512 : vector<16xi1>
      %mul3A_514 = arith.constant 1000 : i32
      %mul3A_515 = vector.broadcast %mul3A_514 : i32 to vector<16xi32>
      %mul3A_516 = arith.muli %get3A_503, %mul3A_515 : vector<16xi32>
      %add3A_517 = arith.addi %mul3A_516, %get3A_510 : vector<16xi32>
      %select_n3A_518 = arith.select %or3A_513, %iota3A_299, %add3A_517 : vector<16xi1>, vector<16xi32>
      %mul3A_519 = arith.constant 16 : i32
      %mul3A_520 = arith.muli %scan3A_498, %mul3A_519 : i32
      %swap3A_521 = arith.index_cast %mul3A_520 : i32 to index
      %swap3A_522 = tpu.vector_load %arg10[%swap3A_521] {strides = array<i32>} : memref<6400xi32, #tpu.memory_space<vmem>>, vector<16xi32>,
      %swap3A_523 = vector.shape_cast %swap3A_522 : vector<16xi32> to vector<16xi32>
      %swap3A_524 = vector.shape_cast %select_n3A_518 : vector<16xi32> to vector<16xi32>
      tpu.vector_store %arg10[%swap3A_521], %swap3A_524 {strides = array<i32>} : memref<6400xi32, #tpu.memory_space<vmem>>, vector<16xi32>,
      %jit3A_525 = arith.constant 1 : i32
      %jit3A_526 = arith.constant 0 : i32
      %broadcast_in_dim3A_527 = vector.broadcast %jit3A_525 : i32 to vector<16xi32>
      %broadcast_in_dim3A_528 = vector.broadcast %jit3A_526 : i32 to vector<16xi32>
      %select_n3A_529 = arith.select %or3A_513, %broadcast_in_dim3A_527, %broadcast_in_dim3A_528 : vector<16xi1>, vector<16xi32>
      %add3A_530 = arith.addi %add3A_496, %select_n3A_529 : vector<16xi32>
      %scan3A_531 = arith.constant 3 : i32
      %scan3A_532 = arith.addi %scan3A_432, %scan3A_531 : i32
      %mul3A_533 = arith.constant 16 : i32
      %mul3A_534 = arith.muli %scan3A_532, %mul3A_533 : i32
      %get3A_535 = arith.index_cast %mul3A_534 : i32 to index
      %get3A_536 = tpu.vector_load %arg6[%get3A_535] {strides = array<i32>} : memref<6416xi32, #tpu.memory_space<vmem>>, vector<16xi32>,
      %get3A_537 = vector.shape_cast %get3A_536 : vector<16xi32> to vector<16xi32>
      %mul3A_538 = arith.constant 16 : i32
      %mul3A_539 = arith.muli %scan3A_532, %mul3A_538 : i32
      %add3A_540 = arith.constant 1 : i32
      %add3A_541 = arith.addi %mul3A_539, %add3A_540 : i32
      %get3A_542 = arith.index_cast %add3A_541 : i32 to index
      %get3A_543 = tpu.vector_load %arg6[%get3A_542] {strides = array<i32>} : memref<6416xi32, #tpu.memory_space<vmem>>, vector<16xi32>,
      %get3A_544 = vector.shape_cast %get3A_543 : vector<16xi32> to vector<16xi32>
      %eq3A_545 = arith.cmpi eq, %get3A_537, %get3A_12 : vector<16xi32>
      %eq3A_546 = arith.cmpi eq, %get3A_544, %get3A_12 : vector<16xi32>
      %or3A_547 = arith.ori %eq3A_545, %eq3A_546 : vector<16xi1>
      %mul3A_548 = arith.constant 1000 : i32
      %mul3A_549 = vector.broadcast %mul3A_548 : i32 to vector<16xi32>
      %mul3A_550 = arith.muli %get3A_537, %mul3A_549 : vector<16xi32>
      %add3A_551 = arith.addi %mul3A_550, %get3A_544 : vector<16xi32>
      %select_n3A_552 = arith.select %or3A_547, %iota3A_299, %add3A_551 : vector<16xi1>, vector<16xi32>
      %mul3A_553 = arith.constant 16 : i32
      %mul3A_554 = arith.muli %scan3A_532, %mul3A_553 : i32
      %swap3A_555 = arith.index_cast %mul3A_554 : i32 to index
      %swap3A_556 = tpu.vector_load %arg10[%swap3A_555] {strides = array<i32>} : memref<6400xi32, #tpu.memory_space<vmem>>, vector<16xi32>,
      %swap3A_557 = vector.shape_cast %swap3A_556 : vector<16xi32> to vector<16xi32>
      %swap3A_558 = vector.shape_cast %select_n3A_552 : vector<16xi32> to vector<16xi32>
      tpu.vector_store %arg10[%swap3A_555], %swap3A_558 {strides = array<i32>} : memref<6400xi32, #tpu.memory_space<vmem>>, vector<16xi32>,
      %jit3A_559 = arith.constant 1 : i32
      %jit3A_560 = arith.constant 0 : i32
      %broadcast_in_dim3A_561 = vector.broadcast %jit3A_559 : i32 to vector<16xi32>
      %broadcast_in_dim3A_562 = vector.broadcast %jit3A_560 : i32 to vector<16xi32>
      %select_n3A_563 = arith.select %or3A_547, %broadcast_in_dim3A_561, %broadcast_in_dim3A_562 : vector<16xi1>, vector<16xi32>
      %add3A_564 = arith.addi %add3A_530, %select_n3A_563 : vector<16xi32>
      scf.yield %add3A_564 : vector<16xi32>
    }
    %scan3A_305 = arith.constant 400 : i32
    %dma_wait3A_306 = arith.constant 0 : i32
    %dma_wait3A_307 = tpu.memref_slice %arg19[%dma_wait3A_306] : memref<1000000xf32, #tpu.memory_space<vmem_shared>> -> memref<1000000xf32, #tpu.memory_space<vmem_shared>>
    tpu.wait_indirect_dma semaphore(%arg20 : memref<!tpu.dma_semaphore, #tpu.memory_space<semaphore_mem>>) src(%dma_wait3A_307 : memref<1000000xf32, #tpu.memory_space<vmem_shared>>) dst(%arg15 : memref<6400xf32, #tpu.memory_space<vmem>>)
    %dma_start3A_308 = arith.constant 0 : i32
    %dma_start3A_309 = tpu.memref_slice %arg19[%dma_start3A_308] : memref<1000000xf32, #tpu.memory_space<vmem_shared>> -> memref<1000000xf32, #tpu.memory_space<vmem_shared>>
    tpu.enqueue_indirect_dma source(%dma_start3A_309 : memref<1000000xf32, #tpu.memory_space<vmem_shared>>) target(%arg14 : memref<6400xf32, #tpu.memory_space<vmem>>) offsets(%arg10 : memref<6400xi32, #tpu.memory_space<vmem>>) semaphore(%arg20 : memref<!tpu.dma_semaphore, #tpu.memory_space<semaphore_mem>>)
    %scan3A_310 = arith.constant 0 : i32
    %scan3A_311 = arith.constant 400 : i32
    %scan3A_312 = arith.addi %scan3A_310, %scan3A_311 : i32
    %scan3A_313 = arith.constant 8 : i32
    %scan3A_314 = scf.for %scan3A_432 = %scan3A_310 to %scan3A_312 step %scan3A_313 iter_args(%scan3A_433 = %scan3A_289) -> (vector<16xf32>)  : i32 {
      %mul3A_434 = arith.constant 16 : i32
      %mul3A_435 = arith.muli %scan3A_432, %mul3A_434 : i32
      %get3A_436 = arith.index_cast %mul3A_435 : i32 to index
      %get3A_437 = tpu.vector_load %arg15[%get3A_436] {strides = array<i32>} : memref<6400xf32, #tpu.memory_space<vmem>>, vector<16xf32>,
      %get3A_438 = vector.shape_cast %get3A_437 : vector<16xf32> to vector<16xf32>
      %add3A_439 = arith.addf %scan3A_433, %get3A_438 : vector<16xf32>
      %scan3A_440 = arith.constant 1 : i32
      %scan3A_441 = arith.addi %scan3A_432, %scan3A_440 : i32
      %mul3A_442 = arith.constant 16 : i32
      %mul3A_443 = arith.muli %scan3A_441, %mul3A_442 : i32
      %get3A_444 = arith.index_cast %mul3A_443 : i32 to index
      %get3A_445 = tpu.vector_load %arg15[%get3A_444] {strides = array<i32>} : memref<6400xf32, #tpu.memory_space<vmem>>, vector<16xf32>,
      %get3A_446 = vector.shape_cast %get3A_445 : vector<16xf32> to vector<16xf32>
      %add3A_447 = arith.addf %add3A_439, %get3A_446 : vector<16xf32>
      %scan3A_448 = arith.constant 2 : i32
      %scan3A_449 = arith.addi %scan3A_432, %scan3A_448 : i32
      %mul3A_450 = arith.constant 16 : i32
      %mul3A_451 = arith.muli %scan3A_449, %mul3A_450 : i32
      %get3A_452 = arith.index_cast %mul3A_451 : i32 to index
      %get3A_453 = tpu.vector_load %arg15[%get3A_452] {strides = array<i32>} : memref<6400xf32, #tpu.memory_space<vmem>>, vector<16xf32>,
      %get3A_454 = vector.shape_cast %get3A_453 : vector<16xf32> to vector<16xf32>
      %add3A_455 = arith.addf %add3A_447, %get3A_454 : vector<16xf32>
      %scan3A_456 = arith.constant 3 : i32
      %scan3A_457 = arith.addi %scan3A_432, %scan3A_456 : i32
      %mul3A_458 = arith.constant 16 : i32
      %mul3A_459 = arith.muli %scan3A_457, %mul3A_458 : i32
      %get3A_460 = arith.index_cast %mul3A_459 : i32 to index
      %get3A_461 = tpu.vector_load %arg15[%get3A_460] {strides = array<i32>} : memref<6400xf32, #tpu.memory_space<vmem>>, vector<16xf32>,
      %get3A_462 = vector.shape_cast %get3A_461 : vector<16xf32> to vector<16xf32>
      %add3A_463 = arith.addf %add3A_455, %get3A_462 : vector<16xf32>
      %scan3A_464 = arith.constant 4 : i32
      %scan3A_465 = arith.addi %scan3A_432, %scan3A_464 : i32
      %mul3A_466 = arith.constant 16 : i32
      %mul3A_467 = arith.muli %scan3A_465, %mul3A_466 : i32
      %get3A_468 = arith.index_cast %mul3A_467 : i32 to index
      %get3A_469 = tpu.vector_load %arg15[%get3A_468] {strides = array<i32>} : memref<6400xf32, #tpu.memory_space<vmem>>, vector<16xf32>,
      %get3A_470 = vector.shape_cast %get3A_469 : vector<16xf32> to vector<16xf32>
      %add3A_471 = arith.addf %add3A_463, %get3A_470 : vector<16xf32>
      %scan3A_472 = arith.constant 5 : i32
      %scan3A_473 = arith.addi %scan3A_432, %scan3A_472 : i32
      %mul3A_474 = arith.constant 16 : i32
      %mul3A_475 = arith.muli %scan3A_473, %mul3A_474 : i32
      %get3A_476 = arith.index_cast %mul3A_475 : i32 to index
      %get3A_477 = tpu.vector_load %arg15[%get3A_476] {strides = array<i32>} : memref<6400xf32, #tpu.memory_space<vmem>>, vector<16xf32>,
      %get3A_478 = vector.shape_cast %get3A_477 : vector<16xf32> to vector<16xf32>
      %add3A_479 = arith.addf %add3A_471, %get3A_478 : vector<16xf32>
      %scan3A_480 = arith.constant 6 : i32
      %scan3A_481 = arith.addi %scan3A_432, %scan3A_480 : i32
      %mul3A_482 = arith.constant 16 : i32
      %mul3A_483 = arith.muli %scan3A_481, %mul3A_482 : i32
      %get3A_484 = arith.index_cast %mul3A_483 : i32 to index
      %get3A_485 = tpu.vector_load %arg15[%get3A_484] {strides = array<i32>} : memref<6400xf32, #tpu.memory_space<vmem>>, vector<16xf32>,
      %get3A_486 = vector.shape_cast %get3A_485 : vector<16xf32> to vector<16xf32>
      %add3A_487 = arith.addf %add3A_479, %get3A_486 : vector<16xf32>
      %scan3A_488 = arith.constant 7 : i32
      %scan3A_489 = arith.addi %scan3A_432, %scan3A_488 : i32
      %mul3A_490 = arith.constant 16 : i32
      %mul3A_491 = arith.muli %scan3A_489, %mul3A_490 : i32
      %get3A_492 = arith.index_cast %mul3A_491 : i32 to index
      %get3A_493 = tpu.vector_load %arg15[%get3A_492] {strides = array<i32>} : memref<6400xf32, #tpu.memory_space<vmem>>, vector<16xf32>,
      %get3A_494 = vector.shape_cast %get3A_493 : vector<16xf32> to vector<16xf32>
      %add3A_495 = arith.addf %add3A_487, %get3A_494 : vector<16xf32>
      scf.yield %add3A_495 : vector<16xf32>
    }
    %scan3A_315 = arith.constant 400 : i32
    %dma_wait3A_316 = arith.constant 0 : i32
    %dma_wait3A_317 = tpu.memref_slice %arg2[%dma_wait3A_316] : memref<3276800xi32, #tpu.memory_space<hbm>> -> memref<6416xi32, #tpu.memory_space<hbm>>
    %dma_wait3A_318 = arith.constant 0 : i32
    %dma_wait3A_319 = tpu.memref_slice %arg2[%dma_wait3A_318] : memref<3276800xi32, #tpu.memory_space<hbm>> -> memref<6416xi32, #tpu.memory_space<hbm>>
    tpu.wait_dma2 semaphore(%arg23 : memref<!tpu.dma_semaphore, #tpu.memory_space<semaphore_mem>>) src(%dma_wait3A_319 : memref<6416xi32, #tpu.memory_space<hbm>>) dst(%arg7 : memref<6416xi32, #tpu.memory_space<vmem>>)
    %add3A_320 = arith.constant 89600 : i32
    %add3A_321 = arith.addi %mul3A_2, %add3A_320 : i32
    %dma_start3A_322 = tpu.memref_slice %arg2[%add3A_321] : memref<3276800xi32, #tpu.memory_space<hbm>> -> memref<6416xi32, #tpu.memory_space<hbm>>
    %dma_start3A_323 = tpu.memref_slice %arg2[%add3A_321] : memref<3276800xi32, #tpu.memory_space<hbm>> -> memref<6416xi32, #tpu.memory_space<hbm>>
    tpu.enqueue_dma source(%dma_start3A_323 : memref<6416xi32, #tpu.memory_space<hbm>>) target(%arg6 : memref<6416xi32, #tpu.memory_space<vmem>>) target_semaphore(%arg23 : memref<!tpu.dma_semaphore, #tpu.memory_space<semaphore_mem>>)
    %iota3A_324 = tpu.iota {dimensions = array<i32: 0>} : vector<16xi32>
    %scan3A_325 = arith.constant 0 : i32
    %scan3A_326 = arith.constant 400 : i32
    %scan3A_327 = arith.addi %scan3A_325, %scan3A_326 : i32
    %scan3A_328 = arith.constant 4 : i32
    %scan3A_329 = scf.for %scan3A_432 = %scan3A_325 to %scan3A_327 step %scan3A_328 iter_args(%scan3A_433 = %scan3A_304) -> (vector<16xi32>)  : i32 {
      %mul3A_434 = arith.constant 16 : i32
      %mul3A_435 = arith.muli %scan3A_432, %mul3A_434 : i32
      %get3A_436 = arith.index_cast %mul3A_435 : i32 to index
      %get3A_437 = tpu.vector_load %arg7[%get3A_436] {strides = array<i32>} : memref<6416xi32, #tpu.memory_space<vmem>>, vector<16xi32>,
      %get3A_438 = vector.shape_cast %get3A_437 : vector<16xi32> to vector<16xi32>
      %mul3A_439 = arith.constant 16 : i32
      %mul3A_440 = arith.muli %scan3A_432, %mul3A_439 : i32
      %add3A_441 = arith.constant 1 : i32
      %add3A_442 = arith.addi %mul3A_440, %add3A_441 : i32
      %get3A_443 = arith.index_cast %add3A_442 : i32 to index
      %get3A_444 = tpu.vector_load %arg7[%get3A_443] {strides = array<i32>} : memref<6416xi32, #tpu.memory_space<vmem>>, vector<16xi32>,
      %get3A_445 = vector.shape_cast %get3A_444 : vector<16xi32> to vector<16xi32>
      %eq3A_446 = arith.cmpi eq, %get3A_438, %get3A_12 : vector<16xi32>
      %eq3A_447 = arith.cmpi eq, %get3A_445, %get3A_12 : vector<16xi32>
      %or3A = arith.ori %eq3A_446, %eq3A_447 : vector<16xi1>
      %mul3A_448 = arith.constant 1000 : i32
      %mul3A_449 = vector.broadcast %mul3A_448 : i32 to vector<16xi32>
      %mul3A_450 = arith.muli %get3A_438, %mul3A_449 : vector<16xi32>
      %add3A_451 = arith.addi %mul3A_450, %get3A_445 : vector<16xi32>
      %select_n3A = arith.select %or3A, %iota3A_324, %add3A_451 : vector<16xi1>, vector<16xi32>
      %mul3A_452 = arith.constant 16 : i32
      %mul3A_453 = arith.muli %scan3A_432, %mul3A_452 : i32
      %swap3A_454 = arith.index_cast %mul3A_453 : i32 to index
      %swap3A_455 = tpu.vector_load %arg11[%swap3A_454] {strides = array<i32>} : memref<6400xi32, #tpu.memory_space<vmem>>, vector<16xi32>,
      %swap3A_456 = vector.shape_cast %swap3A_455 : vector<16xi32> to vector<16xi32>
      %swap3A_457 = vector.shape_cast %select_n3A : vector<16xi32> to vector<16xi32>
      tpu.vector_store %arg11[%swap3A_454], %swap3A_457 {strides = array<i32>} : memref<6400xi32, #tpu.memory_space<vmem>>, vector<16xi32>,
      %jit3A = arith.constant 1 : i32
      %jit3A_458 = arith.constant 0 : i32
      %broadcast_in_dim3A_459 = vector.broadcast %jit3A : i32 to vector<16xi32>
      %broadcast_in_dim3A_460 = vector.broadcast %jit3A_458 : i32 to vector<16xi32>
      %select_n3A_461 = arith.select %or3A, %broadcast_in_dim3A_459, %broadcast_in_dim3A_460 : vector<16xi1>, vector<16xi32>
      %add3A_462 = arith.addi %scan3A_433, %select_n3A_461 : vector<16xi32>
      %scan3A_463 = arith.constant 1 : i32
      %scan3A_464 = arith.addi %scan3A_432, %scan3A_463 : i32
      %mul3A_465 = arith.constant 16 : i32
      %mul3A_466 = arith.muli %scan3A_464, %mul3A_465 : i32
      %get3A_467 = arith.index_cast %mul3A_466 : i32 to index
      %get3A_468 = tpu.vector_load %arg7[%get3A_467] {strides = array<i32>} : memref<6416xi32, #tpu.memory_space<vmem>>, vector<16xi32>,
      %get3A_469 = vector.shape_cast %get3A_468 : vector<16xi32> to vector<16xi32>
      %mul3A_470 = arith.constant 16 : i32
      %mul3A_471 = arith.muli %scan3A_464, %mul3A_470 : i32
      %add3A_472 = arith.constant 1 : i32
      %add3A_473 = arith.addi %mul3A_471, %add3A_472 : i32
      %get3A_474 = arith.index_cast %add3A_473 : i32 to index
      %get3A_475 = tpu.vector_load %arg7[%get3A_474] {strides = array<i32>} : memref<6416xi32, #tpu.memory_space<vmem>>, vector<16xi32>,
      %get3A_476 = vector.shape_cast %get3A_475 : vector<16xi32> to vector<16xi32>
      %eq3A_477 = arith.cmpi eq, %get3A_469, %get3A_12 : vector<16xi32>
      %eq3A_478 = arith.cmpi eq, %get3A_476, %get3A_12 : vector<16xi32>
      %or3A_479 = arith.ori %eq3A_477, %eq3A_478 : vector<16xi1>
      %mul3A_480 = arith.constant 1000 : i32
      %mul3A_481 = vector.broadcast %mul3A_480 : i32 to vector<16xi32>
      %mul3A_482 = arith.muli %get3A_469, %mul3A_481 : vector<16xi32>
      %add3A_483 = arith.addi %mul3A_482, %get3A_476 : vector<16xi32>
      %select_n3A_484 = arith.select %or3A_479, %iota3A_324, %add3A_483 : vector<16xi1>, vector<16xi32>
      %mul3A_485 = arith.constant 16 : i32
      %mul3A_486 = arith.muli %scan3A_464, %mul3A_485 : i32
      %swap3A_487 = arith.index_cast %mul3A_486 : i32 to index
      %swap3A_488 = tpu.vector_load %arg11[%swap3A_487] {strides = array<i32>} : memref<6400xi32, #tpu.memory_space<vmem>>, vector<16xi32>,
      %swap3A_489 = vector.shape_cast %swap3A_488 : vector<16xi32> to vector<16xi32>
      %swap3A_490 = vector.shape_cast %select_n3A_484 : vector<16xi32> to vector<16xi32>
      tpu.vector_store %arg11[%swap3A_487], %swap3A_490 {strides = array<i32>} : memref<6400xi32, #tpu.memory_space<vmem>>, vector<16xi32>,
      %jit3A_491 = arith.constant 1 : i32
      %jit3A_492 = arith.constant 0 : i32
      %broadcast_in_dim3A_493 = vector.broadcast %jit3A_491 : i32 to vector<16xi32>
      %broadcast_in_dim3A_494 = vector.broadcast %jit3A_492 : i32 to vector<16xi32>
      %select_n3A_495 = arith.select %or3A_479, %broadcast_in_dim3A_493, %broadcast_in_dim3A_494 : vector<16xi1>, vector<16xi32>
      %add3A_496 = arith.addi %add3A_462, %select_n3A_495 : vector<16xi32>
      %scan3A_497 = arith.constant 2 : i32
      %scan3A_498 = arith.addi %scan3A_432, %scan3A_497 : i32
      %mul3A_499 = arith.constant 16 : i32
      %mul3A_500 = arith.muli %scan3A_498, %mul3A_499 : i32
      %get3A_501 = arith.index_cast %mul3A_500 : i32 to index
      %get3A_502 = tpu.vector_load %arg7[%get3A_501] {strides = array<i32>} : memref<6416xi32, #tpu.memory_space<vmem>>, vector<16xi32>,
      %get3A_503 = vector.shape_cast %get3A_502 : vector<16xi32> to vector<16xi32>
      %mul3A_504 = arith.constant 16 : i32
      %mul3A_505 = arith.muli %scan3A_498, %mul3A_504 : i32
      %add3A_506 = arith.constant 1 : i32
      %add3A_507 = arith.addi %mul3A_505, %add3A_506 : i32
      %get3A_508 = arith.index_cast %add3A_507 : i32 to index
      %get3A_509 = tpu.vector_load %arg7[%get3A_508] {strides = array<i32>} : memref<6416xi32, #tpu.memory_space<vmem>>, vector<16xi32>,
      %get3A_510 = vector.shape_cast %get3A_509 : vector<16xi32> to vector<16xi32>
      %eq3A_511 = arith.cmpi eq, %get3A_503, %get3A_12 : vector<16xi32>
      %eq3A_512 = arith.cmpi eq, %get3A_510, %get3A_12 : vector<16xi32>
      %or3A_513 = arith.ori %eq3A_511, %eq3A_512 : vector<16xi1>
      %mul3A_514 = arith.constant 1000 : i32
      %mul3A_515 = vector.broadcast %mul3A_514 : i32 to vector<16xi32>
      %mul3A_516 = arith.muli %get3A_503, %mul3A_515 : vector<16xi32>
      %add3A_517 = arith.addi %mul3A_516, %get3A_510 : vector<16xi32>
      %select_n3A_518 = arith.select %or3A_513, %iota3A_324, %add3A_517 : vector<16xi1>, vector<16xi32>
      %mul3A_519 = arith.constant 16 : i32
      %mul3A_520 = arith.muli %scan3A_498, %mul3A_519 : i32
      %swap3A_521 = arith.index_cast %mul3A_520 : i32 to index
      %swap3A_522 = tpu.vector_load %arg11[%swap3A_521] {strides = array<i32>} : memref<6400xi32, #tpu.memory_space<vmem>>, vector<16xi32>,
      %swap3A_523 = vector.shape_cast %swap3A_522 : vector<16xi32> to vector<16xi32>
      %swap3A_524 = vector.shape_cast %select_n3A_518 : vector<16xi32> to vector<16xi32>
      tpu.vector_store %arg11[%swap3A_521], %swap3A_524 {strides = array<i32>} : memref<6400xi32, #tpu.memory_space<vmem>>, vector<16xi32>,
      %jit3A_525 = arith.constant 1 : i32
      %jit3A_526 = arith.constant 0 : i32
      %broadcast_in_dim3A_527 = vector.broadcast %jit3A_525 : i32 to vector<16xi32>
      %broadcast_in_dim3A_528 = vector.broadcast %jit3A_526 : i32 to vector<16xi32>
      %select_n3A_529 = arith.select %or3A_513, %broadcast_in_dim3A_527, %broadcast_in_dim3A_528 : vector<16xi1>, vector<16xi32>
      %add3A_530 = arith.addi %add3A_496, %select_n3A_529 : vector<16xi32>
      %scan3A_531 = arith.constant 3 : i32
      %scan3A_532 = arith.addi %scan3A_432, %scan3A_531 : i32
      %mul3A_533 = arith.constant 16 : i32
      %mul3A_534 = arith.muli %scan3A_532, %mul3A_533 : i32
      %get3A_535 = arith.index_cast %mul3A_534 : i32 to index
      %get3A_536 = tpu.vector_load %arg7[%get3A_535] {strides = array<i32>} : memref<6416xi32, #tpu.memory_space<vmem>>, vector<16xi32>,
      %get3A_537 = vector.shape_cast %get3A_536 : vector<16xi32> to vector<16xi32>
      %mul3A_538 = arith.constant 16 : i32
      %mul3A_539 = arith.muli %scan3A_532, %mul3A_538 : i32
      %add3A_540 = arith.constant 1 : i32
      %add3A_541 = arith.addi %mul3A_539, %add3A_540 : i32
      %get3A_542 = arith.index_cast %add3A_541 : i32 to index
      %get3A_543 = tpu.vector_load %arg7[%get3A_542] {strides = array<i32>} : memref<6416xi32, #tpu.memory_space<vmem>>, vector<16xi32>,
      %get3A_544 = vector.shape_cast %get3A_543 : vector<16xi32> to vector<16xi32>
      %eq3A_545 = arith.cmpi eq, %get3A_537, %get3A_12 : vector<16xi32>
      %eq3A_546 = arith.cmpi eq, %get3A_544, %get3A_12 : vector<16xi32>
      %or3A_547 = arith.ori %eq3A_545, %eq3A_546 : vector<16xi1>
      %mul3A_548 = arith.constant 1000 : i32
      %mul3A_549 = vector.broadcast %mul3A_548 : i32 to vector<16xi32>
      %mul3A_550 = arith.muli %get3A_537, %mul3A_549 : vector<16xi32>
      %add3A_551 = arith.addi %mul3A_550, %get3A_544 : vector<16xi32>
      %select_n3A_552 = arith.select %or3A_547, %iota3A_324, %add3A_551 : vector<16xi1>, vector<16xi32>
      %mul3A_553 = arith.constant 16 : i32
      %mul3A_554 = arith.muli %scan3A_532, %mul3A_553 : i32
      %swap3A_555 = arith.index_cast %mul3A_554 : i32 to index
      %swap3A_556 = tpu.vector_load %arg11[%swap3A_555] {strides = array<i32>} : memref<6400xi32, #tpu.memory_space<vmem>>, vector<16xi32>,
      %swap3A_557 = vector.shape_cast %swap3A_556 : vector<16xi32> to vector<16xi32>
      %swap3A_558 = vector.shape_cast %select_n3A_552 : vector<16xi32> to vector<16xi32>
      tpu.vector_store %arg11[%swap3A_555], %swap3A_558 {strides = array<i32>} : memref<6400xi32, #tpu.memory_space<vmem>>, vector<16xi32>,
      %jit3A_559 = arith.constant 1 : i32
      %jit3A_560 = arith.constant 0 : i32
      %broadcast_in_dim3A_561 = vector.broadcast %jit3A_559 : i32 to vector<16xi32>
      %broadcast_in_dim3A_562 = vector.broadcast %jit3A_560 : i32 to vector<16xi32>
      %select_n3A_563 = arith.select %or3A_547, %broadcast_in_dim3A_561, %broadcast_in_dim3A_562 : vector<16xi1>, vector<16xi32>
      %add3A_564 = arith.addi %add3A_530, %select_n3A_563 : vector<16xi32>
      scf.yield %add3A_564 : vector<16xi32>
    }
    %scan3A_330 = arith.constant 400 : i32
    %dma_wait3A_331 = arith.constant 0 : i32
    %dma_wait3A_332 = tpu.memref_slice %arg19[%dma_wait3A_331] : memref<1000000xf32, #tpu.memory_space<vmem_shared>> -> memref<1000000xf32, #tpu.memory_space<vmem_shared>>
    tpu.wait_indirect_dma semaphore(%arg21 : memref<!tpu.dma_semaphore, #tpu.memory_space<semaphore_mem>>) src(%dma_wait3A_332 : memref<1000000xf32, #tpu.memory_space<vmem_shared>>) dst(%arg16 : memref<6400xf32, #tpu.memory_space<vmem>>)
    %dma_start3A_333 = arith.constant 0 : i32
    %dma_start3A_334 = tpu.memref_slice %arg19[%dma_start3A_333] : memref<1000000xf32, #tpu.memory_space<vmem_shared>> -> memref<1000000xf32, #tpu.memory_space<vmem_shared>>
    tpu.enqueue_indirect_dma source(%dma_start3A_334 : memref<1000000xf32, #tpu.memory_space<vmem_shared>>) target(%arg15 : memref<6400xf32, #tpu.memory_space<vmem>>) offsets(%arg11 : memref<6400xi32, #tpu.memory_space<vmem>>) semaphore(%arg21 : memref<!tpu.dma_semaphore, #tpu.memory_space<semaphore_mem>>)
    %scan3A_335 = arith.constant 0 : i32
    %scan3A_336 = arith.constant 400 : i32
    %scan3A_337 = arith.addi %scan3A_335, %scan3A_336 : i32
    %scan3A_338 = arith.constant 8 : i32
    %scan3A_339 = scf.for %scan3A_432 = %scan3A_335 to %scan3A_337 step %scan3A_338 iter_args(%scan3A_433 = %scan3A_314) -> (vector<16xf32>)  : i32 {
      %mul3A_434 = arith.constant 16 : i32
      %mul3A_435 = arith.muli %scan3A_432, %mul3A_434 : i32
      %get3A_436 = arith.index_cast %mul3A_435 : i32 to index
      %get3A_437 = tpu.vector_load %arg16[%get3A_436] {strides = array<i32>} : memref<6400xf32, #tpu.memory_space<vmem>>, vector<16xf32>,
      %get3A_438 = vector.shape_cast %get3A_437 : vector<16xf32> to vector<16xf32>
      %add3A_439 = arith.addf %scan3A_433, %get3A_438 : vector<16xf32>
      %scan3A_440 = arith.constant 1 : i32
      %scan3A_441 = arith.addi %scan3A_432, %scan3A_440 : i32
      %mul3A_442 = arith.constant 16 : i32
      %mul3A_443 = arith.muli %scan3A_441, %mul3A_442 : i32
      %get3A_444 = arith.index_cast %mul3A_443 : i32 to index
      %get3A_445 = tpu.vector_load %arg16[%get3A_444] {strides = array<i32>} : memref<6400xf32, #tpu.memory_space<vmem>>, vector<16xf32>,
      %get3A_446 = vector.shape_cast %get3A_445 : vector<16xf32> to vector<16xf32>
      %add3A_447 = arith.addf %add3A_439, %get3A_446 : vector<16xf32>
      %scan3A_448 = arith.constant 2 : i32
      %scan3A_449 = arith.addi %scan3A_432, %scan3A_448 : i32
      %mul3A_450 = arith.constant 16 : i32
      %mul3A_451 = arith.muli %scan3A_449, %mul3A_450 : i32
      %get3A_452 = arith.index_cast %mul3A_451 : i32 to index
      %get3A_453 = tpu.vector_load %arg16[%get3A_452] {strides = array<i32>} : memref<6400xf32, #tpu.memory_space<vmem>>, vector<16xf32>,
      %get3A_454 = vector.shape_cast %get3A_453 : vector<16xf32> to vector<16xf32>
      %add3A_455 = arith.addf %add3A_447, %get3A_454 : vector<16xf32>
      %scan3A_456 = arith.constant 3 : i32
      %scan3A_457 = arith.addi %scan3A_432, %scan3A_456 : i32
      %mul3A_458 = arith.constant 16 : i32
      %mul3A_459 = arith.muli %scan3A_457, %mul3A_458 : i32
      %get3A_460 = arith.index_cast %mul3A_459 : i32 to index
      %get3A_461 = tpu.vector_load %arg16[%get3A_460] {strides = array<i32>} : memref<6400xf32, #tpu.memory_space<vmem>>, vector<16xf32>,
      %get3A_462 = vector.shape_cast %get3A_461 : vector<16xf32> to vector<16xf32>
      %add3A_463 = arith.addf %add3A_455, %get3A_462 : vector<16xf32>
      %scan3A_464 = arith.constant 4 : i32
      %scan3A_465 = arith.addi %scan3A_432, %scan3A_464 : i32
      %mul3A_466 = arith.constant 16 : i32
      %mul3A_467 = arith.muli %scan3A_465, %mul3A_466 : i32
      %get3A_468 = arith.index_cast %mul3A_467 : i32 to index
      %get3A_469 = tpu.vector_load %arg16[%get3A_468] {strides = array<i32>} : memref<6400xf32, #tpu.memory_space<vmem>>, vector<16xf32>,
      %get3A_470 = vector.shape_cast %get3A_469 : vector<16xf32> to vector<16xf32>
      %add3A_471 = arith.addf %add3A_463, %get3A_470 : vector<16xf32>
      %scan3A_472 = arith.constant 5 : i32
      %scan3A_473 = arith.addi %scan3A_432, %scan3A_472 : i32
      %mul3A_474 = arith.constant 16 : i32
      %mul3A_475 = arith.muli %scan3A_473, %mul3A_474 : i32
      %get3A_476 = arith.index_cast %mul3A_475 : i32 to index
      %get3A_477 = tpu.vector_load %arg16[%get3A_476] {strides = array<i32>} : memref<6400xf32, #tpu.memory_space<vmem>>, vector<16xf32>,
      %get3A_478 = vector.shape_cast %get3A_477 : vector<16xf32> to vector<16xf32>
      %add3A_479 = arith.addf %add3A_471, %get3A_478 : vector<16xf32>
      %scan3A_480 = arith.constant 6 : i32
      %scan3A_481 = arith.addi %scan3A_432, %scan3A_480 : i32
      %mul3A_482 = arith.constant 16 : i32
      %mul3A_483 = arith.muli %scan3A_481, %mul3A_482 : i32
      %get3A_484 = arith.index_cast %mul3A_483 : i32 to index
      %get3A_485 = tpu.vector_load %arg16[%get3A_484] {strides = array<i32>} : memref<6400xf32, #tpu.memory_space<vmem>>, vector<16xf32>,
      %get3A_486 = vector.shape_cast %get3A_485 : vector<16xf32> to vector<16xf32>
      %add3A_487 = arith.addf %add3A_479, %get3A_486 : vector<16xf32>
      %scan3A_488 = arith.constant 7 : i32
      %scan3A_489 = arith.addi %scan3A_432, %scan3A_488 : i32
      %mul3A_490 = arith.constant 16 : i32
      %mul3A_491 = arith.muli %scan3A_489, %mul3A_490 : i32
      %get3A_492 = arith.index_cast %mul3A_491 : i32 to index
      %get3A_493 = tpu.vector_load %arg16[%get3A_492] {strides = array<i32>} : memref<6400xf32, #tpu.memory_space<vmem>>, vector<16xf32>,
      %get3A_494 = vector.shape_cast %get3A_493 : vector<16xf32> to vector<16xf32>
      %add3A_495 = arith.addf %add3A_487, %get3A_494 : vector<16xf32>
      scf.yield %add3A_495 : vector<16xf32>
    }
    %scan3A_340 = arith.constant 400 : i32
    %dma_wait3A_341 = arith.constant 0 : i32
    %dma_wait3A_342 = tpu.memref_slice %arg2[%dma_wait3A_341] : memref<3276800xi32, #tpu.memory_space<hbm>> -> memref<6416xi32, #tpu.memory_space<hbm>>
    %dma_wait3A_343 = arith.constant 0 : i32
    %dma_wait3A_344 = tpu.memref_slice %arg2[%dma_wait3A_343] : memref<3276800xi32, #tpu.memory_space<hbm>> -> memref<6416xi32, #tpu.memory_space<hbm>>
    tpu.wait_dma2 semaphore(%arg23 : memref<!tpu.dma_semaphore, #tpu.memory_space<semaphore_mem>>) src(%dma_wait3A_344 : memref<6416xi32, #tpu.memory_space<hbm>>) dst(%arg6 : memref<6416xi32, #tpu.memory_space<vmem>>)
    %add3A_345 = arith.constant 96000 : i32
    %add3A_346 = arith.addi %mul3A_2, %add3A_345 : i32
    %eq3A_347 = arith.constant 31 : i32
    %eq3A_348 = arith.cmpi eq, %add3A, %eq3A_347 : i32
    %convert_element_type3A_349 = arith.extui %eq3A_348 : i1 to i32
    %cond3A_350 = arith.constant 0 : i32
    %cond3A_351 = arith.cmpi ne, %convert_element_type3A_349, %cond3A_350 : i32
    scf.if %cond3A_351 {
      %dma_start3A_432 = arith.constant 0 : i32
      %dma_start3A_433 = tpu.memref_slice %arg7[%dma_start3A_432] : memref<6416xi32, #tpu.memory_space<vmem>> -> memref<6400xi32, #tpu.memory_space<vmem>>
      %dma_start3A_434 = tpu.memref_slice %arg2[%add3A_346] : memref<3276800xi32, #tpu.memory_space<hbm>> -> memref<6400xi32, #tpu.memory_space<hbm>>
      %dma_start3A_435 = arith.constant 0 : i32
      %dma_start3A_436 = tpu.memref_slice %arg7[%dma_start3A_435] : memref<6416xi32, #tpu.memory_space<vmem>> -> memref<6400xi32, #tpu.memory_space<vmem>>
      %dma_start3A_437 = tpu.memref_slice %arg2[%add3A_346] : memref<3276800xi32, #tpu.memory_space<hbm>> -> memref<6400xi32, #tpu.memory_space<hbm>>
      tpu.enqueue_dma source(%dma_start3A_437 : memref<6400xi32, #tpu.memory_space<hbm>>) target(%dma_start3A_436 : memref<6400xi32, #tpu.memory_space<vmem>>) target_semaphore(%arg23 : memref<!tpu.dma_semaphore, #tpu.memory_space<semaphore_mem>>)
      "tpu.region"() ({
        %run_scoped3A = tpu.sem_alloc : memref<!tpu.dma_semaphore, #tpu.memory_space<semaphore_mem>>
        %dma_start3A_438 = arith.constant 6400 : i32
        %dma_start3A_439 = tpu.memref_slice %arg7[%dma_start3A_438] : memref<6416xi32, #tpu.memory_space<vmem>> -> memref<16xi32, #tpu.memory_space<vmem>>
        %dma_start3A_440 = arith.constant 6400 : i32
        %dma_start3A_441 = tpu.memref_slice %arg7[%dma_start3A_440] : memref<6416xi32, #tpu.memory_space<vmem>> -> memref<16xi32, #tpu.memory_space<vmem>>
        tpu.enqueue_dma source(%arg3 : memref<16xi32, #tpu.memory_space<hbm>>) target(%dma_start3A_441 : memref<16xi32, #tpu.memory_space<vmem>>) target_semaphore(%run_scoped3A : memref<!tpu.dma_semaphore, #tpu.memory_space<semaphore_mem>>)
        %dma_wait3A_442 = arith.constant 6400 : i32
        %dma_wait3A_443 = tpu.memref_slice %arg7[%dma_wait3A_442] : memref<6416xi32, #tpu.memory_space<vmem>> -> memref<16xi32, #tpu.memory_space<vmem>>
        %dma_wait3A_444 = arith.constant 6400 : i32
        %dma_wait3A_445 = tpu.memref_slice %arg7[%dma_wait3A_444] : memref<6416xi32, #tpu.memory_space<vmem>> -> memref<16xi32, #tpu.memory_space<vmem>>
        tpu.wait_dma2 semaphore(%run_scoped3A : memref<!tpu.dma_semaphore, #tpu.memory_space<semaphore_mem>>) src(%arg3 : memref<16xi32, #tpu.memory_space<hbm>>) dst(%dma_wait3A_445 : memref<16xi32, #tpu.memory_space<vmem>>)
        tpu.yield
      }) : () -> ()
    } else {
    }
    %ne3A = arith.constant 31 : i32
    %ne3A_352 = arith.cmpi ne, %add3A, %ne3A : i32
    %convert_element_type3A_353 = arith.extui %ne3A_352 : i1 to i32
    %cond3A_354 = arith.constant 0 : i32
    %cond3A_355 = arith.cmpi ne, %convert_element_type3A_353, %cond3A_354 : i32
    scf.if %cond3A_355 {
      %dma_start3A_432 = tpu.memref_slice %arg2[%add3A_346] : memref<3276800xi32, #tpu.memory_space<hbm>> -> memref<6416xi32, #tpu.memory_space<hbm>>
      %dma_start3A_433 = tpu.memref_slice %arg2[%add3A_346] : memref<3276800xi32, #tpu.memory_space<hbm>> -> memref<6416xi32, #tpu.memory_space<hbm>>
      tpu.enqueue_dma source(%dma_start3A_433 : memref<6416xi32, #tpu.memory_space<hbm>>) target(%arg7 : memref<6416xi32, #tpu.memory_space<vmem>>) target_semaphore(%arg23 : memref<!tpu.dma_semaphore, #tpu.memory_space<semaphore_mem>>)
    } else {
    }
    %iota3A_356 = tpu.iota {dimensions = array<i32: 0>} : vector<16xi32>
    %scan3A_357 = arith.constant 0 : i32
    %scan3A_358 = arith.constant 400 : i32
    %scan3A_359 = arith.addi %scan3A_357, %scan3A_358 : i32
    %scan3A_360 = arith.constant 4 : i32
    %scan3A_361 = scf.for %scan3A_432 = %scan3A_357 to %scan3A_359 step %scan3A_360 iter_args(%scan3A_433 = %scan3A_329) -> (vector<16xi32>)  : i32 {
      %mul3A_434 = arith.constant 16 : i32
      %mul3A_435 = arith.muli %scan3A_432, %mul3A_434 : i32
      %get3A_436 = arith.index_cast %mul3A_435 : i32 to index
      %get3A_437 = tpu.vector_load %arg6[%get3A_436] {strides = array<i32>} : memref<6416xi32, #tpu.memory_space<vmem>>, vector<16xi32>,
      %get3A_438 = vector.shape_cast %get3A_437 : vector<16xi32> to vector<16xi32>
      %mul3A_439 = arith.constant 16 : i32
      %mul3A_440 = arith.muli %scan3A_432, %mul3A_439 : i32
      %add3A_441 = arith.constant 1 : i32
      %add3A_442 = arith.addi %mul3A_440, %add3A_441 : i32
      %get3A_443 = arith.index_cast %add3A_442 : i32 to index
      %get3A_444 = tpu.vector_load %arg6[%get3A_443] {strides = array<i32>} : memref<6416xi32, #tpu.memory_space<vmem>>, vector<16xi32>,
      %get3A_445 = vector.shape_cast %get3A_444 : vector<16xi32> to vector<16xi32>
      %eq3A_446 = arith.cmpi eq, %get3A_438, %get3A_12 : vector<16xi32>
      %eq3A_447 = arith.cmpi eq, %get3A_445, %get3A_12 : vector<16xi32>
      %or3A = arith.ori %eq3A_446, %eq3A_447 : vector<16xi1>
      %mul3A_448 = arith.constant 1000 : i32
      %mul3A_449 = vector.broadcast %mul3A_448 : i32 to vector<16xi32>
      %mul3A_450 = arith.muli %get3A_438, %mul3A_449 : vector<16xi32>
      %add3A_451 = arith.addi %mul3A_450, %get3A_445 : vector<16xi32>
      %select_n3A = arith.select %or3A, %iota3A_356, %add3A_451 : vector<16xi1>, vector<16xi32>
      %mul3A_452 = arith.constant 16 : i32
      %mul3A_453 = arith.muli %scan3A_432, %mul3A_452 : i32
      %swap3A_454 = arith.index_cast %mul3A_453 : i32 to index
      %swap3A_455 = tpu.vector_load %arg12[%swap3A_454] {strides = array<i32>} : memref<6400xi32, #tpu.memory_space<vmem>>, vector<16xi32>,
      %swap3A_456 = vector.shape_cast %swap3A_455 : vector<16xi32> to vector<16xi32>
      %swap3A_457 = vector.shape_cast %select_n3A : vector<16xi32> to vector<16xi32>
      tpu.vector_store %arg12[%swap3A_454], %swap3A_457 {strides = array<i32>} : memref<6400xi32, #tpu.memory_space<vmem>>, vector<16xi32>,
      %jit3A = arith.constant 1 : i32
      %jit3A_458 = arith.constant 0 : i32
      %broadcast_in_dim3A_459 = vector.broadcast %jit3A : i32 to vector<16xi32>
      %broadcast_in_dim3A_460 = vector.broadcast %jit3A_458 : i32 to vector<16xi32>
      %select_n3A_461 = arith.select %or3A, %broadcast_in_dim3A_459, %broadcast_in_dim3A_460 : vector<16xi1>, vector<16xi32>
      %add3A_462 = arith.addi %scan3A_433, %select_n3A_461 : vector<16xi32>
      %scan3A_463 = arith.constant 1 : i32
      %scan3A_464 = arith.addi %scan3A_432, %scan3A_463 : i32
      %mul3A_465 = arith.constant 16 : i32
      %mul3A_466 = arith.muli %scan3A_464, %mul3A_465 : i32
      %get3A_467 = arith.index_cast %mul3A_466 : i32 to index
      %get3A_468 = tpu.vector_load %arg6[%get3A_467] {strides = array<i32>} : memref<6416xi32, #tpu.memory_space<vmem>>, vector<16xi32>,
      %get3A_469 = vector.shape_cast %get3A_468 : vector<16xi32> to vector<16xi32>
      %mul3A_470 = arith.constant 16 : i32
      %mul3A_471 = arith.muli %scan3A_464, %mul3A_470 : i32
      %add3A_472 = arith.constant 1 : i32
      %add3A_473 = arith.addi %mul3A_471, %add3A_472 : i32
      %get3A_474 = arith.index_cast %add3A_473 : i32 to index
      %get3A_475 = tpu.vector_load %arg6[%get3A_474] {strides = array<i32>} : memref<6416xi32, #tpu.memory_space<vmem>>, vector<16xi32>,
      %get3A_476 = vector.shape_cast %get3A_475 : vector<16xi32> to vector<16xi32>
      %eq3A_477 = arith.cmpi eq, %get3A_469, %get3A_12 : vector<16xi32>
      %eq3A_478 = arith.cmpi eq, %get3A_476, %get3A_12 : vector<16xi32>
      %or3A_479 = arith.ori %eq3A_477, %eq3A_478 : vector<16xi1>
      %mul3A_480 = arith.constant 1000 : i32
      %mul3A_481 = vector.broadcast %mul3A_480 : i32 to vector<16xi32>
      %mul3A_482 = arith.muli %get3A_469, %mul3A_481 : vector<16xi32>
      %add3A_483 = arith.addi %mul3A_482, %get3A_476 : vector<16xi32>
      %select_n3A_484 = arith.select %or3A_479, %iota3A_356, %add3A_483 : vector<16xi1>, vector<16xi32>
      %mul3A_485 = arith.constant 16 : i32
      %mul3A_486 = arith.muli %scan3A_464, %mul3A_485 : i32
      %swap3A_487 = arith.index_cast %mul3A_486 : i32 to index
      %swap3A_488 = tpu.vector_load %arg12[%swap3A_487] {strides = array<i32>} : memref<6400xi32, #tpu.memory_space<vmem>>, vector<16xi32>,
      %swap3A_489 = vector.shape_cast %swap3A_488 : vector<16xi32> to vector<16xi32>
      %swap3A_490 = vector.shape_cast %select_n3A_484 : vector<16xi32> to vector<16xi32>
      tpu.vector_store %arg12[%swap3A_487], %swap3A_490 {strides = array<i32>} : memref<6400xi32, #tpu.memory_space<vmem>>, vector<16xi32>,
      %jit3A_491 = arith.constant 1 : i32
      %jit3A_492 = arith.constant 0 : i32
      %broadcast_in_dim3A_493 = vector.broadcast %jit3A_491 : i32 to vector<16xi32>
      %broadcast_in_dim3A_494 = vector.broadcast %jit3A_492 : i32 to vector<16xi32>
      %select_n3A_495 = arith.select %or3A_479, %broadcast_in_dim3A_493, %broadcast_in_dim3A_494 : vector<16xi1>, vector<16xi32>
      %add3A_496 = arith.addi %add3A_462, %select_n3A_495 : vector<16xi32>
      %scan3A_497 = arith.constant 2 : i32
      %scan3A_498 = arith.addi %scan3A_432, %scan3A_497 : i32
      %mul3A_499 = arith.constant 16 : i32
      %mul3A_500 = arith.muli %scan3A_498, %mul3A_499 : i32
      %get3A_501 = arith.index_cast %mul3A_500 : i32 to index
      %get3A_502 = tpu.vector_load %arg6[%get3A_501] {strides = array<i32>} : memref<6416xi32, #tpu.memory_space<vmem>>, vector<16xi32>,
      %get3A_503 = vector.shape_cast %get3A_502 : vector<16xi32> to vector<16xi32>
      %mul3A_504 = arith.constant 16 : i32
      %mul3A_505 = arith.muli %scan3A_498, %mul3A_504 : i32
      %add3A_506 = arith.constant 1 : i32
      %add3A_507 = arith.addi %mul3A_505, %add3A_506 : i32
      %get3A_508 = arith.index_cast %add3A_507 : i32 to index
      %get3A_509 = tpu.vector_load %arg6[%get3A_508] {strides = array<i32>} : memref<6416xi32, #tpu.memory_space<vmem>>, vector<16xi32>,
      %get3A_510 = vector.shape_cast %get3A_509 : vector<16xi32> to vector<16xi32>
      %eq3A_511 = arith.cmpi eq, %get3A_503, %get3A_12 : vector<16xi32>
      %eq3A_512 = arith.cmpi eq, %get3A_510, %get3A_12 : vector<16xi32>
      %or3A_513 = arith.ori %eq3A_511, %eq3A_512 : vector<16xi1>
      %mul3A_514 = arith.constant 1000 : i32
      %mul3A_515 = vector.broadcast %mul3A_514 : i32 to vector<16xi32>
      %mul3A_516 = arith.muli %get3A_503, %mul3A_515 : vector<16xi32>
      %add3A_517 = arith.addi %mul3A_516, %get3A_510 : vector<16xi32>
      %select_n3A_518 = arith.select %or3A_513, %iota3A_356, %add3A_517 : vector<16xi1>, vector<16xi32>
      %mul3A_519 = arith.constant 16 : i32
      %mul3A_520 = arith.muli %scan3A_498, %mul3A_519 : i32
      %swap3A_521 = arith.index_cast %mul3A_520 : i32 to index
      %swap3A_522 = tpu.vector_load %arg12[%swap3A_521] {strides = array<i32>} : memref<6400xi32, #tpu.memory_space<vmem>>, vector<16xi32>,
      %swap3A_523 = vector.shape_cast %swap3A_522 : vector<16xi32> to vector<16xi32>
      %swap3A_524 = vector.shape_cast %select_n3A_518 : vector<16xi32> to vector<16xi32>
      tpu.vector_store %arg12[%swap3A_521], %swap3A_524 {strides = array<i32>} : memref<6400xi32, #tpu.memory_space<vmem>>, vector<16xi32>,
      %jit3A_525 = arith.constant 1 : i32
      %jit3A_526 = arith.constant 0 : i32
      %broadcast_in_dim3A_527 = vector.broadcast %jit3A_525 : i32 to vector<16xi32>
      %broadcast_in_dim3A_528 = vector.broadcast %jit3A_526 : i32 to vector<16xi32>
      %select_n3A_529 = arith.select %or3A_513, %broadcast_in_dim3A_527, %broadcast_in_dim3A_528 : vector<16xi1>, vector<16xi32>
      %add3A_530 = arith.addi %add3A_496, %select_n3A_529 : vector<16xi32>
      %scan3A_531 = arith.constant 3 : i32
      %scan3A_532 = arith.addi %scan3A_432, %scan3A_531 : i32
      %mul3A_533 = arith.constant 16 : i32
      %mul3A_534 = arith.muli %scan3A_532, %mul3A_533 : i32
      %get3A_535 = arith.index_cast %mul3A_534 : i32 to index
      %get3A_536 = tpu.vector_load %arg6[%get3A_535] {strides = array<i32>} : memref<6416xi32, #tpu.memory_space<vmem>>, vector<16xi32>,
      %get3A_537 = vector.shape_cast %get3A_536 : vector<16xi32> to vector<16xi32>
      %mul3A_538 = arith.constant 16 : i32
      %mul3A_539 = arith.muli %scan3A_532, %mul3A_538 : i32
      %add3A_540 = arith.constant 1 : i32
      %add3A_541 = arith.addi %mul3A_539, %add3A_540 : i32
      %get3A_542 = arith.index_cast %add3A_541 : i32 to index
      %get3A_543 = tpu.vector_load %arg6[%get3A_542] {strides = array<i32>} : memref<6416xi32, #tpu.memory_space<vmem>>, vector<16xi32>,
      %get3A_544 = vector.shape_cast %get3A_543 : vector<16xi32> to vector<16xi32>
      %eq3A_545 = arith.cmpi eq, %get3A_537, %get3A_12 : vector<16xi32>
      %eq3A_546 = arith.cmpi eq, %get3A_544, %get3A_12 : vector<16xi32>
      %or3A_547 = arith.ori %eq3A_545, %eq3A_546 : vector<16xi1>
      %mul3A_548 = arith.constant 1000 : i32
      %mul3A_549 = vector.broadcast %mul3A_548 : i32 to vector<16xi32>
      %mul3A_550 = arith.muli %get3A_537, %mul3A_549 : vector<16xi32>
      %add3A_551 = arith.addi %mul3A_550, %get3A_544 : vector<16xi32>
      %select_n3A_552 = arith.select %or3A_547, %iota3A_356, %add3A_551 : vector<16xi1>, vector<16xi32>
      %mul3A_553 = arith.constant 16 : i32
      %mul3A_554 = arith.muli %scan3A_532, %mul3A_553 : i32
      %swap3A_555 = arith.index_cast %mul3A_554 : i32 to index
      %swap3A_556 = tpu.vector_load %arg12[%swap3A_555] {strides = array<i32>} : memref<6400xi32, #tpu.memory_space<vmem>>, vector<16xi32>,
      %swap3A_557 = vector.shape_cast %swap3A_556 : vector<16xi32> to vector<16xi32>
      %swap3A_558 = vector.shape_cast %select_n3A_552 : vector<16xi32> to vector<16xi32>
      tpu.vector_store %arg12[%swap3A_555], %swap3A_558 {strides = array<i32>} : memref<6400xi32, #tpu.memory_space<vmem>>, vector<16xi32>,
      %jit3A_559 = arith.constant 1 : i32
      %jit3A_560 = arith.constant 0 : i32
      %broadcast_in_dim3A_561 = vector.broadcast %jit3A_559 : i32 to vector<16xi32>
      %broadcast_in_dim3A_562 = vector.broadcast %jit3A_560 : i32 to vector<16xi32>
      %select_n3A_563 = arith.select %or3A_547, %broadcast_in_dim3A_561, %broadcast_in_dim3A_562 : vector<16xi1>, vector<16xi32>
      %add3A_564 = arith.addi %add3A_530, %select_n3A_563 : vector<16xi32>
      scf.yield %add3A_564 : vector<16xi32>
    }
    %scan3A_362 = arith.constant 400 : i32
    %dma_wait3A_363 = arith.constant 0 : i32
    %dma_wait3A_364 = tpu.memref_slice %arg19[%dma_wait3A_363] : memref<1000000xf32, #tpu.memory_space<vmem_shared>> -> memref<1000000xf32, #tpu.memory_space<vmem_shared>>
    tpu.wait_indirect_dma semaphore(%arg22 : memref<!tpu.dma_semaphore, #tpu.memory_space<semaphore_mem>>) src(%dma_wait3A_364 : memref<1000000xf32, #tpu.memory_space<vmem_shared>>) dst(%arg17 : memref<6400xf32, #tpu.memory_space<vmem>>)
    %dma_start3A_365 = arith.constant 0 : i32
    %dma_start3A_366 = tpu.memref_slice %arg19[%dma_start3A_365] : memref<1000000xf32, #tpu.memory_space<vmem_shared>> -> memref<1000000xf32, #tpu.memory_space<vmem_shared>>
    tpu.enqueue_indirect_dma source(%dma_start3A_366 : memref<1000000xf32, #tpu.memory_space<vmem_shared>>) target(%arg16 : memref<6400xf32, #tpu.memory_space<vmem>>) offsets(%arg12 : memref<6400xi32, #tpu.memory_space<vmem>>) semaphore(%arg22 : memref<!tpu.dma_semaphore, #tpu.memory_space<semaphore_mem>>)
    %scan3A_367 = arith.constant 0 : i32
    %scan3A_368 = arith.constant 400 : i32
    %scan3A_369 = arith.addi %scan3A_367, %scan3A_368 : i32
    %scan3A_370 = arith.constant 8 : i32
    %scan3A_371 = scf.for %scan3A_432 = %scan3A_367 to %scan3A_369 step %scan3A_370 iter_args(%scan3A_433 = %scan3A_339) -> (vector<16xf32>)  : i32 {
      %mul3A_434 = arith.constant 16 : i32
      %mul3A_435 = arith.muli %scan3A_432, %mul3A_434 : i32
      %get3A_436 = arith.index_cast %mul3A_435 : i32 to index
      %get3A_437 = tpu.vector_load %arg17[%get3A_436] {strides = array<i32>} : memref<6400xf32, #tpu.memory_space<vmem>>, vector<16xf32>,
      %get3A_438 = vector.shape_cast %get3A_437 : vector<16xf32> to vector<16xf32>
      %add3A_439 = arith.addf %scan3A_433, %get3A_438 : vector<16xf32>
      %scan3A_440 = arith.constant 1 : i32
      %scan3A_441 = arith.addi %scan3A_432, %scan3A_440 : i32
      %mul3A_442 = arith.constant 16 : i32
      %mul3A_443 = arith.muli %scan3A_441, %mul3A_442 : i32
      %get3A_444 = arith.index_cast %mul3A_443 : i32 to index
      %get3A_445 = tpu.vector_load %arg17[%get3A_444] {strides = array<i32>} : memref<6400xf32, #tpu.memory_space<vmem>>, vector<16xf32>,
      %get3A_446 = vector.shape_cast %get3A_445 : vector<16xf32> to vector<16xf32>
      %add3A_447 = arith.addf %add3A_439, %get3A_446 : vector<16xf32>
      %scan3A_448 = arith.constant 2 : i32
      %scan3A_449 = arith.addi %scan3A_432, %scan3A_448 : i32
      %mul3A_450 = arith.constant 16 : i32
      %mul3A_451 = arith.muli %scan3A_449, %mul3A_450 : i32
      %get3A_452 = arith.index_cast %mul3A_451 : i32 to index
      %get3A_453 = tpu.vector_load %arg17[%get3A_452] {strides = array<i32>} : memref<6400xf32, #tpu.memory_space<vmem>>, vector<16xf32>,
      %get3A_454 = vector.shape_cast %get3A_453 : vector<16xf32> to vector<16xf32>
      %add3A_455 = arith.addf %add3A_447, %get3A_454 : vector<16xf32>
      %scan3A_456 = arith.constant 3 : i32
      %scan3A_457 = arith.addi %scan3A_432, %scan3A_456 : i32
      %mul3A_458 = arith.constant 16 : i32
      %mul3A_459 = arith.muli %scan3A_457, %mul3A_458 : i32
      %get3A_460 = arith.index_cast %mul3A_459 : i32 to index
      %get3A_461 = tpu.vector_load %arg17[%get3A_460] {strides = array<i32>} : memref<6400xf32, #tpu.memory_space<vmem>>, vector<16xf32>,
      %get3A_462 = vector.shape_cast %get3A_461 : vector<16xf32> to vector<16xf32>
      %add3A_463 = arith.addf %add3A_455, %get3A_462 : vector<16xf32>
      %scan3A_464 = arith.constant 4 : i32
      %scan3A_465 = arith.addi %scan3A_432, %scan3A_464 : i32
      %mul3A_466 = arith.constant 16 : i32
      %mul3A_467 = arith.muli %scan3A_465, %mul3A_466 : i32
      %get3A_468 = arith.index_cast %mul3A_467 : i32 to index
      %get3A_469 = tpu.vector_load %arg17[%get3A_468] {strides = array<i32>} : memref<6400xf32, #tpu.memory_space<vmem>>, vector<16xf32>,
      %get3A_470 = vector.shape_cast %get3A_469 : vector<16xf32> to vector<16xf32>
      %add3A_471 = arith.addf %add3A_463, %get3A_470 : vector<16xf32>
      %scan3A_472 = arith.constant 5 : i32
      %scan3A_473 = arith.addi %scan3A_432, %scan3A_472 : i32
      %mul3A_474 = arith.constant 16 : i32
      %mul3A_475 = arith.muli %scan3A_473, %mul3A_474 : i32
      %get3A_476 = arith.index_cast %mul3A_475 : i32 to index
      %get3A_477 = tpu.vector_load %arg17[%get3A_476] {strides = array<i32>} : memref<6400xf32, #tpu.memory_space<vmem>>, vector<16xf32>,
      %get3A_478 = vector.shape_cast %get3A_477 : vector<16xf32> to vector<16xf32>
      %add3A_479 = arith.addf %add3A_471, %get3A_478 : vector<16xf32>
      %scan3A_480 = arith.constant 6 : i32
      %scan3A_481 = arith.addi %scan3A_432, %scan3A_480 : i32
      %mul3A_482 = arith.constant 16 : i32
      %mul3A_483 = arith.muli %scan3A_481, %mul3A_482 : i32
      %get3A_484 = arith.index_cast %mul3A_483 : i32 to index
      %get3A_485 = tpu.vector_load %arg17[%get3A_484] {strides = array<i32>} : memref<6400xf32, #tpu.memory_space<vmem>>, vector<16xf32>,
      %get3A_486 = vector.shape_cast %get3A_485 : vector<16xf32> to vector<16xf32>
      %add3A_487 = arith.addf %add3A_479, %get3A_486 : vector<16xf32>
      %scan3A_488 = arith.constant 7 : i32
      %scan3A_489 = arith.addi %scan3A_432, %scan3A_488 : i32
      %mul3A_490 = arith.constant 16 : i32
      %mul3A_491 = arith.muli %scan3A_489, %mul3A_490 : i32
      %get3A_492 = arith.index_cast %mul3A_491 : i32 to index
      %get3A_493 = tpu.vector_load %arg17[%get3A_492] {strides = array<i32>} : memref<6400xf32, #tpu.memory_space<vmem>>, vector<16xf32>,
      %get3A_494 = vector.shape_cast %get3A_493 : vector<16xf32> to vector<16xf32>
      %add3A_495 = arith.addf %add3A_487, %get3A_494 : vector<16xf32>
      scf.yield %add3A_495 : vector<16xf32>
    }
    %scan3A_372 = arith.constant 400 : i32
    %eq3A_373 = arith.constant 31 : i32
    %eq3A_374 = arith.cmpi eq, %add3A, %eq3A_373 : i32
    %convert_element_type3A_375 = arith.extui %eq3A_374 : i1 to i32
    %cond3A_376 = arith.constant 0 : i32
    %cond3A_377 = arith.cmpi ne, %convert_element_type3A_375, %cond3A_376 : i32
    scf.if %cond3A_377 {
      %dma_wait3A_432 = arith.constant 0 : i32
      %dma_wait3A_433 = tpu.memref_slice %arg7[%dma_wait3A_432] : memref<6416xi32, #tpu.memory_space<vmem>> -> memref<6400xi32, #tpu.memory_space<vmem>>
      %dma_wait3A_434 = arith.constant 0 : i32
      %dma_wait3A_435 = tpu.memref_slice %arg2[%dma_wait3A_434] : memref<3276800xi32, #tpu.memory_space<hbm>> -> memref<6400xi32, #tpu.memory_space<hbm>>
      %dma_wait3A_436 = arith.constant 0 : i32
      %dma_wait3A_437 = tpu.memref_slice %arg7[%dma_wait3A_436] : memref<6416xi32, #tpu.memory_space<vmem>> -> memref<6400xi32, #tpu.memory_space<vmem>>
      %dma_wait3A_438 = arith.constant 0 : i32
      %dma_wait3A_439 = tpu.memref_slice %arg2[%dma_wait3A_438] : memref<3276800xi32, #tpu.memory_space<hbm>> -> memref<6400xi32, #tpu.memory_space<hbm>>
      tpu.wait_dma2 semaphore(%arg23 : memref<!tpu.dma_semaphore, #tpu.memory_space<semaphore_mem>>) src(%dma_wait3A_439 : memref<6400xi32, #tpu.memory_space<hbm>>) dst(%dma_wait3A_437 : memref<6400xi32, #tpu.memory_space<vmem>>)
    } else {
    }
    %ne3A_378 = arith.constant 31 : i32
    %ne3A_379 = arith.cmpi ne, %add3A, %ne3A_378 : i32
    %convert_element_type3A_380 = arith.extui %ne3A_379 : i1 to i32
    %cond3A_381 = arith.constant 0 : i32
    %cond3A_382 = arith.cmpi ne, %convert_element_type3A_380, %cond3A_381 : i32
    scf.if %cond3A_382 {
      %dma_wait3A_432 = arith.constant 0 : i32
      %dma_wait3A_433 = tpu.memref_slice %arg2[%dma_wait3A_432] : memref<3276800xi32, #tpu.memory_space<hbm>> -> memref<6416xi32, #tpu.memory_space<hbm>>
      %dma_wait3A_434 = arith.constant 0 : i32
      %dma_wait3A_435 = tpu.memref_slice %arg2[%dma_wait3A_434] : memref<3276800xi32, #tpu.memory_space<hbm>> -> memref<6416xi32, #tpu.memory_space<hbm>>
      tpu.wait_dma2 semaphore(%arg23 : memref<!tpu.dma_semaphore, #tpu.memory_space<semaphore_mem>>) src(%dma_wait3A_435 : memref<6416xi32, #tpu.memory_space<hbm>>) dst(%arg7 : memref<6416xi32, #tpu.memory_space<vmem>>)
    } else {
    }
    %iota3A_383 = tpu.iota {dimensions = array<i32: 0>} : vector<16xi32>
    %scan3A_384 = arith.constant 0 : i32
    %scan3A_385 = arith.constant 400 : i32
    %scan3A_386 = arith.addi %scan3A_384, %scan3A_385 : i32
    %scan3A_387 = arith.constant 4 : i32
    %scan3A_388 = scf.for %scan3A_432 = %scan3A_384 to %scan3A_386 step %scan3A_387 iter_args(%scan3A_433 = %scan3A_361) -> (vector<16xi32>)  : i32 {
      %mul3A_434 = arith.constant 16 : i32
      %mul3A_435 = arith.muli %scan3A_432, %mul3A_434 : i32
      %get3A_436 = arith.index_cast %mul3A_435 : i32 to index
      %get3A_437 = tpu.vector_load %arg7[%get3A_436] {strides = array<i32>} : memref<6416xi32, #tpu.memory_space<vmem>>, vector<16xi32>,
      %get3A_438 = vector.shape_cast %get3A_437 : vector<16xi32> to vector<16xi32>
      %mul3A_439 = arith.constant 16 : i32
      %mul3A_440 = arith.muli %scan3A_432, %mul3A_439 : i32
      %add3A_441 = arith.constant 1 : i32
      %add3A_442 = arith.addi %mul3A_440, %add3A_441 : i32
      %get3A_443 = arith.index_cast %add3A_442 : i32 to index
      %get3A_444 = tpu.vector_load %arg7[%get3A_443] {strides = array<i32>} : memref<6416xi32, #tpu.memory_space<vmem>>, vector<16xi32>,
      %get3A_445 = vector.shape_cast %get3A_444 : vector<16xi32> to vector<16xi32>
      %eq3A_446 = arith.cmpi eq, %get3A_438, %get3A_12 : vector<16xi32>
      %eq3A_447 = arith.cmpi eq, %get3A_445, %get3A_12 : vector<16xi32>
      %or3A = arith.ori %eq3A_446, %eq3A_447 : vector<16xi1>
      %mul3A_448 = arith.constant 1000 : i32
      %mul3A_449 = vector.broadcast %mul3A_448 : i32 to vector<16xi32>
      %mul3A_450 = arith.muli %get3A_438, %mul3A_449 : vector<16xi32>
      %add3A_451 = arith.addi %mul3A_450, %get3A_445 : vector<16xi32>
      %select_n3A = arith.select %or3A, %iota3A_383, %add3A_451 : vector<16xi1>, vector<16xi32>
      %mul3A_452 = arith.constant 16 : i32
      %mul3A_453 = arith.muli %scan3A_432, %mul3A_452 : i32
      %swap3A_454 = arith.index_cast %mul3A_453 : i32 to index
      %swap3A_455 = tpu.vector_load %arg13[%swap3A_454] {strides = array<i32>} : memref<6400xi32, #tpu.memory_space<vmem>>, vector<16xi32>,
      %swap3A_456 = vector.shape_cast %swap3A_455 : vector<16xi32> to vector<16xi32>
      %swap3A_457 = vector.shape_cast %select_n3A : vector<16xi32> to vector<16xi32>
      tpu.vector_store %arg13[%swap3A_454], %swap3A_457 {strides = array<i32>} : memref<6400xi32, #tpu.memory_space<vmem>>, vector<16xi32>,
      %jit3A = arith.constant 1 : i32
      %jit3A_458 = arith.constant 0 : i32
      %broadcast_in_dim3A_459 = vector.broadcast %jit3A : i32 to vector<16xi32>
      %broadcast_in_dim3A_460 = vector.broadcast %jit3A_458 : i32 to vector<16xi32>
      %select_n3A_461 = arith.select %or3A, %broadcast_in_dim3A_459, %broadcast_in_dim3A_460 : vector<16xi1>, vector<16xi32>
      %add3A_462 = arith.addi %scan3A_433, %select_n3A_461 : vector<16xi32>
      %scan3A_463 = arith.constant 1 : i32
      %scan3A_464 = arith.addi %scan3A_432, %scan3A_463 : i32
      %mul3A_465 = arith.constant 16 : i32
      %mul3A_466 = arith.muli %scan3A_464, %mul3A_465 : i32
      %get3A_467 = arith.index_cast %mul3A_466 : i32 to index
      %get3A_468 = tpu.vector_load %arg7[%get3A_467] {strides = array<i32>} : memref<6416xi32, #tpu.memory_space<vmem>>, vector<16xi32>,
      %get3A_469 = vector.shape_cast %get3A_468 : vector<16xi32> to vector<16xi32>
      %mul3A_470 = arith.constant 16 : i32
      %mul3A_471 = arith.muli %scan3A_464, %mul3A_470 : i32
      %add3A_472 = arith.constant 1 : i32
      %add3A_473 = arith.addi %mul3A_471, %add3A_472 : i32
      %get3A_474 = arith.index_cast %add3A_473 : i32 to index
      %get3A_475 = tpu.vector_load %arg7[%get3A_474] {strides = array<i32>} : memref<6416xi32, #tpu.memory_space<vmem>>, vector<16xi32>,
      %get3A_476 = vector.shape_cast %get3A_475 : vector<16xi32> to vector<16xi32>
      %eq3A_477 = arith.cmpi eq, %get3A_469, %get3A_12 : vector<16xi32>
      %eq3A_478 = arith.cmpi eq, %get3A_476, %get3A_12 : vector<16xi32>
      %or3A_479 = arith.ori %eq3A_477, %eq3A_478 : vector<16xi1>
      %mul3A_480 = arith.constant 1000 : i32
      %mul3A_481 = vector.broadcast %mul3A_480 : i32 to vector<16xi32>
      %mul3A_482 = arith.muli %get3A_469, %mul3A_481 : vector<16xi32>
      %add3A_483 = arith.addi %mul3A_482, %get3A_476 : vector<16xi32>
      %select_n3A_484 = arith.select %or3A_479, %iota3A_383, %add3A_483 : vector<16xi1>, vector<16xi32>
      %mul3A_485 = arith.constant 16 : i32
      %mul3A_486 = arith.muli %scan3A_464, %mul3A_485 : i32
      %swap3A_487 = arith.index_cast %mul3A_486 : i32 to index
      %swap3A_488 = tpu.vector_load %arg13[%swap3A_487] {strides = array<i32>} : memref<6400xi32, #tpu.memory_space<vmem>>, vector<16xi32>,
      %swap3A_489 = vector.shape_cast %swap3A_488 : vector<16xi32> to vector<16xi32>
      %swap3A_490 = vector.shape_cast %select_n3A_484 : vector<16xi32> to vector<16xi32>
      tpu.vector_store %arg13[%swap3A_487], %swap3A_490 {strides = array<i32>} : memref<6400xi32, #tpu.memory_space<vmem>>, vector<16xi32>,
      %jit3A_491 = arith.constant 1 : i32
      %jit3A_492 = arith.constant 0 : i32
      %broadcast_in_dim3A_493 = vector.broadcast %jit3A_491 : i32 to vector<16xi32>
      %broadcast_in_dim3A_494 = vector.broadcast %jit3A_492 : i32 to vector<16xi32>
      %select_n3A_495 = arith.select %or3A_479, %broadcast_in_dim3A_493, %broadcast_in_dim3A_494 : vector<16xi1>, vector<16xi32>
      %add3A_496 = arith.addi %add3A_462, %select_n3A_495 : vector<16xi32>
      %scan3A_497 = arith.constant 2 : i32
      %scan3A_498 = arith.addi %scan3A_432, %scan3A_497 : i32
      %mul3A_499 = arith.constant 16 : i32
      %mul3A_500 = arith.muli %scan3A_498, %mul3A_499 : i32
      %get3A_501 = arith.index_cast %mul3A_500 : i32 to index
      %get3A_502 = tpu.vector_load %arg7[%get3A_501] {strides = array<i32>} : memref<6416xi32, #tpu.memory_space<vmem>>, vector<16xi32>,
      %get3A_503 = vector.shape_cast %get3A_502 : vector<16xi32> to vector<16xi32>
      %mul3A_504 = arith.constant 16 : i32
      %mul3A_505 = arith.muli %scan3A_498, %mul3A_504 : i32
      %add3A_506 = arith.constant 1 : i32
      %add3A_507 = arith.addi %mul3A_505, %add3A_506 : i32
      %get3A_508 = arith.index_cast %add3A_507 : i32 to index
      %get3A_509 = tpu.vector_load %arg7[%get3A_508] {strides = array<i32>} : memref<6416xi32, #tpu.memory_space<vmem>>, vector<16xi32>,
      %get3A_510 = vector.shape_cast %get3A_509 : vector<16xi32> to vector<16xi32>
      %eq3A_511 = arith.cmpi eq, %get3A_503, %get3A_12 : vector<16xi32>
      %eq3A_512 = arith.cmpi eq, %get3A_510, %get3A_12 : vector<16xi32>
      %or3A_513 = arith.ori %eq3A_511, %eq3A_512 : vector<16xi1>
      %mul3A_514 = arith.constant 1000 : i32
      %mul3A_515 = vector.broadcast %mul3A_514 : i32 to vector<16xi32>
      %mul3A_516 = arith.muli %get3A_503, %mul3A_515 : vector<16xi32>
      %add3A_517 = arith.addi %mul3A_516, %get3A_510 : vector<16xi32>
      %select_n3A_518 = arith.select %or3A_513, %iota3A_383, %add3A_517 : vector<16xi1>, vector<16xi32>
      %mul3A_519 = arith.constant 16 : i32
      %mul3A_520 = arith.muli %scan3A_498, %mul3A_519 : i32
      %swap3A_521 = arith.index_cast %mul3A_520 : i32 to index
      %swap3A_522 = tpu.vector_load %arg13[%swap3A_521] {strides = array<i32>} : memref<6400xi32, #tpu.memory_space<vmem>>, vector<16xi32>,
      %swap3A_523 = vector.shape_cast %swap3A_522 : vector<16xi32> to vector<16xi32>
      %swap3A_524 = vector.shape_cast %select_n3A_518 : vector<16xi32> to vector<16xi32>
      tpu.vector_store %arg13[%swap3A_521], %swap3A_524 {strides = array<i32>} : memref<6400xi32, #tpu.memory_space<vmem>>, vector<16xi32>,
      %jit3A_525 = arith.constant 1 : i32
      %jit3A_526 = arith.constant 0 : i32
      %broadcast_in_dim3A_527 = vector.broadcast %jit3A_525 : i32 to vector<16xi32>
      %broadcast_in_dim3A_528 = vector.broadcast %jit3A_526 : i32 to vector<16xi32>
      %select_n3A_529 = arith.select %or3A_513, %broadcast_in_dim3A_527, %broadcast_in_dim3A_528 : vector<16xi1>, vector<16xi32>
      %add3A_530 = arith.addi %add3A_496, %select_n3A_529 : vector<16xi32>
      %scan3A_531 = arith.constant 3 : i32
      %scan3A_532 = arith.addi %scan3A_432, %scan3A_531 : i32
      %mul3A_533 = arith.constant 16 : i32
      %mul3A_534 = arith.muli %scan3A_532, %mul3A_533 : i32
      %get3A_535 = arith.index_cast %mul3A_534 : i32 to index
      %get3A_536 = tpu.vector_load %arg7[%get3A_535] {strides = array<i32>} : memref<6416xi32, #tpu.memory_space<vmem>>, vector<16xi32>,
      %get3A_537 = vector.shape_cast %get3A_536 : vector<16xi32> to vector<16xi32>
      %mul3A_538 = arith.constant 16 : i32
      %mul3A_539 = arith.muli %scan3A_532, %mul3A_538 : i32
      %add3A_540 = arith.constant 1 : i32
      %add3A_541 = arith.addi %mul3A_539, %add3A_540 : i32
      %get3A_542 = arith.index_cast %add3A_541 : i32 to index
      %get3A_543 = tpu.vector_load %arg7[%get3A_542] {strides = array<i32>} : memref<6416xi32, #tpu.memory_space<vmem>>, vector<16xi32>,
      %get3A_544 = vector.shape_cast %get3A_543 : vector<16xi32> to vector<16xi32>
      %eq3A_545 = arith.cmpi eq, %get3A_537, %get3A_12 : vector<16xi32>
      %eq3A_546 = arith.cmpi eq, %get3A_544, %get3A_12 : vector<16xi32>
      %or3A_547 = arith.ori %eq3A_545, %eq3A_546 : vector<16xi1>
      %mul3A_548 = arith.constant 1000 : i32
      %mul3A_549 = vector.broadcast %mul3A_548 : i32 to vector<16xi32>
      %mul3A_550 = arith.muli %get3A_537, %mul3A_549 : vector<16xi32>
      %add3A_551 = arith.addi %mul3A_550, %get3A_544 : vector<16xi32>
      %select_n3A_552 = arith.select %or3A_547, %iota3A_383, %add3A_551 : vector<16xi1>, vector<16xi32>
      %mul3A_553 = arith.constant 16 : i32
      %mul3A_554 = arith.muli %scan3A_532, %mul3A_553 : i32
      %swap3A_555 = arith.index_cast %mul3A_554 : i32 to index
      %swap3A_556 = tpu.vector_load %arg13[%swap3A_555] {strides = array<i32>} : memref<6400xi32, #tpu.memory_space<vmem>>, vector<16xi32>,
      %swap3A_557 = vector.shape_cast %swap3A_556 : vector<16xi32> to vector<16xi32>
      %swap3A_558 = vector.shape_cast %select_n3A_552 : vector<16xi32> to vector<16xi32>
      tpu.vector_store %arg13[%swap3A_555], %swap3A_558 {strides = array<i32>} : memref<6400xi32, #tpu.memory_space<vmem>>, vector<16xi32>,
      %jit3A_559 = arith.constant 1 : i32
      %jit3A_560 = arith.constant 0 : i32
      %broadcast_in_dim3A_561 = vector.broadcast %jit3A_559 : i32 to vector<16xi32>
      %broadcast_in_dim3A_562 = vector.broadcast %jit3A_560 : i32 to vector<16xi32>
      %select_n3A_563 = arith.select %or3A_547, %broadcast_in_dim3A_561, %broadcast_in_dim3A_562 : vector<16xi1>, vector<16xi32>
      %add3A_564 = arith.addi %add3A_530, %select_n3A_563 : vector<16xi32>
      scf.yield %add3A_564 : vector<16xi32>
    }
    %scan3A_389 = arith.constant 400 : i32
    %dma_wait3A_390 = arith.constant 0 : i32
    %dma_wait3A_391 = tpu.memref_slice %arg19[%dma_wait3A_390] : memref<1000000xf32, #tpu.memory_space<vmem_shared>> -> memref<1000000xf32, #tpu.memory_space<vmem_shared>>
    tpu.wait_indirect_dma semaphore(%arg20 : memref<!tpu.dma_semaphore, #tpu.memory_space<semaphore_mem>>) src(%dma_wait3A_391 : memref<1000000xf32, #tpu.memory_space<vmem_shared>>) dst(%arg14 : memref<6400xf32, #tpu.memory_space<vmem>>)
    %dma_start3A_392 = arith.constant 0 : i32
    %dma_start3A_393 = tpu.memref_slice %arg19[%dma_start3A_392] : memref<1000000xf32, #tpu.memory_space<vmem_shared>> -> memref<1000000xf32, #tpu.memory_space<vmem_shared>>
    tpu.enqueue_indirect_dma source(%dma_start3A_393 : memref<1000000xf32, #tpu.memory_space<vmem_shared>>) target(%arg17 : memref<6400xf32, #tpu.memory_space<vmem>>) offsets(%arg13 : memref<6400xi32, #tpu.memory_space<vmem>>) semaphore(%arg20 : memref<!tpu.dma_semaphore, #tpu.memory_space<semaphore_mem>>)
    %scan3A_394 = arith.constant 0 : i32
    %scan3A_395 = arith.constant 400 : i32
    %scan3A_396 = arith.addi %scan3A_394, %scan3A_395 : i32
    %scan3A_397 = arith.constant 8 : i32
    %scan3A_398 = scf.for %scan3A_432 = %scan3A_394 to %scan3A_396 step %scan3A_397 iter_args(%scan3A_433 = %scan3A_371) -> (vector<16xf32>)  : i32 {
      %mul3A_434 = arith.constant 16 : i32
      %mul3A_435 = arith.muli %scan3A_432, %mul3A_434 : i32
      %get3A_436 = arith.index_cast %mul3A_435 : i32 to index
      %get3A_437 = tpu.vector_load %arg14[%get3A_436] {strides = array<i32>} : memref<6400xf32, #tpu.memory_space<vmem>>, vector<16xf32>,
      %get3A_438 = vector.shape_cast %get3A_437 : vector<16xf32> to vector<16xf32>
      %add3A_439 = arith.addf %scan3A_433, %get3A_438 : vector<16xf32>
      %scan3A_440 = arith.constant 1 : i32
      %scan3A_441 = arith.addi %scan3A_432, %scan3A_440 : i32
      %mul3A_442 = arith.constant 16 : i32
      %mul3A_443 = arith.muli %scan3A_441, %mul3A_442 : i32
      %get3A_444 = arith.index_cast %mul3A_443 : i32 to index
      %get3A_445 = tpu.vector_load %arg14[%get3A_444] {strides = array<i32>} : memref<6400xf32, #tpu.memory_space<vmem>>, vector<16xf32>,
      %get3A_446 = vector.shape_cast %get3A_445 : vector<16xf32> to vector<16xf32>
      %add3A_447 = arith.addf %add3A_439, %get3A_446 : vector<16xf32>
      %scan3A_448 = arith.constant 2 : i32
      %scan3A_449 = arith.addi %scan3A_432, %scan3A_448 : i32
      %mul3A_450 = arith.constant 16 : i32
      %mul3A_451 = arith.muli %scan3A_449, %mul3A_450 : i32
      %get3A_452 = arith.index_cast %mul3A_451 : i32 to index
      %get3A_453 = tpu.vector_load %arg14[%get3A_452] {strides = array<i32>} : memref<6400xf32, #tpu.memory_space<vmem>>, vector<16xf32>,
      %get3A_454 = vector.shape_cast %get3A_453 : vector<16xf32> to vector<16xf32>
      %add3A_455 = arith.addf %add3A_447, %get3A_454 : vector<16xf32>
      %scan3A_456 = arith.constant 3 : i32
      %scan3A_457 = arith.addi %scan3A_432, %scan3A_456 : i32
      %mul3A_458 = arith.constant 16 : i32
      %mul3A_459 = arith.muli %scan3A_457, %mul3A_458 : i32
      %get3A_460 = arith.index_cast %mul3A_459 : i32 to index
      %get3A_461 = tpu.vector_load %arg14[%get3A_460] {strides = array<i32>} : memref<6400xf32, #tpu.memory_space<vmem>>, vector<16xf32>,
      %get3A_462 = vector.shape_cast %get3A_461 : vector<16xf32> to vector<16xf32>
      %add3A_463 = arith.addf %add3A_455, %get3A_462 : vector<16xf32>
      %scan3A_464 = arith.constant 4 : i32
      %scan3A_465 = arith.addi %scan3A_432, %scan3A_464 : i32
      %mul3A_466 = arith.constant 16 : i32
      %mul3A_467 = arith.muli %scan3A_465, %mul3A_466 : i32
      %get3A_468 = arith.index_cast %mul3A_467 : i32 to index
      %get3A_469 = tpu.vector_load %arg14[%get3A_468] {strides = array<i32>} : memref<6400xf32, #tpu.memory_space<vmem>>, vector<16xf32>,
      %get3A_470 = vector.shape_cast %get3A_469 : vector<16xf32> to vector<16xf32>
      %add3A_471 = arith.addf %add3A_463, %get3A_470 : vector<16xf32>
      %scan3A_472 = arith.constant 5 : i32
      %scan3A_473 = arith.addi %scan3A_432, %scan3A_472 : i32
      %mul3A_474 = arith.constant 16 : i32
      %mul3A_475 = arith.muli %scan3A_473, %mul3A_474 : i32
      %get3A_476 = arith.index_cast %mul3A_475 : i32 to index
      %get3A_477 = tpu.vector_load %arg14[%get3A_476] {strides = array<i32>} : memref<6400xf32, #tpu.memory_space<vmem>>, vector<16xf32>,
      %get3A_478 = vector.shape_cast %get3A_477 : vector<16xf32> to vector<16xf32>
      %add3A_479 = arith.addf %add3A_471, %get3A_478 : vector<16xf32>
      %scan3A_480 = arith.constant 6 : i32
      %scan3A_481 = arith.addi %scan3A_432, %scan3A_480 : i32
      %mul3A_482 = arith.constant 16 : i32
      %mul3A_483 = arith.muli %scan3A_481, %mul3A_482 : i32
      %get3A_484 = arith.index_cast %mul3A_483 : i32 to index
      %get3A_485 = tpu.vector_load %arg14[%get3A_484] {strides = array<i32>} : memref<6400xf32, #tpu.memory_space<vmem>>, vector<16xf32>,
      %get3A_486 = vector.shape_cast %get3A_485 : vector<16xf32> to vector<16xf32>
      %add3A_487 = arith.addf %add3A_479, %get3A_486 : vector<16xf32>
      %scan3A_488 = arith.constant 7 : i32
      %scan3A_489 = arith.addi %scan3A_432, %scan3A_488 : i32
      %mul3A_490 = arith.constant 16 : i32
      %mul3A_491 = arith.muli %scan3A_489, %mul3A_490 : i32
      %get3A_492 = arith.index_cast %mul3A_491 : i32 to index
      %get3A_493 = tpu.vector_load %arg14[%get3A_492] {strides = array<i32>} : memref<6400xf32, #tpu.memory_space<vmem>>, vector<16xf32>,
      %get3A_494 = vector.shape_cast %get3A_493 : vector<16xf32> to vector<16xf32>
      %add3A_495 = arith.addf %add3A_487, %get3A_494 : vector<16xf32>
      scf.yield %add3A_495 : vector<16xf32>
    }
    %scan3A_399 = arith.constant 400 : i32
    %dma_wait3A_400 = arith.constant 0 : i32
    %dma_wait3A_401 = tpu.memref_slice %arg19[%dma_wait3A_400] : memref<1000000xf32, #tpu.memory_space<vmem_shared>> -> memref<1000000xf32, #tpu.memory_space<vmem_shared>>
    tpu.wait_indirect_dma semaphore(%arg21 : memref<!tpu.dma_semaphore, #tpu.memory_space<semaphore_mem>>) src(%dma_wait3A_401 : memref<1000000xf32, #tpu.memory_space<vmem_shared>>) dst(%arg15 : memref<6400xf32, #tpu.memory_space<vmem>>)
    %scan3A_402 = arith.constant 0 : i32
    %scan3A_403 = arith.constant 400 : i32
    %scan3A_404 = arith.addi %scan3A_402, %scan3A_403 : i32
    %scan3A_405 = arith.constant 8 : i32
    %scan3A_406 = scf.for %scan3A_432 = %scan3A_402 to %scan3A_404 step %scan3A_405 iter_args(%scan3A_433 = %scan3A_398) -> (vector<16xf32>)  : i32 {
      %mul3A_434 = arith.constant 16 : i32
      %mul3A_435 = arith.muli %scan3A_432, %mul3A_434 : i32
      %get3A_436 = arith.index_cast %mul3A_435 : i32 to index
      %get3A_437 = tpu.vector_load %arg15[%get3A_436] {strides = array<i32>} : memref<6400xf32, #tpu.memory_space<vmem>>, vector<16xf32>,
      %get3A_438 = vector.shape_cast %get3A_437 : vector<16xf32> to vector<16xf32>
      %add3A_439 = arith.addf %scan3A_433, %get3A_438 : vector<16xf32>
      %scan3A_440 = arith.constant 1 : i32
      %scan3A_441 = arith.addi %scan3A_432, %scan3A_440 : i32
      %mul3A_442 = arith.constant 16 : i32
      %mul3A_443 = arith.muli %scan3A_441, %mul3A_442 : i32
      %get3A_444 = arith.index_cast %mul3A_443 : i32 to index
      %get3A_445 = tpu.vector_load %arg15[%get3A_444] {strides = array<i32>} : memref<6400xf32, #tpu.memory_space<vmem>>, vector<16xf32>,
      %get3A_446 = vector.shape_cast %get3A_445 : vector<16xf32> to vector<16xf32>
      %add3A_447 = arith.addf %add3A_439, %get3A_446 : vector<16xf32>
      %scan3A_448 = arith.constant 2 : i32
      %scan3A_449 = arith.addi %scan3A_432, %scan3A_448 : i32
      %mul3A_450 = arith.constant 16 : i32
      %mul3A_451 = arith.muli %scan3A_449, %mul3A_450 : i32
      %get3A_452 = arith.index_cast %mul3A_451 : i32 to index
      %get3A_453 = tpu.vector_load %arg15[%get3A_452] {strides = array<i32>} : memref<6400xf32, #tpu.memory_space<vmem>>, vector<16xf32>,
      %get3A_454 = vector.shape_cast %get3A_453 : vector<16xf32> to vector<16xf32>
      %add3A_455 = arith.addf %add3A_447, %get3A_454 : vector<16xf32>
      %scan3A_456 = arith.constant 3 : i32
      %scan3A_457 = arith.addi %scan3A_432, %scan3A_456 : i32
      %mul3A_458 = arith.constant 16 : i32
      %mul3A_459 = arith.muli %scan3A_457, %mul3A_458 : i32
      %get3A_460 = arith.index_cast %mul3A_459 : i32 to index
      %get3A_461 = tpu.vector_load %arg15[%get3A_460] {strides = array<i32>} : memref<6400xf32, #tpu.memory_space<vmem>>, vector<16xf32>,
      %get3A_462 = vector.shape_cast %get3A_461 : vector<16xf32> to vector<16xf32>
      %add3A_463 = arith.addf %add3A_455, %get3A_462 : vector<16xf32>
      %scan3A_464 = arith.constant 4 : i32
      %scan3A_465 = arith.addi %scan3A_432, %scan3A_464 : i32
      %mul3A_466 = arith.constant 16 : i32
      %mul3A_467 = arith.muli %scan3A_465, %mul3A_466 : i32
      %get3A_468 = arith.index_cast %mul3A_467 : i32 to index
      %get3A_469 = tpu.vector_load %arg15[%get3A_468] {strides = array<i32>} : memref<6400xf32, #tpu.memory_space<vmem>>, vector<16xf32>,
      %get3A_470 = vector.shape_cast %get3A_469 : vector<16xf32> to vector<16xf32>
      %add3A_471 = arith.addf %add3A_463, %get3A_470 : vector<16xf32>
      %scan3A_472 = arith.constant 5 : i32
      %scan3A_473 = arith.addi %scan3A_432, %scan3A_472 : i32
      %mul3A_474 = arith.constant 16 : i32
      %mul3A_475 = arith.muli %scan3A_473, %mul3A_474 : i32
      %get3A_476 = arith.index_cast %mul3A_475 : i32 to index
      %get3A_477 = tpu.vector_load %arg15[%get3A_476] {strides = array<i32>} : memref<6400xf32, #tpu.memory_space<vmem>>, vector<16xf32>,
      %get3A_478 = vector.shape_cast %get3A_477 : vector<16xf32> to vector<16xf32>
      %add3A_479 = arith.addf %add3A_471, %get3A_478 : vector<16xf32>
      %scan3A_480 = arith.constant 6 : i32
      %scan3A_481 = arith.addi %scan3A_432, %scan3A_480 : i32
      %mul3A_482 = arith.constant 16 : i32
      %mul3A_483 = arith.muli %scan3A_481, %mul3A_482 : i32
      %get3A_484 = arith.index_cast %mul3A_483 : i32 to index
      %get3A_485 = tpu.vector_load %arg15[%get3A_484] {strides = array<i32>} : memref<6400xf32, #tpu.memory_space<vmem>>, vector<16xf32>,
      %get3A_486 = vector.shape_cast %get3A_485 : vector<16xf32> to vector<16xf32>
      %add3A_487 = arith.addf %add3A_479, %get3A_486 : vector<16xf32>
      %scan3A_488 = arith.constant 7 : i32
      %scan3A_489 = arith.addi %scan3A_432, %scan3A_488 : i32
      %mul3A_490 = arith.constant 16 : i32
      %mul3A_491 = arith.muli %scan3A_489, %mul3A_490 : i32
      %get3A_492 = arith.index_cast %mul3A_491 : i32 to index
      %get3A_493 = tpu.vector_load %arg15[%get3A_492] {strides = array<i32>} : memref<6400xf32, #tpu.memory_space<vmem>>, vector<16xf32>,
      %get3A_494 = vector.shape_cast %get3A_493 : vector<16xf32> to vector<16xf32>
      %add3A_495 = arith.addf %add3A_487, %get3A_494 : vector<16xf32>
      scf.yield %add3A_495 : vector<16xf32>
    }
    %scan3A_407 = arith.constant 400 : i32
    %dma_wait3A_408 = arith.constant 0 : i32
    %dma_wait3A_409 = tpu.memref_slice %arg19[%dma_wait3A_408] : memref<1000000xf32, #tpu.memory_space<vmem_shared>> -> memref<1000000xf32, #tpu.memory_space<vmem_shared>>
    tpu.wait_indirect_dma semaphore(%arg22 : memref<!tpu.dma_semaphore, #tpu.memory_space<semaphore_mem>>) src(%dma_wait3A_409 : memref<1000000xf32, #tpu.memory_space<vmem_shared>>) dst(%arg16 : memref<6400xf32, #tpu.memory_space<vmem>>)
    %scan3A_410 = arith.constant 0 : i32
    %scan3A_411 = arith.constant 400 : i32
    %scan3A_412 = arith.addi %scan3A_410, %scan3A_411 : i32
    %scan3A_413 = arith.constant 8 : i32
    %scan3A_414 = scf.for %scan3A_432 = %scan3A_410 to %scan3A_412 step %scan3A_413 iter_args(%scan3A_433 = %scan3A_406) -> (vector<16xf32>)  : i32 {
      %mul3A_434 = arith.constant 16 : i32
      %mul3A_435 = arith.muli %scan3A_432, %mul3A_434 : i32
      %get3A_436 = arith.index_cast %mul3A_435 : i32 to index
      %get3A_437 = tpu.vector_load %arg16[%get3A_436] {strides = array<i32>} : memref<6400xf32, #tpu.memory_space<vmem>>, vector<16xf32>,
      %get3A_438 = vector.shape_cast %get3A_437 : vector<16xf32> to vector<16xf32>
      %add3A_439 = arith.addf %scan3A_433, %get3A_438 : vector<16xf32>
      %scan3A_440 = arith.constant 1 : i32
      %scan3A_441 = arith.addi %scan3A_432, %scan3A_440 : i32
      %mul3A_442 = arith.constant 16 : i32
      %mul3A_443 = arith.muli %scan3A_441, %mul3A_442 : i32
      %get3A_444 = arith.index_cast %mul3A_443 : i32 to index
      %get3A_445 = tpu.vector_load %arg16[%get3A_444] {strides = array<i32>} : memref<6400xf32, #tpu.memory_space<vmem>>, vector<16xf32>,
      %get3A_446 = vector.shape_cast %get3A_445 : vector<16xf32> to vector<16xf32>
      %add3A_447 = arith.addf %add3A_439, %get3A_446 : vector<16xf32>
      %scan3A_448 = arith.constant 2 : i32
      %scan3A_449 = arith.addi %scan3A_432, %scan3A_448 : i32
      %mul3A_450 = arith.constant 16 : i32
      %mul3A_451 = arith.muli %scan3A_449, %mul3A_450 : i32
      %get3A_452 = arith.index_cast %mul3A_451 : i32 to index
      %get3A_453 = tpu.vector_load %arg16[%get3A_452] {strides = array<i32>} : memref<6400xf32, #tpu.memory_space<vmem>>, vector<16xf32>,
      %get3A_454 = vector.shape_cast %get3A_453 : vector<16xf32> to vector<16xf32>
      %add3A_455 = arith.addf %add3A_447, %get3A_454 : vector<16xf32>
      %scan3A_456 = arith.constant 3 : i32
      %scan3A_457 = arith.addi %scan3A_432, %scan3A_456 : i32
      %mul3A_458 = arith.constant 16 : i32
      %mul3A_459 = arith.muli %scan3A_457, %mul3A_458 : i32
      %get3A_460 = arith.index_cast %mul3A_459 : i32 to index
      %get3A_461 = tpu.vector_load %arg16[%get3A_460] {strides = array<i32>} : memref<6400xf32, #tpu.memory_space<vmem>>, vector<16xf32>,
      %get3A_462 = vector.shape_cast %get3A_461 : vector<16xf32> to vector<16xf32>
      %add3A_463 = arith.addf %add3A_455, %get3A_462 : vector<16xf32>
      %scan3A_464 = arith.constant 4 : i32
      %scan3A_465 = arith.addi %scan3A_432, %scan3A_464 : i32
      %mul3A_466 = arith.constant 16 : i32
      %mul3A_467 = arith.muli %scan3A_465, %mul3A_466 : i32
      %get3A_468 = arith.index_cast %mul3A_467 : i32 to index
      %get3A_469 = tpu.vector_load %arg16[%get3A_468] {strides = array<i32>} : memref<6400xf32, #tpu.memory_space<vmem>>, vector<16xf32>,
      %get3A_470 = vector.shape_cast %get3A_469 : vector<16xf32> to vector<16xf32>
      %add3A_471 = arith.addf %add3A_463, %get3A_470 : vector<16xf32>
      %scan3A_472 = arith.constant 5 : i32
      %scan3A_473 = arith.addi %scan3A_432, %scan3A_472 : i32
      %mul3A_474 = arith.constant 16 : i32
      %mul3A_475 = arith.muli %scan3A_473, %mul3A_474 : i32
      %get3A_476 = arith.index_cast %mul3A_475 : i32 to index
      %get3A_477 = tpu.vector_load %arg16[%get3A_476] {strides = array<i32>} : memref<6400xf32, #tpu.memory_space<vmem>>, vector<16xf32>,
      %get3A_478 = vector.shape_cast %get3A_477 : vector<16xf32> to vector<16xf32>
      %add3A_479 = arith.addf %add3A_471, %get3A_478 : vector<16xf32>
      %scan3A_480 = arith.constant 6 : i32
      %scan3A_481 = arith.addi %scan3A_432, %scan3A_480 : i32
      %mul3A_482 = arith.constant 16 : i32
      %mul3A_483 = arith.muli %scan3A_481, %mul3A_482 : i32
      %get3A_484 = arith.index_cast %mul3A_483 : i32 to index
      %get3A_485 = tpu.vector_load %arg16[%get3A_484] {strides = array<i32>} : memref<6400xf32, #tpu.memory_space<vmem>>, vector<16xf32>,
      %get3A_486 = vector.shape_cast %get3A_485 : vector<16xf32> to vector<16xf32>
      %add3A_487 = arith.addf %add3A_479, %get3A_486 : vector<16xf32>
      %scan3A_488 = arith.constant 7 : i32
      %scan3A_489 = arith.addi %scan3A_432, %scan3A_488 : i32
      %mul3A_490 = arith.constant 16 : i32
      %mul3A_491 = arith.muli %scan3A_489, %mul3A_490 : i32
      %get3A_492 = arith.index_cast %mul3A_491 : i32 to index
      %get3A_493 = tpu.vector_load %arg16[%get3A_492] {strides = array<i32>} : memref<6400xf32, #tpu.memory_space<vmem>>, vector<16xf32>,
      %get3A_494 = vector.shape_cast %get3A_493 : vector<16xf32> to vector<16xf32>
      %add3A_495 = arith.addf %add3A_487, %get3A_494 : vector<16xf32>
      scf.yield %add3A_495 : vector<16xf32>
    }
    %scan3A_415 = arith.constant 400 : i32
    %dma_wait3A_416 = arith.constant 0 : i32
    %dma_wait3A_417 = tpu.memref_slice %arg19[%dma_wait3A_416] : memref<1000000xf32, #tpu.memory_space<vmem_shared>> -> memref<1000000xf32, #tpu.memory_space<vmem_shared>>
    tpu.wait_indirect_dma semaphore(%arg20 : memref<!tpu.dma_semaphore, #tpu.memory_space<semaphore_mem>>) src(%dma_wait3A_417 : memref<1000000xf32, #tpu.memory_space<vmem_shared>>) dst(%arg17 : memref<6400xf32, #tpu.memory_space<vmem>>)
    %scan3A_418 = arith.constant 0 : i32
    %scan3A_419 = arith.constant 400 : i32
    %scan3A_420 = arith.addi %scan3A_418, %scan3A_419 : i32
    %scan3A_421 = arith.constant 8 : i32
    %scan3A_422 = scf.for %scan3A_432 = %scan3A_418 to %scan3A_420 step %scan3A_421 iter_args(%scan3A_433 = %scan3A_414) -> (vector<16xf32>)  : i32 {
      %mul3A_434 = arith.constant 16 : i32
      %mul3A_435 = arith.muli %scan3A_432, %mul3A_434 : i32
      %get3A_436 = arith.index_cast %mul3A_435 : i32 to index
      %get3A_437 = tpu.vector_load %arg17[%get3A_436] {strides = array<i32>} : memref<6400xf32, #tpu.memory_space<vmem>>, vector<16xf32>,
      %get3A_438 = vector.shape_cast %get3A_437 : vector<16xf32> to vector<16xf32>
      %add3A_439 = arith.addf %scan3A_433, %get3A_438 : vector<16xf32>
      %scan3A_440 = arith.constant 1 : i32
      %scan3A_441 = arith.addi %scan3A_432, %scan3A_440 : i32
      %mul3A_442 = arith.constant 16 : i32
      %mul3A_443 = arith.muli %scan3A_441, %mul3A_442 : i32
      %get3A_444 = arith.index_cast %mul3A_443 : i32 to index
      %get3A_445 = tpu.vector_load %arg17[%get3A_444] {strides = array<i32>} : memref<6400xf32, #tpu.memory_space<vmem>>, vector<16xf32>,
      %get3A_446 = vector.shape_cast %get3A_445 : vector<16xf32> to vector<16xf32>
      %add3A_447 = arith.addf %add3A_439, %get3A_446 : vector<16xf32>
      %scan3A_448 = arith.constant 2 : i32
      %scan3A_449 = arith.addi %scan3A_432, %scan3A_448 : i32
      %mul3A_450 = arith.constant 16 : i32
      %mul3A_451 = arith.muli %scan3A_449, %mul3A_450 : i32
      %get3A_452 = arith.index_cast %mul3A_451 : i32 to index
      %get3A_453 = tpu.vector_load %arg17[%get3A_452] {strides = array<i32>} : memref<6400xf32, #tpu.memory_space<vmem>>, vector<16xf32>,
      %get3A_454 = vector.shape_cast %get3A_453 : vector<16xf32> to vector<16xf32>
      %add3A_455 = arith.addf %add3A_447, %get3A_454 : vector<16xf32>
      %scan3A_456 = arith.constant 3 : i32
      %scan3A_457 = arith.addi %scan3A_432, %scan3A_456 : i32
      %mul3A_458 = arith.constant 16 : i32
      %mul3A_459 = arith.muli %scan3A_457, %mul3A_458 : i32
      %get3A_460 = arith.index_cast %mul3A_459 : i32 to index
      %get3A_461 = tpu.vector_load %arg17[%get3A_460] {strides = array<i32>} : memref<6400xf32, #tpu.memory_space<vmem>>, vector<16xf32>,
      %get3A_462 = vector.shape_cast %get3A_461 : vector<16xf32> to vector<16xf32>
      %add3A_463 = arith.addf %add3A_455, %get3A_462 : vector<16xf32>
      %scan3A_464 = arith.constant 4 : i32
      %scan3A_465 = arith.addi %scan3A_432, %scan3A_464 : i32
      %mul3A_466 = arith.constant 16 : i32
      %mul3A_467 = arith.muli %scan3A_465, %mul3A_466 : i32
      %get3A_468 = arith.index_cast %mul3A_467 : i32 to index
      %get3A_469 = tpu.vector_load %arg17[%get3A_468] {strides = array<i32>} : memref<6400xf32, #tpu.memory_space<vmem>>, vector<16xf32>,
      %get3A_470 = vector.shape_cast %get3A_469 : vector<16xf32> to vector<16xf32>
      %add3A_471 = arith.addf %add3A_463, %get3A_470 : vector<16xf32>
      %scan3A_472 = arith.constant 5 : i32
      %scan3A_473 = arith.addi %scan3A_432, %scan3A_472 : i32
      %mul3A_474 = arith.constant 16 : i32
      %mul3A_475 = arith.muli %scan3A_473, %mul3A_474 : i32
      %get3A_476 = arith.index_cast %mul3A_475 : i32 to index
      %get3A_477 = tpu.vector_load %arg17[%get3A_476] {strides = array<i32>} : memref<6400xf32, #tpu.memory_space<vmem>>, vector<16xf32>,
      %get3A_478 = vector.shape_cast %get3A_477 : vector<16xf32> to vector<16xf32>
      %add3A_479 = arith.addf %add3A_471, %get3A_478 : vector<16xf32>
      %scan3A_480 = arith.constant 6 : i32
      %scan3A_481 = arith.addi %scan3A_432, %scan3A_480 : i32
      %mul3A_482 = arith.constant 16 : i32
      %mul3A_483 = arith.muli %scan3A_481, %mul3A_482 : i32
      %get3A_484 = arith.index_cast %mul3A_483 : i32 to index
      %get3A_485 = tpu.vector_load %arg17[%get3A_484] {strides = array<i32>} : memref<6400xf32, #tpu.memory_space<vmem>>, vector<16xf32>,
      %get3A_486 = vector.shape_cast %get3A_485 : vector<16xf32> to vector<16xf32>
      %add3A_487 = arith.addf %add3A_479, %get3A_486 : vector<16xf32>
      %scan3A_488 = arith.constant 7 : i32
      %scan3A_489 = arith.addi %scan3A_432, %scan3A_488 : i32
      %mul3A_490 = arith.constant 16 : i32
      %mul3A_491 = arith.muli %scan3A_489, %mul3A_490 : i32
      %get3A_492 = arith.index_cast %mul3A_491 : i32 to index
      %get3A_493 = tpu.vector_load %arg17[%get3A_492] {strides = array<i32>} : memref<6400xf32, #tpu.memory_space<vmem>>, vector<16xf32>,
      %get3A_494 = vector.shape_cast %get3A_493 : vector<16xf32> to vector<16xf32>
      %add3A_495 = arith.addf %add3A_487, %get3A_494 : vector<16xf32>
      scf.yield %add3A_495 : vector<16xf32>
    }
    %scan3A_423 = arith.constant 400 : i32
    %convert_element_type3A_424 = arith.sitofp %scan3A_388 : vector<16xi32> to vector<16xf32>
    %get3A_425 = arith.constant 0 : index
    %get3A_426 = tpu.vector_load %arg9[%get3A_425] {strides = array<i32>} : memref<16xf32, #tpu.memory_space<vmem>>, vector<16xf32>,
    %get3A_427 = vector.shape_cast %get3A_426 : vector<16xf32> to vector<16xf32>
    %mul3A_428 = arith.mulf %convert_element_type3A_424, %get3A_427 : vector<16xf32>
    %sub3A = arith.subf %scan3A_422, %mul3A_428 : vector<16xf32>
    %swap3A = arith.constant 0 : index
    %swap3A_429 = tpu.vector_load %arg18[%swap3A] {strides = array<i32>} : memref<16xf32, #tpu.memory_space<vmem>>, vector<16xf32>,
    %swap3A_430 = vector.shape_cast %swap3A_429 : vector<16xf32> to vector<16xf32>
    %swap3A_431 = vector.shape_cast %sub3A : vector<16xf32> to vector<16xf32>
    tpu.vector_store %arg18[%swap3A], %swap3A_431 {strides = array<i32>} : memref<16xf32, #tpu.memory_space<vmem>>, vector<16xf32>,
    "tpu.region"() ({
      %run_scoped3A = tpu.sem_alloc : memref<!tpu.dma_semaphore, #tpu.memory_space<semaphore_mem>>
      %dma_start3A_432 = arith.constant 0 : i32
      %dma_start3A_433 = tpu.memref_slice %arg5[%add3A, %dma_start3A_432] : memref<32x16xf32, #tpu.memory_space<hbm>> -> memref<1x16xf32, #tpu.memory_space<hbm>>
      %dma_start3A_434 = tpu.memref_squeeze %dma_start3A_433 : memref<1x16xf32, #tpu.memory_space<hbm>> -> memref<16xf32, #tpu.memory_space<hbm>>
      %dma_start3A_435 = arith.constant 0 : i32
      %dma_start3A_436 = tpu.memref_slice %arg5[%add3A, %dma_start3A_435] : memref<32x16xf32, #tpu.memory_space<hbm>> -> memref<1x16xf32, #tpu.memory_space<hbm>>
      %dma_start3A_437 = tpu.memref_squeeze %dma_start3A_436 : memref<1x16xf32, #tpu.memory_space<hbm>> -> memref<16xf32, #tpu.memory_space<hbm>>
      tpu.enqueue_dma source(%arg18 : memref<16xf32, #tpu.memory_space<vmem>>) target(%dma_start3A_437 : memref<16xf32, #tpu.memory_space<hbm>>) target_semaphore(%run_scoped3A : memref<!tpu.dma_semaphore, #tpu.memory_space<semaphore_mem>>)
      %dma_wait3A_438 = arith.constant 0 : i32
      %dma_wait3A_439 = tpu.memref_slice %arg5[%add3A, %dma_wait3A_438] : memref<32x16xf32, #tpu.memory_space<hbm>> -> memref<1x16xf32, #tpu.memory_space<hbm>>
      %dma_wait3A_440 = tpu.memref_squeeze %dma_wait3A_439 : memref<1x16xf32, #tpu.memory_space<hbm>> -> memref<16xf32, #tpu.memory_space<hbm>>
      %dma_wait3A_441 = arith.constant 0 : i32
      %dma_wait3A_442 = tpu.memref_slice %arg5[%add3A, %dma_wait3A_441] : memref<32x16xf32, #tpu.memory_space<hbm>> -> memref<1x16xf32, #tpu.memory_space<hbm>>
      %dma_wait3A_443 = tpu.memref_squeeze %dma_wait3A_442 : memref<1x16xf32, #tpu.memory_space<hbm>> -> memref<16xf32, #tpu.memory_space<hbm>>
      tpu.wait_dma2 semaphore(%run_scoped3A : memref<!tpu.dma_semaphore, #tpu.memory_space<semaphore_mem>>) src(%arg18 : memref<16xf32, #tpu.memory_space<vmem>>) dst(%dma_wait3A_443 : memref<16xf32, #tpu.memory_space<hbm>>)
      tpu.yield
    }) : () -> ()
    return
  }
}

</mosaic_0001>

<sc_bundles>
// kernel: kernel.3.cloned.1.call-start
scs
__scs_entry_jumppad:
0x0: {  	(pc) =	sbr.rel $0x88, $3  }
0x1: {  	(tag) =	ssettag $0x0;
	lr =	simm.s32 $0x1  }
0x2: {  	[smem:$0x3F9E] =	sst lr;
	_ =	strace $0xD0000000  }
0x3: {  	_ = 	snop  }
0x4: {  	_ = 	snop  }
0x5: {  	_ = 	snop  }
0x6: {  	_ = 	snop  }
0x7: {  	_ = 	snop  }
__scs_overlays_trampoline_lowered:
0x8: {  	[smem:$0x3FAD] =	sst s0  }
0x9: {  	[smem:$0x3FAE] =	sst s1  }
0xa: {  	[smem:$0x3FAF] =	sst s2  }
0xb: {  	[smem:$0x3FB0] =	sst s3  }
0xc: {  	[smem:$0x3FB1] =	sst s4  }
0xd: {  	[smem:$0x3FB2] =	sst s5  }
0xe: {  	[smem:$0x3FB3] =	sst s6  }
0xf: {  	[smem:$0x3FB4] =	sst s7  }
0x10: {  	[smem:$0x3FB5] =	sst s8  }
0x11: {  	[smem:$0x3FB6] =	sst s9;
	s0 =	simm.s32 @!p0 $0x0  }
0x12: {  	s1 =	sld [smem:$0x3F9C];
	s0 =	simm.s32 @p0 $0x1  }
0x13: {  	[smem:$0x3FB7] =	sst s0;
	s0 =	simm.s32 @!p1 $0x0  }
0x14: {  	s2 =	sld [smem:$0x3F9B];
	s0 =	simm.s32 @p1 $0x1  }
0x15: {  	[smem:$0x3FB8] =	sst s0;
	s0 =	simm.s32 @!p2 $0x0  }
0x16: {  	s3 =	sld [smem:$0x3FDB];
	s0 =	simm.s32 @p2 $0x1  }
0x17: {  	s4 =	simm.s32 $0x1BF5;
	[smem:$0x3FBA] =	sst s0  }
0x18: {  	s0 =	sld [smem:$0x3F9D];
	_ =	swait.ge [sflag:s4], $0x0  }
0x19: {  	s7 =	sld [smem:$0x3F9E]  }
0x1a: {  	s8 =	sadd.s32 $0xFFFFE003, lr  }
0x1b: {  	s9 =	sadd.s32 $0xFFFFFEF7, lr;
	s5 =	simm.s32 $0xFFFFFFFF;
	p2 =	slt.u32 s8, $0xFFFFF086  }
0x1c: {  	p1 =	slt.u32 s9, $0xF7A;
	s5 =	simm.s32 @!p2 $0x0  }
0x1d: {  	s5 =	simm.s32 @p1 $0x1;
	p0 =	seq.s32 s7, s2  }
0x1e: {  	s7 =	smul.u32 @!p0 $0xF7A, s2;
	p2 =	seq.s32 @!p0 s5, $0x0  }
0x1f: {  	s9 =	smul.u32 $0xF7A, s1;
	s8 =	simm.s32 @!p0 $0x1BF5;
	p2 =	por !p2, p0  }
0x20: {  	[sflag:s8] =	ssyncset.s32 @!p0 $0xFFFFF086;
	s6 =	sadd.s32 @!p0 s3, s7;
	s7 =	simm.s32 @!p0 $0x108  }
0x21: {  	s3 =	sadd.s32 s3, s9;
	s6 =	sadd.s32 @!p0 $0x88, s6;
	s7 =	simm.s32 @p2 $0x1082  }
0x22: {  	[simem:s7], [sflag:s8] =	dma.local @!p0 [hbm:s6], $0xF7A  }
0x23: {  	s9 =	sor.u32 $0xD0000000, s2;
	s6 =	simm.s32 $0x108;
	_ =	swait.ge @!p0 [sflag:s8], $0x0  }
0x24: {  	s3 =	sadd.s32 $0x88, s3;
	s6 =	simm.s32 @!p1 $0x1082;
	[sflag:s4] =	ssyncset.s32 $0xFFFFF086  }
0x25: {  	[simem:s6], [sflag:s4] =	dma.local [hbm:s3], $0xF7A  }
0x26: {  	[smem:$0x3F9E] =	sst s1;
	(tag) =	ssettag s2;
	_ =	strace s9  }
0x27: {  	s1 =	sld [smem:$0x3FAE]  }
0x28: {  	s2 =	sld [smem:$0x3FAF]  }
0x29: {  	s4 =	sld [smem:$0x3FB1]  }
0x2a: {  	p0 =	seq.s32 s5, $0x0;
	s5 =	sld [smem:$0x3FB2]  }
0x2b: {  	s6 =	sld [smem:$0x3FB3]  }
0x2c: {  	s7 =	sld [smem:$0x3FB4]  }
0x2d: {  	s3 =	simm.s32 $0x108;
	s8 =	sld [smem:$0x3FB5]  }
0x2e: {  	s3 =	simm.s32 @!p0 $0x1082;
	s9 =	sld [smem:$0x3FB6]  }
0x2f: {  	lr =	sadd.s32 s0, s3;
	s0 =	sld [smem:$0x3FAD]  }
0x30: {  	s3 =	sld [smem:$0x3FB0]  }
0x31: {  	[smem:$0x3FB9] =	sst s10  }
0x32: {  	s10 =	sld [smem:$0x3FB7];
	_ =	sdelay $0x3  }
0x33: {  	p0 =	seq.s32 s10, $0x1;
	s10 =	sld [smem:$0x3FB9];
	_ =	sdelay $0x3  }
0x34: {  	[smem:$0x3FB9] =	sst s10  }
0x35: {  	s10 =	sld [smem:$0x3FB8];
	_ =	sdelay $0x3  }
0x36: {  	p1 =	seq.s32 s10, $0x1;
	s10 =	sld [smem:$0x3FB9];
	_ =	sdelay $0x3  }
0x37: {  	[smem:$0x3FB9] =	sst s10  }
0x38: {  	s10 =	sld [smem:$0x3FBA]  }
0x39: {  	_ = 	snop;
	(pc) =	sbr.ind lr, $3  }
0x3a: {  	_ = 	snop  }
0x3b: {  	_ = 	snop  }
0x3c: {  	p2 =	seq.s32 s10, $0x1;
	s10 =	sld [smem:$0x3FB9]  }
0x3d: {  	_ =	shalt  }
0x3e: {  	_ =	shalt  }
0x3f: {  	_ =	shalt  }
0x40: {  	_ =	shalt  }
0x41: {  	_ =	shalt  }
0x42: {  	_ =	shalt  }
0x43: {  	_ =	shalt  }
0x44: {  	_ =	shalt  }
0x45: {  	_ =	shalt  }
0x46: {  	_ =	shalt  }
0x47: {  	_ =	shalt  }
0x48: {  	_ =	shalt  }
0x49: {  	_ =	shalt  }
0x4a: {  	_ =	shalt  }
0x4b: {  	_ =	shalt  }
0x4c: {  	_ =	shalt  }
0x4d: {  	_ =	shalt  }
0x4e: {  	_ =	shalt  }
0x4f: {  	_ =	shalt  }
0x50: {  	_ =	shalt  }
0x51: {  	_ =	shalt  }
0x52: {  	_ =	shalt  }
0x53: {  	_ =	shalt  }
0x54: {  	_ =	shalt  }
0x55: {  	_ =	shalt  }
0x56: {  	_ =	shalt  }
0x57: {  	_ =	shalt  }
0x58: {  	_ =	shalt  }
0x59: {  	_ =	shalt  }
0x5a: {  	_ =	shalt  }
0x5b: {  	_ =	shalt  }
0x5c: {  	_ =	shalt  }
0x5d: {  	_ =	shalt  }
0x5e: {  	_ =	shalt  }
0x5f: {  	_ =	shalt  }
0x60: {  	_ =	shalt  }
0x61: {  	_ =	shalt  }
0x62: {  	_ =	shalt  }
0x63: {  	_ =	shalt  }
0x64: {  	_ =	shalt  }
0x65: {  	_ =	shalt  }
0x66: {  	_ =	shalt  }
0x67: {  	_ =	shalt  }
0x68: {  	_ =	shalt  }
0x69: {  	_ =	shalt  }
0x6a: {  	_ =	shalt  }
0x6b: {  	_ =	shalt  }
0x6c: {  	_ =	shalt  }
0x6d: {  	_ =	shalt  }
0x6e: {  	_ =	shalt  }
0x6f: {  	_ =	shalt  }
0x70: {  	_ =	shalt  }
0x71: {  	_ =	shalt  }
0x72: {  	_ =	shalt  }
0x73: {  	_ =	shalt  }
0x74: {  	_ =	shalt  }
0x75: {  	_ =	shalt  }
0x76: {  	_ =	shalt  }
0x77: {  	_ =	shalt  }
0x78: {  	_ =	shalt  }
0x79: {  	_ =	shalt  }
0x7a: {  	_ =	shalt  }
0x7b: {  	_ =	shalt  }
0x7c: {  	_ =	shalt  }
0x7d: {  	_ =	shalt  }
0x7e: {  	_ =	shalt  }
0x7f: {  	_ =	shalt  }
0x80: {  	_ =	shalt  }
0x81: {  	_ =	shalt  }
0x82: {  	_ =	shalt  }
0x83: {  	_ =	shalt  }
0x84: {  	_ =	shalt  }
0x85: {  	_ =	shalt  }
0x86: {  	_ =	shalt  }
0x87: {  	_ =	shalt  }
.Lfunc_end0:
.L_simem_size_0:
called_computation_lowered:
.L_overlay_start_0:
0x88: {  	s2 =	sld [smem:$0x3FD9]  }
0x89: {  	s3 =	sld [smem:$0x3FFE];
	_ =	sdelay $0x1  }
0x8a: {  	s1 =	srdreg.scid  }
0x8b: {  	s0 =	sand.u32 $0x1, s1  }
0x8c: {  	s17 =	sshll.u32 s0, $0xA;
	s2 =	sadd.s32 s3, s2  }
0x8d: {  	s2 =	sadd.s32 s2, s17  }
0x8e: {  	[smem:$0x3FC5] =	sst s2  }
0x8f: {  	_ = 	snop  }
0x90: {  	s2 =	sld [smem:$0x3FC9]  }
0x91: {  	s18 =	sld [smem:$0x3FD0];
	(tm) =	ssettm $0x1  }
0x92: {  	s4 =	sld [smem:$0x3FFB];
	_ =	sdelay $0x3  }
0x93: {  	_ =	strace s4  }
0x94: {  	s4 =	sld [smem:$0x3FFC];
	_ =	sdelay $0x3  }
0x95: {  	_ =	strace s4  }
0x96: {  	s4 =	sld [smem:$0x3FFD];
	_ =	sdelay $0x3  }
0x97: {  	_ =	strace s4  }
0x98: {  	_ =	strace $0x8FFFFFFF  }
0x99: {  	s19 =	sld [smem:$0x3FDB];
	_ =	sdelay $0x1  }
0x9a: {  	s5 =	simm.s32 $_scs_section_size  }
0x9b: {  	s6 =	simm.s32 $_size__tile_overlayer_lowered;
	s7 =	simm.s32 $_tile_overlayer_lowered  }
0x9c: {  	s22 =	simm.s32 $0x1BFF;
	s21 =	sshll.u32 s7, $0x1;
	s4 =	sadd.s32 s5, s19  }
0x9d: {  	s8 =	simm.s32 $0x0;
	s20 =	sshll.u32 s6, $0x1;
	s6 =	sadd.s32 s21, s4  }
0x9e: {  	[timem:s8], [sflag:s22] =	dma.local [hbm:s6], s20  }
0x9f: {  	_ =	swait.ge [sflag:s22], s20  }
0xa0: {  	s5 =	ssub.s32 $0x0, s20;
	[sflag:s22] =	ssyncset.done $0x0  }
0xa1: {  	[sflag:s22] =	ssyncadd.s32 s5;
	_ =	sdelay $0x1  }
0xa2: {  	s23 =	simm.s32 $0x1B8B  }
0xa3: {  	_ =	swait.ge [sflag:s23], $0x1  }
0xa4: {  	[sflag:s23] =	ssyncset.done $0x0  }
0xa5: {  	s25 =	simm.s32 $0x1B8E;
	s24 =	sld [smem:$0x3FFE];
	[sflag:s23] =	ssyncadd.s32 $0xFFFFFFFF  }
0xa6: {  	s26 =	simm.s32 $execute0_lowered;
	[smem:$0x3FD2] =	sst s25  }
0xa7: {  	s6 =	sshll.u32 s26, $0x1;
	_ =	strace $0x80000046;
	[dreg:$0x1] =	wrdreg $0xFFFFFFFF  }
0xa8: {  	s28 =	simm.s32 $_size_execute0_lowered;
	s4 =	sadd.s32 s4, s6;
	[dreg:$0x0] =	wrdreg $0x0  }
0xa9: {  	s6 =	sshll.u32 s28, $0x1;
	[dreg:$0x2] =	wrdreg s4  }
0xaa: {  	[dreg:$0x3] =	wrdreg s6  }
0xab: {  	[dreg:$0x4] =	wrdreg $0xC0  }
0xac: {  	_ =	task [dreg:s8], $0x5FFFF  }
0xad: {  	[dreg:$0x1] =	wrdreg $0xFFFFFFFF  }
0xae: {  	[dreg:$0x0] =	wrdreg $0x60  }
0xaf: {  	[dreg:$0x2] =	wrdreg s2  }
0xb0: {  	[dreg:$0x3] =	wrdreg s18  }
0xb1: {  	[dreg:$0x4] =	wrdreg s24  }
0xb2: {  	[dreg:$0x5] =	wrdreg $0xFC800  }
0xb3: {  	[dreg:$0x6] =	wrdreg $0x9  }
0xb4: {  	_ =	task.clear_ibuf [dreg:s8], $0x7FFFF;
	_ =	strace $0x90000046  }
0xb5: {  	s29 =	simm.s32 $0x9;
	_ =	strace $0x80000048  }
0xb6: {  	_ =	swait.ge [sflag:s29], $0x1  }
0xb7: {  	[sflag:s29] =	ssyncadd.s32 $0xFFFFFFFF  }
0xb8: {  	_ =	strace $0x90000048  }
0xb9: {  	_ =	sfence  }
0xba: {  	s30 =	sld [smem:$0x0];
	_ =	sdelay $0x2  }
0xbb: {  	s31 =	sshll.u32 s1, $0xD;
	s1 =	sshrl.u32 s1, $0x2  }
0xbc: {  	s3 =	sand.u32 $0x4000, s31;
	s1 =	sadd.s32 s1, s30  }
0xbd: {  	s0 =	sor.u32 s3, s0;
	s1 =	sshll.u32 s1, $0x11  }
0xbe: {  	s0 =	sor.u32 s1, s0  }
0xbf: {  	s0 =	sadd.s32 $0x8F2B, s0  }
0xc0: {  	[sflag:s0] =	ssyncadd.remote.s32 $0x1  }
0xc1: {  	_ =	sfence.sel $0xFFFF  }
0xc2: {  	[dreg:$0x0] =	wrdreg $0xFFFFFFFF;
	(pc) =	sbr.abs _section_cstart, $3  }
0xc3: {  	[dreg:$0x1] =	wrdreg $0xFFFFFFFF  }
0xc4: {  	_ =	task.clear_ibuf [dreg:s8], $0x2FFFF;
	_ =	strace $0x9FFFFFFF  }
0xc5: {  	(tm) =	ssettm $0x7FFFFFFF  }
tec
execute0_lowered:
.L_overlay_start_1:
0x0: {  	(tag) =	ssettag $0x1  }
0x1: {  	s0 =	rddreg [dreg:$0x0]  }
0x2: {  	s1 =	srdreg.scid;
	s2 =	stileid.u32  }
0x3: {  	s9 =	rddreg [dreg:$0x2];
	s1 =	sand.u32 $0x1, s1;
	s4 =	sshll.u32 s2, $0x1  }
0x4: {  	s3 =	rddreg [dreg:$0x3];
	s29 =	simm.s32 $0x4;
	s6 =	sor.u32 s1, s4  }
0x5: {  	s30 =	simm.s32 $0x1980;
	s31 =	simm.s32 $0x1900;
	s5 =	smul.u32 $0x19000, s6  }
0x6: {  	s28 =	simm.s32 $0x4D00;
	s10 =	simm.s32 $0x2;
	s11 =	simm.s32 $0x3  }
0x7: {  	s12 =	simm.s32 $0x0;
	p0 =	sne.s32 s2, $0x0;
	s5 =	sshrl.u32 s5, $0x3  }
0x8: {  	s2 =	simm.s32 $0x6600;
	s4 =	simm.s32 $0x0;
	s5 =	sadd.s32 s0, s5  }
0x9: {  	s1 =	ssub.s32 $0x2, s1;
	[smem:$0x7FF] =	sst s4;
	s17 =	sadd.s32 $0x320, s5  }
0xa: {  	_ =	strace $0x80000047;
	s18 =	sadd.s32 $0x640, s5;
	[dreg:$0x5] =	wrdreg s17  }
0xb: {  	s7 =	sshll.u32 s6, $0x4;
	s19 =	sadd.s32 $0x960, s5;
	[dreg:$0x6] =	wrdreg s18  }
0xc: {  	s8 =	sshrl.u32 s1, $0x1;
	s20 =	sadd.s32 $0xC80, s5;
	[dreg:$0x7] =	wrdreg s19  }
0xd: {  	p1 =	sne.s32 s6, $0x1F;
	s21 =	sadd.s32 $0xFA0, s5;
	[dreg:$0x8] =	wrdreg s20  }
0xe: {  	s6 =	simm.s32 $0xCA00;
	s22 =	sadd.s32 $0x12C0, s5;
	[dreg:$0x9] =	wrdreg s21  }
0xf: {  	s7 =	sadd.s32 s7, s9;
	s23 =	sadd.s32 $0x15E0, s5;
	[dreg:$0xa] =	wrdreg s22  }
0x10: {  	s1 =	ssub.s32 s1, s8;
	s24 =	sadd.s32 $0x1900, s5;
	[dreg:$0xb] =	wrdreg s23  }
0x11: {  	s8 =	simm.s32 $0x7F00;
	s25 =	sadd.s32 $0x1C20, s5;
	[dreg:$0xc] =	wrdreg s24  }
0x12: {  	s9 =	simm.s32 $0xE300;
	s26 =	sadd.s32 $0x1F40, s5;
	[dreg:$0xd] =	wrdreg s25  }
0x13: {  	s16 =	sadd.s32 $0x2260, s5;
	[dreg:$0xe] =	wrdreg s26;
	s17 =	sadd.s32 $0x2580, s5  }
0x14: {  	s18 =	sadd.s32 $0x28A0, s5;
	s19 =	sadd.s32 $0x2BC0, s5;
	s20 =	sadd.s32 $0x2EE0, s5  }
0x15: {  	s21 =	sadd.s32 $0x63CE0, s0;
	s22 =	sadd.s32 $0x1EA00, s7;
	s23 =	smax.u32 s1, $0x1  }
0x16: {  	s24 =	sshrl.u32 @!p0 s3, $0x3;
	s26 =	simm.s32 $0x6;
	s1 =	simm.s32 $0x3400  }
0x17: {  	v0 =	vlaneseq.u32;
	v1 =	vimm.s32 $0x0;
	s25 =	simm.s32 $0x9800;
	s0 =	simm.s32 $0xB100;
	s7 =	simm.s32 $0x1  }
.LBB2_1:
0x18: {  	s13 =	simm.s32 @!p0 $0x1C05;
	s14 =	rddreg [dreg:$0x2]  }
0x19: {  	[spmem:s24], [sflag:s13] =	dma.local @!p0 [hbm:s14], $0x1E850  }
0x1a: {  	[tilespmem:s4], [sflag:$0x4] =	stream.linear.gather [hbm4b:s5+s4], $0x1910, $0x38;
	[tilespmem:$0x1F0A8] =	vst v63  }
0x1b: {  	s15 =	simm.s32 $0x3300;
	s13 =	rddreg [dreg:$0x1]  }
0x1c: {  	[tilespmem:s15], [sflag:$0x6] =	stream.linear.gather [hbm4b:s13+s4], $0x80, $0x38;
	[tilespmem:$0x1F0A8] =	vst v63  }
0x1d: {  	_ =	swait.ge [sflag:s26], $0x80  }
0x1e: {  	[sflag:s26] =	ssyncset.done $0x0  }
0x1f: {  	s15 =	simm.s32 $0x3380;
	[sflag:s26] =	ssyncadd.s32 $0xFFFFFF80  }
0x20: {  	[tilespmem:s15], [sflag:$0x6] =	stream.linear.gather [hbm4b:s14+s4], $0x10, $0x38;
	[tilespmem:$0x1F0A8] =	vst v63  }
0x21: {  	_ =	swait.ge [sflag:s26], $0x10  }
0x22: {  	[sflag:s26] =	ssyncset.done $0x0  }
0x23: {  	[sflag:s26] =	ssyncadd.s32 $0xFFFFFFF0  }
0x24: {  	v2 =	vld [tilespmem:$0x3300];
	_ =	swait.ge [sflag:s29], $0x1910  }
0x25: {  	[sflag:s29] =	ssyncset.done $0x0  }
0x26: {  	s15 =	simm.s32 $0x20;
	s14 =	rddreg [dreg:$0x5];
	[sflag:s29] =	ssyncadd.s32 $0xFFFFE6F0  }
0x27: {  	[tilespmem:s30], [sflag:$0x4] =	stream.linear.gather [hbm4b:s14+s4], $0x1910, $0x38;
	[tilespmem:$0x1F0A8] =	vst v63  }
0x28: {  	v3 =	vld [tilespmem:s15+$0xFFFFFFE0]  }
0x29: {  	v4 =	vld [tilespmem:s15+$0xFFFFFFE1];
	_ =	sdelay $0x3  }
0x2a: {  	v5 =	vmul.u32 $0x3E8, v3  }
0x2b: {  	vm0 =	veq.s32 v3, v2;
	vm1 =	veq.s32 v4, v2  }
0x2c: {  	vm0 =	vmor vm0, vm1;
	v3 =	vadd.s32 v4, v5  }
0x2d: {  	s13 =	simm.s32 $0x3420;
	v3 =	vsel vm0, v0, v3  }
0x2e: {  	[tilespmem:s13+$0xFFFFFFE0] =	vst v3  }
0x2f: {  	v3 =	vld [tilespmem:s15+$0xFFFFFFF0]  }
0x30: {  	v4 =	vld [tilespmem:s15+$0xFFFFFFF1];
	_ =	sdelay $0x3  }
0x31: {  	v5 =	vmul.u32 $0x3E8, v3  }
0x32: {  	vm12 =	veq.s32 v3, v2;
	vm2 =	veq.s32 v4, v2  }
0x33: {  	vm1 =	vmor vm12, vm2;
	v3 =	vadd.s32 v4, v5  }
0x34: {  	v3 =	vsel vm1, v0, v3  }
0x35: {  	[tilespmem:s13+$0xFFFFFFF0] =	vst v3  }
0x36: {  	v3 =	vld [tilespmem:s15+$0x0]  }
0x37: {  	v4 =	vld [tilespmem:s15+$0x1];
	_ =	sdelay $0x3  }
0x38: {  	v5 =	vmul.u32 $0x3E8, v3  }
0x39: {  	vm13 =	veq.s32 v3, v2;
	vm3 =	veq.s32 v4, v2  }
0x3a: {  	vm2 =	vmor vm13, vm3;
	v3 =	vadd.s32 v4, v5  }
0x3b: {  	v3 =	vsel vm2, v0, v3  }
0x3c: {  	[tilespmem:s13+$0x0] =	vst v3  }
0x3d: {  	v3 =	vld [tilespmem:s15+$0x10]  }
0x3e: {  	v4 =	vld [tilespmem:s15+$0x11];
	_ =	sdelay $0x3  }
0x3f: {  	v5 =	vsel vm0, $0x1, v1  }
0x40: {  	v6 =	vmul.u32 $0x3E8, v3;
	vm14 =	veq.s32 v3, v2;
	vm15 =	veq.s32 v4, v2  }
0x41: {  	v5 =	vadd.s32 v5, v1;
	v3 =	vsel vm1, $0x1, v1;
	vm0 =	vmor vm14, vm15  }
0x42: {  	v3 =	vadd.s32 v3, v5;
	v5 =	vsel vm2, $0x1, v1;
	v4 =	vadd.s32 v4, v6  }
0x43: {  	v3 =	vadd.s32 v5, v3;
	v5 =	vsel vm0, $0x1, v1;
	v4 =	vsel vm0, v0, v4  }
0x44: {  	s14 =	simm.s32 $0x0;
	s15 =	simm.s32 $0x60;
	v3 =	vadd.s32 v5, v3;
	[tilespmem:s13+$0x10] =	vst v4  }
.LBB2_2:
0x45: {  	v4 =	vld [tilespmem:s15+$0xFFFFFFE0];
	s14 =	sadd.s32 $0x4, s14  }
0x46: {  	v5 =	vld [tilespmem:s15+$0xFFFFFFE1];
	p2 =	slt.u32 s14, $0x18C;
	_ =	sdelay $0x3  }
0x47: {  	v6 =	vmul.u32 $0x3E8, v4  }
0x48: {  	vm0 =	veq.s32 v4, v2;
	vm1 =	veq.s32 v5, v2  }
0x49: {  	vm0 =	vmor vm0, vm1;
	v4 =	vadd.s32 v5, v6  }
0x4a: {  	s13 =	sadd.s32 $0x40, s13;
	v4 =	vsel vm0, v0, v4;
	v5 =	vsel vm0, $0x1, v1  }
0x4b: {  	[tilespmem:s13+$0xFFFFFFE0] =	vst v4;
	v3 =	vadd.s32 v5, v3  }
0x4c: {  	v4 =	vld [tilespmem:s15+$0xFFFFFFF0]  }
0x4d: {  	v5 =	vld [tilespmem:s15+$0xFFFFFFF1];
	_ =	sdelay $0x3  }
0x4e: {  	v6 =	vmul.u32 $0x3E8, v4  }
0x4f: {  	vm0 =	veq.s32 v4, v2;
	vm1 =	veq.s32 v5, v2  }
0x50: {  	vm0 =	vmor vm0, vm1;
	v4 =	vadd.s32 v5, v6  }
0x51: {  	v4 =	vsel vm0, v0, v4;
	v5 =	vsel vm0, $0x1, v1  }
0x52: {  	[tilespmem:s13+$0xFFFFFFF0] =	vst v4;
	v3 =	vadd.s32 v5, v3  }
0x53: {  	v4 =	vld [tilespmem:s15+$0x0]  }
0x54: {  	v5 =	vld [tilespmem:s15+$0x1];
	_ =	sdelay $0x3  }
0x55: {  	v6 =	vmul.u32 $0x3E8, v4  }
0x56: {  	vm0 =	veq.s32 v4, v2;
	vm1 =	veq.s32 v5, v2  }
0x57: {  	vm0 =	vmor vm0, vm1;
	v4 =	vadd.s32 v5, v6  }
0x58: {  	v4 =	vsel vm0, v0, v4;
	v5 =	vsel vm0, $0x1, v1  }
0x59: {  	[tilespmem:s13+$0x0] =	vst v4;
	v3 =	vadd.s32 v5, v3  }
0x5a: {  	v4 =	vld [tilespmem:s15+$0x10]  }
0x5b: {  	v5 =	vld [tilespmem:s15+$0x11];
	_ =	sdelay $0x3  }
.Ltmp0:
0x5c: {  	v6 =	vmul.u32 $0x3E8, v4;
	(pc) =	sbr.rel @p2 .LBB2_2-.Ltmp0, $4  }
0x5d: {  	vm0 =	veq.s32 v4, v2;
	vm1 =	veq.s32 v5, v2  }
0x5e: {  	vm0 =	vmor vm0, vm1;
	v4 =	vadd.s32 v5, v6  }
0x5f: {  	v4 =	vsel vm0, v0, v4;
	v5 =	vsel vm0, $0x1, v1  }
0x60: {  	s15 =	sadd.s32 $0x40, s15;
	[tilespmem:s13+$0x10] =	vst v4;
	v3 =	vadd.s32 v5, v3  }
0x61: {  	_ =	swait.ge [sflag:s29], $0x1910  }
0x62: {  	[sflag:s29] =	ssyncset.done $0x0  }
0x63: {  	s14 =	simm.s32 $0x19A0;
	s13 =	rddreg [dreg:$0x6];
	[sflag:s29] =	ssyncadd.s32 $0xFFFFE6F0  }
0x64: {  	[tilespmem:s4], [sflag:$0x4] =	stream.linear.gather [hbm4b:s13+s4], $0x1910, $0x38;
	[tilespmem:$0x1F0A8] =	vst v63  }
0x65: {  	v4 =	vld [tilespmem:s14+$0xFFFFFFE0]  }
0x66: {  	v5 =	vld [tilespmem:s14+$0xFFFFFFE1];
	_ =	sdelay $0x3  }
0x67: {  	v6 =	vmul.u32 $0x3E8, v4  }
0x68: {  	vm0 =	veq.s32 v4, v2;
	vm1 =	veq.s32 v5, v2  }
0x69: {  	vm0 =	vmor vm0, vm1;
	v4 =	vadd.s32 v5, v6  }
0x6a: {  	s13 =	simm.s32 $0x4D20;
	v4 =	vsel vm0, v0, v4  }
0x6b: {  	[tilespmem:s13+$0xFFFFFFE0] =	vst v4  }
0x6c: {  	v4 =	vld [tilespmem:s14+$0xFFFFFFF0]  }
0x6d: {  	v5 =	vld [tilespmem:s14+$0xFFFFFFF1];
	_ =	sdelay $0x3  }
0x6e: {  	v61 =	vmul.u32 $0x3E8, v4  }
0x6f: {  	vm12 =	veq.s32 v4, v2;
	vm2 =	veq.s32 v5, v2  }
0x70: {  	vm1 =	vmor vm12, vm2;
	v4 =	vadd.s32 v5, v61  }
0x71: {  	v4 =	vsel vm1, v0, v4  }
0x72: {  	[tilespmem:s13+$0xFFFFFFF0] =	vst v4  }
0x73: {  	v4 =	vld [tilespmem:s14+$0x0]  }
0x74: {  	v5 =	vld [tilespmem:s14+$0x1];
	_ =	sdelay $0x3  }
0x75: {  	v62 =	vmul.u32 $0x3E8, v4  }
0x76: {  	vm13 =	veq.s32 v4, v2;
	vm3 =	veq.s32 v5, v2  }
0x77: {  	vm2 =	vmor vm13, vm3;
	v4 =	vadd.s32 v5, v62  }
0x78: {  	v4 =	vsel vm2, v0, v4  }
0x79: {  	[tilespmem:s13+$0x0] =	vst v4  }
0x7a: {  	v4 =	vld [tilespmem:s14+$0x10]  }
0x7b: {  	v5 =	vld [tilespmem:s14+$0x11];
	_ =	sdelay $0x3  }
0x7c: {  	v63 =	vsel vm0, $0x1, v1  }
0x7d: {  	v7 =	vmul.u32 $0x3E8, v4;
	vm14 =	veq.s32 v4, v2;
	vm15 =	veq.s32 v5, v2  }
0x7e: {  	v3 =	vadd.s32 v63, v3;
	v4 =	vsel vm1, $0x1, v1;
	vm0 =	vmor vm14, vm15  }
0x7f: {  	v3 =	vadd.s32 v4, v3;
	v4 =	vsel vm2, $0x1, v1;
	v5 =	vadd.s32 v5, v7  }
0x80: {  	v3 =	vadd.s32 v4, v3;
	v4 =	vsel vm0, v0, v5;
	v5 =	vsel vm0, $0x1, v1  }
0x81: {  	s15 =	simm.s32 $0x19E0;
	s14 =	simm.s32 $0x0;
	[tilespmem:s13+$0x10] =	vst v4;
	v3 =	vadd.s32 v5, v3  }
.LBB2_4:
0x82: {  	v4 =	vld [tilespmem:s15+$0xFFFFFFE0];
	s14 =	sadd.s32 $0x4, s14  }
0x83: {  	v5 =	vld [tilespmem:s15+$0xFFFFFFE1];
	p2 =	slt.u32 s14, $0x18C;
	_ =	sdelay $0x3  }
0x84: {  	v6 =	vmul.u32 $0x3E8, v4  }
0x85: {  	vm0 =	veq.s32 v4, v2;
	vm1 =	veq.s32 v5, v2  }
0x86: {  	vm0 =	vmor vm0, vm1;
	v4 =	vadd.s32 v5, v6  }
0x87: {  	s13 =	sadd.s32 $0x40, s13;
	v4 =	vsel vm0, v0, v4;
	v5 =	vsel vm0, $0x1, v1  }
0x88: {  	[tilespmem:s13+$0xFFFFFFE0] =	vst v4;
	v3 =	vadd.s32 v5, v3  }
0x89: {  	v4 =	vld [tilespmem:s15+$0xFFFFFFF0]  }
0x8a: {  	v5 =	vld [tilespmem:s15+$0xFFFFFFF1];
	_ =	sdelay $0x3  }
0x8b: {  	v6 =	vmul.u32 $0x3E8, v4  }
0x8c: {  	vm0 =	veq.s32 v4, v2;
	vm1 =	veq.s32 v5, v2  }
0x8d: {  	vm0 =	vmor vm0, vm1;
	v4 =	vadd.s32 v5, v6  }
0x8e: {  	v4 =	vsel vm0, v0, v4;
	v5 =	vsel vm0, $0x1, v1  }
0x8f: {  	[tilespmem:s13+$0xFFFFFFF0] =	vst v4;
	v3 =	vadd.s32 v5, v3  }
0x90: {  	v4 =	vld [tilespmem:s15+$0x0]  }
0x91: {  	v5 =	vld [tilespmem:s15+$0x1];
	_ =	sdelay $0x3  }
0x92: {  	v6 =	vmul.u32 $0x3E8, v4  }
0x93: {  	vm0 =	veq.s32 v4, v2;
	vm1 =	veq.s32 v5, v2  }
0x94: {  	vm0 =	vmor vm0, vm1;
	v4 =	vadd.s32 v5, v6  }
0x95: {  	v4 =	vsel vm0, v0, v4;
	v5 =	vsel vm0, $0x1, v1  }
0x96: {  	[tilespmem:s13+$0x0] =	vst v4;
	v3 =	vadd.s32 v5, v3  }
0x97: {  	v4 =	vld [tilespmem:s15+$0x10]  }
0x98: {  	v5 =	vld [tilespmem:s15+$0x11];
	_ =	sdelay $0x3  }
.Ltmp1:
0x99: {  	v6 =	vmul.u32 $0x3E8, v4;
	(pc) =	sbr.rel @p2 .LBB2_4-.Ltmp1, $4  }
0x9a: {  	vm0 =	veq.s32 v4, v2;
	vm1 =	veq.s32 v5, v2  }
0x9b: {  	vm0 =	vmor vm0, vm1;
	v4 =	vadd.s32 v5, v6  }
0x9c: {  	v4 =	vsel vm0, v0, v4;
	v5 =	vsel vm0, $0x1, v1  }
0x9d: {  	s15 =	sadd.s32 $0x40, s15;
	[tilespmem:s13+$0x10] =	vst v4;
	v3 =	vadd.s32 v5, v3  }
0x9e: {  	s13 =	simm.s32 @!p0 $0x5  }
0x9f: {  	_ =	swait.ge @!p0 [sflag:s13], $0x1E850  }
0xa0: {  	[sflag:s13] =	ssyncset.done @!p0 $0x0  }
0xa1: {  	[sflag:s13] =	ssyncadd.s32 @!p0 $0xFFFE17B0  }
0xa2: {  	[bflag:$0x0] =	sbarrier.arrive $0xFFFF  }
0xa3: {  	[tilespmem:s25], [sflag:$0x1] =	stream.indirect.gather [spmem:s3], $0x1, s1, s31, $0xb8;
	[tilespmem:$0x1F0A8] =	vst v63  }
0xa4: {  	_ = 	snop  }
0xa5: {  	[tilespmem:s0], [sflag:$0x2] =	stream.indirect.gather [spmem:s3], $0x1, s28, s31, $0xb8;
	[tilespmem:$0x1F0A8] =	vst v63  }
0xa6: {  	_ =	swait.ge [sflag:s29], $0x1910  }
0xa7: {  	[sflag:s29] =	ssyncset.done $0x0  }
0xa8: {  	s14 =	simm.s32 $0x20;
	s15 =	rddreg [dreg:$0x7];
	[sflag:s29] =	ssyncadd.s32 $0xFFFFE6F0  }
0xa9: {  	[tilespmem:s30], [sflag:$0x4] =	stream.linear.gather [hbm4b:s15+s4], $0x1910, $0x38;
	[tilespmem:$0x1F0A8] =	vst v63  }
0xaa: {  	v4 =	vld [tilespmem:s14+$0xFFFFFFE0]  }
0xab: {  	v5 =	vld [tilespmem:s14+$0xFFFFFFE1];
	_ =	sdelay $0x3  }
0xac: {  	v6 =	vmul.u32 $0x3E8, v4  }
0xad: {  	vm0 =	veq.s32 v4, v2;
	vm1 =	veq.s32 v5, v2  }
0xae: {  	vm0 =	vmor vm0, vm1;
	v4 =	vadd.s32 v5, v6  }
0xaf: {  	s13 =	simm.s32 $0x6620;
	v4 =	vsel vm0, v0, v4  }
0xb0: {  	[tilespmem:s13+$0xFFFFFFE0] =	vst v4  }
0xb1: {  	v4 =	vld [tilespmem:s14+$0xFFFFFFF0]  }
0xb2: {  	v5 =	vld [tilespmem:s14+$0xFFFFFFF1];
	_ =	sdelay $0x3  }
0xb3: {  	v61 =	vmul.u32 $0x3E8, v4  }
0xb4: {  	vm12 =	veq.s32 v4, v2;
	vm2 =	veq.s32 v5, v2  }
0xb5: {  	vm1 =	vmor vm12, vm2;
	v4 =	vadd.s32 v5, v61  }
0xb6: {  	v4 =	vsel vm1, v0, v4  }
0xb7: {  	[tilespmem:s13+$0xFFFFFFF0] =	vst v4  }
0xb8: {  	v4 =	vld [tilespmem:s14+$0x0]  }
0xb9: {  	v5 =	vld [tilespmem:s14+$0x1];
	_ =	sdelay $0x3  }
0xba: {  	v62 =	vmul.u32 $0x3E8, v4  }
0xbb: {  	vm13 =	veq.s32 v4, v2;
	vm3 =	veq.s32 v5, v2  }
0xbc: {  	vm2 =	vmor vm13, vm3;
	v4 =	vadd.s32 v5, v62  }
0xbd: {  	v4 =	vsel vm2, v0, v4  }
0xbe: {  	[tilespmem:s13+$0x0] =	vst v4  }
0xbf: {  	v4 =	vld [tilespmem:s14+$0x10]  }
0xc0: {  	v5 =	vld [tilespmem:s14+$0x11];
	_ =	sdelay $0x3  }
0xc1: {  	v63 =	vsel vm0, $0x1, v1  }
0xc2: {  	v7 =	vmul.u32 $0x3E8, v4;
	vm14 =	veq.s32 v4, v2;
	vm15 =	veq.s32 v5, v2  }
0xc3: {  	v3 =	vadd.s32 v63, v3;
	v4 =	vsel vm1, $0x1, v1;
	vm0 =	vmor vm14, vm15  }
0xc4: {  	v3 =	vadd.s32 v4, v3;
	v4 =	vsel vm2, $0x1, v1;
	v5 =	vadd.s32 v5, v7  }
0xc5: {  	v3 =	vadd.s32 v4, v3;
	v4 =	vsel vm0, v0, v5;
	v5 =	vsel vm0, $0x1, v1  }
0xc6: {  	s15 =	simm.s32 $0x60;
	s14 =	simm.s32 $0x0;
	[tilespmem:s13+$0x10] =	vst v4;
	v3 =	vadd.s32 v5, v3  }
.LBB2_6:
0xc7: {  	v4 =	vld [tilespmem:s15+$0xFFFFFFE0];
	s14 =	sadd.s32 $0x4, s14  }
0xc8: {  	v5 =	vld [tilespmem:s15+$0xFFFFFFE1];
	p2 =	slt.u32 s14, $0x18C;
	_ =	sdelay $0x3  }
0xc9: {  	v6 =	vmul.u32 $0x3E8, v4  }
0xca: {  	vm0 =	veq.s32 v4, v2;
	vm1 =	veq.s32 v5, v2  }
0xcb: {  	vm0 =	vmor vm0, vm1;
	v4 =	vadd.s32 v5, v6  }
0xcc: {  	s13 =	sadd.s32 $0x40, s13;
	v4 =	vsel vm0, v0, v4;
	v5 =	vsel vm0, $0x1, v1  }
0xcd: {  	[tilespmem:s13+$0xFFFFFFE0] =	vst v4;
	v3 =	vadd.s32 v5, v3  }
0xce: {  	v4 =	vld [tilespmem:s15+$0xFFFFFFF0]  }
0xcf: {  	v5 =	vld [tilespmem:s15+$0xFFFFFFF1];
	_ =	sdelay $0x3  }
0xd0: {  	v6 =	vmul.u32 $0x3E8, v4  }
0xd1: {  	vm0 =	veq.s32 v4, v2;
	vm1 =	veq.s32 v5, v2  }
0xd2: {  	vm0 =	vmor vm0, vm1;
	v4 =	vadd.s32 v5, v6  }
0xd3: {  	v4 =	vsel vm0, v0, v4;
	v5 =	vsel vm0, $0x1, v1  }
0xd4: {  	[tilespmem:s13+$0xFFFFFFF0] =	vst v4;
	v3 =	vadd.s32 v5, v3  }
0xd5: {  	v4 =	vld [tilespmem:s15+$0x0]  }
0xd6: {  	v5 =	vld [tilespmem:s15+$0x1];
	_ =	sdelay $0x3  }
0xd7: {  	v6 =	vmul.u32 $0x3E8, v4  }
0xd8: {  	vm0 =	veq.s32 v4, v2;
	vm1 =	veq.s32 v5, v2  }
0xd9: {  	vm0 =	vmor vm0, vm1;
	v4 =	vadd.s32 v5, v6  }
0xda: {  	v4 =	vsel vm0, v0, v4;
	v5 =	vsel vm0, $0x1, v1  }
0xdb: {  	[tilespmem:s13+$0x0] =	vst v4;
	v3 =	vadd.s32 v5, v3  }
0xdc: {  	v4 =	vld [tilespmem:s15+$0x10]  }
0xdd: {  	v5 =	vld [tilespmem:s15+$0x11];
	_ =	sdelay $0x3  }
.Ltmp2:
0xde: {  	v6 =	vmul.u32 $0x3E8, v4;
	(pc) =	sbr.rel @p2 .LBB2_6-.Ltmp2, $4  }
0xdf: {  	vm0 =	veq.s32 v4, v2;
	vm1 =	veq.s32 v5, v2  }
0xe0: {  	vm0 =	vmor vm0, vm1;
	v4 =	vadd.s32 v5, v6  }
0xe1: {  	v4 =	vsel vm0, v0, v4;
	v5 =	vsel vm0, $0x1, v1  }
0xe2: {  	s15 =	sadd.s32 $0x40, s15;
	[tilespmem:s13+$0x10] =	vst v4;
	v3 =	vadd.s32 v5, v3  }
0xe3: {  	[tilespmem:s6], [sflag:$0x3] =	stream.indirect.gather [spmem:s3], $0x1, s2, s31, $0xb8;
	[tilespmem:$0x1F0A8] =	vst v63  }
0xe4: {  	_ =	swait.ge [sflag:s29], $0x1910  }
0xe5: {  	[sflag:s29] =	ssyncset.done $0x0  }
0xe6: {  	s14 =	simm.s32 $0x19A0;
	s13 =	rddreg [dreg:$0x8];
	[sflag:s29] =	ssyncadd.s32 $0xFFFFE6F0  }
0xe7: {  	[tilespmem:s4], [sflag:$0x4] =	stream.linear.gather [hbm4b:s13+s4], $0x1910, $0x38;
	[tilespmem:$0x1F0A8] =	vst v63  }
0xe8: {  	v4 =	vld [tilespmem:s14+$0xFFFFFFE0]  }
0xe9: {  	v5 =	vld [tilespmem:s14+$0xFFFFFFE1];
	_ =	sdelay $0x3  }
0xea: {  	v6 =	vmul.u32 $0x3E8, v4  }
0xeb: {  	vm0 =	veq.s32 v4, v2;
	vm1 =	veq.s32 v5, v2  }
0xec: {  	vm0 =	vmor vm0, vm1;
	v4 =	vadd.s32 v5, v6  }
0xed: {  	s13 =	simm.s32 $0x7F20;
	v4 =	vsel vm0, v0, v4  }
0xee: {  	[tilespmem:s13+$0xFFFFFFE0] =	vst v4  }
0xef: {  	v4 =	vld [tilespmem:s14+$0xFFFFFFF0]  }
0xf0: {  	v5 =	vld [tilespmem:s14+$0xFFFFFFF1];
	_ =	sdelay $0x3  }
0xf1: {  	v61 =	vmul.u32 $0x3E8, v4  }
0xf2: {  	vm12 =	veq.s32 v4, v2;
	vm2 =	veq.s32 v5, v2  }
0xf3: {  	vm1 =	vmor vm12, vm2;
	v4 =	vadd.s32 v5, v61  }
0xf4: {  	v4 =	vsel vm1, v0, v4  }
0xf5: {  	[tilespmem:s13+$0xFFFFFFF0] =	vst v4  }
0xf6: {  	v4 =	vld [tilespmem:s14+$0x0]  }
0xf7: {  	v5 =	vld [tilespmem:s14+$0x1];
	_ =	sdelay $0x3  }
0xf8: {  	v62 =	vmul.u32 $0x3E8, v4  }
0xf9: {  	vm13 =	veq.s32 v4, v2;
	vm3 =	veq.s32 v5, v2  }
0xfa: {  	vm2 =	vmor vm13, vm3;
	v4 =	vadd.s32 v5, v62  }
0xfb: {  	v4 =	vsel vm2, v0, v4  }
0xfc: {  	[tilespmem:s13+$0x0] =	vst v4  }
0xfd: {  	v4 =	vld [tilespmem:s14+$0x10]  }
0xfe: {  	v5 =	vld [tilespmem:s14+$0x11];
	_ =	sdelay $0x3  }
0xff: {  	v63 =	vsel vm0, $0x1, v1  }
0x100: {  	v7 =	vmul.u32 $0x3E8, v4;
	vm14 =	veq.s32 v4, v2;
	vm15 =	veq.s32 v5, v2  }
0x101: {  	v3 =	vadd.s32 v63, v3;
	v4 =	vsel vm1, $0x1, v1;
	vm0 =	vmor vm14, vm15  }
0x102: {  	v3 =	vadd.s32 v4, v3;
	v4 =	vsel vm2, $0x1, v1;
	v5 =	vadd.s32 v5, v7  }
0x103: {  	v3 =	vadd.s32 v4, v3;
	v4 =	vsel vm0, v0, v5;
	v5 =	vsel vm0, $0x1, v1  }
0x104: {  	s15 =	simm.s32 $0x19E0;
	s14 =	simm.s32 $0x0;
	[tilespmem:s13+$0x10] =	vst v4;
	v3 =	vadd.s32 v5, v3  }
.LBB2_8:
0x105: {  	v4 =	vld [tilespmem:s15+$0xFFFFFFE0];
	s14 =	sadd.s32 $0x4, s14  }
0x106: {  	v5 =	vld [tilespmem:s15+$0xFFFFFFE1];
	p2 =	slt.u32 s14, $0x18C;
	_ =	sdelay $0x3  }
0x107: {  	v6 =	vmul.u32 $0x3E8, v4  }
0x108: {  	vm0 =	veq.s32 v4, v2;
	vm1 =	veq.s32 v5, v2  }
0x109: {  	vm0 =	vmor vm0, vm1;
	v4 =	vadd.s32 v5, v6  }
0x10a: {  	s13 =	sadd.s32 $0x40, s13;
	v4 =	vsel vm0, v0, v4;
	v5 =	vsel vm0, $0x1, v1  }
0x10b: {  	[tilespmem:s13+$0xFFFFFFE0] =	vst v4;
	v3 =	vadd.s32 v5, v3  }
0x10c: {  	v4 =	vld [tilespmem:s15+$0xFFFFFFF0]  }
0x10d: {  	v5 =	vld [tilespmem:s15+$0xFFFFFFF1];
	_ =	sdelay $0x3  }
0x10e: {  	v6 =	vmul.u32 $0x3E8, v4  }
0x10f: {  	vm0 =	veq.s32 v4, v2;
	vm1 =	veq.s32 v5, v2  }
0x110: {  	vm0 =	vmor vm0, vm1;
	v4 =	vadd.s32 v5, v6  }
0x111: {  	v4 =	vsel vm0, v0, v4;
	v5 =	vsel vm0, $0x1, v1  }
0x112: {  	[tilespmem:s13+$0xFFFFFFF0] =	vst v4;
	v3 =	vadd.s32 v5, v3  }
0x113: {  	v4 =	vld [tilespmem:s15+$0x0]  }
0x114: {  	v5 =	vld [tilespmem:s15+$0x1];
	_ =	sdelay $0x3  }
0x115: {  	v6 =	vmul.u32 $0x3E8, v4  }
0x116: {  	vm0 =	veq.s32 v4, v2;
	vm1 =	veq.s32 v5, v2  }
0x117: {  	vm0 =	vmor vm0, vm1;
	v4 =	vadd.s32 v5, v6  }
0x118: {  	v4 =	vsel vm0, v0, v4;
	v5 =	vsel vm0, $0x1, v1  }
0x119: {  	[tilespmem:s13+$0x0] =	vst v4;
	v3 =	vadd.s32 v5, v3  }
0x11a: {  	v4 =	vld [tilespmem:s15+$0x10]  }
0x11b: {  	v5 =	vld [tilespmem:s15+$0x11];
	_ =	sdelay $0x3  }
.Ltmp3:
0x11c: {  	v6 =	vmul.u32 $0x3E8, v4;
	(pc) =	sbr.rel @p2 .LBB2_8-.Ltmp3, $4  }
0x11d: {  	vm0 =	veq.s32 v4, v2;
	vm1 =	veq.s32 v5, v2  }
0x11e: {  	vm0 =	vmor vm0, vm1;
	v4 =	vadd.s32 v5, v6  }
0x11f: {  	v4 =	vsel vm0, v0, v4;
	v5 =	vsel vm0, $0x1, v1  }
0x120: {  	s15 =	sadd.s32 $0x40, s15;
	[tilespmem:s13+$0x10] =	vst v4;
	v3 =	vadd.s32 v5, v3  }
0x121: {  	_ =	swait.ge [sflag:s7], $0x1900  }
0x122: {  	[sflag:s7] =	ssyncset.done $0x0  }
0x123: {  	s14 =	simm.s32 $0x9840;
	[sflag:s7] =	ssyncadd.s32 $0xFFFFE700  }
0x124: {  	[tilespmem:s9], [sflag:$0x1] =	stream.indirect.gather [spmem:s3], $0x1, s8, s31, $0xb8;
	[tilespmem:$0x1F0A8] =	vst v63  }
0x125: {  	v4 =	vld [tilespmem:s14+$0xFFFFFFC0];
	_ =	sdelay $0x1  }
0x126: {  	v5 =	vld [tilespmem:s14+$0xFFFFFFD0];
	_ =	sdelay $0x1  }
0x127: {  	v6 =	vimm.f32 $0.0e+00;
	v7 =	vld [tilespmem:s14+$0xFFFFFFE0]  }
0x128: {  	v4 =	vadd.f32 v4, v6  }
0x129: {  	v6 =	vld [tilespmem:s14+$0xFFFFFFF0]  }
0x12a: {  	v4 =	vadd.f32 v5, v4  }
0x12b: {  	v5 =	vld [tilespmem:s14+$0x0]  }
0x12c: {  	v4 =	vadd.f32 v7, v4;
	_ =	sdelay $0x1  }
0x12d: {  	v7 =	vld [tilespmem:s14+$0x10];
	v4 =	vadd.f32 v6, v4;
	_ =	sdelay $0x1  }
0x12e: {  	v6 =	vadd.f32 v5, v4;
	v5 =	vld [tilespmem:s14+$0x20];
	_ =	sdelay $0x1  }
0x12f: {  	v4 =	vld [tilespmem:s14+$0x30]  }
0x130: {  	s13 =	simm.s32 $0x0;
	s14 =	simm.s32 $0x98C0;
	v6 =	vadd.f32 v7, v6  }
.LBB2_10:
0x131: {  	v7 =	vld [tilespmem:s14+$0xFFFFFFC0];
	s13 =	sadd.s32 $0x8, s13  }
0x132: {  	p2 =	slt.u32 s13, $0x188;
	v5 =	vadd.f32 v5, v6  }
0x133: {  	v6 =	vld [tilespmem:s14+$0xFFFFFFD0]  }
0x134: {  	v4 =	vadd.f32 v4, v5  }
0x135: {  	v5 =	vld [tilespmem:s14+$0xFFFFFFE0]  }
0x136: {  	v4 =	vadd.f32 v7, v4  }
0x137: {  	v7 =	vld [tilespmem:s14+$0xFFFFFFF0]  }
0x138: {  	v4 =	vadd.f32 v6, v4  }
0x139: {  	v6 =	vld [tilespmem:s14+$0x0]  }
0x13a: {  	v4 =	vadd.f32 v5, v4  }
0x13b: {  	v8 =	vld [tilespmem:s14+$0x10]  }
.Ltmp4:
0x13c: {  	v4 =	vadd.f32 v7, v4;
	(pc) =	sbr.rel @p2 .LBB2_10-.Ltmp4, $4  }
0x13d: {  	v5 =	vld [tilespmem:s14+$0x20]  }
0x13e: {  	v6 =	vadd.f32 v6, v4  }
0x13f: {  	v4 =	vld [tilespmem:s14+$0x30]  }
0x140: {  	s14 =	sadd.s32 $0x80, s14;
	v6 =	vadd.f32 v8, v6  }
0x141: {  	_ =	swait.ge [sflag:s29], $0x1910  }
0x142: {  	[sflag:s29] =	ssyncset.done $0x0  }
0x143: {  	s14 =	simm.s32 $0x20;
	s13 =	rddreg [dreg:$0x9];
	[sflag:s29] =	ssyncadd.s32 $0xFFFFE6F0  }
0x144: {  	[tilespmem:s30], [sflag:$0x4] =	stream.linear.gather [hbm4b:s13+s4], $0x1910, $0x38;
	[tilespmem:$0x1F0A8] =	vst v63  }
0x145: {  	v7 =	vld [tilespmem:s14+$0xFFFFFFE0]  }
0x146: {  	v8 =	vld [tilespmem:s14+$0xFFFFFFE1];
	_ =	sdelay $0x3  }
0x147: {  	v9 =	vmul.u32 $0x3E8, v7  }
0x148: {  	vm0 =	veq.s32 v7, v2;
	vm1 =	veq.s32 v8, v2  }
0x149: {  	vm0 =	vmor vm0, vm1;
	v7 =	vadd.s32 v8, v9  }
0x14a: {  	s13 =	simm.s32 $0x3420;
	v7 =	vsel vm0, v0, v7  }
0x14b: {  	[tilespmem:s13+$0xFFFFFFE0] =	vst v7  }
0x14c: {  	v7 =	vld [tilespmem:s14+$0xFFFFFFF0]  }
0x14d: {  	v58 =	vld [tilespmem:s14+$0xFFFFFFF1];
	_ =	sdelay $0x3  }
0x14e: {  	v59 =	vmul.u32 $0x3E8, v7  }
0x14f: {  	vm12 =	veq.s32 v7, v2;
	vm2 =	veq.s32 v58, v2  }
0x150: {  	vm1 =	vmor vm12, vm2;
	v7 =	vadd.s32 v58, v59  }
0x151: {  	v7 =	vsel vm1, v0, v7  }
0x152: {  	[tilespmem:s13+$0xFFFFFFF0] =	vst v7  }
0x153: {  	v7 =	vld [tilespmem:s14+$0x0]  }
0x154: {  	v60 =	vld [tilespmem:s14+$0x1];
	_ =	sdelay $0x3  }
0x155: {  	v61 =	vmul.u32 $0x3E8, v7  }
0x156: {  	vm13 =	veq.s32 v7, v2;
	vm3 =	veq.s32 v60, v2  }
0x157: {  	vm2 =	vmor vm13, vm3;
	v7 =	vadd.s32 v60, v61  }
0x158: {  	v7 =	vsel vm2, v0, v7  }
0x159: {  	[tilespmem:s13+$0x0] =	vst v7  }
0x15a: {  	v7 =	vld [tilespmem:s14+$0x10]  }
0x15b: {  	v62 =	vld [tilespmem:s14+$0x11];
	_ =	sdelay $0x1  }
0x15c: {  	v63 =	vsel vm0, $0x1, v1  }
0x15d: {  	v3 =	vadd.s32 v63, v3  }
0x15e: {  	v10 =	vsel vm1, $0x1, v1;
	vm14 =	veq.s32 v7, v2;
	v7 =	vmul.u32 $0x3E8, v7  }
0x15f: {  	v5 =	vadd.f32 v5, v6;
	v3 =	vadd.s32 v10, v3;
	vm15 =	veq.s32 v62, v2  }
0x160: {  	vm0 =	vmor vm14, vm15;
	v6 =	vadd.s32 v62, v7;
	v7 =	vsel vm2, $0x1, v1  }
0x161: {  	v3 =	vadd.s32 v7, v3;
	v6 =	vsel vm0, v0, v6;
	v7 =	vsel vm0, $0x1, v1  }
0x162: {  	s15 =	simm.s32 $0x60;
	v4 =	vadd.f32 v4, v5;
	s14 =	simm.s32 $0x0;
	[tilespmem:s13+$0x10] =	vst v6;
	v3 =	vadd.s32 v7, v3  }
.LBB2_12:
0x163: {  	v5 =	vld [tilespmem:s15+$0xFFFFFFE0];
	s14 =	sadd.s32 $0x4, s14  }
0x164: {  	v6 =	vld [tilespmem:s15+$0xFFFFFFE1];
	p2 =	slt.u32 s14, $0x18C;
	_ =	sdelay $0x3  }
0x165: {  	v7 =	vmul.u32 $0x3E8, v5  }
0x166: {  	vm0 =	veq.s32 v5, v2;
	vm1 =	veq.s32 v6, v2  }
0x167: {  	vm0 =	vmor vm0, vm1;
	v5 =	vadd.s32 v6, v7  }
0x168: {  	s13 =	sadd.s32 $0x40, s13;
	v5 =	vsel vm0, v0, v5;
	v6 =	vsel vm0, $0x1, v1  }
0x169: {  	[tilespmem:s13+$0xFFFFFFE0] =	vst v5;
	v3 =	vadd.s32 v6, v3  }
0x16a: {  	v5 =	vld [tilespmem:s15+$0xFFFFFFF0]  }
0x16b: {  	v6 =	vld [tilespmem:s15+$0xFFFFFFF1];
	_ =	sdelay $0x3  }
0x16c: {  	v7 =	vmul.u32 $0x3E8, v5  }
0x16d: {  	vm0 =	veq.s32 v5, v2;
	vm1 =	veq.s32 v6, v2  }
0x16e: {  	vm0 =	vmor vm0, vm1;
	v5 =	vadd.s32 v6, v7  }
0x16f: {  	v5 =	vsel vm0, v0, v5;
	v6 =	vsel vm0, $0x1, v1  }
0x170: {  	[tilespmem:s13+$0xFFFFFFF0] =	vst v5;
	v3 =	vadd.s32 v6, v3  }
0x171: {  	v5 =	vld [tilespmem:s15+$0x0]  }
0x172: {  	v6 =	vld [tilespmem:s15+$0x1];
	_ =	sdelay $0x3  }
0x173: {  	v7 =	vmul.u32 $0x3E8, v5  }
0x174: {  	vm0 =	veq.s32 v5, v2;
	vm1 =	veq.s32 v6, v2  }
0x175: {  	vm0 =	vmor vm0, vm1;
	v5 =	vadd.s32 v6, v7  }
0x176: {  	v5 =	vsel vm0, v0, v5;
	v6 =	vsel vm0, $0x1, v1  }
0x177: {  	[tilespmem:s13+$0x0] =	vst v5;
	v3 =	vadd.s32 v6, v3  }
0x178: {  	v5 =	vld [tilespmem:s15+$0x10]  }
0x179: {  	v6 =	vld [tilespmem:s15+$0x11];
	_ =	sdelay $0x3  }
.Ltmp5:
0x17a: {  	v7 =	vmul.u32 $0x3E8, v5;
	(pc) =	sbr.rel @p2 .LBB2_12-.Ltmp5, $4  }
0x17b: {  	vm0 =	veq.s32 v5, v2;
	vm1 =	veq.s32 v6, v2  }
0x17c: {  	vm0 =	vmor vm0, vm1;
	v5 =	vadd.s32 v6, v7  }
0x17d: {  	v5 =	vsel vm0, v0, v5;
	v6 =	vsel vm0, $0x1, v1  }
0x17e: {  	s15 =	sadd.s32 $0x40, s15;
	[tilespmem:s13+$0x10] =	vst v5;
	v3 =	vadd.s32 v6, v3  }
0x17f: {  	_ =	swait.ge [sflag:s10], $0x1900  }
0x180: {  	[sflag:s10] =	ssyncset.done $0x0  }
0x181: {  	s14 =	simm.s32 $0xB140;
	[sflag:s10] =	ssyncadd.s32 $0xFFFFE700  }
0x182: {  	[tilespmem:s25], [sflag:$0x2] =	stream.indirect.gather [spmem:s3], $0x1, s1, s31, $0xb8;
	[tilespmem:$0x1F0A8] =	vst v63  }
0x183: {  	v5 =	vld [tilespmem:s14+$0xFFFFFFC0];
	_ =	sdelay $0x1  }
0x184: {  	v6 =	vld [tilespmem:s14+$0xFFFFFFD0];
	_ =	sdelay $0x1  }
0x185: {  	v7 =	vld [tilespmem:s14+$0xFFFFFFE0]  }
0x186: {  	v4 =	vadd.f32 v5, v4  }
0x187: {  	v5 =	vld [tilespmem:s14+$0xFFFFFFF0]  }
0x188: {  	v4 =	vadd.f32 v6, v4  }
0x189: {  	v6 =	vld [tilespmem:s14+$0x0]  }
0x18a: {  	v4 =	vadd.f32 v7, v4  }
0x18b: {  	v7 =	vld [tilespmem:s14+$0x10]  }
0x18c: {  	v4 =	vadd.f32 v5, v4  }
0x18d: {  	v5 =	vld [tilespmem:s14+$0x20]  }
0x18e: {  	v6 =	vadd.f32 v6, v4  }
0x18f: {  	v4 =	vld [tilespmem:s14+$0x30]  }
0x190: {  	s13 =	simm.s32 $0x0;
	s14 =	simm.s32 $0xB1C0;
	v6 =	vadd.f32 v7, v6  }
.LBB2_14:
0x191: {  	v7 =	vld [tilespmem:s14+$0xFFFFFFC0];
	s13 =	sadd.s32 $0x8, s13  }
0x192: {  	p2 =	slt.u32 s13, $0x188;
	v5 =	vadd.f32 v5, v6  }
0x193: {  	v6 =	vld [tilespmem:s14+$0xFFFFFFD0]  }
0x194: {  	v4 =	vadd.f32 v4, v5  }
0x195: {  	v5 =	vld [tilespmem:s14+$0xFFFFFFE0]  }
0x196: {  	v4 =	vadd.f32 v7, v4  }
0x197: {  	v7 =	vld [tilespmem:s14+$0xFFFFFFF0]  }
0x198: {  	v4 =	vadd.f32 v6, v4  }
0x199: {  	v6 =	vld [tilespmem:s14+$0x0]  }
0x19a: {  	v4 =	vadd.f32 v5, v4  }
0x19b: {  	v8 =	vld [tilespmem:s14+$0x10]  }
.Ltmp6:
0x19c: {  	v4 =	vadd.f32 v7, v4;
	(pc) =	sbr.rel @p2 .LBB2_14-.Ltmp6, $4  }
0x19d: {  	v5 =	vld [tilespmem:s14+$0x20]  }
0x19e: {  	v6 =	vadd.f32 v6, v4  }
0x19f: {  	v4 =	vld [tilespmem:s14+$0x30]  }
0x1a0: {  	s14 =	sadd.s32 $0x80, s14;
	v6 =	vadd.f32 v8, v6  }
0x1a1: {  	_ =	swait.ge [sflag:s29], $0x1910  }
0x1a2: {  	[sflag:s29] =	ssyncset.done $0x0  }
0x1a3: {  	s14 =	simm.s32 $0x19A0;
	s13 =	rddreg [dreg:$0xa];
	[sflag:s29] =	ssyncadd.s32 $0xFFFFE6F0  }
0x1a4: {  	[tilespmem:s4], [sflag:$0x4] =	stream.linear.gather [hbm4b:s13+s4], $0x1910, $0x38;
	[tilespmem:$0x1F0A8] =	vst v63  }
0x1a5: {  	v7 =	vld [tilespmem:s14+$0xFFFFFFE0]  }
0x1a6: {  	v8 =	vld [tilespmem:s14+$0xFFFFFFE1];
	_ =	sdelay $0x3  }
0x1a7: {  	v9 =	vmul.u32 $0x3E8, v7  }
0x1a8: {  	vm0 =	veq.s32 v7, v2;
	vm1 =	veq.s32 v8, v2  }
0x1a9: {  	vm0 =	vmor vm0, vm1;
	v7 =	vadd.s32 v8, v9  }
0x1aa: {  	s13 =	simm.s32 $0x4D20;
	v7 =	vsel vm0, v0, v7  }
0x1ab: {  	[tilespmem:s13+$0xFFFFFFE0] =	vst v7  }
0x1ac: {  	v7 =	vld [tilespmem:s14+$0xFFFFFFF0]  }
0x1ad: {  	v58 =	vld [tilespmem:s14+$0xFFFFFFF1];
	_ =	sdelay $0x3  }
0x1ae: {  	v59 =	vmul.u32 $0x3E8, v7  }
0x1af: {  	vm12 =	veq.s32 v7, v2;
	vm2 =	veq.s32 v58, v2  }
0x1b0: {  	vm1 =	vmor vm12, vm2;
	v7 =	vadd.s32 v58, v59  }
0x1b1: {  	v7 =	vsel vm1, v0, v7  }
0x1b2: {  	[tilespmem:s13+$0xFFFFFFF0] =	vst v7  }
0x1b3: {  	v7 =	vld [tilespmem:s14+$0x0]  }
0x1b4: {  	v60 =	vld [tilespmem:s14+$0x1];
	_ =	sdelay $0x3  }
0x1b5: {  	v61 =	vmul.u32 $0x3E8, v7  }
0x1b6: {  	vm13 =	veq.s32 v7, v2;
	vm3 =	veq.s32 v60, v2  }
0x1b7: {  	vm2 =	vmor vm13, vm3;
	v7 =	vadd.s32 v60, v61  }
0x1b8: {  	v7 =	vsel vm2, v0, v7  }
0x1b9: {  	[tilespmem:s13+$0x0] =	vst v7  }
0x1ba: {  	v7 =	vld [tilespmem:s14+$0x10]  }
0x1bb: {  	v62 =	vld [tilespmem:s14+$0x11];
	_ =	sdelay $0x1  }
0x1bc: {  	v63 =	vsel vm0, $0x1, v1  }
0x1bd: {  	v3 =	vadd.s32 v63, v3  }
0x1be: {  	v10 =	vsel vm1, $0x1, v1;
	vm14 =	veq.s32 v7, v2;
	v7 =	vmul.u32 $0x3E8, v7  }
0x1bf: {  	v5 =	vadd.f32 v5, v6;
	v3 =	vadd.s32 v10, v3;
	vm15 =	veq.s32 v62, v2  }
0x1c0: {  	vm0 =	vmor vm14, vm15;
	v6 =	vadd.s32 v62, v7;
	v7 =	vsel vm2, $0x1, v1  }
0x1c1: {  	v3 =	vadd.s32 v7, v3;
	v6 =	vsel vm0, v0, v6;
	v7 =	vsel vm0, $0x1, v1  }
0x1c2: {  	s15 =	simm.s32 $0x19E0;
	v4 =	vadd.f32 v4, v5;
	s14 =	simm.s32 $0x0;
	[tilespmem:s13+$0x10] =	vst v6;
	v3 =	vadd.s32 v7, v3  }
.LBB2_16:
0x1c3: {  	v5 =	vld [tilespmem:s15+$0xFFFFFFE0];
	s14 =	sadd.s32 $0x4, s14  }
0x1c4: {  	v6 =	vld [tilespmem:s15+$0xFFFFFFE1];
	p2 =	slt.u32 s14, $0x18C;
	_ =	sdelay $0x3  }
0x1c5: {  	v7 =	vmul.u32 $0x3E8, v5  }
0x1c6: {  	vm0 =	veq.s32 v5, v2;
	vm1 =	veq.s32 v6, v2  }
0x1c7: {  	vm0 =	vmor vm0, vm1;
	v5 =	vadd.s32 v6, v7  }
0x1c8: {  	s13 =	sadd.s32 $0x40, s13;
	v5 =	vsel vm0, v0, v5;
	v6 =	vsel vm0, $0x1, v1  }
0x1c9: {  	[tilespmem:s13+$0xFFFFFFE0] =	vst v5;
	v3 =	vadd.s32 v6, v3  }
0x1ca: {  	v5 =	vld [tilespmem:s15+$0xFFFFFFF0]  }
0x1cb: {  	v6 =	vld [tilespmem:s15+$0xFFFFFFF1];
	_ =	sdelay $0x3  }
0x1cc: {  	v7 =	vmul.u32 $0x3E8, v5  }
0x1cd: {  	vm0 =	veq.s32 v5, v2;
	vm1 =	veq.s32 v6, v2  }
0x1ce: {  	vm0 =	vmor vm0, vm1;
	v5 =	vadd.s32 v6, v7  }
0x1cf: {  	v5 =	vsel vm0, v0, v5;
	v6 =	vsel vm0, $0x1, v1  }
0x1d0: {  	[tilespmem:s13+$0xFFFFFFF0] =	vst v5;
	v3 =	vadd.s32 v6, v3  }
0x1d1: {  	v5 =	vld [tilespmem:s15+$0x0]  }
0x1d2: {  	v6 =	vld [tilespmem:s15+$0x1];
	_ =	sdelay $0x3  }
0x1d3: {  	v7 =	vmul.u32 $0x3E8, v5  }
0x1d4: {  	vm0 =	veq.s32 v5, v2;
	vm1 =	veq.s32 v6, v2  }
0x1d5: {  	vm0 =	vmor vm0, vm1;
	v5 =	vadd.s32 v6, v7  }
0x1d6: {  	v5 =	vsel vm0, v0, v5;
	v6 =	vsel vm0, $0x1, v1  }
0x1d7: {  	[tilespmem:s13+$0x0] =	vst v5;
	v3 =	vadd.s32 v6, v3  }
0x1d8: {  	v5 =	vld [tilespmem:s15+$0x10]  }
0x1d9: {  	v6 =	vld [tilespmem:s15+$0x11];
	_ =	sdelay $0x3  }
.Ltmp7:
0x1da: {  	v7 =	vmul.u32 $0x3E8, v5;
	(pc) =	sbr.rel @p2 .LBB2_16-.Ltmp7, $4  }
0x1db: {  	vm0 =	veq.s32 v5, v2;
	vm1 =	veq.s32 v6, v2  }
0x1dc: {  	vm0 =	vmor vm0, vm1;
	v5 =	vadd.s32 v6, v7  }
0x1dd: {  	v5 =	vsel vm0, v0, v5;
	v6 =	vsel vm0, $0x1, v1  }
0x1de: {  	s15 =	sadd.s32 $0x40, s15;
	[tilespmem:s13+$0x10] =	vst v5;
	v3 =	vadd.s32 v6, v3  }
0x1df: {  	_ =	swait.ge [sflag:s11], $0x1900  }
0x1e0: {  	[sflag:s11] =	ssyncset.done $0x0  }
0x1e1: {  	s14 =	simm.s32 $0xCA40;
	[sflag:s11] =	ssyncadd.s32 $0xFFFFE700  }
0x1e2: {  	[tilespmem:s0], [sflag:$0x3] =	stream.indirect.gather [spmem:s3], $0x1, s28, s31, $0xb8;
	[tilespmem:$0x1F0A8] =	vst v63  }
0x1e3: {  	v5 =	vld [tilespmem:s14+$0xFFFFFFC0];
	_ =	sdelay $0x1  }
0x1e4: {  	v6 =	vld [tilespmem:s14+$0xFFFFFFD0];
	_ =	sdelay $0x1  }
0x1e5: {  	v7 =	vld [tilespmem:s14+$0xFFFFFFE0]  }
0x1e6: {  	v4 =	vadd.f32 v5, v4  }
0x1e7: {  	v5 =	vld [tilespmem:s14+$0xFFFFFFF0]  }
0x1e8: {  	v4 =	vadd.f32 v6, v4  }
0x1e9: {  	v6 =	vld [tilespmem:s14+$0x0]  }
0x1ea: {  	v4 =	vadd.f32 v7, v4  }
0x1eb: {  	v7 =	vld [tilespmem:s14+$0x10]  }
0x1ec: {  	v4 =	vadd.f32 v5, v4  }
0x1ed: {  	v5 =	vld [tilespmem:s14+$0x20]  }
0x1ee: {  	v6 =	vadd.f32 v6, v4  }
0x1ef: {  	v4 =	vld [tilespmem:s14+$0x30]  }
0x1f0: {  	s13 =	simm.s32 $0x0;
	s14 =	simm.s32 $0xCAC0;
	v6 =	vadd.f32 v7, v6  }
.LBB2_18:
0x1f1: {  	v7 =	vld [tilespmem:s14+$0xFFFFFFC0];
	s13 =	sadd.s32 $0x8, s13  }
0x1f2: {  	p2 =	slt.u32 s13, $0x188;
	v5 =	vadd.f32 v5, v6  }
0x1f3: {  	v6 =	vld [tilespmem:s14+$0xFFFFFFD0]  }
0x1f4: {  	v4 =	vadd.f32 v4, v5  }
0x1f5: {  	v5 =	vld [tilespmem:s14+$0xFFFFFFE0]  }
0x1f6: {  	v4 =	vadd.f32 v7, v4  }
0x1f7: {  	v7 =	vld [tilespmem:s14+$0xFFFFFFF0]  }
0x1f8: {  	v4 =	vadd.f32 v6, v4  }
0x1f9: {  	v6 =	vld [tilespmem:s14+$0x0]  }
0x1fa: {  	v4 =	vadd.f32 v5, v4  }
0x1fb: {  	v8 =	vld [tilespmem:s14+$0x10]  }
.Ltmp8:
0x1fc: {  	v4 =	vadd.f32 v7, v4;
	(pc) =	sbr.rel @p2 .LBB2_18-.Ltmp8, $4  }
0x1fd: {  	v5 =	vld [tilespmem:s14+$0x20]  }
0x1fe: {  	v6 =	vadd.f32 v6, v4  }
0x1ff: {  	v4 =	vld [tilespmem:s14+$0x30]  }
0x200: {  	s14 =	sadd.s32 $0x80, s14;
	v6 =	vadd.f32 v8, v6  }
0x201: {  	_ =	swait.ge [sflag:s29], $0x1910  }
0x202: {  	[sflag:s29] =	ssyncset.done $0x0  }
0x203: {  	s14 =	simm.s32 $0x20;
	s13 =	rddreg [dreg:$0xb];
	[sflag:s29] =	ssyncadd.s32 $0xFFFFE6F0  }
0x204: {  	[tilespmem:s30], [sflag:$0x4] =	stream.linear.gather [hbm4b:s13+s4], $0x1910, $0x38;
	[tilespmem:$0x1F0A8] =	vst v63  }
0x205: {  	v7 =	vld [tilespmem:s14+$0xFFFFFFE0]  }
0x206: {  	v8 =	vld [tilespmem:s14+$0xFFFFFFE1];
	_ =	sdelay $0x3  }
0x207: {  	v9 =	vmul.u32 $0x3E8, v7  }
0x208: {  	vm0 =	veq.s32 v7, v2;
	vm1 =	veq.s32 v8, v2  }
0x209: {  	vm0 =	vmor vm0, vm1;
	v7 =	vadd.s32 v8, v9  }
0x20a: {  	s13 =	simm.s32 $0x6620;
	v7 =	vsel vm0, v0, v7  }
0x20b: {  	[tilespmem:s13+$0xFFFFFFE0] =	vst v7  }
0x20c: {  	v7 =	vld [tilespmem:s14+$0xFFFFFFF0]  }
0x20d: {  	v58 =	vld [tilespmem:s14+$0xFFFFFFF1];
	_ =	sdelay $0x3  }
0x20e: {  	v59 =	vmul.u32 $0x3E8, v7  }
0x20f: {  	vm12 =	veq.s32 v7, v2;
	vm2 =	veq.s32 v58, v2  }
0x210: {  	vm1 =	vmor vm12, vm2;
	v7 =	vadd.s32 v58, v59  }
0x211: {  	v7 =	vsel vm1, v0, v7  }
0x212: {  	[tilespmem:s13+$0xFFFFFFF0] =	vst v7  }
0x213: {  	v7 =	vld [tilespmem:s14+$0x0]  }
0x214: {  	v60 =	vld [tilespmem:s14+$0x1];
	_ =	sdelay $0x3  }
0x215: {  	v61 =	vmul.u32 $0x3E8, v7  }
0x216: {  	vm13 =	veq.s32 v7, v2;
	vm3 =	veq.s32 v60, v2  }
0x217: {  	vm2 =	vmor vm13, vm3;
	v7 =	vadd.s32 v60, v61  }
0x218: {  	v7 =	vsel vm2, v0, v7  }
0x219: {  	[tilespmem:s13+$0x0] =	vst v7  }
0x21a: {  	v7 =	vld [tilespmem:s14+$0x10]  }
0x21b: {  	v62 =	vld [tilespmem:s14+$0x11];
	_ =	sdelay $0x1  }
0x21c: {  	v63 =	vsel vm0, $0x1, v1  }
0x21d: {  	v3 =	vadd.s32 v63, v3  }
0x21e: {  	v10 =	vsel vm1, $0x1, v1;
	vm14 =	veq.s32 v7, v2;
	v7 =	vmul.u32 $0x3E8, v7  }
0x21f: {  	v5 =	vadd.f32 v5, v6;
	v3 =	vadd.s32 v10, v3;
	vm15 =	veq.s32 v62, v2  }
0x220: {  	vm0 =	vmor vm14, vm15;
	v6 =	vadd.s32 v62, v7;
	v7 =	vsel vm2, $0x1, v1  }
0x221: {  	v3 =	vadd.s32 v7, v3;
	v6 =	vsel vm0, v0, v6;
	v7 =	vsel vm0, $0x1, v1  }
0x222: {  	s15 =	simm.s32 $0x60;
	v4 =	vadd.f32 v4, v5;
	s14 =	simm.s32 $0x0;
	[tilespmem:s13+$0x10] =	vst v6;
	v3 =	vadd.s32 v7, v3  }
.LBB2_20:
0x223: {  	v5 =	vld [tilespmem:s15+$0xFFFFFFE0];
	s14 =	sadd.s32 $0x4, s14  }
0x224: {  	v6 =	vld [tilespmem:s15+$0xFFFFFFE1];
	p2 =	slt.u32 s14, $0x18C;
	_ =	sdelay $0x3  }
0x225: {  	v7 =	vmul.u32 $0x3E8, v5  }
0x226: {  	vm0 =	veq.s32 v5, v2;
	vm1 =	veq.s32 v6, v2  }
0x227: {  	vm0 =	vmor vm0, vm1;
	v5 =	vadd.s32 v6, v7  }
0x228: {  	s13 =	sadd.s32 $0x40, s13;
	v5 =	vsel vm0, v0, v5;
	v6 =	vsel vm0, $0x1, v1  }
0x229: {  	[tilespmem:s13+$0xFFFFFFE0] =	vst v5;
	v3 =	vadd.s32 v6, v3  }
0x22a: {  	v5 =	vld [tilespmem:s15+$0xFFFFFFF0]  }
0x22b: {  	v6 =	vld [tilespmem:s15+$0xFFFFFFF1];
	_ =	sdelay $0x3  }
0x22c: {  	v7 =	vmul.u32 $0x3E8, v5  }
0x22d: {  	vm0 =	veq.s32 v5, v2;
	vm1 =	veq.s32 v6, v2  }
0x22e: {  	vm0 =	vmor vm0, vm1;
	v5 =	vadd.s32 v6, v7  }
0x22f: {  	v5 =	vsel vm0, v0, v5;
	v6 =	vsel vm0, $0x1, v1  }
0x230: {  	[tilespmem:s13+$0xFFFFFFF0] =	vst v5;
	v3 =	vadd.s32 v6, v3  }
0x231: {  	v5 =	vld [tilespmem:s15+$0x0]  }
0x232: {  	v6 =	vld [tilespmem:s15+$0x1];
	_ =	sdelay $0x3  }
0x233: {  	v7 =	vmul.u32 $0x3E8, v5  }
0x234: {  	vm0 =	veq.s32 v5, v2;
	vm1 =	veq.s32 v6, v2  }
0x235: {  	vm0 =	vmor vm0, vm1;
	v5 =	vadd.s32 v6, v7  }
0x236: {  	v5 =	vsel vm0, v0, v5;
	v6 =	vsel vm0, $0x1, v1  }
0x237: {  	[tilespmem:s13+$0x0] =	vst v5;
	v3 =	vadd.s32 v6, v3  }
0x238: {  	v5 =	vld [tilespmem:s15+$0x10]  }
0x239: {  	v6 =	vld [tilespmem:s15+$0x11];
	_ =	sdelay $0x3  }
.Ltmp9:
0x23a: {  	v7 =	vmul.u32 $0x3E8, v5;
	(pc) =	sbr.rel @p2 .LBB2_20-.Ltmp9, $4  }
0x23b: {  	vm0 =	veq.s32 v5, v2;
	vm1 =	veq.s32 v6, v2  }
0x23c: {  	vm0 =	vmor vm0, vm1;
	v5 =	vadd.s32 v6, v7  }
0x23d: {  	v5 =	vsel vm0, v0, v5;
	v6 =	vsel vm0, $0x1, v1  }
0x23e: {  	s15 =	sadd.s32 $0x40, s15;
	[tilespmem:s13+$0x10] =	vst v5;
	v3 =	vadd.s32 v6, v3  }
0x23f: {  	_ =	swait.ge [sflag:s7], $0x1900  }
0x240: {  	[sflag:s7] =	ssyncset.done $0x0  }
0x241: {  	s14 =	simm.s32 $0xE340;
	[sflag:s7] =	ssyncadd.s32 $0xFFFFE700  }
0x242: {  	[tilespmem:s6], [sflag:$0x1] =	stream.indirect.gather [spmem:s3], $0x1, s2, s31, $0xb8;
	[tilespmem:$0x1F0A8] =	vst v63  }
0x243: {  	v5 =	vld [tilespmem:s14+$0xFFFFFFC0];
	_ =	sdelay $0x1  }
0x244: {  	v6 =	vld [tilespmem:s14+$0xFFFFFFD0];
	_ =	sdelay $0x1  }
0x245: {  	v7 =	vld [tilespmem:s14+$0xFFFFFFE0]  }
0x246: {  	v4 =	vadd.f32 v5, v4  }
0x247: {  	v5 =	vld [tilespmem:s14+$0xFFFFFFF0]  }
0x248: {  	v4 =	vadd.f32 v6, v4  }
0x249: {  	v6 =	vld [tilespmem:s14+$0x0]  }
0x24a: {  	v4 =	vadd.f32 v7, v4  }
0x24b: {  	v7 =	vld [tilespmem:s14+$0x10]  }
0x24c: {  	v4 =	vadd.f32 v5, v4  }
0x24d: {  	v5 =	vld [tilespmem:s14+$0x20]  }
0x24e: {  	v6 =	vadd.f32 v6, v4  }
0x24f: {  	v4 =	vld [tilespmem:s14+$0x30]  }
0x250: {  	s13 =	simm.s32 $0x0;
	s14 =	simm.s32 $0xE3C0;
	v6 =	vadd.f32 v7, v6  }
.LBB2_22:
0x251: {  	v7 =	vld [tilespmem:s14+$0xFFFFFFC0];
	s13 =	sadd.s32 $0x8, s13  }
0x252: {  	p2 =	slt.u32 s13, $0x188;
	v5 =	vadd.f32 v5, v6  }
0x253: {  	v6 =	vld [tilespmem:s14+$0xFFFFFFD0]  }
0x254: {  	v4 =	vadd.f32 v4, v5  }
0x255: {  	v5 =	vld [tilespmem:s14+$0xFFFFFFE0]  }
0x256: {  	v4 =	vadd.f32 v7, v4  }
0x257: {  	v7 =	vld [tilespmem:s14+$0xFFFFFFF0]  }
0x258: {  	v4 =	vadd.f32 v6, v4  }
0x259: {  	v6 =	vld [tilespmem:s14+$0x0]  }
0x25a: {  	v4 =	vadd.f32 v5, v4  }
0x25b: {  	v8 =	vld [tilespmem:s14+$0x10]  }
.Ltmp10:
0x25c: {  	v4 =	vadd.f32 v7, v4;
	(pc) =	sbr.rel @p2 .LBB2_22-.Ltmp10, $4  }
0x25d: {  	v5 =	vld [tilespmem:s14+$0x20]  }
0x25e: {  	v6 =	vadd.f32 v6, v4  }
0x25f: {  	v4 =	vld [tilespmem:s14+$0x30]  }
0x260: {  	s14 =	sadd.s32 $0x80, s14;
	v6 =	vadd.f32 v8, v6  }
0x261: {  	_ =	swait.ge [sflag:s29], $0x1910  }
0x262: {  	[sflag:s29] =	ssyncset.done $0x0  }
0x263: {  	s14 =	simm.s32 $0x19A0;
	s13 =	rddreg [dreg:$0xc];
	[sflag:s29] =	ssyncadd.s32 $0xFFFFE6F0  }
0x264: {  	[tilespmem:s4], [sflag:$0x4] =	stream.linear.gather [hbm4b:s13+s4], $0x1910, $0x38;
	[tilespmem:$0x1F0A8] =	vst v63  }
0x265: {  	v7 =	vld [tilespmem:s14+$0xFFFFFFE0]  }
0x266: {  	v8 =	vld [tilespmem:s14+$0xFFFFFFE1];
	_ =	sdelay $0x3  }
0x267: {  	v9 =	vmul.u32 $0x3E8, v7  }
0x268: {  	vm0 =	veq.s32 v7, v2;
	vm1 =	veq.s32 v8, v2  }
0x269: {  	vm0 =	vmor vm0, vm1;
	v7 =	vadd.s32 v8, v9  }
0x26a: {  	s13 =	simm.s32 $0x7F20;
	v7 =	vsel vm0, v0, v7  }
0x26b: {  	[tilespmem:s13+$0xFFFFFFE0] =	vst v7  }
0x26c: {  	v7 =	vld [tilespmem:s14+$0xFFFFFFF0]  }
0x26d: {  	v58 =	vld [tilespmem:s14+$0xFFFFFFF1];
	_ =	sdelay $0x3  }
0x26e: {  	v59 =	vmul.u32 $0x3E8, v7  }
0x26f: {  	vm12 =	veq.s32 v7, v2;
	vm2 =	veq.s32 v58, v2  }
0x270: {  	vm1 =	vmor vm12, vm2;
	v7 =	vadd.s32 v58, v59  }
0x271: {  	v7 =	vsel vm1, v0, v7  }
0x272: {  	[tilespmem:s13+$0xFFFFFFF0] =	vst v7  }
0x273: {  	v7 =	vld [tilespmem:s14+$0x0]  }
0x274: {  	v60 =	vld [tilespmem:s14+$0x1];
	_ =	sdelay $0x3  }
0x275: {  	v61 =	vmul.u32 $0x3E8, v7  }
0x276: {  	vm13 =	veq.s32 v7, v2;
	vm3 =	veq.s32 v60, v2  }
0x277: {  	vm2 =	vmor vm13, vm3;
	v7 =	vadd.s32 v60, v61  }
0x278: {  	v7 =	vsel vm2, v0, v7  }
0x279: {  	[tilespmem:s13+$0x0] =	vst v7  }
0x27a: {  	v7 =	vld [tilespmem:s14+$0x10]  }
0x27b: {  	v62 =	vld [tilespmem:s14+$0x11];
	_ =	sdelay $0x1  }
0x27c: {  	v63 =	vsel vm0, $0x1, v1  }
0x27d: {  	v3 =	vadd.s32 v63, v3  }
0x27e: {  	v10 =	vsel vm1, $0x1, v1;
	vm14 =	veq.s32 v7, v2;
	v7 =	vmul.u32 $0x3E8, v7  }
0x27f: {  	v5 =	vadd.f32 v5, v6;
	v3 =	vadd.s32 v10, v3;
	vm15 =	veq.s32 v62, v2  }
0x280: {  	vm0 =	vmor vm14, vm15;
	v6 =	vadd.s32 v62, v7;
	v7 =	vsel vm2, $0x1, v1  }
0x281: {  	v3 =	vadd.s32 v7, v3;
	v6 =	vsel vm0, v0, v6;
	v7 =	vsel vm0, $0x1, v1  }
0x282: {  	s15 =	simm.s32 $0x19E0;
	v4 =	vadd.f32 v4, v5;
	s14 =	simm.s32 $0x0;
	[tilespmem:s13+$0x10] =	vst v6;
	v3 =	vadd.s32 v7, v3  }
.LBB2_24:
0x283: {  	v5 =	vld [tilespmem:s15+$0xFFFFFFE0];
	s14 =	sadd.s32 $0x4, s14  }
0x284: {  	v6 =	vld [tilespmem:s15+$0xFFFFFFE1];
	p2 =	slt.u32 s14, $0x18C;
	_ =	sdelay $0x3  }
0x285: {  	v7 =	vmul.u32 $0x3E8, v5  }
0x286: {  	vm0 =	veq.s32 v5, v2;
	vm1 =	veq.s32 v6, v2  }
0x287: {  	vm0 =	vmor vm0, vm1;
	v5 =	vadd.s32 v6, v7  }
0x288: {  	s13 =	sadd.s32 $0x40, s13;
	v5 =	vsel vm0, v0, v5;
	v6 =	vsel vm0, $0x1, v1  }
0x289: {  	[tilespmem:s13+$0xFFFFFFE0] =	vst v5;
	v3 =	vadd.s32 v6, v3  }
0x28a: {  	v5 =	vld [tilespmem:s15+$0xFFFFFFF0]  }
0x28b: {  	v6 =	vld [tilespmem:s15+$0xFFFFFFF1];
	_ =	sdelay $0x3  }
0x28c: {  	v7 =	vmul.u32 $0x3E8, v5  }
0x28d: {  	vm0 =	veq.s32 v5, v2;
	vm1 =	veq.s32 v6, v2  }
0x28e: {  	vm0 =	vmor vm0, vm1;
	v5 =	vadd.s32 v6, v7  }
0x28f: {  	v5 =	vsel vm0, v0, v5;
	v6 =	vsel vm0, $0x1, v1  }
0x290: {  	[tilespmem:s13+$0xFFFFFFF0] =	vst v5;
	v3 =	vadd.s32 v6, v3  }
0x291: {  	v5 =	vld [tilespmem:s15+$0x0]  }
0x292: {  	v6 =	vld [tilespmem:s15+$0x1];
	_ =	sdelay $0x3  }
0x293: {  	v7 =	vmul.u32 $0x3E8, v5  }
0x294: {  	vm0 =	veq.s32 v5, v2;
	vm1 =	veq.s32 v6, v2  }
0x295: {  	vm0 =	vmor vm0, vm1;
	v5 =	vadd.s32 v6, v7  }
0x296: {  	v5 =	vsel vm0, v0, v5;
	v6 =	vsel vm0, $0x1, v1  }
0x297: {  	[tilespmem:s13+$0x0] =	vst v5;
	v3 =	vadd.s32 v6, v3  }
0x298: {  	v5 =	vld [tilespmem:s15+$0x10]  }
0x299: {  	v6 =	vld [tilespmem:s15+$0x11];
	_ =	sdelay $0x3  }
.Ltmp11:
0x29a: {  	v7 =	vmul.u32 $0x3E8, v5;
	(pc) =	sbr.rel @p2 .LBB2_24-.Ltmp11, $4  }
0x29b: {  	vm0 =	veq.s32 v5, v2;
	vm1 =	veq.s32 v6, v2  }
0x29c: {  	vm0 =	vmor vm0, vm1;
	v5 =	vadd.s32 v6, v7  }
0x29d: {  	v5 =	vsel vm0, v0, v5;
	v6 =	vsel vm0, $0x1, v1  }
0x29e: {  	s15 =	sadd.s32 $0x40, s15;
	[tilespmem:s13+$0x10] =	vst v5;
	v3 =	vadd.s32 v6, v3  }
0x29f: {  	_ =	swait.ge [sflag:s10], $0x1900  }
0x2a0: {  	[sflag:s10] =	ssyncset.done $0x0  }
0x2a1: {  	s14 =	simm.s32 $0x9840;
	[sflag:s10] =	ssyncadd.s32 $0xFFFFE700  }
0x2a2: {  	[tilespmem:s9], [sflag:$0x2] =	stream.indirect.gather [spmem:s3], $0x1, s8, s31, $0xb8;
	[tilespmem:$0x1F0A8] =	vst v63  }
0x2a3: {  	v5 =	vld [tilespmem:s14+$0xFFFFFFC0];
	_ =	sdelay $0x1  }
0x2a4: {  	v6 =	vld [tilespmem:s14+$0xFFFFFFD0];
	_ =	sdelay $0x1  }
0x2a5: {  	v7 =	vld [tilespmem:s14+$0xFFFFFFE0]  }
0x2a6: {  	v4 =	vadd.f32 v5, v4  }
0x2a7: {  	v5 =	vld [tilespmem:s14+$0xFFFFFFF0]  }
0x2a8: {  	v4 =	vadd.f32 v6, v4  }
0x2a9: {  	v6 =	vld [tilespmem:s14+$0x0]  }
0x2aa: {  	v4 =	vadd.f32 v7, v4  }
0x2ab: {  	v7 =	vld [tilespmem:s14+$0x10]  }
0x2ac: {  	v4 =	vadd.f32 v5, v4  }
0x2ad: {  	v5 =	vld [tilespmem:s14+$0x20]  }
0x2ae: {  	v6 =	vadd.f32 v6, v4  }
0x2af: {  	v4 =	vld [tilespmem:s14+$0x30]  }
0x2b0: {  	s13 =	simm.s32 $0x0;
	s14 =	simm.s32 $0x98C0;
	v6 =	vadd.f32 v7, v6  }
.LBB2_26:
0x2b1: {  	v7 =	vld [tilespmem:s14+$0xFFFFFFC0];
	s13 =	sadd.s32 $0x8, s13  }
0x2b2: {  	p2 =	slt.u32 s13, $0x188;
	v5 =	vadd.f32 v5, v6  }
0x2b3: {  	v6 =	vld [tilespmem:s14+$0xFFFFFFD0]  }
0x2b4: {  	v4 =	vadd.f32 v4, v5  }
0x2b5: {  	v5 =	vld [tilespmem:s14+$0xFFFFFFE0]  }
0x2b6: {  	v4 =	vadd.f32 v7, v4  }
0x2b7: {  	v7 =	vld [tilespmem:s14+$0xFFFFFFF0]  }
0x2b8: {  	v4 =	vadd.f32 v6, v4  }
0x2b9: {  	v6 =	vld [tilespmem:s14+$0x0]  }
0x2ba: {  	v4 =	vadd.f32 v5, v4  }
0x2bb: {  	v8 =	vld [tilespmem:s14+$0x10]  }
.Ltmp12:
0x2bc: {  	v4 =	vadd.f32 v7, v4;
	(pc) =	sbr.rel @p2 .LBB2_26-.Ltmp12, $4  }
0x2bd: {  	v5 =	vld [tilespmem:s14+$0x20]  }
0x2be: {  	v6 =	vadd.f32 v6, v4  }
0x2bf: {  	v4 =	vld [tilespmem:s14+$0x30]  }
0x2c0: {  	s14 =	sadd.s32 $0x80, s14;
	v6 =	vadd.f32 v8, v6  }
0x2c1: {  	_ =	swait.ge [sflag:s29], $0x1910  }
0x2c2: {  	[sflag:s29] =	ssyncset.done $0x0  }
0x2c3: {  	s14 =	simm.s32 $0x20;
	s13 =	rddreg [dreg:$0xd];
	[sflag:s29] =	ssyncadd.s32 $0xFFFFE6F0  }
0x2c4: {  	[tilespmem:s30], [sflag:$0x4] =	stream.linear.gather [hbm4b:s13+s4], $0x1910, $0x38;
	[tilespmem:$0x1F0A8] =	vst v63  }
0x2c5: {  	v7 =	vld [tilespmem:s14+$0xFFFFFFE0]  }
0x2c6: {  	v8 =	vld [tilespmem:s14+$0xFFFFFFE1];
	_ =	sdelay $0x3  }
0x2c7: {  	v9 =	vmul.u32 $0x3E8, v7  }
0x2c8: {  	vm0 =	veq.s32 v7, v2;
	vm1 =	veq.s32 v8, v2  }
0x2c9: {  	vm0 =	vmor vm0, vm1;
	v7 =	vadd.s32 v8, v9  }
0x2ca: {  	s13 =	simm.s32 $0x3420;
	v7 =	vsel vm0, v0, v7  }
0x2cb: {  	[tilespmem:s13+$0xFFFFFFE0] =	vst v7  }
0x2cc: {  	v7 =	vld [tilespmem:s14+$0xFFFFFFF0]  }
0x2cd: {  	v58 =	vld [tilespmem:s14+$0xFFFFFFF1];
	_ =	sdelay $0x3  }
0x2ce: {  	v59 =	vmul.u32 $0x3E8, v7  }
0x2cf: {  	vm12 =	veq.s32 v7, v2;
	vm2 =	veq.s32 v58, v2  }
0x2d0: {  	vm1 =	vmor vm12, vm2;
	v7 =	vadd.s32 v58, v59  }
0x2d1: {  	v7 =	vsel vm1, v0, v7  }
0x2d2: {  	[tilespmem:s13+$0xFFFFFFF0] =	vst v7  }
0x2d3: {  	v7 =	vld [tilespmem:s14+$0x0]  }
0x2d4: {  	v60 =	vld [tilespmem:s14+$0x1];
	_ =	sdelay $0x3  }
0x2d5: {  	v61 =	vmul.u32 $0x3E8, v7  }
0x2d6: {  	vm13 =	veq.s32 v7, v2;
	vm3 =	veq.s32 v60, v2  }
0x2d7: {  	vm2 =	vmor vm13, vm3;
	v7 =	vadd.s32 v60, v61  }
0x2d8: {  	v7 =	vsel vm2, v0, v7  }
0x2d9: {  	[tilespmem:s13+$0x0] =	vst v7  }
0x2da: {  	v7 =	vld [tilespmem:s14+$0x10]  }
0x2db: {  	v62 =	vld [tilespmem:s14+$0x11];
	_ =	sdelay $0x1  }
0x2dc: {  	v63 =	vsel vm0, $0x1, v1  }
0x2dd: {  	v3 =	vadd.s32 v63, v3  }
0x2de: {  	v10 =	vsel vm1, $0x1, v1;
	vm14 =	veq.s32 v7, v2;
	v7 =	vmul.u32 $0x3E8, v7  }
0x2df: {  	v5 =	vadd.f32 v5, v6;
	v3 =	vadd.s32 v10, v3;
	vm15 =	veq.s32 v62, v2  }
0x2e0: {  	vm0 =	vmor vm14, vm15;
	v6 =	vadd.s32 v62, v7;
	v7 =	vsel vm2, $0x1, v1  }
0x2e1: {  	v3 =	vadd.s32 v7, v3;
	v6 =	vsel vm0, v0, v6;
	v7 =	vsel vm0, $0x1, v1  }
0x2e2: {  	s15 =	simm.s32 $0x60;
	v4 =	vadd.f32 v4, v5;
	s14 =	simm.s32 $0x0;
	[tilespmem:s13+$0x10] =	vst v6;
	v3 =	vadd.s32 v7, v3  }
.LBB2_28:
0x2e3: {  	v5 =	vld [tilespmem:s15+$0xFFFFFFE0];
	s14 =	sadd.s32 $0x4, s14  }
0x2e4: {  	v6 =	vld [tilespmem:s15+$0xFFFFFFE1];
	p2 =	slt.u32 s14, $0x18C;
	_ =	sdelay $0x3  }
0x2e5: {  	v7 =	vmul.u32 $0x3E8, v5  }
0x2e6: {  	vm0 =	veq.s32 v5, v2;
	vm1 =	veq.s32 v6, v2  }
0x2e7: {  	vm0 =	vmor vm0, vm1;
	v5 =	vadd.s32 v6, v7  }
0x2e8: {  	s13 =	sadd.s32 $0x40, s13;
	v5 =	vsel vm0, v0, v5;
	v6 =	vsel vm0, $0x1, v1  }
0x2e9: {  	[tilespmem:s13+$0xFFFFFFE0] =	vst v5;
	v3 =	vadd.s32 v6, v3  }
0x2ea: {  	v5 =	vld [tilespmem:s15+$0xFFFFFFF0]  }
0x2eb: {  	v6 =	vld [tilespmem:s15+$0xFFFFFFF1];
	_ =	sdelay $0x3  }
0x2ec: {  	v7 =	vmul.u32 $0x3E8, v5  }
0x2ed: {  	vm0 =	veq.s32 v5, v2;
	vm1 =	veq.s32 v6, v2  }
0x2ee: {  	vm0 =	vmor vm0, vm1;
	v5 =	vadd.s32 v6, v7  }
0x2ef: {  	v5 =	vsel vm0, v0, v5;
	v6 =	vsel vm0, $0x1, v1  }
0x2f0: {  	[tilespmem:s13+$0xFFFFFFF0] =	vst v5;
	v3 =	vadd.s32 v6, v3  }
0x2f1: {  	v5 =	vld [tilespmem:s15+$0x0]  }
0x2f2: {  	v6 =	vld [tilespmem:s15+$0x1];
	_ =	sdelay $0x3  }
0x2f3: {  	v7 =	vmul.u32 $0x3E8, v5  }
0x2f4: {  	vm0 =	veq.s32 v5, v2;
	vm1 =	veq.s32 v6, v2  }
0x2f5: {  	vm0 =	vmor vm0, vm1;
	v5 =	vadd.s32 v6, v7  }
0x2f6: {  	v5 =	vsel vm0, v0, v5;
	v6 =	vsel vm0, $0x1, v1  }
0x2f7: {  	[tilespmem:s13+$0x0] =	vst v5;
	v3 =	vadd.s32 v6, v3  }
0x2f8: {  	v5 =	vld [tilespmem:s15+$0x10]  }
0x2f9: {  	v6 =	vld [tilespmem:s15+$0x11];
	_ =	sdelay $0x3  }
.Ltmp13:
0x2fa: {  	v7 =	vmul.u32 $0x3E8, v5;
	(pc) =	sbr.rel @p2 .LBB2_28-.Ltmp13, $4  }
0x2fb: {  	vm0 =	veq.s32 v5, v2;
	vm1 =	veq.s32 v6, v2  }
0x2fc: {  	vm0 =	vmor vm0, vm1;
	v5 =	vadd.s32 v6, v7  }
0x2fd: {  	v5 =	vsel vm0, v0, v5;
	v6 =	vsel vm0, $0x1, v1  }
0x2fe: {  	s15 =	sadd.s32 $0x40, s15;
	[tilespmem:s13+$0x10] =	vst v5;
	v3 =	vadd.s32 v6, v3  }
0x2ff: {  	_ =	swait.ge [sflag:s11], $0x1900  }
0x300: {  	[sflag:s11] =	ssyncset.done $0x0  }
0x301: {  	s14 =	simm.s32 $0xB140;
	[sflag:s11] =	ssyncadd.s32 $0xFFFFE700  }
0x302: {  	[tilespmem:s25], [sflag:$0x3] =	stream.indirect.gather [spmem:s3], $0x1, s1, s31, $0xb8;
	[tilespmem:$0x1F0A8] =	vst v63  }
0x303: {  	v5 =	vld [tilespmem:s14+$0xFFFFFFC0];
	_ =	sdelay $0x1  }
0x304: {  	v6 =	vld [tilespmem:s14+$0xFFFFFFD0];
	_ =	sdelay $0x1  }
0x305: {  	v7 =	vld [tilespmem:s14+$0xFFFFFFE0]  }
0x306: {  	v4 =	vadd.f32 v5, v4  }
0x307: {  	v5 =	vld [tilespmem:s14+$0xFFFFFFF0]  }
0x308: {  	v4 =	vadd.f32 v6, v4  }
0x309: {  	v6 =	vld [tilespmem:s14+$0x0]  }
0x30a: {  	v4 =	vadd.f32 v7, v4  }
0x30b: {  	v7 =	vld [tilespmem:s14+$0x10]  }
0x30c: {  	v4 =	vadd.f32 v5, v4  }
0x30d: {  	v5 =	vld [tilespmem:s14+$0x20]  }
0x30e: {  	v6 =	vadd.f32 v6, v4  }
0x30f: {  	v4 =	vld [tilespmem:s14+$0x30]  }
0x310: {  	s13 =	simm.s32 $0x0;
	s14 =	simm.s32 $0xB1C0;
	v6 =	vadd.f32 v7, v6  }
.LBB2_30:
0x311: {  	v7 =	vld [tilespmem:s14+$0xFFFFFFC0];
	s13 =	sadd.s32 $0x8, s13  }
0x312: {  	p2 =	slt.u32 s13, $0x188;
	v5 =	vadd.f32 v5, v6  }
0x313: {  	v6 =	vld [tilespmem:s14+$0xFFFFFFD0]  }
0x314: {  	v4 =	vadd.f32 v4, v5  }
0x315: {  	v5 =	vld [tilespmem:s14+$0xFFFFFFE0]  }
0x316: {  	v4 =	vadd.f32 v7, v4  }
0x317: {  	v7 =	vld [tilespmem:s14+$0xFFFFFFF0]  }
0x318: {  	v4 =	vadd.f32 v6, v4  }
0x319: {  	v6 =	vld [tilespmem:s14+$0x0]  }
0x31a: {  	v4 =	vadd.f32 v5, v4  }
0x31b: {  	v8 =	vld [tilespmem:s14+$0x10]  }
.Ltmp14:
0x31c: {  	v4 =	vadd.f32 v7, v4;
	(pc) =	sbr.rel @p2 .LBB2_30-.Ltmp14, $4  }
0x31d: {  	v5 =	vld [tilespmem:s14+$0x20]  }
0x31e: {  	v6 =	vadd.f32 v6, v4  }
0x31f: {  	v4 =	vld [tilespmem:s14+$0x30]  }
0x320: {  	s14 =	sadd.s32 $0x80, s14;
	v6 =	vadd.f32 v8, v6  }
0x321: {  	_ =	swait.ge [sflag:s29], $0x1910  }
0x322: {  	[sflag:s29] =	ssyncset.done $0x0  }
0x323: {  	s14 =	simm.s32 $0x19A0;
	s13 =	rddreg [dreg:$0xe];
	[sflag:s29] =	ssyncadd.s32 $0xFFFFE6F0  }
0x324: {  	[tilespmem:s4], [sflag:$0x4] =	stream.linear.gather [hbm4b:s13+s4], $0x1910, $0x38;
	[tilespmem:$0x1F0A8] =	vst v63  }
0x325: {  	v7 =	vld [tilespmem:s14+$0xFFFFFFE0]  }
0x326: {  	v8 =	vld [tilespmem:s14+$0xFFFFFFE1];
	_ =	sdelay $0x3  }
0x327: {  	v9 =	vmul.u32 $0x3E8, v7  }
0x328: {  	vm0 =	veq.s32 v7, v2;
	vm1 =	veq.s32 v8, v2  }
0x329: {  	vm0 =	vmor vm0, vm1;
	v7 =	vadd.s32 v8, v9  }
0x32a: {  	s13 =	simm.s32 $0x4D20;
	v7 =	vsel vm0, v0, v7  }
0x32b: {  	[tilespmem:s13+$0xFFFFFFE0] =	vst v7  }
0x32c: {  	v7 =	vld [tilespmem:s14+$0xFFFFFFF0]  }
0x32d: {  	v58 =	vld [tilespmem:s14+$0xFFFFFFF1];
	_ =	sdelay $0x3  }
0x32e: {  	v59 =	vmul.u32 $0x3E8, v7  }
0x32f: {  	vm12 =	veq.s32 v7, v2;
	vm2 =	veq.s32 v58, v2  }
0x330: {  	vm1 =	vmor vm12, vm2;
	v7 =	vadd.s32 v58, v59  }
0x331: {  	v7 =	vsel vm1, v0, v7  }
0x332: {  	[tilespmem:s13+$0xFFFFFFF0] =	vst v7  }
0x333: {  	v7 =	vld [tilespmem:s14+$0x0]  }
0x334: {  	v60 =	vld [tilespmem:s14+$0x1];
	_ =	sdelay $0x3  }
0x335: {  	v61 =	vmul.u32 $0x3E8, v7  }
0x336: {  	vm13 =	veq.s32 v7, v2;
	vm3 =	veq.s32 v60, v2  }
0x337: {  	vm2 =	vmor vm13, vm3;
	v7 =	vadd.s32 v60, v61  }
0x338: {  	v7 =	vsel vm2, v0, v7  }
0x339: {  	[tilespmem:s13+$0x0] =	vst v7  }
0x33a: {  	v7 =	vld [tilespmem:s14+$0x10]  }
0x33b: {  	v62 =	vld [tilespmem:s14+$0x11];
	_ =	sdelay $0x1  }
0x33c: {  	v63 =	vsel vm0, $0x1, v1  }
0x33d: {  	v3 =	vadd.s32 v63, v3  }
0x33e: {  	v10 =	vsel vm1, $0x1, v1;
	vm14 =	veq.s32 v7, v2;
	v7 =	vmul.u32 $0x3E8, v7  }
0x33f: {  	v5 =	vadd.f32 v5, v6;
	v3 =	vadd.s32 v10, v3;
	vm15 =	veq.s32 v62, v2  }
0x340: {  	vm0 =	vmor vm14, vm15;
	v6 =	vadd.s32 v62, v7;
	v7 =	vsel vm2, $0x1, v1  }
0x341: {  	v3 =	vadd.s32 v7, v3;
	v6 =	vsel vm0, v0, v6;
	v7 =	vsel vm0, $0x1, v1  }
0x342: {  	s15 =	simm.s32 $0x19E0;
	v4 =	vadd.f32 v4, v5;
	s14 =	simm.s32 $0x0;
	[tilespmem:s13+$0x10] =	vst v6;
	v3 =	vadd.s32 v7, v3  }
.LBB2_32:
0x343: {  	v5 =	vld [tilespmem:s15+$0xFFFFFFE0];
	s14 =	sadd.s32 $0x4, s14  }
0x344: {  	v6 =	vld [tilespmem:s15+$0xFFFFFFE1];
	p2 =	slt.u32 s14, $0x18C;
	_ =	sdelay $0x3  }
0x345: {  	v7 =	vmul.u32 $0x3E8, v5  }
0x346: {  	vm0 =	veq.s32 v5, v2;
	vm1 =	veq.s32 v6, v2  }
0x347: {  	vm0 =	vmor vm0, vm1;
	v5 =	vadd.s32 v6, v7  }
0x348: {  	s13 =	sadd.s32 $0x40, s13;
	v5 =	vsel vm0, v0, v5;
	v6 =	vsel vm0, $0x1, v1  }
0x349: {  	[tilespmem:s13+$0xFFFFFFE0] =	vst v5;
	v3 =	vadd.s32 v6, v3  }
0x34a: {  	v5 =	vld [tilespmem:s15+$0xFFFFFFF0]  }
0x34b: {  	v6 =	vld [tilespmem:s15+$0xFFFFFFF1];
	_ =	sdelay $0x3  }
0x34c: {  	v7 =	vmul.u32 $0x3E8, v5  }
0x34d: {  	vm0 =	veq.s32 v5, v2;
	vm1 =	veq.s32 v6, v2  }
0x34e: {  	vm0 =	vmor vm0, vm1;
	v5 =	vadd.s32 v6, v7  }
0x34f: {  	v5 =	vsel vm0, v0, v5;
	v6 =	vsel vm0, $0x1, v1  }
0x350: {  	[tilespmem:s13+$0xFFFFFFF0] =	vst v5;
	v3 =	vadd.s32 v6, v3  }
0x351: {  	v5 =	vld [tilespmem:s15+$0x0]  }
0x352: {  	v6 =	vld [tilespmem:s15+$0x1];
	_ =	sdelay $0x3  }
0x353: {  	v7 =	vmul.u32 $0x3E8, v5  }
0x354: {  	vm0 =	veq.s32 v5, v2;
	vm1 =	veq.s32 v6, v2  }
0x355: {  	vm0 =	vmor vm0, vm1;
	v5 =	vadd.s32 v6, v7  }
0x356: {  	v5 =	vsel vm0, v0, v5;
	v6 =	vsel vm0, $0x1, v1  }
0x357: {  	[tilespmem:s13+$0x0] =	vst v5;
	v3 =	vadd.s32 v6, v3  }
0x358: {  	v5 =	vld [tilespmem:s15+$0x10]  }
0x359: {  	v6 =	vld [tilespmem:s15+$0x11];
	_ =	sdelay $0x3  }
.Ltmp15:
0x35a: {  	v7 =	vmul.u32 $0x3E8, v5;
	(pc) =	sbr.rel @p2 .LBB2_32-.Ltmp15, $4  }
0x35b: {  	vm0 =	veq.s32 v5, v2;
	vm1 =	veq.s32 v6, v2  }
0x35c: {  	vm0 =	vmor vm0, vm1;
	v5 =	vadd.s32 v6, v7  }
0x35d: {  	v5 =	vsel vm0, v0, v5;
	v6 =	vsel vm0, $0x1, v1  }
0x35e: {  	s15 =	sadd.s32 $0x40, s15;
	[tilespmem:s13+$0x10] =	vst v5;
	v3 =	vadd.s32 v6, v3  }
0x35f: {  	_ =	swait.ge [sflag:s7], $0x1900  }
0x360: {  	[sflag:s7] =	ssyncset.done $0x0  }
0x361: {  	s14 =	simm.s32 $0xCA40;
	[sflag:s7] =	ssyncadd.s32 $0xFFFFE700  }
0x362: {  	[tilespmem:s0], [sflag:$0x1] =	stream.indirect.gather [spmem:s3], $0x1, s28, s31, $0xb8;
	[tilespmem:$0x1F0A8] =	vst v63  }
0x363: {  	v5 =	vld [tilespmem:s14+$0xFFFFFFC0];
	_ =	sdelay $0x1  }
0x364: {  	v6 =	vld [tilespmem:s14+$0xFFFFFFD0];
	_ =	sdelay $0x1  }
0x365: {  	v7 =	vld [tilespmem:s14+$0xFFFFFFE0]  }
0x366: {  	v4 =	vadd.f32 v5, v4  }
0x367: {  	v5 =	vld [tilespmem:s14+$0xFFFFFFF0]  }
0x368: {  	v4 =	vadd.f32 v6, v4  }
0x369: {  	v6 =	vld [tilespmem:s14+$0x0]  }
0x36a: {  	v4 =	vadd.f32 v7, v4  }
0x36b: {  	v7 =	vld [tilespmem:s14+$0x10]  }
0x36c: {  	v4 =	vadd.f32 v5, v4  }
0x36d: {  	v5 =	vld [tilespmem:s14+$0x20]  }
0x36e: {  	v6 =	vadd.f32 v6, v4  }
0x36f: {  	v4 =	vld [tilespmem:s14+$0x30]  }
0x370: {  	s13 =	simm.s32 $0x0;
	s14 =	simm.s32 $0xCAC0;
	v6 =	vadd.f32 v7, v6  }
.LBB2_34:
0x371: {  	v7 =	vld [tilespmem:s14+$0xFFFFFFC0];
	s13 =	sadd.s32 $0x8, s13  }
0x372: {  	p2 =	slt.u32 s13, $0x188;
	v5 =	vadd.f32 v5, v6  }
0x373: {  	v6 =	vld [tilespmem:s14+$0xFFFFFFD0]  }
0x374: {  	v4 =	vadd.f32 v4, v5  }
0x375: {  	v5 =	vld [tilespmem:s14+$0xFFFFFFE0]  }
0x376: {  	v4 =	vadd.f32 v7, v4  }
0x377: {  	v7 =	vld [tilespmem:s14+$0xFFFFFFF0]  }
0x378: {  	v4 =	vadd.f32 v6, v4  }
0x379: {  	v6 =	vld [tilespmem:s14+$0x0]  }
0x37a: {  	v4 =	vadd.f32 v5, v4  }
0x37b: {  	v8 =	vld [tilespmem:s14+$0x10]  }
.Ltmp16:
0x37c: {  	v4 =	vadd.f32 v7, v4;
	(pc) =	sbr.rel @p2 .LBB2_34-.Ltmp16, $4  }
0x37d: {  	v5 =	vld [tilespmem:s14+$0x20]  }
0x37e: {  	v6 =	vadd.f32 v6, v4  }
0x37f: {  	v4 =	vld [tilespmem:s14+$0x30]  }
0x380: {  	s14 =	sadd.s32 $0x80, s14;
	v6 =	vadd.f32 v8, v6  }
0x381: {  	_ =	swait.ge [sflag:s29], $0x1910  }
0x382: {  	[sflag:s29] =	ssyncset.done $0x0  }
0x383: {  	s14 =	simm.s32 $0x20;
	[sflag:s29] =	ssyncadd.s32 $0xFFFFE6F0  }
0x384: {  	[tilespmem:s30], [sflag:$0x4] =	stream.linear.gather [hbm4b:s16+s4], $0x1910, $0x38;
	[tilespmem:$0x1F0A8] =	vst v63  }
0x385: {  	v7 =	vld [tilespmem:s14+$0xFFFFFFE0]  }
0x386: {  	v8 =	vld [tilespmem:s14+$0xFFFFFFE1];
	_ =	sdelay $0x3  }
0x387: {  	v9 =	vmul.u32 $0x3E8, v7  }
0x388: {  	vm0 =	veq.s32 v7, v2;
	vm1 =	veq.s32 v8, v2  }
0x389: {  	vm0 =	vmor vm0, vm1;
	v7 =	vadd.s32 v8, v9  }
0x38a: {  	s13 =	simm.s32 $0x6620;
	v7 =	vsel vm0, v0, v7  }
0x38b: {  	[tilespmem:s13+$0xFFFFFFE0] =	vst v7  }
0x38c: {  	v7 =	vld [tilespmem:s14+$0xFFFFFFF0]  }
0x38d: {  	v58 =	vld [tilespmem:s14+$0xFFFFFFF1];
	_ =	sdelay $0x3  }
0x38e: {  	v59 =	vmul.u32 $0x3E8, v7  }
0x38f: {  	vm12 =	veq.s32 v7, v2;
	vm2 =	veq.s32 v58, v2  }
0x390: {  	vm1 =	vmor vm12, vm2;
	v7 =	vadd.s32 v58, v59  }
0x391: {  	v7 =	vsel vm1, v0, v7  }
0x392: {  	[tilespmem:s13+$0xFFFFFFF0] =	vst v7  }
0x393: {  	v7 =	vld [tilespmem:s14+$0x0]  }
0x394: {  	v60 =	vld [tilespmem:s14+$0x1];
	_ =	sdelay $0x3  }
0x395: {  	v61 =	vmul.u32 $0x3E8, v7  }
0x396: {  	vm13 =	veq.s32 v7, v2;
	vm3 =	veq.s32 v60, v2  }
0x397: {  	vm2 =	vmor vm13, vm3;
	v7 =	vadd.s32 v60, v61  }
0x398: {  	v7 =	vsel vm2, v0, v7  }
0x399: {  	[tilespmem:s13+$0x0] =	vst v7  }
0x39a: {  	v7 =	vld [tilespmem:s14+$0x10]  }
0x39b: {  	v62 =	vld [tilespmem:s14+$0x11];
	_ =	sdelay $0x1  }
0x39c: {  	v63 =	vsel vm0, $0x1, v1  }
0x39d: {  	v3 =	vadd.s32 v63, v3  }
0x39e: {  	v10 =	vsel vm1, $0x1, v1;
	vm14 =	veq.s32 v7, v2;
	v7 =	vmul.u32 $0x3E8, v7  }
0x39f: {  	v5 =	vadd.f32 v5, v6;
	v3 =	vadd.s32 v10, v3;
	vm15 =	veq.s32 v62, v2  }
0x3a0: {  	vm0 =	vmor vm14, vm15;
	v6 =	vadd.s32 v62, v7;
	v7 =	vsel vm2, $0x1, v1  }
0x3a1: {  	v3 =	vadd.s32 v7, v3;
	v6 =	vsel vm0, v0, v6;
	v7 =	vsel vm0, $0x1, v1  }
0x3a2: {  	s15 =	simm.s32 $0x60;
	v4 =	vadd.f32 v4, v5;
	s14 =	simm.s32 $0x0;
	[tilespmem:s13+$0x10] =	vst v6;
	v3 =	vadd.s32 v7, v3  }
.LBB2_36:
0x3a3: {  	v5 =	vld [tilespmem:s15+$0xFFFFFFE0];
	s14 =	sadd.s32 $0x4, s14  }
0x3a4: {  	v6 =	vld [tilespmem:s15+$0xFFFFFFE1];
	p2 =	slt.u32 s14, $0x18C;
	_ =	sdelay $0x3  }
0x3a5: {  	v7 =	vmul.u32 $0x3E8, v5  }
0x3a6: {  	vm0 =	veq.s32 v5, v2;
	vm1 =	veq.s32 v6, v2  }
0x3a7: {  	vm0 =	vmor vm0, vm1;
	v5 =	vadd.s32 v6, v7  }
0x3a8: {  	s13 =	sadd.s32 $0x40, s13;
	v5 =	vsel vm0, v0, v5;
	v6 =	vsel vm0, $0x1, v1  }
0x3a9: {  	[tilespmem:s13+$0xFFFFFFE0] =	vst v5;
	v3 =	vadd.s32 v6, v3  }
0x3aa: {  	v5 =	vld [tilespmem:s15+$0xFFFFFFF0]  }
0x3ab: {  	v6 =	vld [tilespmem:s15+$0xFFFFFFF1];
	_ =	sdelay $0x3  }
0x3ac: {  	v7 =	vmul.u32 $0x3E8, v5  }
0x3ad: {  	vm0 =	veq.s32 v5, v2;
	vm1 =	veq.s32 v6, v2  }
0x3ae: {  	vm0 =	vmor vm0, vm1;
	v5 =	vadd.s32 v6, v7  }
0x3af: {  	v5 =	vsel vm0, v0, v5;
	v6 =	vsel vm0, $0x1, v1  }
0x3b0: {  	[tilespmem:s13+$0xFFFFFFF0] =	vst v5;
	v3 =	vadd.s32 v6, v3  }
0x3b1: {  	v5 =	vld [tilespmem:s15+$0x0]  }
0x3b2: {  	v6 =	vld [tilespmem:s15+$0x1];
	_ =	sdelay $0x3  }
0x3b3: {  	v7 =	vmul.u32 $0x3E8, v5  }
0x3b4: {  	vm0 =	veq.s32 v5, v2;
	vm1 =	veq.s32 v6, v2  }
0x3b5: {  	vm0 =	vmor vm0, vm1;
	v5 =	vadd.s32 v6, v7  }
0x3b6: {  	v5 =	vsel vm0, v0, v5;
	v6 =	vsel vm0, $0x1, v1  }
0x3b7: {  	[tilespmem:s13+$0x0] =	vst v5;
	v3 =	vadd.s32 v6, v3  }
0x3b8: {  	v5 =	vld [tilespmem:s15+$0x10]  }
0x3b9: {  	v6 =	vld [tilespmem:s15+$0x11];
	_ =	sdelay $0x3  }
.Ltmp17:
0x3ba: {  	v7 =	vmul.u32 $0x3E8, v5;
	(pc) =	sbr.rel @p2 .LBB2_36-.Ltmp17, $4  }
0x3bb: {  	vm0 =	veq.s32 v5, v2;
	vm1 =	veq.s32 v6, v2  }
0x3bc: {  	vm0 =	vmor vm0, vm1;
	v5 =	vadd.s32 v6, v7  }
0x3bd: {  	v5 =	vsel vm0, v0, v5;
	v6 =	vsel vm0, $0x1, v1  }
0x3be: {  	s15 =	sadd.s32 $0x40, s15;
	[tilespmem:s13+$0x10] =	vst v5;
	v3 =	vadd.s32 v6, v3  }
0x3bf: {  	_ =	swait.ge [sflag:s10], $0x1900  }
0x3c0: {  	[sflag:s10] =	ssyncset.done $0x0  }
0x3c1: {  	s14 =	simm.s32 $0xE340;
	[sflag:s10] =	ssyncadd.s32 $0xFFFFE700  }
0x3c2: {  	[tilespmem:s6], [sflag:$0x2] =	stream.indirect.gather [spmem:s3], $0x1, s2, s31, $0xb8;
	[tilespmem:$0x1F0A8] =	vst v63  }
0x3c3: {  	v5 =	vld [tilespmem:s14+$0xFFFFFFC0];
	_ =	sdelay $0x1  }
0x3c4: {  	v6 =	vld [tilespmem:s14+$0xFFFFFFD0];
	_ =	sdelay $0x1  }
0x3c5: {  	v7 =	vld [tilespmem:s14+$0xFFFFFFE0]  }
0x3c6: {  	v4 =	vadd.f32 v5, v4  }
0x3c7: {  	v5 =	vld [tilespmem:s14+$0xFFFFFFF0]  }
0x3c8: {  	v4 =	vadd.f32 v6, v4  }
0x3c9: {  	v6 =	vld [tilespmem:s14+$0x0]  }
0x3ca: {  	v4 =	vadd.f32 v7, v4  }
0x3cb: {  	v7 =	vld [tilespmem:s14+$0x10]  }
0x3cc: {  	v4 =	vadd.f32 v5, v4  }
0x3cd: {  	v5 =	vld [tilespmem:s14+$0x20]  }
0x3ce: {  	v6 =	vadd.f32 v6, v4  }
0x3cf: {  	v4 =	vld [tilespmem:s14+$0x30]  }
0x3d0: {  	s13 =	simm.s32 $0x0;
	s14 =	simm.s32 $0xE3C0;
	v6 =	vadd.f32 v7, v6  }
.LBB2_38:
0x3d1: {  	v7 =	vld [tilespmem:s14+$0xFFFFFFC0];
	s13 =	sadd.s32 $0x8, s13  }
0x3d2: {  	p2 =	slt.u32 s13, $0x188;
	v5 =	vadd.f32 v5, v6  }
0x3d3: {  	v6 =	vld [tilespmem:s14+$0xFFFFFFD0]  }
0x3d4: {  	v4 =	vadd.f32 v4, v5  }
0x3d5: {  	v5 =	vld [tilespmem:s14+$0xFFFFFFE0]  }
0x3d6: {  	v4 =	vadd.f32 v7, v4  }
0x3d7: {  	v7 =	vld [tilespmem:s14+$0xFFFFFFF0]  }
0x3d8: {  	v4 =	vadd.f32 v6, v4  }
0x3d9: {  	v6 =	vld [tilespmem:s14+$0x0]  }
0x3da: {  	v4 =	vadd.f32 v5, v4  }
0x3db: {  	v8 =	vld [tilespmem:s14+$0x10]  }
.Ltmp18:
0x3dc: {  	v4 =	vadd.f32 v7, v4;
	(pc) =	sbr.rel @p2 .LBB2_38-.Ltmp18, $4  }
0x3dd: {  	v5 =	vld [tilespmem:s14+$0x20]  }
0x3de: {  	v6 =	vadd.f32 v6, v4  }
0x3df: {  	v4 =	vld [tilespmem:s14+$0x30]  }
0x3e0: {  	s14 =	sadd.s32 $0x80, s14;
	v6 =	vadd.f32 v8, v6  }
0x3e1: {  	_ =	swait.ge [sflag:s29], $0x1910  }
0x3e2: {  	[sflag:s29] =	ssyncset.done $0x0  }
0x3e3: {  	s14 =	simm.s32 $0x19A0;
	[sflag:s29] =	ssyncadd.s32 $0xFFFFE6F0  }
0x3e4: {  	[tilespmem:s4], [sflag:$0x4] =	stream.linear.gather [hbm4b:s17+s4], $0x1910, $0x38;
	[tilespmem:$0x1F0A8] =	vst v63  }
0x3e5: {  	v7 =	vld [tilespmem:s14+$0xFFFFFFE0]  }
0x3e6: {  	v8 =	vld [tilespmem:s14+$0xFFFFFFE1];
	_ =	sdelay $0x3  }
0x3e7: {  	v9 =	vmul.u32 $0x3E8, v7  }
0x3e8: {  	vm0 =	veq.s32 v7, v2;
	vm1 =	veq.s32 v8, v2  }
0x3e9: {  	vm0 =	vmor vm0, vm1;
	v7 =	vadd.s32 v8, v9  }
0x3ea: {  	s13 =	simm.s32 $0x7F20;
	v7 =	vsel vm0, v0, v7  }
0x3eb: {  	[tilespmem:s13+$0xFFFFFFE0] =	vst v7  }
0x3ec: {  	v7 =	vld [tilespmem:s14+$0xFFFFFFF0]  }
0x3ed: {  	v58 =	vld [tilespmem:s14+$0xFFFFFFF1];
	_ =	sdelay $0x3  }
0x3ee: {  	v59 =	vmul.u32 $0x3E8, v7  }
0x3ef: {  	vm12 =	veq.s32 v7, v2;
	vm2 =	veq.s32 v58, v2  }
0x3f0: {  	vm1 =	vmor vm12, vm2;
	v7 =	vadd.s32 v58, v59  }
0x3f1: {  	v7 =	vsel vm1, v0, v7  }
0x3f2: {  	[tilespmem:s13+$0xFFFFFFF0] =	vst v7  }
0x3f3: {  	v7 =	vld [tilespmem:s14+$0x0]  }
0x3f4: {  	v60 =	vld [tilespmem:s14+$0x1];
	_ =	sdelay $0x3  }
0x3f5: {  	v61 =	vmul.u32 $0x3E8, v7  }
0x3f6: {  	vm13 =	veq.s32 v7, v2;
	vm3 =	veq.s32 v60, v2  }
0x3f7: {  	vm2 =	vmor vm13, vm3;
	v7 =	vadd.s32 v60, v61  }
0x3f8: {  	v7 =	vsel vm2, v0, v7  }
0x3f9: {  	[tilespmem:s13+$0x0] =	vst v7  }
0x3fa: {  	v7 =	vld [tilespmem:s14+$0x10]  }
0x3fb: {  	v62 =	vld [tilespmem:s14+$0x11];
	_ =	sdelay $0x1  }
0x3fc: {  	v63 =	vsel vm0, $0x1, v1  }
0x3fd: {  	v3 =	vadd.s32 v63, v3  }
0x3fe: {  	v10 =	vsel vm1, $0x1, v1;
	vm14 =	veq.s32 v7, v2;
	v7 =	vmul.u32 $0x3E8, v7  }
0x3ff: {  	v5 =	vadd.f32 v5, v6;
	v3 =	vadd.s32 v10, v3;
	vm15 =	veq.s32 v62, v2  }
0x400: {  	vm0 =	vmor vm14, vm15;
	v6 =	vadd.s32 v62, v7;
	v7 =	vsel vm2, $0x1, v1  }
0x401: {  	v3 =	vadd.s32 v7, v3;
	v6 =	vsel vm0, v0, v6;
	v7 =	vsel vm0, $0x1, v1  }
0x402: {  	s15 =	simm.s32 $0x19E0;
	v4 =	vadd.f32 v4, v5;
	s14 =	simm.s32 $0x0;
	[tilespmem:s13+$0x10] =	vst v6;
	v3 =	vadd.s32 v7, v3  }
.LBB2_40:
0x403: {  	v5 =	vld [tilespmem:s15+$0xFFFFFFE0];
	s14 =	sadd.s32 $0x4, s14  }
0x404: {  	v6 =	vld [tilespmem:s15+$0xFFFFFFE1];
	p2 =	slt.u32 s14, $0x18C;
	_ =	sdelay $0x3  }
0x405: {  	v7 =	vmul.u32 $0x3E8, v5  }
0x406: {  	vm0 =	veq.s32 v5, v2;
	vm1 =	veq.s32 v6, v2  }
0x407: {  	vm0 =	vmor vm0, vm1;
	v5 =	vadd.s32 v6, v7  }
0x408: {  	s13 =	sadd.s32 $0x40, s13;
	v5 =	vsel vm0, v0, v5;
	v6 =	vsel vm0, $0x1, v1  }
0x409: {  	[tilespmem:s13+$0xFFFFFFE0] =	vst v5;
	v3 =	vadd.s32 v6, v3  }
0x40a: {  	v5 =	vld [tilespmem:s15+$0xFFFFFFF0]  }
0x40b: {  	v6 =	vld [tilespmem:s15+$0xFFFFFFF1];
	_ =	sdelay $0x3  }
0x40c: {  	v7 =	vmul.u32 $0x3E8, v5  }
0x40d: {  	vm0 =	veq.s32 v5, v2;
	vm1 =	veq.s32 v6, v2  }
0x40e: {  	vm0 =	vmor vm0, vm1;
	v5 =	vadd.s32 v6, v7  }
0x40f: {  	v5 =	vsel vm0, v0, v5;
	v6 =	vsel vm0, $0x1, v1  }
0x410: {  	[tilespmem:s13+$0xFFFFFFF0] =	vst v5;
	v3 =	vadd.s32 v6, v3  }
0x411: {  	v5 =	vld [tilespmem:s15+$0x0]  }
0x412: {  	v6 =	vld [tilespmem:s15+$0x1];
	_ =	sdelay $0x3  }
0x413: {  	v7 =	vmul.u32 $0x3E8, v5  }
0x414: {  	vm0 =	veq.s32 v5, v2;
	vm1 =	veq.s32 v6, v2  }
0x415: {  	vm0 =	vmor vm0, vm1;
	v5 =	vadd.s32 v6, v7  }
0x416: {  	v5 =	vsel vm0, v0, v5;
	v6 =	vsel vm0, $0x1, v1  }
0x417: {  	[tilespmem:s13+$0x0] =	vst v5;
	v3 =	vadd.s32 v6, v3  }
0x418: {  	v5 =	vld [tilespmem:s15+$0x10]  }
0x419: {  	v6 =	vld [tilespmem:s15+$0x11];
	_ =	sdelay $0x3  }
.Ltmp19:
0x41a: {  	v7 =	vmul.u32 $0x3E8, v5;
	(pc) =	sbr.rel @p2 .LBB2_40-.Ltmp19, $4  }
0x41b: {  	vm0 =	veq.s32 v5, v2;
	vm1 =	veq.s32 v6, v2  }
0x41c: {  	vm0 =	vmor vm0, vm1;
	v5 =	vadd.s32 v6, v7  }
0x41d: {  	v5 =	vsel vm0, v0, v5;
	v6 =	vsel vm0, $0x1, v1  }
0x41e: {  	s15 =	sadd.s32 $0x40, s15;
	[tilespmem:s13+$0x10] =	vst v5;
	v3 =	vadd.s32 v6, v3  }
0x41f: {  	_ =	swait.ge [sflag:s11], $0x1900  }
0x420: {  	[sflag:s11] =	ssyncset.done $0x0  }
0x421: {  	s14 =	simm.s32 $0x9840;
	[sflag:s11] =	ssyncadd.s32 $0xFFFFE700  }
0x422: {  	[tilespmem:s9], [sflag:$0x3] =	stream.indirect.gather [spmem:s3], $0x1, s8, s31, $0xb8;
	[tilespmem:$0x1F0A8] =	vst v63  }
0x423: {  	v5 =	vld [tilespmem:s14+$0xFFFFFFC0];
	_ =	sdelay $0x1  }
0x424: {  	v6 =	vld [tilespmem:s14+$0xFFFFFFD0];
	_ =	sdelay $0x1  }
0x425: {  	v7 =	vld [tilespmem:s14+$0xFFFFFFE0]  }
0x426: {  	v4 =	vadd.f32 v5, v4  }
0x427: {  	v5 =	vld [tilespmem:s14+$0xFFFFFFF0]  }
0x428: {  	v4 =	vadd.f32 v6, v4  }
0x429: {  	v6 =	vld [tilespmem:s14+$0x0]  }
0x42a: {  	v4 =	vadd.f32 v7, v4  }
0x42b: {  	v7 =	vld [tilespmem:s14+$0x10]  }
0x42c: {  	v4 =	vadd.f32 v5, v4  }
0x42d: {  	v5 =	vld [tilespmem:s14+$0x20]  }
0x42e: {  	v6 =	vadd.f32 v6, v4  }
0x42f: {  	v4 =	vld [tilespmem:s14+$0x30]  }
0x430: {  	s13 =	simm.s32 $0x0;
	s14 =	simm.s32 $0x98C0;
	v6 =	vadd.f32 v7, v6  }
.LBB2_42:
0x431: {  	v7 =	vld [tilespmem:s14+$0xFFFFFFC0];
	s13 =	sadd.s32 $0x8, s13  }
0x432: {  	p2 =	slt.u32 s13, $0x188;
	v5 =	vadd.f32 v5, v6  }
0x433: {  	v6 =	vld [tilespmem:s14+$0xFFFFFFD0]  }
0x434: {  	v4 =	vadd.f32 v4, v5  }
0x435: {  	v5 =	vld [tilespmem:s14+$0xFFFFFFE0]  }
0x436: {  	v4 =	vadd.f32 v7, v4  }
0x437: {  	v7 =	vld [tilespmem:s14+$0xFFFFFFF0]  }
0x438: {  	v4 =	vadd.f32 v6, v4  }
0x439: {  	v6 =	vld [tilespmem:s14+$0x0]  }
0x43a: {  	v4 =	vadd.f32 v5, v4  }
0x43b: {  	v8 =	vld [tilespmem:s14+$0x10]  }
.Ltmp20:
0x43c: {  	v4 =	vadd.f32 v7, v4;
	(pc) =	sbr.rel @p2 .LBB2_42-.Ltmp20, $4  }
0x43d: {  	v5 =	vld [tilespmem:s14+$0x20]  }
0x43e: {  	v6 =	vadd.f32 v6, v4  }
0x43f: {  	v4 =	vld [tilespmem:s14+$0x30]  }
0x440: {  	s14 =	sadd.s32 $0x80, s14;
	v6 =	vadd.f32 v8, v6  }
0x441: {  	_ =	swait.ge [sflag:s29], $0x1910  }
0x442: {  	[sflag:s29] =	ssyncset.done $0x0  }
0x443: {  	s14 =	simm.s32 $0x20;
	[sflag:s29] =	ssyncadd.s32 $0xFFFFE6F0  }
0x444: {  	[tilespmem:s30], [sflag:$0x4] =	stream.linear.gather [hbm4b:s18+s4], $0x1910, $0x38;
	[tilespmem:$0x1F0A8] =	vst v63  }
0x445: {  	v7 =	vld [tilespmem:s14+$0xFFFFFFE0]  }
0x446: {  	v8 =	vld [tilespmem:s14+$0xFFFFFFE1];
	_ =	sdelay $0x3  }
0x447: {  	v9 =	vmul.u32 $0x3E8, v7  }
0x448: {  	vm0 =	veq.s32 v7, v2;
	vm1 =	veq.s32 v8, v2  }
0x449: {  	vm0 =	vmor vm0, vm1;
	v7 =	vadd.s32 v8, v9  }
0x44a: {  	s13 =	simm.s32 $0x3420;
	v7 =	vsel vm0, v0, v7  }
0x44b: {  	[tilespmem:s13+$0xFFFFFFE0] =	vst v7  }
0x44c: {  	v7 =	vld [tilespmem:s14+$0xFFFFFFF0]  }
0x44d: {  	v58 =	vld [tilespmem:s14+$0xFFFFFFF1];
	_ =	sdelay $0x3  }
0x44e: {  	v59 =	vmul.u32 $0x3E8, v7  }
0x44f: {  	vm12 =	veq.s32 v7, v2;
	vm2 =	veq.s32 v58, v2  }
0x450: {  	vm1 =	vmor vm12, vm2;
	v7 =	vadd.s32 v58, v59  }
0x451: {  	v7 =	vsel vm1, v0, v7  }
0x452: {  	[tilespmem:s13+$0xFFFFFFF0] =	vst v7  }
0x453: {  	v7 =	vld [tilespmem:s14+$0x0]  }
0x454: {  	v60 =	vld [tilespmem:s14+$0x1];
	_ =	sdelay $0x3  }
0x455: {  	v61 =	vmul.u32 $0x3E8, v7  }
0x456: {  	vm13 =	veq.s32 v7, v2;
	vm3 =	veq.s32 v60, v2  }
0x457: {  	vm2 =	vmor vm13, vm3;
	v7 =	vadd.s32 v60, v61  }
0x458: {  	v7 =	vsel vm2, v0, v7  }
0x459: {  	[tilespmem:s13+$0x0] =	vst v7  }
0x45a: {  	v7 =	vld [tilespmem:s14+$0x10]  }
0x45b: {  	v62 =	vld [tilespmem:s14+$0x11];
	_ =	sdelay $0x1  }
0x45c: {  	v63 =	vsel vm0, $0x1, v1  }
0x45d: {  	v3 =	vadd.s32 v63, v3  }
0x45e: {  	v10 =	vsel vm1, $0x1, v1;
	vm14 =	veq.s32 v7, v2;
	v7 =	vmul.u32 $0x3E8, v7  }
0x45f: {  	v5 =	vadd.f32 v5, v6;
	v3 =	vadd.s32 v10, v3;
	vm15 =	veq.s32 v62, v2  }
0x460: {  	vm0 =	vmor vm14, vm15;
	v6 =	vadd.s32 v62, v7;
	v7 =	vsel vm2, $0x1, v1  }
0x461: {  	v3 =	vadd.s32 v7, v3;
	v6 =	vsel vm0, v0, v6;
	v7 =	vsel vm0, $0x1, v1  }
0x462: {  	s15 =	simm.s32 $0x60;
	v4 =	vadd.f32 v4, v5;
	s14 =	simm.s32 $0x0;
	[tilespmem:s13+$0x10] =	vst v6;
	v3 =	vadd.s32 v7, v3  }
.LBB2_44:
0x463: {  	v5 =	vld [tilespmem:s15+$0xFFFFFFE0];
	s14 =	sadd.s32 $0x4, s14  }
0x464: {  	v6 =	vld [tilespmem:s15+$0xFFFFFFE1];
	p2 =	slt.u32 s14, $0x18C;
	_ =	sdelay $0x3  }
0x465: {  	v7 =	vmul.u32 $0x3E8, v5  }
0x466: {  	vm0 =	veq.s32 v5, v2;
	vm1 =	veq.s32 v6, v2  }
0x467: {  	vm0 =	vmor vm0, vm1;
	v5 =	vadd.s32 v6, v7  }
0x468: {  	s13 =	sadd.s32 $0x40, s13;
	v5 =	vsel vm0, v0, v5;
	v6 =	vsel vm0, $0x1, v1  }
0x469: {  	[tilespmem:s13+$0xFFFFFFE0] =	vst v5;
	v3 =	vadd.s32 v6, v3  }
0x46a: {  	v5 =	vld [tilespmem:s15+$0xFFFFFFF0]  }
0x46b: {  	v6 =	vld [tilespmem:s15+$0xFFFFFFF1];
	_ =	sdelay $0x3  }
0x46c: {  	v7 =	vmul.u32 $0x3E8, v5  }
0x46d: {  	vm0 =	veq.s32 v5, v2;
	vm1 =	veq.s32 v6, v2  }
0x46e: {  	vm0 =	vmor vm0, vm1;
	v5 =	vadd.s32 v6, v7  }
0x46f: {  	v5 =	vsel vm0, v0, v5;
	v6 =	vsel vm0, $0x1, v1  }
0x470: {  	[tilespmem:s13+$0xFFFFFFF0] =	vst v5;
	v3 =	vadd.s32 v6, v3  }
0x471: {  	v5 =	vld [tilespmem:s15+$0x0]  }
0x472: {  	v6 =	vld [tilespmem:s15+$0x1];
	_ =	sdelay $0x3  }
0x473: {  	v7 =	vmul.u32 $0x3E8, v5  }
0x474: {  	vm0 =	veq.s32 v5, v2;
	vm1 =	veq.s32 v6, v2  }
0x475: {  	vm0 =	vmor vm0, vm1;
	v5 =	vadd.s32 v6, v7  }
0x476: {  	v5 =	vsel vm0, v0, v5;
	v6 =	vsel vm0, $0x1, v1  }
0x477: {  	[tilespmem:s13+$0x0] =	vst v5;
	v3 =	vadd.s32 v6, v3  }
0x478: {  	v5 =	vld [tilespmem:s15+$0x10]  }
0x479: {  	v6 =	vld [tilespmem:s15+$0x11];
	_ =	sdelay $0x3  }
.Ltmp21:
0x47a: {  	v7 =	vmul.u32 $0x3E8, v5;
	(pc) =	sbr.rel @p2 .LBB2_44-.Ltmp21, $4  }
0x47b: {  	vm0 =	veq.s32 v5, v2;
	vm1 =	veq.s32 v6, v2  }
0x47c: {  	vm0 =	vmor vm0, vm1;
	v5 =	vadd.s32 v6, v7  }
0x47d: {  	v5 =	vsel vm0, v0, v5;
	v6 =	vsel vm0, $0x1, v1  }
0x47e: {  	s15 =	sadd.s32 $0x40, s15;
	[tilespmem:s13+$0x10] =	vst v5;
	v3 =	vadd.s32 v6, v3  }
0x47f: {  	_ =	swait.ge [sflag:s7], $0x1900  }
0x480: {  	[sflag:s7] =	ssyncset.done $0x0  }
0x481: {  	s14 =	simm.s32 $0xB140;
	[sflag:s7] =	ssyncadd.s32 $0xFFFFE700  }
0x482: {  	[tilespmem:s25], [sflag:$0x1] =	stream.indirect.gather [spmem:s3], $0x1, s1, s31, $0xb8;
	[tilespmem:$0x1F0A8] =	vst v63  }
0x483: {  	v5 =	vld [tilespmem:s14+$0xFFFFFFC0];
	_ =	sdelay $0x1  }
0x484: {  	v6 =	vld [tilespmem:s14+$0xFFFFFFD0];
	_ =	sdelay $0x1  }
0x485: {  	v7 =	vld [tilespmem:s14+$0xFFFFFFE0]  }
0x486: {  	v4 =	vadd.f32 v5, v4  }
0x487: {  	v5 =	vld [tilespmem:s14+$0xFFFFFFF0]  }
0x488: {  	v4 =	vadd.f32 v6, v4  }
0x489: {  	v6 =	vld [tilespmem:s14+$0x0]  }
0x48a: {  	v4 =	vadd.f32 v7, v4  }
0x48b: {  	v7 =	vld [tilespmem:s14+$0x10]  }
0x48c: {  	v4 =	vadd.f32 v5, v4  }
0x48d: {  	v5 =	vld [tilespmem:s14+$0x20]  }
0x48e: {  	v6 =	vadd.f32 v6, v4  }
0x48f: {  	v4 =	vld [tilespmem:s14+$0x30]  }
0x490: {  	s13 =	simm.s32 $0x0;
	s14 =	simm.s32 $0xB1C0;
	v6 =	vadd.f32 v7, v6  }
.LBB2_46:
0x491: {  	v7 =	vld [tilespmem:s14+$0xFFFFFFC0];
	s13 =	sadd.s32 $0x8, s13  }
0x492: {  	p2 =	slt.u32 s13, $0x188;
	v5 =	vadd.f32 v5, v6  }
0x493: {  	v6 =	vld [tilespmem:s14+$0xFFFFFFD0]  }
0x494: {  	v4 =	vadd.f32 v4, v5  }
0x495: {  	v5 =	vld [tilespmem:s14+$0xFFFFFFE0]  }
0x496: {  	v4 =	vadd.f32 v7, v4  }
0x497: {  	v7 =	vld [tilespmem:s14+$0xFFFFFFF0]  }
0x498: {  	v4 =	vadd.f32 v6, v4  }
0x499: {  	v6 =	vld [tilespmem:s14+$0x0]  }
0x49a: {  	v4 =	vadd.f32 v5, v4  }
0x49b: {  	v8 =	vld [tilespmem:s14+$0x10]  }
.Ltmp22:
0x49c: {  	v4 =	vadd.f32 v7, v4;
	(pc) =	sbr.rel @p2 .LBB2_46-.Ltmp22, $4  }
0x49d: {  	v5 =	vld [tilespmem:s14+$0x20]  }
0x49e: {  	v6 =	vadd.f32 v6, v4  }
0x49f: {  	v4 =	vld [tilespmem:s14+$0x30]  }
0x4a0: {  	s14 =	sadd.s32 $0x80, s14;
	v6 =	vadd.f32 v8, v6  }
0x4a1: {  	_ =	swait.ge [sflag:s29], $0x1910  }
0x4a2: {  	[sflag:s29] =	ssyncset.done $0x0  }
0x4a3: {  	s14 =	simm.s32 $0x19A0;
	[sflag:s29] =	ssyncadd.s32 $0xFFFFE6F0  }
0x4a4: {  	[tilespmem:s4], [sflag:$0x4] =	stream.linear.gather [hbm4b:s19+s4], $0x1910, $0x38;
	[tilespmem:$0x1F0A8] =	vst v63  }
0x4a5: {  	v7 =	vld [tilespmem:s14+$0xFFFFFFE0]  }
0x4a6: {  	v8 =	vld [tilespmem:s14+$0xFFFFFFE1];
	_ =	sdelay $0x3  }
0x4a7: {  	v9 =	vmul.u32 $0x3E8, v7  }
0x4a8: {  	vm0 =	veq.s32 v7, v2;
	vm1 =	veq.s32 v8, v2  }
0x4a9: {  	vm0 =	vmor vm0, vm1;
	v7 =	vadd.s32 v8, v9  }
0x4aa: {  	s13 =	simm.s32 $0x4D20;
	v7 =	vsel vm0, v0, v7  }
0x4ab: {  	[tilespmem:s13+$0xFFFFFFE0] =	vst v7  }
0x4ac: {  	v7 =	vld [tilespmem:s14+$0xFFFFFFF0]  }
0x4ad: {  	v58 =	vld [tilespmem:s14+$0xFFFFFFF1];
	_ =	sdelay $0x3  }
0x4ae: {  	v59 =	vmul.u32 $0x3E8, v7  }
0x4af: {  	vm12 =	veq.s32 v7, v2;
	vm2 =	veq.s32 v58, v2  }
0x4b0: {  	vm1 =	vmor vm12, vm2;
	v7 =	vadd.s32 v58, v59  }
0x4b1: {  	v7 =	vsel vm1, v0, v7  }
0x4b2: {  	[tilespmem:s13+$0xFFFFFFF0] =	vst v7  }
0x4b3: {  	v7 =	vld [tilespmem:s14+$0x0]  }
0x4b4: {  	v60 =	vld [tilespmem:s14+$0x1];
	_ =	sdelay $0x3  }
0x4b5: {  	v61 =	vmul.u32 $0x3E8, v7  }
0x4b6: {  	vm13 =	veq.s32 v7, v2;
	vm3 =	veq.s32 v60, v2  }
0x4b7: {  	vm2 =	vmor vm13, vm3;
	v7 =	vadd.s32 v60, v61  }
0x4b8: {  	v7 =	vsel vm2, v0, v7  }
0x4b9: {  	[tilespmem:s13+$0x0] =	vst v7  }
0x4ba: {  	v7 =	vld [tilespmem:s14+$0x10]  }
0x4bb: {  	v62 =	vld [tilespmem:s14+$0x11];
	_ =	sdelay $0x1  }
0x4bc: {  	v63 =	vsel vm0, $0x1, v1  }
0x4bd: {  	v3 =	vadd.s32 v63, v3  }
0x4be: {  	v10 =	vsel vm1, $0x1, v1;
	vm14 =	veq.s32 v7, v2;
	v7 =	vmul.u32 $0x3E8, v7  }
0x4bf: {  	v5 =	vadd.f32 v5, v6;
	v3 =	vadd.s32 v10, v3;
	vm15 =	veq.s32 v62, v2  }
0x4c0: {  	vm0 =	vmor vm14, vm15;
	v6 =	vadd.s32 v62, v7;
	v7 =	vsel vm2, $0x1, v1  }
0x4c1: {  	v3 =	vadd.s32 v7, v3;
	v6 =	vsel vm0, v0, v6;
	v7 =	vsel vm0, $0x1, v1  }
0x4c2: {  	s15 =	simm.s32 $0x19E0;
	v4 =	vadd.f32 v4, v5;
	s14 =	simm.s32 $0x0;
	[tilespmem:s13+$0x10] =	vst v6;
	v3 =	vadd.s32 v7, v3  }
.LBB2_48:
0x4c3: {  	v5 =	vld [tilespmem:s15+$0xFFFFFFE0];
	s14 =	sadd.s32 $0x4, s14  }
0x4c4: {  	v6 =	vld [tilespmem:s15+$0xFFFFFFE1];
	p2 =	slt.u32 s14, $0x18C;
	_ =	sdelay $0x3  }
0x4c5: {  	v7 =	vmul.u32 $0x3E8, v5  }
0x4c6: {  	vm0 =	veq.s32 v5, v2;
	vm1 =	veq.s32 v6, v2  }
0x4c7: {  	vm0 =	vmor vm0, vm1;
	v5 =	vadd.s32 v6, v7  }
0x4c8: {  	s13 =	sadd.s32 $0x40, s13;
	v5 =	vsel vm0, v0, v5;
	v6 =	vsel vm0, $0x1, v1  }
0x4c9: {  	[tilespmem:s13+$0xFFFFFFE0] =	vst v5;
	v3 =	vadd.s32 v6, v3  }
0x4ca: {  	v5 =	vld [tilespmem:s15+$0xFFFFFFF0]  }
0x4cb: {  	v6 =	vld [tilespmem:s15+$0xFFFFFFF1];
	_ =	sdelay $0x3  }
0x4cc: {  	v7 =	vmul.u32 $0x3E8, v5  }
0x4cd: {  	vm0 =	veq.s32 v5, v2;
	vm1 =	veq.s32 v6, v2  }
0x4ce: {  	vm0 =	vmor vm0, vm1;
	v5 =	vadd.s32 v6, v7  }
0x4cf: {  	v5 =	vsel vm0, v0, v5;
	v6 =	vsel vm0, $0x1, v1  }
0x4d0: {  	[tilespmem:s13+$0xFFFFFFF0] =	vst v5;
	v3 =	vadd.s32 v6, v3  }
0x4d1: {  	v5 =	vld [tilespmem:s15+$0x0]  }
0x4d2: {  	v6 =	vld [tilespmem:s15+$0x1];
	_ =	sdelay $0x3  }
0x4d3: {  	v7 =	vmul.u32 $0x3E8, v5  }
0x4d4: {  	vm0 =	veq.s32 v5, v2;
	vm1 =	veq.s32 v6, v2  }
0x4d5: {  	vm0 =	vmor vm0, vm1;
	v5 =	vadd.s32 v6, v7  }
0x4d6: {  	v5 =	vsel vm0, v0, v5;
	v6 =	vsel vm0, $0x1, v1  }
0x4d7: {  	[tilespmem:s13+$0x0] =	vst v5;
	v3 =	vadd.s32 v6, v3  }
0x4d8: {  	v5 =	vld [tilespmem:s15+$0x10]  }
0x4d9: {  	v6 =	vld [tilespmem:s15+$0x11];
	_ =	sdelay $0x3  }
.Ltmp23:
0x4da: {  	v7 =	vmul.u32 $0x3E8, v5;
	(pc) =	sbr.rel @p2 .LBB2_48-.Ltmp23, $4  }
0x4db: {  	vm0 =	veq.s32 v5, v2;
	vm1 =	veq.s32 v6, v2  }
0x4dc: {  	vm0 =	vmor vm0, vm1;
	v5 =	vadd.s32 v6, v7  }
0x4dd: {  	v5 =	vsel vm0, v0, v5;
	v6 =	vsel vm0, $0x1, v1  }
0x4de: {  	s15 =	sadd.s32 $0x40, s15;
	[tilespmem:s13+$0x10] =	vst v5;
	v3 =	vadd.s32 v6, v3  }
0x4df: {  	_ =	swait.ge [sflag:s10], $0x1900  }
0x4e0: {  	[sflag:s10] =	ssyncset.done $0x0  }
0x4e1: {  	s14 =	simm.s32 $0xCA40;
	[sflag:s10] =	ssyncadd.s32 $0xFFFFE700  }
0x4e2: {  	[tilespmem:s0], [sflag:$0x2] =	stream.indirect.gather [spmem:s3], $0x1, s28, s31, $0xb8;
	[tilespmem:$0x1F0A8] =	vst v63  }
0x4e3: {  	v5 =	vld [tilespmem:s14+$0xFFFFFFC0];
	_ =	sdelay $0x1  }
0x4e4: {  	v6 =	vld [tilespmem:s14+$0xFFFFFFD0];
	_ =	sdelay $0x1  }
0x4e5: {  	v7 =	vld [tilespmem:s14+$0xFFFFFFE0]  }
0x4e6: {  	v4 =	vadd.f32 v5, v4  }
0x4e7: {  	v5 =	vld [tilespmem:s14+$0xFFFFFFF0]  }
0x4e8: {  	v4 =	vadd.f32 v6, v4  }
0x4e9: {  	v6 =	vld [tilespmem:s14+$0x0]  }
0x4ea: {  	v4 =	vadd.f32 v7, v4  }
0x4eb: {  	v7 =	vld [tilespmem:s14+$0x10]  }
0x4ec: {  	v4 =	vadd.f32 v5, v4  }
0x4ed: {  	v5 =	vld [tilespmem:s14+$0x20]  }
0x4ee: {  	v6 =	vadd.f32 v6, v4  }
0x4ef: {  	v4 =	vld [tilespmem:s14+$0x30]  }
0x4f0: {  	s13 =	simm.s32 $0x0;
	s14 =	simm.s32 $0xCAC0;
	v6 =	vadd.f32 v7, v6  }
.LBB2_50:
0x4f1: {  	v7 =	vld [tilespmem:s14+$0xFFFFFFC0];
	s13 =	sadd.s32 $0x8, s13  }
0x4f2: {  	p2 =	slt.u32 s13, $0x188;
	v5 =	vadd.f32 v5, v6  }
0x4f3: {  	v6 =	vld [tilespmem:s14+$0xFFFFFFD0]  }
0x4f4: {  	v4 =	vadd.f32 v4, v5  }
0x4f5: {  	v5 =	vld [tilespmem:s14+$0xFFFFFFE0]  }
0x4f6: {  	v4 =	vadd.f32 v7, v4  }
0x4f7: {  	v7 =	vld [tilespmem:s14+$0xFFFFFFF0]  }
0x4f8: {  	v4 =	vadd.f32 v6, v4  }
0x4f9: {  	v6 =	vld [tilespmem:s14+$0x0]  }
0x4fa: {  	v4 =	vadd.f32 v5, v4  }
0x4fb: {  	v8 =	vld [tilespmem:s14+$0x10]  }
.Ltmp24:
0x4fc: {  	v4 =	vadd.f32 v7, v4;
	(pc) =	sbr.rel @p2 .LBB2_50-.Ltmp24, $4  }
0x4fd: {  	v5 =	vld [tilespmem:s14+$0x20]  }
0x4fe: {  	v6 =	vadd.f32 v6, v4  }
0x4ff: {  	v4 =	vld [tilespmem:s14+$0x30]  }
0x500: {  	s14 =	sadd.s32 $0x80, s14;
	v6 =	vadd.f32 v8, v6  }
0x501: {  	_ =	swait.ge [sflag:s29], $0x1910  }
0x502: {  	[sflag:s29] =	ssyncset.done $0x0  }
0x503: {  	s13 =	simm.s32 @p1 $0x0;
	s14 =	simm.s32 @p1 $0x1980;
	[sflag:s29] =	ssyncadd.s32 $0xFFFFE6F0  }
0x504: {  	[tilespmem:s14], [sflag:$0x4] =	stream.linear.gather @p1 [hbm4b:s20+s13], $0x1910, $0x38;
	[tilespmem:$0x1F0A8] =	vst v63  }
0x505: {  	s13 =	simm.s32 @!p1 $0x0;
	s14 =	simm.s32 @!p1 $0x1980  }
0x506: {  	[tilespmem:s14], [sflag:$0x4] =	stream.linear.gather @!p1 [hbm4b:s21+s13], $0x1900, $0x38;
	[tilespmem:$0x1F0A8] =	vst v63  }
0x507: {  	s15 =	rddreg [dreg:$0x1];
	s14 =	simm.s32 @!p1 $0x3280  }
0x508: {  	[tilespmem:s14], [sflag:$0x6] =	stream.linear.gather @!p1 [hbm4b:s15+s13], $0x10, $0x38;
	[tilespmem:$0x1F0A8] =	vst v63  }
0x509: {  	s13 =	simm.s32 @!p1 $0x6  }
0x50a: {  	_ =	swait.ge @!p1 [sflag:s13], $0x10  }
0x50b: {  	[sflag:s13] =	ssyncset.done @!p1 $0x0  }
0x50c: {  	s15 =	simm.s32 $0x20;
	[sflag:s13] =	ssyncadd.s32 @!p1 $0xFFFFFFF0  }
0x50d: {  	v7 =	vld [tilespmem:s15+$0xFFFFFFE0]  }
0x50e: {  	v8 =	vld [tilespmem:s15+$0xFFFFFFE1];
	_ =	sdelay $0x3  }
0x50f: {  	v9 =	vmul.u32 $0x3E8, v7  }
0x510: {  	vm0 =	veq.s32 v7, v2;
	vm1 =	veq.s32 v8, v2  }
0x511: {  	vm0 =	vmor vm0, vm1;
	v7 =	vadd.s32 v8, v9  }
0x512: {  	s13 =	simm.s32 $0x6620;
	v7 =	vsel vm0, v0, v7  }
0x513: {  	[tilespmem:s13+$0xFFFFFFE0] =	vst v7  }
0x514: {  	v7 =	vld [tilespmem:s15+$0xFFFFFFF0]  }
0x515: {  	v58 =	vld [tilespmem:s15+$0xFFFFFFF1];
	_ =	sdelay $0x3  }
0x516: {  	v59 =	vmul.u32 $0x3E8, v7  }
0x517: {  	vm12 =	veq.s32 v7, v2;
	vm2 =	veq.s32 v58, v2  }
0x518: {  	vm1 =	vmor vm12, vm2;
	v7 =	vadd.s32 v58, v59  }
0x519: {  	v7 =	vsel vm1, v0, v7  }
0x51a: {  	[tilespmem:s13+$0xFFFFFFF0] =	vst v7  }
0x51b: {  	v7 =	vld [tilespmem:s15+$0x0]  }
0x51c: {  	v60 =	vld [tilespmem:s15+$0x1];
	_ =	sdelay $0x3  }
0x51d: {  	v61 =	vmul.u32 $0x3E8, v7  }
0x51e: {  	vm13 =	veq.s32 v7, v2;
	vm3 =	veq.s32 v60, v2  }
0x51f: {  	vm2 =	vmor vm13, vm3;
	v7 =	vadd.s32 v60, v61  }
0x520: {  	v7 =	vsel vm2, v0, v7  }
0x521: {  	[tilespmem:s13+$0x0] =	vst v7  }
0x522: {  	v7 =	vld [tilespmem:s15+$0x10]  }
0x523: {  	v62 =	vld [tilespmem:s15+$0x11];
	_ =	sdelay $0x1  }
0x524: {  	v63 =	vsel vm0, $0x1, v1  }
0x525: {  	v3 =	vadd.s32 v63, v3  }
0x526: {  	v10 =	vsel vm1, $0x1, v1;
	vm14 =	veq.s32 v7, v2;
	v7 =	vmul.u32 $0x3E8, v7  }
0x527: {  	v5 =	vadd.f32 v5, v6;
	v3 =	vadd.s32 v10, v3;
	vm15 =	veq.s32 v62, v2  }
0x528: {  	vm0 =	vmor vm14, vm15;
	v6 =	vadd.s32 v62, v7;
	v7 =	vsel vm2, $0x1, v1  }
0x529: {  	v3 =	vadd.s32 v7, v3;
	v6 =	vsel vm0, v0, v6;
	v7 =	vsel vm0, $0x1, v1  }
0x52a: {  	v4 =	vadd.f32 v4, v5;
	s14 =	simm.s32 $0x0;
	s15 =	simm.s32 $0x60;
	[tilespmem:s13+$0x10] =	vst v6;
	v3 =	vadd.s32 v7, v3  }
.LBB2_52:
0x52b: {  	v5 =	vld [tilespmem:s15+$0xFFFFFFE0];
	s14 =	sadd.s32 $0x4, s14  }
0x52c: {  	v6 =	vld [tilespmem:s15+$0xFFFFFFE1];
	p2 =	slt.u32 s14, $0x18C;
	_ =	sdelay $0x3  }
0x52d: {  	v7 =	vmul.u32 $0x3E8, v5  }
0x52e: {  	vm0 =	veq.s32 v5, v2;
	vm1 =	veq.s32 v6, v2  }
0x52f: {  	vm0 =	vmor vm0, vm1;
	v5 =	vadd.s32 v6, v7  }
0x530: {  	s13 =	sadd.s32 $0x40, s13;
	v5 =	vsel vm0, v0, v5;
	v6 =	vsel vm0, $0x1, v1  }
0x531: {  	[tilespmem:s13+$0xFFFFFFE0] =	vst v5;
	v3 =	vadd.s32 v6, v3  }
0x532: {  	v5 =	vld [tilespmem:s15+$0xFFFFFFF0]  }
0x533: {  	v6 =	vld [tilespmem:s15+$0xFFFFFFF1];
	_ =	sdelay $0x3  }
0x534: {  	v7 =	vmul.u32 $0x3E8, v5  }
0x535: {  	vm0 =	veq.s32 v5, v2;
	vm1 =	veq.s32 v6, v2  }
0x536: {  	vm0 =	vmor vm0, vm1;
	v5 =	vadd.s32 v6, v7  }
0x537: {  	v5 =	vsel vm0, v0, v5;
	v6 =	vsel vm0, $0x1, v1  }
0x538: {  	[tilespmem:s13+$0xFFFFFFF0] =	vst v5;
	v3 =	vadd.s32 v6, v3  }
0x539: {  	v5 =	vld [tilespmem:s15+$0x0]  }
0x53a: {  	v6 =	vld [tilespmem:s15+$0x1];
	_ =	sdelay $0x3  }
0x53b: {  	v7 =	vmul.u32 $0x3E8, v5  }
0x53c: {  	vm0 =	veq.s32 v5, v2;
	vm1 =	veq.s32 v6, v2  }
0x53d: {  	vm0 =	vmor vm0, vm1;
	v5 =	vadd.s32 v6, v7  }
0x53e: {  	v5 =	vsel vm0, v0, v5;
	v6 =	vsel vm0, $0x1, v1  }
0x53f: {  	[tilespmem:s13+$0x0] =	vst v5;
	v3 =	vadd.s32 v6, v3  }
0x540: {  	v5 =	vld [tilespmem:s15+$0x10]  }
0x541: {  	v6 =	vld [tilespmem:s15+$0x11];
	_ =	sdelay $0x3  }
.Ltmp25:
0x542: {  	v7 =	vmul.u32 $0x3E8, v5;
	(pc) =	sbr.rel @p2 .LBB2_52-.Ltmp25, $4  }
0x543: {  	vm0 =	veq.s32 v5, v2;
	vm1 =	veq.s32 v6, v2  }
0x544: {  	vm0 =	vmor vm0, vm1;
	v5 =	vadd.s32 v6, v7  }
0x545: {  	v5 =	vsel vm0, v0, v5;
	v6 =	vsel vm0, $0x1, v1  }
0x546: {  	s15 =	sadd.s32 $0x40, s15;
	[tilespmem:s13+$0x10] =	vst v5;
	v3 =	vadd.s32 v6, v3  }
0x547: {  	_ =	swait.ge [sflag:s11], $0x1900  }
0x548: {  	[sflag:s11] =	ssyncset.done $0x0  }
0x549: {  	s14 =	simm.s32 $0xE340;
	[sflag:s11] =	ssyncadd.s32 $0xFFFFE700  }
0x54a: {  	[tilespmem:s6], [sflag:$0x3] =	stream.indirect.gather [spmem:s3], $0x1, s2, s31, $0xb8;
	[tilespmem:$0x1F0A8] =	vst v63  }
0x54b: {  	v5 =	vld [tilespmem:s14+$0xFFFFFFC0];
	_ =	sdelay $0x1  }
0x54c: {  	v6 =	vld [tilespmem:s14+$0xFFFFFFD0];
	_ =	sdelay $0x1  }
0x54d: {  	v7 =	vld [tilespmem:s14+$0xFFFFFFE0]  }
0x54e: {  	v4 =	vadd.f32 v5, v4  }
0x54f: {  	v5 =	vld [tilespmem:s14+$0xFFFFFFF0]  }
0x550: {  	v4 =	vadd.f32 v6, v4  }
0x551: {  	v6 =	vld [tilespmem:s14+$0x0]  }
0x552: {  	v4 =	vadd.f32 v7, v4  }
0x553: {  	v7 =	vld [tilespmem:s14+$0x10]  }
0x554: {  	v4 =	vadd.f32 v5, v4  }
0x555: {  	v5 =	vld [tilespmem:s14+$0x20]  }
0x556: {  	v6 =	vadd.f32 v6, v4  }
0x557: {  	v4 =	vld [tilespmem:s14+$0x30]  }
0x558: {  	s13 =	simm.s32 $0x0;
	s14 =	simm.s32 $0xE3C0;
	v6 =	vadd.f32 v7, v6  }
.LBB2_54:
0x559: {  	v7 =	vld [tilespmem:s14+$0xFFFFFFC0];
	s13 =	sadd.s32 $0x8, s13  }
0x55a: {  	p2 =	slt.u32 s13, $0x188;
	v5 =	vadd.f32 v5, v6  }
0x55b: {  	v6 =	vld [tilespmem:s14+$0xFFFFFFD0]  }
0x55c: {  	v4 =	vadd.f32 v4, v5  }
0x55d: {  	v5 =	vld [tilespmem:s14+$0xFFFFFFE0]  }
0x55e: {  	v4 =	vadd.f32 v7, v4  }
0x55f: {  	v7 =	vld [tilespmem:s14+$0xFFFFFFF0]  }
0x560: {  	v4 =	vadd.f32 v6, v4  }
0x561: {  	v6 =	vld [tilespmem:s14+$0x0]  }
0x562: {  	v4 =	vadd.f32 v5, v4  }
0x563: {  	v8 =	vld [tilespmem:s14+$0x10]  }
.Ltmp26:
0x564: {  	v4 =	vadd.f32 v7, v4;
	(pc) =	sbr.rel @p2 .LBB2_54-.Ltmp26, $4  }
0x565: {  	v5 =	vld [tilespmem:s14+$0x20]  }
0x566: {  	v6 =	vadd.f32 v6, v4  }
0x567: {  	v4 =	vld [tilespmem:s14+$0x30]  }
0x568: {  	s14 =	sadd.s32 $0x80, s14;
	v6 =	vadd.f32 v8, v6  }
0x569: {  	s13 =	simm.s32 @p1 $0x4  }
0x56a: {  	_ =	swait.ge @p1 [sflag:s13], $0x1910  }
0x56b: {  	[sflag:s13] =	ssyncset.done @p1 $0x0  }
0x56c: {  	[sflag:s13] =	ssyncadd.s32 @p1 $0xFFFFE6F0;
	s13 =	simm.s32 @!p1 $0x4  }
0x56d: {  	_ =	swait.ge @!p1 [sflag:s13], $0x1900  }
0x56e: {  	[sflag:s13] =	ssyncset.done @!p1 $0x0  }
0x56f: {  	s14 =	simm.s32 $0x19A0;
	[sflag:s13] =	ssyncadd.s32 @!p1 $0xFFFFE700  }
0x570: {  	v7 =	vld [tilespmem:s14+$0xFFFFFFE0]  }
0x571: {  	v8 =	vld [tilespmem:s14+$0xFFFFFFE1];
	_ =	sdelay $0x3  }
0x572: {  	v9 =	vmul.u32 $0x3E8, v7  }
0x573: {  	vm0 =	veq.s32 v7, v2;
	vm1 =	veq.s32 v8, v2  }
0x574: {  	vm0 =	vmor vm0, vm1;
	v7 =	vadd.s32 v8, v9  }
0x575: {  	s13 =	simm.s32 $0x7F20;
	v7 =	vsel vm0, v0, v7  }
0x576: {  	[tilespmem:s13+$0xFFFFFFE0] =	vst v7  }
0x577: {  	v7 =	vld [tilespmem:s14+$0xFFFFFFF0]  }
0x578: {  	v58 =	vld [tilespmem:s14+$0xFFFFFFF1];
	_ =	sdelay $0x3  }
0x579: {  	v59 =	vmul.u32 $0x3E8, v7  }
0x57a: {  	vm12 =	veq.s32 v7, v2;
	vm2 =	veq.s32 v58, v2  }
0x57b: {  	vm1 =	vmor vm12, vm2;
	v7 =	vadd.s32 v58, v59  }
0x57c: {  	v7 =	vsel vm1, v0, v7  }
0x57d: {  	[tilespmem:s13+$0xFFFFFFF0] =	vst v7  }
0x57e: {  	v7 =	vld [tilespmem:s14+$0x0]  }
0x57f: {  	v60 =	vld [tilespmem:s14+$0x1];
	_ =	sdelay $0x3  }
0x580: {  	v61 =	vmul.u32 $0x3E8, v7  }
0x581: {  	vm13 =	veq.s32 v7, v2;
	vm3 =	veq.s32 v60, v2  }
0x582: {  	vm2 =	vmor vm13, vm3;
	v7 =	vadd.s32 v60, v61  }
0x583: {  	v7 =	vsel vm2, v0, v7  }
0x584: {  	[tilespmem:s13+$0x0] =	vst v7  }
0x585: {  	v7 =	vld [tilespmem:s14+$0x10]  }
0x586: {  	v62 =	vld [tilespmem:s14+$0x11];
	_ =	sdelay $0x1  }
0x587: {  	v63 =	vsel vm0, $0x1, v1  }
0x588: {  	v3 =	vadd.s32 v63, v3  }
0x589: {  	v10 =	vsel vm1, $0x1, v1;
	vm14 =	veq.s32 v7, v2;
	v7 =	vmul.u32 $0x3E8, v7  }
0x58a: {  	v5 =	vadd.f32 v5, v6;
	v3 =	vadd.s32 v10, v3;
	vm15 =	veq.s32 v62, v2  }
0x58b: {  	vm0 =	vmor vm14, vm15;
	v6 =	vadd.s32 v62, v7;
	v7 =	vsel vm2, $0x1, v1  }
0x58c: {  	v3 =	vadd.s32 v7, v3;
	v6 =	vsel vm0, v0, v6;
	v7 =	vsel vm0, $0x1, v1  }
0x58d: {  	s15 =	simm.s32 $0x19E0;
	v4 =	vadd.f32 v4, v5;
	s14 =	simm.s32 $0x0;
	[tilespmem:s13+$0x10] =	vst v6;
	v3 =	vadd.s32 v7, v3  }
.LBB2_56:
0x58e: {  	v5 =	vld [tilespmem:s15+$0xFFFFFFE0];
	s14 =	sadd.s32 $0x4, s14  }
0x58f: {  	v6 =	vld [tilespmem:s15+$0xFFFFFFE1];
	p2 =	slt.u32 s14, $0x18C;
	_ =	sdelay $0x3  }
0x590: {  	v7 =	vmul.u32 $0x3E8, v5  }
0x591: {  	vm0 =	veq.s32 v5, v2;
	vm1 =	veq.s32 v6, v2  }
0x592: {  	vm0 =	vmor vm0, vm1;
	v5 =	vadd.s32 v6, v7  }
0x593: {  	s13 =	sadd.s32 $0x40, s13;
	v5 =	vsel vm0, v0, v5;
	v6 =	vsel vm0, $0x1, v1  }
0x594: {  	[tilespmem:s13+$0xFFFFFFE0] =	vst v5;
	v3 =	vadd.s32 v6, v3  }
0x595: {  	v5 =	vld [tilespmem:s15+$0xFFFFFFF0]  }
0x596: {  	v6 =	vld [tilespmem:s15+$0xFFFFFFF1];
	_ =	sdelay $0x3  }
0x597: {  	v7 =	vmul.u32 $0x3E8, v5  }
0x598: {  	vm0 =	veq.s32 v5, v2;
	vm1 =	veq.s32 v6, v2  }
0x599: {  	vm0 =	vmor vm0, vm1;
	v5 =	vadd.s32 v6, v7  }
0x59a: {  	v5 =	vsel vm0, v0, v5;
	v6 =	vsel vm0, $0x1, v1  }
0x59b: {  	[tilespmem:s13+$0xFFFFFFF0] =	vst v5;
	v3 =	vadd.s32 v6, v3  }
0x59c: {  	v5 =	vld [tilespmem:s15+$0x0]  }
0x59d: {  	v6 =	vld [tilespmem:s15+$0x1];
	_ =	sdelay $0x3  }
0x59e: {  	v7 =	vmul.u32 $0x3E8, v5  }
0x59f: {  	vm0 =	veq.s32 v5, v2;
	vm1 =	veq.s32 v6, v2  }
0x5a0: {  	vm0 =	vmor vm0, vm1;
	v5 =	vadd.s32 v6, v7  }
0x5a1: {  	v5 =	vsel vm0, v0, v5;
	v6 =	vsel vm0, $0x1, v1  }
0x5a2: {  	[tilespmem:s13+$0x0] =	vst v5;
	v3 =	vadd.s32 v6, v3  }
0x5a3: {  	v5 =	vld [tilespmem:s15+$0x10]  }
0x5a4: {  	v6 =	vld [tilespmem:s15+$0x11];
	_ =	sdelay $0x3  }
.Ltmp27:
0x5a5: {  	v7 =	vmul.u32 $0x3E8, v5;
	(pc) =	sbr.rel @p2 .LBB2_56-.Ltmp27, $4  }
0x5a6: {  	vm0 =	veq.s32 v5, v2;
	vm1 =	veq.s32 v6, v2  }
0x5a7: {  	vm0 =	vmor vm0, vm1;
	v5 =	vadd.s32 v6, v7  }
0x5a8: {  	v5 =	vsel vm0, v0, v5;
	v6 =	vsel vm0, $0x1, v1  }
0x5a9: {  	s15 =	sadd.s32 $0x40, s15;
	[tilespmem:s13+$0x10] =	vst v5;
	v3 =	vadd.s32 v6, v3  }
0x5aa: {  	_ =	swait.ge [sflag:s7], $0x1900  }
0x5ab: {  	[sflag:s7] =	ssyncset.done $0x0  }
0x5ac: {  	s14 =	simm.s32 $0x9840;
	[sflag:s7] =	ssyncadd.s32 $0xFFFFE700  }
0x5ad: {  	[tilespmem:s9], [sflag:$0x1] =	stream.indirect.gather [spmem:s3], $0x1, s8, s31, $0xb8;
	[tilespmem:$0x1F0A8] =	vst v63  }
0x5ae: {  	v2 =	vld [tilespmem:s14+$0xFFFFFFC0];
	_ =	sdelay $0x1  }
0x5af: {  	v5 =	vld [tilespmem:s14+$0xFFFFFFD0];
	_ =	sdelay $0x1  }
0x5b0: {  	v6 =	vld [tilespmem:s14+$0xFFFFFFE0]  }
0x5b1: {  	v2 =	vadd.f32 v2, v4  }
0x5b2: {  	v4 =	vld [tilespmem:s14+$0xFFFFFFF0]  }
0x5b3: {  	v2 =	vadd.f32 v5, v2  }
0x5b4: {  	v5 =	vld [tilespmem:s14+$0x0]  }
0x5b5: {  	v2 =	vadd.f32 v6, v2;
	_ =	sdelay $0x1  }
0x5b6: {  	v6 =	vld [tilespmem:s14+$0x10];
	v2 =	vadd.f32 v4, v2;
	_ =	sdelay $0x1  }
0x5b7: {  	v5 =	vadd.f32 v5, v2;
	v2 =	vld [tilespmem:s14+$0x20];
	_ =	sdelay $0x1  }
0x5b8: {  	v4 =	vld [tilespmem:s14+$0x30]  }
0x5b9: {  	s13 =	simm.s32 $0x0;
	s14 =	simm.s32 $0x98C0;
	v5 =	vadd.f32 v6, v5  }
.LBB2_58:
0x5ba: {  	v6 =	vld [tilespmem:s14+$0xFFFFFFC0];
	s13 =	sadd.s32 $0x8, s13  }
0x5bb: {  	p2 =	slt.u32 s13, $0x188;
	v2 =	vadd.f32 v2, v5  }
0x5bc: {  	v5 =	vld [tilespmem:s14+$0xFFFFFFD0]  }
0x5bd: {  	v2 =	vadd.f32 v4, v2  }
0x5be: {  	v4 =	vld [tilespmem:s14+$0xFFFFFFE0]  }
0x5bf: {  	v2 =	vadd.f32 v6, v2  }
0x5c0: {  	v6 =	vld [tilespmem:s14+$0xFFFFFFF0]  }
0x5c1: {  	v2 =	vadd.f32 v5, v2  }
0x5c2: {  	v5 =	vld [tilespmem:s14+$0x0]  }
0x5c3: {  	v2 =	vadd.f32 v4, v2  }
0x5c4: {  	v7 =	vld [tilespmem:s14+$0x10]  }
.Ltmp28:
0x5c5: {  	v4 =	vadd.f32 v6, v2;
	(pc) =	sbr.rel @p2 .LBB2_58-.Ltmp28, $4  }
0x5c6: {  	v2 =	vld [tilespmem:s14+$0x20]  }
0x5c7: {  	v5 =	vadd.f32 v5, v4  }
0x5c8: {  	v4 =	vld [tilespmem:s14+$0x30]  }
0x5c9: {  	s14 =	sadd.s32 $0x80, s14;
	v5 =	vadd.f32 v7, v5  }
0x5ca: {  	_ =	swait.ge [sflag:s10], $0x1900  }
0x5cb: {  	[sflag:s10] =	ssyncset.done $0x0  }
0x5cc: {  	s14 =	simm.s32 $0xB140;
	[sflag:s10] =	ssyncadd.s32 $0xFFFFE700  }
0x5cd: {  	v6 =	vld [tilespmem:s14+$0xFFFFFFC0]  }
0x5ce: {  	v2 =	vadd.f32 v2, v5  }
0x5cf: {  	v5 =	vld [tilespmem:s14+$0xFFFFFFD0]  }
0x5d0: {  	v2 =	vadd.f32 v4, v2  }
0x5d1: {  	v4 =	vld [tilespmem:s14+$0xFFFFFFE0]  }
0x5d2: {  	v2 =	vadd.f32 v6, v2  }
0x5d3: {  	v6 =	vld [tilespmem:s14+$0xFFFFFFF0]  }
0x5d4: {  	v2 =	vadd.f32 v5, v2  }
0x5d5: {  	v5 =	vld [tilespmem:s14+$0x0]  }
0x5d6: {  	v2 =	vadd.f32 v4, v2;
	_ =	sdelay $0x1  }
0x5d7: {  	v7 =	vld [tilespmem:s14+$0x10];
	v2 =	vadd.f32 v6, v2;
	_ =	sdelay $0x1  }
0x5d8: {  	v5 =	vadd.f32 v5, v2;
	v2 =	vld [tilespmem:s14+$0x20];
	_ =	sdelay $0x1  }
0x5d9: {  	v4 =	vld [tilespmem:s14+$0x30]  }
0x5da: {  	s13 =	simm.s32 $0x0;
	s14 =	simm.s32 $0xB1C0;
	v5 =	vadd.f32 v7, v5  }
.LBB2_60:
0x5db: {  	v6 =	vld [tilespmem:s14+$0xFFFFFFC0];
	s13 =	sadd.s32 $0x8, s13  }
0x5dc: {  	p2 =	slt.u32 s13, $0x188;
	v2 =	vadd.f32 v2, v5  }
0x5dd: {  	v5 =	vld [tilespmem:s14+$0xFFFFFFD0]  }
0x5de: {  	v2 =	vadd.f32 v4, v2  }
0x5df: {  	v4 =	vld [tilespmem:s14+$0xFFFFFFE0]  }
0x5e0: {  	v2 =	vadd.f32 v6, v2  }
0x5e1: {  	v6 =	vld [tilespmem:s14+$0xFFFFFFF0]  }
0x5e2: {  	v2 =	vadd.f32 v5, v2  }
0x5e3: {  	v5 =	vld [tilespmem:s14+$0x0]  }
0x5e4: {  	v2 =	vadd.f32 v4, v2  }
0x5e5: {  	v7 =	vld [tilespmem:s14+$0x10]  }
.Ltmp29:
0x5e6: {  	v4 =	vadd.f32 v6, v2;
	(pc) =	sbr.rel @p2 .LBB2_60-.Ltmp29, $4  }
0x5e7: {  	v2 =	vld [tilespmem:s14+$0x20]  }
0x5e8: {  	v5 =	vadd.f32 v5, v4  }
0x5e9: {  	v4 =	vld [tilespmem:s14+$0x30]  }
0x5ea: {  	s14 =	sadd.s32 $0x80, s14;
	v5 =	vadd.f32 v7, v5  }
0x5eb: {  	_ =	swait.ge [sflag:s11], $0x1900  }
0x5ec: {  	[sflag:s11] =	ssyncset.done $0x0  }
0x5ed: {  	s14 =	simm.s32 $0xCA40;
	[sflag:s11] =	ssyncadd.s32 $0xFFFFE700  }
0x5ee: {  	v6 =	vld [tilespmem:s14+$0xFFFFFFC0]  }
0x5ef: {  	v2 =	vadd.f32 v2, v5  }
0x5f0: {  	v5 =	vld [tilespmem:s14+$0xFFFFFFD0]  }
0x5f1: {  	v2 =	vadd.f32 v4, v2  }
0x5f2: {  	v4 =	vld [tilespmem:s14+$0xFFFFFFE0]  }
0x5f3: {  	v2 =	vadd.f32 v6, v2  }
0x5f4: {  	v6 =	vld [tilespmem:s14+$0xFFFFFFF0]  }
0x5f5: {  	v2 =	vadd.f32 v5, v2  }
0x5f6: {  	v5 =	vld [tilespmem:s14+$0x0]  }
0x5f7: {  	v2 =	vadd.f32 v4, v2;
	_ =	sdelay $0x1  }
0x5f8: {  	v7 =	vld [tilespmem:s14+$0x10];
	v2 =	vadd.f32 v6, v2;
	_ =	sdelay $0x1  }
0x5f9: {  	v5 =	vadd.f32 v5, v2;
	v2 =	vld [tilespmem:s14+$0x20];
	_ =	sdelay $0x1  }
0x5fa: {  	v4 =	vld [tilespmem:s14+$0x30]  }
0x5fb: {  	s13 =	simm.s32 $0x0;
	s14 =	simm.s32 $0xCAC0;
	v5 =	vadd.f32 v7, v5  }
.LBB2_62:
0x5fc: {  	v6 =	vld [tilespmem:s14+$0xFFFFFFC0];
	s13 =	sadd.s32 $0x8, s13  }
0x5fd: {  	p2 =	slt.u32 s13, $0x188;
	v2 =	vadd.f32 v2, v5  }
0x5fe: {  	v5 =	vld [tilespmem:s14+$0xFFFFFFD0]  }
0x5ff: {  	v2 =	vadd.f32 v4, v2  }
0x600: {  	v4 =	vld [tilespmem:s14+$0xFFFFFFE0]  }
0x601: {  	v2 =	vadd.f32 v6, v2  }
0x602: {  	v6 =	vld [tilespmem:s14+$0xFFFFFFF0]  }
0x603: {  	v2 =	vadd.f32 v5, v2  }
0x604: {  	v5 =	vld [tilespmem:s14+$0x0]  }
0x605: {  	v2 =	vadd.f32 v4, v2  }
0x606: {  	v7 =	vld [tilespmem:s14+$0x10]  }
.Ltmp30:
0x607: {  	v4 =	vadd.f32 v6, v2;
	(pc) =	sbr.rel @p2 .LBB2_62-.Ltmp30, $4  }
0x608: {  	v2 =	vld [tilespmem:s14+$0x20]  }
0x609: {  	v5 =	vadd.f32 v5, v4  }
0x60a: {  	v4 =	vld [tilespmem:s14+$0x30]  }
0x60b: {  	s14 =	sadd.s32 $0x80, s14;
	v5 =	vadd.f32 v7, v5  }
0x60c: {  	_ =	swait.ge [sflag:s7], $0x1900  }
0x60d: {  	[sflag:s7] =	ssyncset.done $0x0  }
0x60e: {  	s14 =	simm.s32 $0xE340;
	[sflag:s7] =	ssyncadd.s32 $0xFFFFE700  }
0x60f: {  	v6 =	vld [tilespmem:s14+$0xFFFFFFC0]  }
0x610: {  	v2 =	vadd.f32 v2, v5  }
0x611: {  	v5 =	vld [tilespmem:s14+$0xFFFFFFD0]  }
0x612: {  	v2 =	vadd.f32 v4, v2  }
0x613: {  	v4 =	vld [tilespmem:s14+$0xFFFFFFE0]  }
0x614: {  	v2 =	vadd.f32 v6, v2  }
0x615: {  	v6 =	vld [tilespmem:s14+$0xFFFFFFF0]  }
0x616: {  	v2 =	vadd.f32 v5, v2  }
0x617: {  	v5 =	vld [tilespmem:s14+$0x0]  }
0x618: {  	v2 =	vadd.f32 v4, v2;
	_ =	sdelay $0x1  }
0x619: {  	v7 =	vld [tilespmem:s14+$0x10];
	v2 =	vadd.f32 v6, v2;
	_ =	sdelay $0x1  }
0x61a: {  	v5 =	vadd.f32 v5, v2;
	v2 =	vld [tilespmem:s14+$0x20];
	_ =	sdelay $0x1  }
0x61b: {  	v4 =	vld [tilespmem:s14+$0x30]  }
0x61c: {  	s13 =	simm.s32 $0x0;
	s14 =	simm.s32 $0xE3C0;
	v5 =	vadd.f32 v7, v5  }
.LBB2_64:
0x61d: {  	v6 =	vld [tilespmem:s14+$0xFFFFFFC0];
	s13 =	sadd.s32 $0x8, s13  }
0x61e: {  	p2 =	slt.u32 s13, $0x188;
	v2 =	vadd.f32 v2, v5  }
0x61f: {  	v5 =	vld [tilespmem:s14+$0xFFFFFFD0]  }
0x620: {  	v2 =	vadd.f32 v4, v2  }
0x621: {  	v4 =	vld [tilespmem:s14+$0xFFFFFFE0]  }
0x622: {  	v2 =	vadd.f32 v6, v2  }
0x623: {  	v6 =	vld [tilespmem:s14+$0xFFFFFFF0]  }
0x624: {  	v2 =	vadd.f32 v5, v2  }
0x625: {  	v5 =	vld [tilespmem:s14+$0x0]  }
0x626: {  	v2 =	vadd.f32 v4, v2  }
0x627: {  	v7 =	vld [tilespmem:s14+$0x10]  }
.Ltmp31:
0x628: {  	v4 =	vadd.f32 v6, v2;
	(pc) =	sbr.rel @p2 .LBB2_64-.Ltmp31, $4  }
0x629: {  	v2 =	vld [tilespmem:s14+$0x20]  }
0x62a: {  	v5 =	vadd.f32 v5, v4  }
0x62b: {  	v4 =	vld [tilespmem:s14+$0x30]  }
0x62c: {  	s14 =	sadd.s32 $0x80, s14;
	v5 =	vadd.f32 v7, v5  }
0x62d: {  	v6 =	vld [tilespmem:$0x3380];
	_ =	sdelay $0x2  }
0x62e: {  	v3 =	vcvt.s32.f32 v3;
	v2 =	vadd.f32 v2, v5;
	_ =	sdelay $0x1  }
0x62f: {  	v2 =	vadd.f32 v4, v2;
	v3 =	vmul.f32 v3, v6;
	_ =	sdelay $0x1  }
0x630: {  	s12 =	sadd.s32 $0x1, s12;
	v2 =	vsub.f32 v2, v3  }
0x631: {  	p2 =	sne.s32 s12, s23  }
.Ltmp32:
0x632: {  	s13 =	simm.s32 $0xFC00;
	[tilespmem:$0xFC00] =	vst v2;
	(pc) =	sbr.rel @p2 .LBB2_1-.Ltmp32, $4  }
0x633: {  	[hbm4b:s22+s4] =	stream.linear.scatter [tilespmem:s13], [sflag:$0x6], $0x80, $0x38;
	[tilespmem:$0x1F0A8] =	vst v63  }
0x634: {  	_ =	swait.ge [sflag:s26], $0x80  }
0x635: {  	[sflag:s26] =	ssyncset.done $0x0  }
0x636: {  	[sflag:s26] =	ssyncadd.s32 $0xFFFFFF80  }
0x637: {  	_ =	sfence.sel $0x180000  }
0x638: {  	[bflag:$0x0] =	sbarrier.arrive $0xFFFF  }
0x639: {  	_ =	strace $0x90000047  }
0x63a: {  	[bflag:$0x2] =	sbarrier.arrive $0xFFFF  }
0x63b: {  	s0 =	rddreg [dreg:$0x4]  }
0x63c: {  	s0 =	sadd.s32 @!p0 $0x100000, s0  }
0x63d: {  	[sflag:s0] =	ssyncadd.tile.s32 @!p0 $0x1;
	_ =	shalt  }
.Lfunc_end2:
_tile_overlayer_lowered:
.L_overlay_start_2:
0x63e: {  	(tag) =	ssettag $0x2  }
0x63f: {  	s0 =	rddreg [dreg:$0x0];
	s2 =	stileid.u32  }
0x640: {  	s1 =	rddreg [dreg:$0x1];
	p0 =	sne.s32 s2, $0x0  }
0x641: {  	s3 =	rddreg [dreg:$0x2];
	[bflag:$0x3] =	sbarrier.arrive $0xFFFF;
	s2 =	simm.s32 @!p0 $0x1C06  }
0x642: {  	[timem:s3], [sflag:s2] =	dma.local @!p0 [hbm:s0], s1  }
0x643: {  	s0 =	simm.s32 @!p0 $0x6  }
0x644: {  	_ =	swait.ge @!p0 [sflag:s0], s1  }
0x645: {  	s1 =	ssub.s32 @!p0 $0x0, s1;
	[sflag:s0] =	ssyncset.done @!p0 $0x0  }
0x646: {  	[sflag:s0] =	ssyncadd.s32 @!p0 s1  }
0x647: {  	[bflag:$0x3] =	sbarrier.arrive $0xFFFF  }
0x648: {  	_ =	shalt  }

</sc_bundles>
